<compile_context>
chip_gen: v7x
topology: tpu7x:2x2x1
jax: 0.10.2.dev20260603
libtpu: 0.0.44.dev20260713+nightly
codegen_flags: <defaults>
</compile_context>

<pallas_src>
import functools

import jax
import jax.numpy as jnp
from jax import lax
from jax.experimental import pallas as pl
from jax.experimental.pallas import tpu as pltpu
from jax.experimental.pallas import tpu_sc as plsc

N = 10000
E = 160000
CK = 128
NC = 2
NS = 16
EB = 125
ER = E // EB
RB = 2000

RS0 = 624
TAIL = N - NS * RS0
TAIL_OFF = N - TAIL


def _node_copy(make_src, make_dst, sid):
    pltpu.sync_copy(make_src(sid * RS0, RS0), make_dst(sid * RS0, RS0))

    @pl.when(sid == NS - 1)
    def _():
        pltpu.sync_copy(make_src(TAIL_OFF, TAIL), make_dst(TAIL_OFF, TAIL))



_IBA = ER // (NC * NS)


def _sc_degree(dst2d, zeros8, ones8):
    mesh = plsc.VectorSubcoreMesh(core_axis_name="c", subcore_axis_name="s")

    @functools.partial(
        pl.kernel,
        out_type=(
            jax.ShapeDtypeStruct((N, CK), jnp.float32),
            jax.ShapeDtypeStruct((N, CK), jnp.float32),
        ),
        mesh=mesh,
        compiler_params=pltpu.CompilerParams(use_tc_tiling_on_sc=False),
        scratch_types=[
            pltpu.VMEM((_IBA, EB), jnp.int32),
            pltpu.VMEM((EB, CK), jnp.float32),
            pltpu.VMEM_SHARED((N, CK), jnp.float32),
        ],
    )
    def deg_kernel(dst_h, zeros_h, ones_h, dega_h, degb_h, didx, ones_v, acc):
        cid = lax.axis_index("c")
        sid = lax.axis_index("s")
        wid = sid * NC + cid
        pltpu.sync_copy(zeros_h, acc.at[pl.ds(sid * RS0, RS0)])

        @pl.when(sid == NS - 1)
        def _():
            pltpu.sync_copy(zeros_h.at[pl.ds(0, TAIL)],
                            acc.at[pl.ds(TAIL_OFF, TAIL)])
        pltpu.sync_copy(ones_h, ones_v)
        pltpu.sync_copy(dst_h.at[pl.ds(wid * _IBA, _IBA)], didx)
        plsc.subcore_barrier()

        @pl.loop(0, _IBA)
        def _(j):
            pltpu.sync_copy(ones_v, acc.at[didx.at[j]], add=True)

        plsc.subcore_barrier()

        @pl.when(cid == 0)
        def _():
            _node_copy(lambda o, s: acc.at[pl.ds(o, s)],
                       lambda o, s: dega_h.at[pl.ds(o, s)], sid)

        @pl.when(cid == 1)
        def _():
            _node_copy(lambda o, s: acc.at[pl.ds(o, s)],
                       lambda o, s: degb_h.at[pl.ds(o, s)], sid)

    return deg_kernel(dst2d, zeros8, ones8)



_IB = ER // NS


def _sc_scatter(src2d, dst2d, g_chunks):
    nch = len(g_chunks)
    pc = nch // NC
    mesh = plsc.VectorSubcoreMesh(core_axis_name="c", subcore_axis_name="s")

    @functools.partial(
        pl.kernel,
        out_type=tuple(jax.ShapeDtypeStruct((N, CK), jnp.float32) for _ in range(nch)),
        mesh=mesh,
        compiler_params=pltpu.CompilerParams(use_tc_tiling_on_sc=False),
        scratch_types=[
            pltpu.VMEM((_IB, EB), jnp.int32),
            pltpu.VMEM((_IB // 2, EB), jnp.int32),
            pltpu.VMEM((2, EB, CK), jnp.float32),
            pltpu.VMEM_SHARED((N, CK), jnp.float32),
            pltpu.SemaphoreType.DMA,
            pltpu.SemaphoreType.DMA,
        ],
    )
    def scat_kernel(src_h, dst_h, *rest):
        gs = rest[:nch]
        outs = rest[nch:2 * nch]
        sidx, didx, rows, acc, sem0, sem1 = rest[2 * nch:]
        sems = (sem0, sem1)
        cid = lax.axis_index("c")
        sid = lax.axis_index("s")
        hp = _IB // 2
        pltpu.sync_copy(src_h.at[pl.ds(sid * _IB, _IB)], sidx)

        def do_chunk(g_h, out_h):
            _node_copy(lambda o, s: g_h.at[pl.ds(o, s)],
                       lambda o, s: acc.at[pl.ds(o, s)], sid)
            plsc.subcore_barrier()

            def gather_batch(g_h, j, b):
                pltpu.async_copy(g_h.at[sidx.at[j]], rows.at[b], sems[b])

            def wait_batch(g_h, b):
                pltpu.make_async_copy(g_h.at[sidx.at[0]], rows.at[b],
                                      sems[b]).wait()

            for b in range(2):
                gather_batch(g_h, b, b)
            for p in range(2):
                pltpu.sync_copy(dst_h.at[pl.ds(sid * _IB + p * hp, hp)], didx)

                @pl.loop(0, hp // 2)
                def _(t):
                    j0 = 2 * t
                    for b in range(2):
                        wait_batch(g_h, b)
                        pltpu.sync_copy(rows.at[b], acc.at[didx.at[j0 + b]],
                                        add=True)
                        g_next = p * hp + j0 + 2 + b

                        @pl.when(g_next < _IB)
                        def _():
                            gather_batch(g_h, g_next, b)

            plsc.subcore_barrier()
            _node_copy(lambda o, s: acc.at[pl.ds(o, s)],
                       lambda o, s: out_h.at[pl.ds(o, s)], sid)
            plsc.subcore_barrier()

        @pl.when(cid == 0)
        def _():
            for k in range(pc):
                do_chunk(gs[k], outs[k])

        @pl.when(cid == 1)
        def _():
            for k in range(pc):
                do_chunk(gs[pc + k], outs[pc + k])

    return scat_kernel(src2d, dst2d, *g_chunks)



def _tc_pre(x, w1t, dega, degb):
    nb = N // RB

    def body(x_r, w_r, da_r, db_r, dinv_r, g0_r, g1_r, g2_r, g3_r):
        d = lax.rsqrt(da_r[...] + db_r[...] + 1.0)
        dinv_r[...] = d[:, 0:8]
        h = jnp.dot(x_r[...], w_r[...], preferred_element_type=jnp.float32)
        g = h * d[:, 0:1]
        g0_r[...] = g[:, 0 * CK:1 * CK]
        g1_r[...] = g[:, 1 * CK:2 * CK]
        g2_r[...] = g[:, 2 * CK:3 * CK]
        g3_r[...] = g[:, 3 * CK:4 * CK]

    outs = pl.pallas_call(
        body,
        grid=(nb,),
        in_specs=[
            pl.BlockSpec((RB, 256), lambda i: (i, 0)),
            pl.BlockSpec((256, 512), lambda i: (0, 0)),
            pl.BlockSpec((RB, CK), lambda i: (i, 0)),
            pl.BlockSpec((RB, CK), lambda i: (i, 0)),
        ],
        out_specs=[pl.BlockSpec((RB, 8), lambda i: (i, 0))]
        + [pl.BlockSpec((RB, CK), lambda i: (i, 0)) for _ in range(4)],
        out_shape=[jax.ShapeDtypeStruct((N, 8), jnp.float32)]
        + [jax.ShapeDtypeStruct((N, CK), jnp.float32) for _ in range(4)],
    )(x, w1t, dega, degb)
    return outs[0], outs[1:]


def _tc_mid(a_chunks, dinv, b1, w2t):
    nb = N // RB

    def body(a0_r, a1_r, a2_r, a3_r, dinv_r, b_r, w_r, g0_r, g1_r):
        d = dinv_r[:, 0:1]
        h = jnp.zeros((RB, 256), jnp.float32)
        for k, a_r in enumerate((a0_r, a1_r, a2_r, a3_r)):
            z = jnp.maximum(a_r[...] * d + b_r[0:1, k * CK:(k + 1) * CK], 0.0)
            h = h + jnp.dot(z, w_r[pl.ds(k * CK, CK), :],
                            preferred_element_type=jnp.float32)
        g = h * d
        g0_r[...] = g[:, 0:CK]
        g1_r[...] = g[:, CK:2 * CK]

    outs = pl.pallas_call(
        body,
        grid=(nb,),
        in_specs=[pl.BlockSpec((RB, CK), lambda i: (i, 0)) for _ in range(4)]
        + [
            pl.BlockSpec((RB, 8), lambda i: (i, 0)),
            pl.BlockSpec((1, 512), lambda i: (0, 0)),
            pl.BlockSpec((512, 256), lambda i: (0, 0)),
        ],
        out_specs=[pl.BlockSpec((RB, CK), lambda i: (i, 0)) for _ in range(2)],
        out_shape=[jax.ShapeDtypeStruct((N, CK), jnp.float32) for _ in range(2)],
    )(*a_chunks, dinv, b1, w2t)
    return outs


def _tc_post(c_chunks, dinv, b2, wsst):
    nb = N // RB

    def body(c0_r, c1_r, dinv_r, b_r, w_r, o_r):
        d = dinv_r[:, 0:1]
        o = jnp.zeros((RB, 8), jnp.float32)
        for k, c_r in enumerate((c0_r, c1_r)):
            z = jnp.maximum(c_r[...] * d + b_r[0:1, k * CK:(k + 1) * CK], 0.0)
            o = o + jnp.dot(z, w_r[pl.ds(k * CK, CK), :],
                            preferred_element_type=jnp.float32)
        o_r[...] = o

    return pl.pallas_call(
        body,
        grid=(nb,),
        in_specs=[pl.BlockSpec((RB, CK), lambda i: (i, 0)) for _ in range(2)]
        + [
            pl.BlockSpec((RB, 8), lambda i: (i, 0)),
            pl.BlockSpec((1, 256), lambda i: (0, 0)),
            pl.BlockSpec((256, 8), lambda i: (0, 0)),
        ],
        out_specs=pl.BlockSpec((RB, 8), lambda i: (i, 0)),
        out_shape=jax.ShapeDtypeStruct((N, 8), jnp.float32),
    )(*c_chunks, dinv, b2, wsst)



def kernel(adj, x, W1, b1, W2, b2, Wss):
    src = adj[0].astype(jnp.int32)
    dst = adj[1].astype(jnp.int32)
    src2d = src.reshape(ER, EB)
    dst2d = dst.reshape(ER, EB)

    zeros8 = jnp.zeros((RS0, CK), jnp.float32)
    ones8 = jnp.ones((EB, CK), jnp.float32)


    dega, degb = _sc_degree(dst2d, zeros8, ones8)
    dinv, g1 = _tc_pre(x, W1.T, dega, degb)
    a1 = _sc_scatter(src2d, dst2d, list(g1))
    g2 = _tc_mid(a1, dinv, b1.reshape(1, 512), W2.T)
    a2 = _sc_scatter(src2d, dst2d, list(g2))
    out = _tc_post(a2, dinv, b2.reshape(1, 256), Wss.T)
    return (out, out)

# --- scband reference (transcript-rebuilt; emitter-appended) ---
"""Pipeline reference for scband-graph-part-17712445128880 (READ-ONLY COPY).

The authoritative reference and input builder live on the scoring server;
editing this copy changes nothing except your own understanding.
"""

import jax, jax.numpy as jnp
import numpy as np

N_NODES = 10000
IN_CH = 256
NUM_PARTS = 8
N_EDGES = 160000


def _gcn_conv(h, W, b, src, dst, n):
    # h: [n, in], W: [out, in], b: [out]
    h = h @ W.T
    # add self loops
    loop = jnp.arange(n, dtype=src.dtype)
    src2 = jnp.concatenate([src, loop])
    dst2 = jnp.concatenate([dst, loop])
    ones = jnp.ones(src2.shape[0], dtype=h.dtype)
    deg = jax.ops.segment_sum(ones, dst2, num_segments=n)
    dinv = jnp.where(deg > 0, 1.0 / jnp.sqrt(deg), 0.0)
    norm = dinv[src2] * dinv[dst2]
    msg = h[src2] * norm[:, None]
    out = jax.ops.segment_sum(msg, dst2, num_segments=n)
    return out + b


def setup_inputs(seed: int = 0) -> dict:
    key = jax.random.key(seed)
    k1, k2, k3, k4, k5, k6, k7 = jax.random.split(key, 7)
    adj = jax.random.randint(k1, (2, N_EDGES), 0, N_NODES, dtype=jnp.int64)
    x = jax.random.normal(k2, (N_NODES, IN_CH), dtype=jnp.float32)
    # GCNConv 1: in -> 2*in
    W1 = jax.random.normal(k3, (2 * IN_CH, IN_CH), dtype=jnp.float32) * (1.0 / np.sqrt(IN_CH))
    b1 = jnp.zeros((2 * IN_CH,), dtype=jnp.float32)
    # GCNConv 2: 2*in -> in
    W2 = jax.random.normal(k4, (IN_CH, 2 * IN_CH), dtype=jnp.float32) * (1.0 / np.sqrt(2 * IN_CH))
    b2 = jnp.zeros((IN_CH,), dtype=jnp.float32)
    # ss_classifier: in -> num_parts (no bias)
    Wss = jax.random.normal(k5, (NUM_PARTS, IN_CH), dtype=jnp.float32) * (1.0 / np.sqrt(IN_CH))
    return {"adj": adj, "x": x, "W1": W1, "b1": b1, "W2": W2, "b2": b2, "Wss": Wss}


def reference(adj, x, W1, b1, W2, b2, Wss):
    n = x.shape[0]
    src, dst = adj[0], adj[1]
    # dropout is identity (eval mode)
    z = x
    z = jax.nn.relu(_gcn_conv(z, W1, b1, src, dst, n))
    z = jax.nn.relu(_gcn_conv(z, W2, b2, src, dst, n))
    z = z @ Wss.T
    z_ss = x
    z_ss = jax.nn.relu(_gcn_conv(z_ss, W1, b1, src, dst, n))
    z_ss = jax.nn.relu(_gcn_conv(z_ss, W2, b2, src, dst, n))
    z_ss = z_ss @ Wss.T
    return (z, z_ss)

if __name__ == "__main__":
    import jax
    _d = setup_inputs()
    print(jax.jit(kernel)(*tuple(_d.values())))

</pallas_src>

<mosaic_0001>
#map = affine_map<(d0, d1) -> (0, 0)>
module attributes {stable_mosaic.version = 14 : i64} {
  func.func @deg_kernel(%arg0: i32, %arg1: i32, %arg2: memref<1280x125xi32, #tpu.memory_space<hbm>>, %arg3: memref<624x128xf32, #tpu.memory_space<hbm>>, %arg4: memref<125x128xf32, #tpu.memory_space<hbm>>, %arg5: memref<10000x128xf32, #tpu.memory_space<hbm>>, %arg6: memref<10000x128xf32, #tpu.memory_space<hbm>>, %arg7: memref<40x125xi32, #tpu.memory_space<vmem>>, %arg8: memref<125x128xf32, #tpu.memory_space<vmem>>, %arg9: memref<10000x128xf32, #tpu.memory_space<vmem_shared>>) attributes {dimension_semantics = [#tpu.dimension_semantics<core_parallel>, #tpu.dimension_semantics<subcore_parallel>], iteration_bounds = array<i64: 2, 16>, scalar_prefetch = 0 : i64, scratch_operands = 3 : i64, tpu.core_type = #tpu.core_type<sc_vector_subcore>, window_params = [{transform_indices = #map}, {transform_indices = #map}, {transform_indices = #map}, {transform_indices = #map}, {transform_indices = #map}]} {
    %mul3A = arith.constant 2 : i32
    %mul3A_0 = arith.muli %arg1, %mul3A : i32
    %add3A = arith.addi %mul3A_0, %arg0 : i32
    %mul3A_1 = arith.constant 624 : i32
    %mul3A_2 = arith.muli %arg1, %mul3A_1 : i32
    "tpu.region"() ({
      %run_scoped3A = tpu.sem_alloc : memref<!tpu.dma_semaphore, #tpu.memory_space<semaphore_mem>>
      %dma_start3A = arith.constant 0 : i32
      %dma_start3A_22 = tpu.memref_slice %arg9[%mul3A_2, %dma_start3A] : memref<10000x128xf32, #tpu.memory_space<vmem_shared>> -> memref<624x128xf32, #tpu.memory_space<vmem_shared>>
      tpu.enqueue_dma source(%arg3 : memref<624x128xf32, #tpu.memory_space<hbm>>) target(%dma_start3A_22 : memref<624x128xf32, #tpu.memory_space<vmem_shared>>) target_semaphore(%run_scoped3A : memref<!tpu.dma_semaphore, #tpu.memory_space<semaphore_mem>>)
      %dma_wait3A = arith.constant 0 : i32
      %dma_wait3A_23 = tpu.memref_slice %arg9[%mul3A_2, %dma_wait3A] : memref<10000x128xf32, #tpu.memory_space<vmem_shared>> -> memref<624x128xf32, #tpu.memory_space<vmem_shared>>
      tpu.wait_dma2 semaphore(%run_scoped3A : memref<!tpu.dma_semaphore, #tpu.memory_space<semaphore_mem>>) src(%arg3 : memref<624x128xf32, #tpu.memory_space<hbm>>) dst(%dma_wait3A_23 : memref<624x128xf32, #tpu.memory_space<vmem_shared>>)
      tpu.yield
    }) : () -> ()
    %eq3A = arith.constant 15 : i32
    %eq3A_3 = arith.cmpi eq, %arg1, %eq3A : i32
    %convert_element_type3A = arith.extui %eq3A_3 : i1 to i32
    %cond3A = arith.constant 0 : i32
    %cond3A_4 = arith.cmpi ne, %convert_element_type3A, %cond3A : i32
    scf.if %cond3A_4 {
      "tpu.region"() ({
        %run_scoped3A = tpu.sem_alloc : memref<!tpu.dma_semaphore, #tpu.memory_space<semaphore_mem>>
        %dma_start3A = arith.constant 9984 : i32
        %dma_start3A_22 = arith.constant 0 : i32
        %dma_start3A_23 = tpu.memref_slice %arg9[%dma_start3A, %dma_start3A_22] : memref<10000x128xf32, #tpu.memory_space<vmem_shared>> -> memref<16x128xf32, #tpu.memory_space<vmem_shared>>
        %dma_start3A_24 = arith.constant 0 : i32
        %dma_start3A_25 = arith.constant 0 : i32
        %dma_start3A_26 = tpu.memref_slice %arg3[%dma_start3A_24, %dma_start3A_25] : memref<624x128xf32, #tpu.memory_space<hbm>> -> memref<16x128xf32, #tpu.memory_space<hbm>>
        tpu.enqueue_dma source(%dma_start3A_26 : memref<16x128xf32, #tpu.memory_space<hbm>>) target(%dma_start3A_23 : memref<16x128xf32, #tpu.memory_space<vmem_shared>>) target_semaphore(%run_scoped3A : memref<!tpu.dma_semaphore, #tpu.memory_space<semaphore_mem>>)
        %dma_wait3A = arith.constant 9984 : i32
        %dma_wait3A_27 = arith.constant 0 : i32
        %dma_wait3A_28 = tpu.memref_slice %arg9[%dma_wait3A, %dma_wait3A_27] : memref<10000x128xf32, #tpu.memory_space<vmem_shared>> -> memref<16x128xf32, #tpu.memory_space<vmem_shared>>
        %dma_wait3A_29 = arith.constant 0 : i32
        %dma_wait3A_30 = arith.constant 0 : i32
        %dma_wait3A_31 = tpu.memref_slice %arg3[%dma_wait3A_29, %dma_wait3A_30] : memref<624x128xf32, #tpu.memory_space<hbm>> -> memref<16x128xf32, #tpu.memory_space<hbm>>
        tpu.wait_dma2 semaphore(%run_scoped3A : memref<!tpu.dma_semaphore, #tpu.memory_space<semaphore_mem>>) src(%dma_wait3A_31 : memref<16x128xf32, #tpu.memory_space<hbm>>) dst(%dma_wait3A_28 : memref<16x128xf32, #tpu.memory_space<vmem_shared>>)
        tpu.yield
      }) : () -> ()
    } else {
    }
    "tpu.region"() ({
      %run_scoped3A = tpu.sem_alloc : memref<!tpu.dma_semaphore, #tpu.memory_space<semaphore_mem>>
      tpu.enqueue_dma source(%arg4 : memref<125x128xf32, #tpu.memory_space<hbm>>) target(%arg8 : memref<125x128xf32, #tpu.memory_space<vmem>>) target_semaphore(%run_scoped3A : memref<!tpu.dma_semaphore, #tpu.memory_space<semaphore_mem>>)
      tpu.wait_dma2 semaphore(%run_scoped3A : memref<!tpu.dma_semaphore, #tpu.memory_space<semaphore_mem>>) src(%arg4 : memref<125x128xf32, #tpu.memory_space<hbm>>) dst(%arg8 : memref<125x128xf32, #tpu.memory_space<vmem>>)
      tpu.yield
    }) : () -> ()
    %mul3A_5 = arith.constant 40 : i32
    %mul3A_6 = arith.muli %add3A, %mul3A_5 : i32
    "tpu.region"() ({
      %run_scoped3A = tpu.sem_alloc : memref<!tpu.dma_semaphore, #tpu.memory_space<semaphore_mem>>
      %dma_start3A = arith.constant 0 : i32
      %dma_start3A_22 = tpu.memref_slice %arg2[%mul3A_6, %dma_start3A] : memref<1280x125xi32, #tpu.memory_space<hbm>> -> memref<40x125xi32, #tpu.memory_space<hbm>>
      %dma_start3A_23 = arith.constant 0 : i32
      %dma_start3A_24 = tpu.memref_slice %arg2[%mul3A_6, %dma_start3A_23] : memref<1280x125xi32, #tpu.memory_space<hbm>> -> memref<40x125xi32, #tpu.memory_space<hbm>>
      tpu.enqueue_dma source(%dma_start3A_24 : memref<40x125xi32, #tpu.memory_space<hbm>>) target(%arg7 : memref<40x125xi32, #tpu.memory_space<vmem>>) target_semaphore(%run_scoped3A : memref<!tpu.dma_semaphore, #tpu.memory_space<semaphore_mem>>)
      %dma_wait3A = arith.constant 0 : i32
      %dma_wait3A_25 = tpu.memref_slice %arg2[%mul3A_6, %dma_wait3A] : memref<1280x125xi32, #tpu.memory_space<hbm>> -> memref<40x125xi32, #tpu.memory_space<hbm>>
      %dma_wait3A_26 = arith.constant 0 : i32
      %dma_wait3A_27 = tpu.memref_slice %arg2[%mul3A_6, %dma_wait3A_26] : memref<1280x125xi32, #tpu.memory_space<hbm>> -> memref<40x125xi32, #tpu.memory_space<hbm>>
      tpu.wait_dma2 semaphore(%run_scoped3A : memref<!tpu.dma_semaphore, #tpu.memory_space<semaphore_mem>>) src(%dma_wait3A_27 : memref<40x125xi32, #tpu.memory_space<hbm>>) dst(%arg7 : memref<40x125xi32, #tpu.memory_space<vmem>>)
      tpu.yield
    }) : () -> ()
    %barrier3A = arith.constant 0 : index
    tpu.barrier barrier_id(%barrier3A)
    %scan3A = arith.constant 0 : i32
    %scan3A_7 = arith.constant 40 : i32
    %scan3A_8 = arith.addi %scan3A, %scan3A_7 : i32
    %scan3A_9 = arith.constant 1 : i32
    scf.for %scan3A_22 = %scan3A to %scan3A_8 step %scan3A_9  : i32 {
      %mul3A_23 = arith.constant 1 : i32
      %mul3A_24 = arith.muli %scan3A_22, %mul3A_23 : i32
      %add3A_25 = arith.constant 0 : i32
      %add3A_26 = arith.addi %add3A_25, %mul3A_24 : i32
      "tpu.region"() ({
        %run_scoped3A = tpu.sem_alloc : memref<!tpu.dma_semaphore, #tpu.memory_space<semaphore_mem>>
        %dma_start3A = arith.constant 0 : i32
        %dma_start3A_27 = tpu.memref_slice %arg7[%add3A_26, %dma_start3A] : memref<40x125xi32, #tpu.memory_space<vmem>> -> memref<1x125xi32, #tpu.memory_space<vmem>>
        %dma_start3A_28 = tpu.memref_squeeze %dma_start3A_27 : memref<1x125xi32, #tpu.memory_space<vmem>> -> memref<125xi32, #tpu.memory_space<vmem>>
        %dma_start3A_29 = arith.constant 0 : i32
        %dma_start3A_30 = arith.constant 0 : i32
        %dma_start3A_31 = tpu.memref_slice %arg9[%dma_start3A_29, %dma_start3A_30] : memref<10000x128xf32, #tpu.memory_space<vmem_shared>> -> memref<10000x128xf32, #tpu.memory_space<vmem_shared>>
        tpu.enqueue_indirect_dma source(%arg8 : memref<125x128xf32, #tpu.memory_space<vmem>>) target(%dma_start3A_31 : memref<10000x128xf32, #tpu.memory_space<vmem_shared>>) offsets(%dma_start3A_28 : memref<125xi32, #tpu.memory_space<vmem>>) semaphore(%run_scoped3A : memref<!tpu.dma_semaphore, #tpu.memory_space<semaphore_mem>>) {add = true}
        %dma_wait3A = arith.constant 0 : i32
        %dma_wait3A_32 = tpu.memref_slice %arg7[%add3A_26, %dma_wait3A] : memref<40x125xi32, #tpu.memory_space<vmem>> -> memref<1x125xi32, #tpu.memory_space<vmem>>
        %dma_wait3A_33 = tpu.memref_squeeze %dma_wait3A_32 : memref<1x125xi32, #tpu.memory_space<vmem>> -> memref<125xi32, #tpu.memory_space<vmem>>
        %dma_wait3A_34 = arith.constant 0 : i32
        %dma_wait3A_35 = arith.constant 0 : i32
        %dma_wait3A_36 = tpu.memref_slice %arg9[%dma_wait3A_34, %dma_wait3A_35] : memref<10000x128xf32, #tpu.memory_space<vmem_shared>> -> memref<10000x128xf32, #tpu.memory_space<vmem_shared>>
        tpu.wait_indirect_dma semaphore(%run_scoped3A : memref<!tpu.dma_semaphore, #tpu.memory_space<semaphore_mem>>) src(%arg8 : memref<125x128xf32, #tpu.memory_space<vmem>>) dst(%dma_wait3A_36 : memref<10000x128xf32, #tpu.memory_space<vmem_shared>>)
        tpu.yield
      }) : () -> ()
    }
    %scan3A_10 = arith.constant 40 : i32
    %barrier3A_11 = arith.constant 0 : index
    tpu.barrier barrier_id(%barrier3A_11)
    %eq3A_12 = arith.constant 0 : i32
    %eq3A_13 = arith.cmpi eq, %arg0, %eq3A_12 : i32
    %convert_element_type3A_14 = arith.extui %eq3A_13 : i1 to i32
    %cond3A_15 = arith.constant 0 : i32
    %cond3A_16 = arith.cmpi ne, %convert_element_type3A_14, %cond3A_15 : i32
    scf.if %cond3A_16 {
      %mul3A_22 = arith.constant 624 : i32
      %mul3A_23 = arith.muli %arg1, %mul3A_22 : i32
      %mul3A_24 = arith.constant 624 : i32
      %mul3A_25 = arith.muli %arg1, %mul3A_24 : i32
      "tpu.region"() ({
        %run_scoped3A = tpu.sem_alloc : memref<!tpu.dma_semaphore, #tpu.memory_space<semaphore_mem>>
        %dma_start3A = arith.constant 0 : i32
        %dma_start3A_31 = tpu.memref_slice %arg5[%mul3A_25, %dma_start3A] : memref<10000x128xf32, #tpu.memory_space<hbm>> -> memref<624x128xf32, #tpu.memory_space<hbm>>
        %dma_start3A_32 = arith.constant 0 : i32
        %dma_start3A_33 = tpu.memref_slice %arg9[%mul3A_23, %dma_start3A_32] : memref<10000x128xf32, #tpu.memory_space<vmem_shared>> -> memref<624x128xf32, #tpu.memory_space<vmem_shared>>
        tpu.enqueue_dma source(%dma_start3A_33 : memref<624x128xf32, #tpu.memory_space<vmem_shared>>) target(%dma_start3A_31 : memref<624x128xf32, #tpu.memory_space<hbm>>) target_semaphore(%run_scoped3A : memref<!tpu.dma_semaphore, #tpu.memory_space<semaphore_mem>>)
        %dma_wait3A = arith.constant 0 : i32
        %dma_wait3A_34 = tpu.memref_slice %arg5[%mul3A_25, %dma_wait3A] : memref<10000x128xf32, #tpu.memory_space<hbm>> -> memref<624x128xf32, #tpu.memory_space<hbm>>
        %dma_wait3A_35 = arith.constant 0 : i32
        %dma_wait3A_36 = tpu.memref_slice %arg9[%mul3A_23, %dma_wait3A_35] : memref<10000x128xf32, #tpu.memory_space<vmem_shared>> -> memref<624x128xf32, #tpu.memory_space<vmem_shared>>
        tpu.wait_dma2 semaphore(%run_scoped3A : memref<!tpu.dma_semaphore, #tpu.memory_space<semaphore_mem>>) src(%dma_wait3A_36 : memref<624x128xf32, #tpu.memory_space<vmem_shared>>) dst(%dma_wait3A_34 : memref<624x128xf32, #tpu.memory_space<hbm>>)
        tpu.yield
      }) : () -> ()
      %eq3A_26 = arith.constant 15 : i32
      %eq3A_27 = arith.cmpi eq, %arg1, %eq3A_26 : i32
      %convert_element_type3A_28 = arith.extui %eq3A_27 : i1 to i32
      %cond3A_29 = arith.constant 0 : i32
      %cond3A_30 = arith.cmpi ne, %convert_element_type3A_28, %cond3A_29 : i32
      scf.if %cond3A_30 {
        "tpu.region"() ({
          %run_scoped3A = tpu.sem_alloc : memref<!tpu.dma_semaphore, #tpu.memory_space<semaphore_mem>>
          %dma_start3A = arith.constant 9984 : i32
          %dma_start3A_31 = arith.constant 0 : i32
          %dma_start3A_32 = tpu.memref_slice %arg5[%dma_start3A, %dma_start3A_31] : memref<10000x128xf32, #tpu.memory_space<hbm>> -> memref<16x128xf32, #tpu.memory_space<hbm>>
          %dma_start3A_33 = arith.constant 9984 : i32
          %dma_start3A_34 = arith.constant 0 : i32
          %dma_start3A_35 = tpu.memref_slice %arg9[%dma_start3A_33, %dma_start3A_34] : memref<10000x128xf32, #tpu.memory_space<vmem_shared>> -> memref<16x128xf32, #tpu.memory_space<vmem_shared>>
          tpu.enqueue_dma source(%dma_start3A_35 : memref<16x128xf32, #tpu.memory_space<vmem_shared>>) target(%dma_start3A_32 : memref<16x128xf32, #tpu.memory_space<hbm>>) target_semaphore(%run_scoped3A : memref<!tpu.dma_semaphore, #tpu.memory_space<semaphore_mem>>)
          %dma_wait3A = arith.constant 9984 : i32
          %dma_wait3A_36 = arith.constant 0 : i32
          %dma_wait3A_37 = tpu.memref_slice %arg5[%dma_wait3A, %dma_wait3A_36] : memref<10000x128xf32, #tpu.memory_space<hbm>> -> memref<16x128xf32, #tpu.memory_space<hbm>>
          %dma_wait3A_38 = arith.constant 9984 : i32
          %dma_wait3A_39 = arith.constant 0 : i32
          %dma_wait3A_40 = tpu.memref_slice %arg9[%dma_wait3A_38, %dma_wait3A_39] : memref<10000x128xf32, #tpu.memory_space<vmem_shared>> -> memref<16x128xf32, #tpu.memory_space<vmem_shared>>
          tpu.wait_dma2 semaphore(%run_scoped3A : memref<!tpu.dma_semaphore, #tpu.memory_space<semaphore_mem>>) src(%dma_wait3A_40 : memref<16x128xf32, #tpu.memory_space<vmem_shared>>) dst(%dma_wait3A_37 : memref<16x128xf32, #tpu.memory_space<hbm>>)
          tpu.yield
        }) : () -> ()
      } else {
      }
    } else {
    }
    %eq3A_17 = arith.constant 1 : i32
    %eq3A_18 = arith.cmpi eq, %arg0, %eq3A_17 : i32
    %convert_element_type3A_19 = arith.extui %eq3A_18 : i1 to i32
    %cond3A_20 = arith.constant 0 : i32
    %cond3A_21 = arith.cmpi ne, %convert_element_type3A_19, %cond3A_20 : i32
    scf.if %cond3A_21 {
      %mul3A_22 = arith.constant 624 : i32
      %mul3A_23 = arith.muli %arg1, %mul3A_22 : i32
      %mul3A_24 = arith.constant 624 : i32
      %mul3A_25 = arith.muli %arg1, %mul3A_24 : i32
      "tpu.region"() ({
        %run_scoped3A = tpu.sem_alloc : memref<!tpu.dma_semaphore, #tpu.memory_space<semaphore_mem>>
        %dma_start3A = arith.constant 0 : i32
        %dma_start3A_31 = tpu.memref_slice %arg6[%mul3A_25, %dma_start3A] : memref<10000x128xf32, #tpu.memory_space<hbm>> -> memref<624x128xf32, #tpu.memory_space<hbm>>
        %dma_start3A_32 = arith.constant 0 : i32
        %dma_start3A_33 = tpu.memref_slice %arg9[%mul3A_23, %dma_start3A_32] : memref<10000x128xf32, #tpu.memory_space<vmem_shared>> -> memref<624x128xf32, #tpu.memory_space<vmem_shared>>
        tpu.enqueue_dma source(%dma_start3A_33 : memref<624x128xf32, #tpu.memory_space<vmem_shared>>) target(%dma_start3A_31 : memref<624x128xf32, #tpu.memory_space<hbm>>) target_semaphore(%run_scoped3A : memref<!tpu.dma_semaphore, #tpu.memory_space<semaphore_mem>>)
        %dma_wait3A = arith.constant 0 : i32
        %dma_wait3A_34 = tpu.memref_slice %arg6[%mul3A_25, %dma_wait3A] : memref<10000x128xf32, #tpu.memory_space<hbm>> -> memref<624x128xf32, #tpu.memory_space<hbm>>
        %dma_wait3A_35 = arith.constant 0 : i32
        %dma_wait3A_36 = tpu.memref_slice %arg9[%mul3A_23, %dma_wait3A_35] : memref<10000x128xf32, #tpu.memory_space<vmem_shared>> -> memref<624x128xf32, #tpu.memory_space<vmem_shared>>
        tpu.wait_dma2 semaphore(%run_scoped3A : memref<!tpu.dma_semaphore, #tpu.memory_space<semaphore_mem>>) src(%dma_wait3A_36 : memref<624x128xf32, #tpu.memory_space<vmem_shared>>) dst(%dma_wait3A_34 : memref<624x128xf32, #tpu.memory_space<hbm>>)
        tpu.yield
      }) : () -> ()
      %eq3A_26 = arith.constant 15 : i32
      %eq3A_27 = arith.cmpi eq, %arg1, %eq3A_26 : i32
      %convert_element_type3A_28 = arith.extui %eq3A_27 : i1 to i32
      %cond3A_29 = arith.constant 0 : i32
      %cond3A_30 = arith.cmpi ne, %convert_element_type3A_28, %cond3A_29 : i32
      scf.if %cond3A_30 {
        "tpu.region"() ({
          %run_scoped3A = tpu.sem_alloc : memref<!tpu.dma_semaphore, #tpu.memory_space<semaphore_mem>>
          %dma_start3A = arith.constant 9984 : i32
          %dma_start3A_31 = arith.constant 0 : i32
          %dma_start3A_32 = tpu.memref_slice %arg6[%dma_start3A, %dma_start3A_31] : memref<10000x128xf32, #tpu.memory_space<hbm>> -> memref<16x128xf32, #tpu.memory_space<hbm>>
          %dma_start3A_33 = arith.constant 9984 : i32
          %dma_start3A_34 = arith.constant 0 : i32
          %dma_start3A_35 = tpu.memref_slice %arg9[%dma_start3A_33, %dma_start3A_34] : memref<10000x128xf32, #tpu.memory_space<vmem_shared>> -> memref<16x128xf32, #tpu.memory_space<vmem_shared>>
          tpu.enqueue_dma source(%dma_start3A_35 : memref<16x128xf32, #tpu.memory_space<vmem_shared>>) target(%dma_start3A_32 : memref<16x128xf32, #tpu.memory_space<hbm>>) target_semaphore(%run_scoped3A : memref<!tpu.dma_semaphore, #tpu.memory_space<semaphore_mem>>)
          %dma_wait3A = arith.constant 9984 : i32
          %dma_wait3A_36 = arith.constant 0 : i32
          %dma_wait3A_37 = tpu.memref_slice %arg6[%dma_wait3A, %dma_wait3A_36] : memref<10000x128xf32, #tpu.memory_space<hbm>> -> memref<16x128xf32, #tpu.memory_space<hbm>>
          %dma_wait3A_38 = arith.constant 9984 : i32
          %dma_wait3A_39 = arith.constant 0 : i32
          %dma_wait3A_40 = tpu.memref_slice %arg9[%dma_wait3A_38, %dma_wait3A_39] : memref<10000x128xf32, #tpu.memory_space<vmem_shared>> -> memref<16x128xf32, #tpu.memory_space<vmem_shared>>
          tpu.wait_dma2 semaphore(%run_scoped3A : memref<!tpu.dma_semaphore, #tpu.memory_space<semaphore_mem>>) src(%dma_wait3A_40 : memref<16x128xf32, #tpu.memory_space<vmem_shared>>) dst(%dma_wait3A_37 : memref<16x128xf32, #tpu.memory_space<hbm>>)
          tpu.yield
        }) : () -> ()
      } else {
      }
    } else {
    }
    return
  }
}

#map = affine_map<(d0, d1) -> (0, 0)>
module attributes {stable_mosaic.version = 14 : i64} {
  func.func @scat_kernel(%arg0: i32, %arg1: i32, %arg2: memref<1280x125xi32, #tpu.memory_space<hbm>>, %arg3: memref<1280x125xi32, #tpu.memory_space<hbm>>, %arg4: memref<10000x128xf32, #tpu.memory_space<hbm>>, %arg5: memref<10000x128xf32, #tpu.memory_space<hbm>>, %arg6: memref<10000x128xf32, #tpu.memory_space<hbm>>, %arg7: memref<10000x128xf32, #tpu.memory_space<hbm>>, %arg8: memref<80x125xi32, #tpu.memory_space<vmem>>, %arg9: memref<40x125xi32, #tpu.memory_space<vmem>>, %arg10: memref<2x125x128xf32, #tpu.memory_space<vmem>>, %arg11: memref<10000x128xf32, #tpu.memory_space<vmem_shared>>, %arg12: memref<!tpu.dma_semaphore, #tpu.memory_space<semaphore_mem>>, %arg13: memref<!tpu.dma_semaphore, #tpu.memory_space<semaphore_mem>>) attributes {dimension_semantics = [#tpu.dimension_semantics<core_parallel>, #tpu.dimension_semantics<subcore_parallel>], iteration_bounds = array<i64: 2, 16>, scalar_prefetch = 0 : i64, scratch_operands = 6 : i64, tpu.core_type = #tpu.core_type<sc_vector_subcore>, window_params = [{transform_indices = #map}, {transform_indices = #map}, {transform_indices = #map}, {transform_indices = #map}, {transform_indices = #map}, {transform_indices = #map}]} {
    %mul3A = arith.constant 80 : i32
    %mul3A_0 = arith.muli %arg1, %mul3A : i32
    "tpu.region"() ({
      %run_scoped3A = tpu.sem_alloc : memref<!tpu.dma_semaphore, #tpu.memory_space<semaphore_mem>>
      %dma_start3A = arith.constant 0 : i32
      %dma_start3A_8 = tpu.memref_slice %arg2[%mul3A_0, %dma_start3A] : memref<1280x125xi32, #tpu.memory_space<hbm>> -> memref<80x125xi32, #tpu.memory_space<hbm>>
      %dma_start3A_9 = arith.constant 0 : i32
      %dma_start3A_10 = tpu.memref_slice %arg2[%mul3A_0, %dma_start3A_9] : memref<1280x125xi32, #tpu.memory_space<hbm>> -> memref<80x125xi32, #tpu.memory_space<hbm>>
      tpu.enqueue_dma source(%dma_start3A_10 : memref<80x125xi32, #tpu.memory_space<hbm>>) target(%arg8 : memref<80x125xi32, #tpu.memory_space<vmem>>) target_semaphore(%run_scoped3A : memref<!tpu.dma_semaphore, #tpu.memory_space<semaphore_mem>>)
      %dma_wait3A = arith.constant 0 : i32
      %dma_wait3A_11 = tpu.memref_slice %arg2[%mul3A_0, %dma_wait3A] : memref<1280x125xi32, #tpu.memory_space<hbm>> -> memref<80x125xi32, #tpu.memory_space<hbm>>
      %dma_wait3A_12 = arith.constant 0 : i32
      %dma_wait3A_13 = tpu.memref_slice %arg2[%mul3A_0, %dma_wait3A_12] : memref<1280x125xi32, #tpu.memory_space<hbm>> -> memref<80x125xi32, #tpu.memory_space<hbm>>
      tpu.wait_dma2 semaphore(%run_scoped3A : memref<!tpu.dma_semaphore, #tpu.memory_space<semaphore_mem>>) src(%dma_wait3A_13 : memref<80x125xi32, #tpu.memory_space<hbm>>) dst(%arg8 : memref<80x125xi32, #tpu.memory_space<vmem>>)
      tpu.yield
    }) : () -> ()
    %eq3A = arith.constant 0 : i32
    %eq3A_1 = arith.cmpi eq, %arg0, %eq3A : i32
    %convert_element_type3A = arith.extui %eq3A_1 : i1 to i32
    %cond3A = arith.constant 0 : i32
    %cond3A_2 = arith.cmpi ne, %convert_element_type3A, %cond3A : i32
    scf.if %cond3A_2 {
      %mul3A_8 = arith.constant 624 : i32
      %mul3A_9 = arith.muli %arg1, %mul3A_8 : i32
      %mul3A_10 = arith.constant 624 : i32
      %mul3A_11 = arith.muli %arg1, %mul3A_10 : i32
      "tpu.region"() ({
        %run_scoped3A = tpu.sem_alloc : memref<!tpu.dma_semaphore, #tpu.memory_space<semaphore_mem>>
        %dma_start3A_67 = arith.constant 0 : i32
        %dma_start3A_68 = tpu.memref_slice %arg11[%mul3A_11, %dma_start3A_67] : memref<10000x128xf32, #tpu.memory_space<vmem_shared>> -> memref<624x128xf32, #tpu.memory_space<vmem_shared>>
        %dma_start3A_69 = arith.constant 0 : i32
        %dma_start3A_70 = tpu.memref_slice %arg4[%mul3A_9, %dma_start3A_69] : memref<10000x128xf32, #tpu.memory_space<hbm>> -> memref<624x128xf32, #tpu.memory_space<hbm>>
        tpu.enqueue_dma source(%dma_start3A_70 : memref<624x128xf32, #tpu.memory_space<hbm>>) target(%dma_start3A_68 : memref<624x128xf32, #tpu.memory_space<vmem_shared>>) target_semaphore(%run_scoped3A : memref<!tpu.dma_semaphore, #tpu.memory_space<semaphore_mem>>)
        %dma_wait3A = arith.constant 0 : i32
        %dma_wait3A_71 = tpu.memref_slice %arg11[%mul3A_11, %dma_wait3A] : memref<10000x128xf32, #tpu.memory_space<vmem_shared>> -> memref<624x128xf32, #tpu.memory_space<vmem_shared>>
        %dma_wait3A_72 = arith.constant 0 : i32
        %dma_wait3A_73 = tpu.memref_slice %arg4[%mul3A_9, %dma_wait3A_72] : memref<10000x128xf32, #tpu.memory_space<hbm>> -> memref<624x128xf32, #tpu.memory_space<hbm>>
        tpu.wait_dma2 semaphore(%run_scoped3A : memref<!tpu.dma_semaphore, #tpu.memory_space<semaphore_mem>>) src(%dma_wait3A_73 : memref<624x128xf32, #tpu.memory_space<hbm>>) dst(%dma_wait3A_71 : memref<624x128xf32, #tpu.memory_space<vmem_shared>>)
        tpu.yield
      }) : () -> ()
      %eq3A_12 = arith.constant 15 : i32
      %eq3A_13 = arith.cmpi eq, %arg1, %eq3A_12 : i32
      %convert_element_type3A_14 = arith.extui %eq3A_13 : i1 to i32
      %cond3A_15 = arith.constant 0 : i32
      %cond3A_16 = arith.cmpi ne, %convert_element_type3A_14, %cond3A_15 : i32
      scf.if %cond3A_16 {
        "tpu.region"() ({
          %run_scoped3A = tpu.sem_alloc : memref<!tpu.dma_semaphore, #tpu.memory_space<semaphore_mem>>
          %dma_start3A_67 = arith.constant 9984 : i32
          %dma_start3A_68 = arith.constant 0 : i32
          %dma_start3A_69 = tpu.memref_slice %arg11[%dma_start3A_67, %dma_start3A_68] : memref<10000x128xf32, #tpu.memory_space<vmem_shared>> -> memref<16x128xf32, #tpu.memory_space<vmem_shared>>
          %dma_start3A_70 = arith.constant 9984 : i32
          %dma_start3A_71 = arith.constant 0 : i32
          %dma_start3A_72 = tpu.memref_slice %arg4[%dma_start3A_70, %dma_start3A_71] : memref<10000x128xf32, #tpu.memory_space<hbm>> -> memref<16x128xf32, #tpu.memory_space<hbm>>
          tpu.enqueue_dma source(%dma_start3A_72 : memref<16x128xf32, #tpu.memory_space<hbm>>) target(%dma_start3A_69 : memref<16x128xf32, #tpu.memory_space<vmem_shared>>) target_semaphore(%run_scoped3A : memref<!tpu.dma_semaphore, #tpu.memory_space<semaphore_mem>>)
          %dma_wait3A = arith.constant 9984 : i32
          %dma_wait3A_73 = arith.constant 0 : i32
          %dma_wait3A_74 = tpu.memref_slice %arg11[%dma_wait3A, %dma_wait3A_73] : memref<10000x128xf32, #tpu.memory_space<vmem_shared>> -> memref<16x128xf32, #tpu.memory_space<vmem_shared>>
          %dma_wait3A_75 = arith.constant 9984 : i32
          %dma_wait3A_76 = arith.constant 0 : i32
          %dma_wait3A_77 = tpu.memref_slice %arg4[%dma_wait3A_75, %dma_wait3A_76] : memref<10000x128xf32, #tpu.memory_space<hbm>> -> memref<16x128xf32, #tpu.memory_space<hbm>>
          tpu.wait_dma2 semaphore(%run_scoped3A : memref<!tpu.dma_semaphore, #tpu.memory_space<semaphore_mem>>) src(%dma_wait3A_77 : memref<16x128xf32, #tpu.memory_space<hbm>>) dst(%dma_wait3A_74 : memref<16x128xf32, #tpu.memory_space<vmem_shared>>)
          tpu.yield
        }) : () -> ()
      } else {
      }
      %barrier3A = arith.constant 0 : index
      tpu.barrier barrier_id(%barrier3A)
      %dma_start3A = arith.constant 0 : i32
      %dma_start3A_17 = arith.constant 0 : i32
      %dma_start3A_18 = arith.constant 0 : i32
      %dma_start3A_19 = arith.constant 0 : i32
      %dma_start3A_20 = tpu.memref_slice %arg10[%dma_start3A_17, %dma_start3A_18, %dma_start3A_19] : memref<2x125x128xf32, #tpu.memory_space<vmem>> -> memref<1x125x128xf32, #tpu.memory_space<vmem>>
      %dma_start3A_21 = tpu.memref_squeeze %dma_start3A_20 : memref<1x125x128xf32, #tpu.memory_space<vmem>> -> memref<125x128xf32, #tpu.memory_space<vmem>>
      %dma_start3A_22 = arith.constant 0 : i32
      %dma_start3A_23 = tpu.memref_slice %arg8[%dma_start3A, %dma_start3A_22] : memref<80x125xi32, #tpu.memory_space<vmem>> -> memref<1x125xi32, #tpu.memory_space<vmem>>
      %dma_start3A_24 = tpu.memref_squeeze %dma_start3A_23 : memref<1x125xi32, #tpu.memory_space<vmem>> -> memref<125xi32, #tpu.memory_space<vmem>>
      %dma_start3A_25 = arith.constant 0 : i32
      %dma_start3A_26 = arith.constant 0 : i32
      %dma_start3A_27 = tpu.memref_slice %arg4[%dma_start3A_25, %dma_start3A_26] : memref<10000x128xf32, #tpu.memory_space<hbm>> -> memref<10000x128xf32, #tpu.memory_space<hbm>>
      tpu.enqueue_indirect_dma source(%dma_start3A_27 : memref<10000x128xf32, #tpu.memory_space<hbm>>) target(%dma_start3A_21 : memref<125x128xf32, #tpu.memory_space<vmem>>) offsets(%dma_start3A_24 : memref<125xi32, #tpu.memory_space<vmem>>) semaphore(%arg12 : memref<!tpu.dma_semaphore, #tpu.memory_space<semaphore_mem>>)
      %dma_start3A_28 = arith.constant 1 : i32
      %dma_start3A_29 = arith.constant 1 : i32
      %dma_start3A_30 = arith.constant 0 : i32
      %dma_start3A_31 = arith.constant 0 : i32
      %dma_start3A_32 = tpu.memref_slice %arg10[%dma_start3A_29, %dma_start3A_30, %dma_start3A_31] : memref<2x125x128xf32, #tpu.memory_space<vmem>> -> memref<1x125x128xf32, #tpu.memory_space<vmem>>
      %dma_start3A_33 = tpu.memref_squeeze %dma_start3A_32 : memref<1x125x128xf32, #tpu.memory_space<vmem>> -> memref<125x128xf32, #tpu.memory_space<vmem>>
      %dma_start3A_34 = arith.constant 0 : i32
      %dma_start3A_35 = tpu.memref_slice %arg8[%dma_start3A_28, %dma_start3A_34] : memref<80x125xi32, #tpu.memory_space<vmem>> -> memref<1x125xi32, #tpu.memory_space<vmem>>
      %dma_start3A_36 = tpu.memref_squeeze %dma_start3A_35 : memref<1x125xi32, #tpu.memory_space<vmem>> -> memref<125xi32, #tpu.memory_space<vmem>>
      %dma_start3A_37 = arith.constant 0 : i32
      %dma_start3A_38 = arith.constant 0 : i32
      %dma_start3A_39 = tpu.memref_slice %arg4[%dma_start3A_37, %dma_start3A_38] : memref<10000x128xf32, #tpu.memory_space<hbm>> -> memref<10000x128xf32, #tpu.memory_space<hbm>>
      tpu.enqueue_indirect_dma source(%dma_start3A_39 : memref<10000x128xf32, #tpu.memory_space<hbm>>) target(%dma_start3A_33 : memref<125x128xf32, #tpu.memory_space<vmem>>) offsets(%dma_start3A_36 : memref<125xi32, #tpu.memory_space<vmem>>) semaphore(%arg13 : memref<!tpu.dma_semaphore, #tpu.memory_space<semaphore_mem>>)
      %mul3A_40 = arith.constant 80 : i32
      %mul3A_41 = arith.muli %arg1, %mul3A_40 : i32
      %add3A = arith.constant 0 : i32
      %add3A_42 = arith.addi %mul3A_41, %add3A : i32
      "tpu.region"() ({
        %run_scoped3A = tpu.sem_alloc : memref<!tpu.dma_semaphore, #tpu.memory_space<semaphore_mem>>
        %dma_start3A_67 = arith.constant 0 : i32
        %dma_start3A_68 = tpu.memref_slice %arg3[%add3A_42, %dma_start3A_67] : memref<1280x125xi32, #tpu.memory_space<hbm>> -> memref<40x125xi32, #tpu.memory_space<hbm>>
        %dma_start3A_69 = arith.constant 0 : i32
        %dma_start3A_70 = tpu.memref_slice %arg3[%add3A_42, %dma_start3A_69] : memref<1280x125xi32, #tpu.memory_space<hbm>> -> memref<40x125xi32, #tpu.memory_space<hbm>>
        tpu.enqueue_dma source(%dma_start3A_70 : memref<40x125xi32, #tpu.memory_space<hbm>>) target(%arg9 : memref<40x125xi32, #tpu.memory_space<vmem>>) target_semaphore(%run_scoped3A : memref<!tpu.dma_semaphore, #tpu.memory_space<semaphore_mem>>)
        %dma_wait3A = arith.constant 0 : i32
        %dma_wait3A_71 = tpu.memref_slice %arg3[%add3A_42, %dma_wait3A] : memref<1280x125xi32, #tpu.memory_space<hbm>> -> memref<40x125xi32, #tpu.memory_space<hbm>>
        %dma_wait3A_72 = arith.constant 0 : i32
        %dma_wait3A_73 = tpu.memref_slice %arg3[%add3A_42, %dma_wait3A_72] : memref<1280x125xi32, #tpu.memory_space<hbm>> -> memref<40x125xi32, #tpu.memory_space<hbm>>
        tpu.wait_dma2 semaphore(%run_scoped3A : memref<!tpu.dma_semaphore, #tpu.memory_space<semaphore_mem>>) src(%dma_wait3A_73 : memref<40x125xi32, #tpu.memory_space<hbm>>) dst(%arg9 : memref<40x125xi32, #tpu.memory_space<vmem>>)
        tpu.yield
      }) : () -> ()
      %scan3A = arith.constant 0 : i32
      %scan3A_43 = arith.constant 20 : i32
      %scan3A_44 = arith.addi %scan3A, %scan3A_43 : i32
      %scan3A_45 = arith.constant 1 : i32
      scf.for %scan3A_67 = %scan3A to %scan3A_44 step %scan3A_45  : i32 {
        %mul3A_68 = arith.constant 1 : i32
        %mul3A_69 = arith.muli %scan3A_67, %mul3A_68 : i32
        %add3A_70 = arith.constant 0 : i32
        %add3A_71 = arith.addi %add3A_70, %mul3A_69 : i32
        %mul3A_72 = arith.constant 2 : i32
        %mul3A_73 = arith.muli %mul3A_72, %add3A_71 : i32
        %dma_wait3A = arith.constant 0 : i32
        %dma_wait3A_74 = arith.constant 0 : i32
        %dma_wait3A_75 = arith.constant 0 : i32
        %dma_wait3A_76 = arith.constant 0 : i32
        %dma_wait3A_77 = tpu.memref_slice %arg10[%dma_wait3A_74, %dma_wait3A_75, %dma_wait3A_76] : memref<2x125x128xf32, #tpu.memory_space<vmem>> -> memref<1x125x128xf32, #tpu.memory_space<vmem>>
        %dma_wait3A_78 = tpu.memref_squeeze %dma_wait3A_77 : memref<1x125x128xf32, #tpu.memory_space<vmem>> -> memref<125x128xf32, #tpu.memory_space<vmem>>
        %dma_wait3A_79 = arith.constant 0 : i32
        %dma_wait3A_80 = tpu.memref_slice %arg8[%dma_wait3A, %dma_wait3A_79] : memref<80x125xi32, #tpu.memory_space<vmem>> -> memref<1x125xi32, #tpu.memory_space<vmem>>
        %dma_wait3A_81 = tpu.memref_squeeze %dma_wait3A_80 : memref<1x125xi32, #tpu.memory_space<vmem>> -> memref<125xi32, #tpu.memory_space<vmem>>
        %dma_wait3A_82 = arith.constant 0 : i32
        %dma_wait3A_83 = arith.constant 0 : i32
        %dma_wait3A_84 = tpu.memref_slice %arg4[%dma_wait3A_82, %dma_wait3A_83] : memref<10000x128xf32, #tpu.memory_space<hbm>> -> memref<10000x128xf32, #tpu.memory_space<hbm>>
        tpu.wait_indirect_dma semaphore(%arg12 : memref<!tpu.dma_semaphore, #tpu.memory_space<semaphore_mem>>) src(%dma_wait3A_84 : memref<10000x128xf32, #tpu.memory_space<hbm>>) dst(%dma_wait3A_78 : memref<125x128xf32, #tpu.memory_space<vmem>>)
        %add3A_85 = arith.constant 0 : i32
        %add3A_86 = arith.addi %mul3A_73, %add3A_85 : i32
        %run_scoped3A = arith.constant 0 : i32
        "tpu.region"() ({
          %run_scoped3A_123 = tpu.sem_alloc : memref<!tpu.dma_semaphore, #tpu.memory_space<semaphore_mem>>
          %dma_start3A_124 = arith.constant 0 : i32
          %dma_start3A_125 = arith.constant 0 : i32
          %dma_start3A_126 = tpu.memref_slice %arg10[%run_scoped3A, %dma_start3A_124, %dma_start3A_125] : memref<2x125x128xf32, #tpu.memory_space<vmem>> -> memref<1x125x128xf32, #tpu.memory_space<vmem>>
          %dma_start3A_127 = tpu.memref_squeeze %dma_start3A_126 : memref<1x125x128xf32, #tpu.memory_space<vmem>> -> memref<125x128xf32, #tpu.memory_space<vmem>>
          %dma_start3A_128 = arith.constant 0 : i32
          %dma_start3A_129 = tpu.memref_slice %arg9[%add3A_86, %dma_start3A_128] : memref<40x125xi32, #tpu.memory_space<vmem>> -> memref<1x125xi32, #tpu.memory_space<vmem>>
          %dma_start3A_130 = tpu.memref_squeeze %dma_start3A_129 : memref<1x125xi32, #tpu.memory_space<vmem>> -> memref<125xi32, #tpu.memory_space<vmem>>
          %dma_start3A_131 = arith.constant 0 : i32
          %dma_start3A_132 = arith.constant 0 : i32
          %dma_start3A_133 = tpu.memref_slice %arg11[%dma_start3A_131, %dma_start3A_132] : memref<10000x128xf32, #tpu.memory_space<vmem_shared>> -> memref<10000x128xf32, #tpu.memory_space<vmem_shared>>
          tpu.enqueue_indirect_dma source(%dma_start3A_127 : memref<125x128xf32, #tpu.memory_space<vmem>>) target(%dma_start3A_133 : memref<10000x128xf32, #tpu.memory_space<vmem_shared>>) offsets(%dma_start3A_130 : memref<125xi32, #tpu.memory_space<vmem>>) semaphore(%run_scoped3A_123 : memref<!tpu.dma_semaphore, #tpu.memory_space<semaphore_mem>>) {add = true}
          %dma_wait3A_134 = arith.constant 0 : i32
          %dma_wait3A_135 = arith.constant 0 : i32
          %dma_wait3A_136 = tpu.memref_slice %arg10[%run_scoped3A, %dma_wait3A_134, %dma_wait3A_135] : memref<2x125x128xf32, #tpu.memory_space<vmem>> -> memref<1x125x128xf32, #tpu.memory_space<vmem>>
          %dma_wait3A_137 = tpu.memref_squeeze %dma_wait3A_136 : memref<1x125x128xf32, #tpu.memory_space<vmem>> -> memref<125x128xf32, #tpu.memory_space<vmem>>
          %dma_wait3A_138 = arith.constant 0 : i32
          %dma_wait3A_139 = tpu.memref_slice %arg9[%add3A_86, %dma_wait3A_138] : memref<40x125xi32, #tpu.memory_space<vmem>> -> memref<1x125xi32, #tpu.memory_space<vmem>>
          %dma_wait3A_140 = tpu.memref_squeeze %dma_wait3A_139 : memref<1x125xi32, #tpu.memory_space<vmem>> -> memref<125xi32, #tpu.memory_space<vmem>>
          %dma_wait3A_141 = arith.constant 0 : i32
          %dma_wait3A_142 = arith.constant 0 : i32
          %dma_wait3A_143 = tpu.memref_slice %arg11[%dma_wait3A_141, %dma_wait3A_142] : memref<10000x128xf32, #tpu.memory_space<vmem_shared>> -> memref<10000x128xf32, #tpu.memory_space<vmem_shared>>
          tpu.wait_indirect_dma semaphore(%run_scoped3A_123 : memref<!tpu.dma_semaphore, #tpu.memory_space<semaphore_mem>>) src(%dma_wait3A_137 : memref<125x128xf32, #tpu.memory_space<vmem>>) dst(%dma_wait3A_143 : memref<10000x128xf32, #tpu.memory_space<vmem_shared>>)
          tpu.yield
        }) : () -> ()
        %add3A_87 = arith.constant 0 : i32
        %add3A_88 = arith.addi %add3A_87, %mul3A_73 : i32
        %add3A_89 = arith.constant 2 : i32
        %add3A_90 = arith.addi %add3A_88, %add3A_89 : i32
        %add3A_91 = arith.constant 0 : i32
        %add3A_92 = arith.addi %add3A_90, %add3A_91 : i32
        %lt3A = arith.constant 80 : i32
        %lt3A_93 = arith.cmpi slt, %add3A_92, %lt3A : i32
        %convert_element_type3A_94 = arith.extui %lt3A_93 : i1 to i32
        %cond3A_95 = arith.constant 0 : i32
        %cond3A_96 = arith.cmpi ne, %convert_element_type3A_94, %cond3A_95 : i32
        scf.if %cond3A_96 {
          %dma_start3A_123 = arith.constant 0 : i32
          %dma_start3A_124 = arith.constant 0 : i32
          %dma_start3A_125 = arith.constant 0 : i32
          %dma_start3A_126 = tpu.memref_slice %arg10[%dma_start3A_123, %dma_start3A_124, %dma_start3A_125] : memref<2x125x128xf32, #tpu.memory_space<vmem>> -> memref<1x125x128xf32, #tpu.memory_space<vmem>>
          %dma_start3A_127 = tpu.memref_squeeze %dma_start3A_126 : memref<1x125x128xf32, #tpu.memory_space<vmem>> -> memref<125x128xf32, #tpu.memory_space<vmem>>
          %dma_start3A_128 = arith.constant 0 : i32
          %dma_start3A_129 = tpu.memref_slice %arg8[%add3A_92, %dma_start3A_128] : memref<80x125xi32, #tpu.memory_space<vmem>> -> memref<1x125xi32, #tpu.memory_space<vmem>>
          %dma_start3A_130 = tpu.memref_squeeze %dma_start3A_129 : memref<1x125xi32, #tpu.memory_space<vmem>> -> memref<125xi32, #tpu.memory_space<vmem>>
          %dma_start3A_131 = arith.constant 0 : i32
          %dma_start3A_132 = arith.constant 0 : i32
          %dma_start3A_133 = tpu.memref_slice %arg4[%dma_start3A_131, %dma_start3A_132] : memref<10000x128xf32, #tpu.memory_space<hbm>> -> memref<10000x128xf32, #tpu.memory_space<hbm>>
          tpu.enqueue_indirect_dma source(%dma_start3A_133 : memref<10000x128xf32, #tpu.memory_space<hbm>>) target(%dma_start3A_127 : memref<125x128xf32, #tpu.memory_space<vmem>>) offsets(%dma_start3A_130 : memref<125xi32, #tpu.memory_space<vmem>>) semaphore(%arg12 : memref<!tpu.dma_semaphore, #tpu.memory_space<semaphore_mem>>)
        } else {
        }
        %dma_wait3A_97 = arith.constant 0 : i32
        %dma_wait3A_98 = arith.constant 1 : i32
        %dma_wait3A_99 = arith.constant 0 : i32
        %dma_wait3A_100 = arith.constant 0 : i32
        %dma_wait3A_101 = tpu.memref_slice %arg10[%dma_wait3A_98, %dma_wait3A_99, %dma_wait3A_100] : memref<2x125x128xf32, #tpu.memory_space<vmem>> -> memref<1x125x128xf32, #tpu.memory_space<vmem>>
        %dma_wait3A_102 = tpu.memref_squeeze %dma_wait3A_101 : memref<1x125x128xf32, #tpu.memory_space<vmem>> -> memref<125x128xf32, #tpu.memory_space<vmem>>
        %dma_wait3A_103 = arith.constant 0 : i32
        %dma_wait3A_104 = tpu.memref_slice %arg8[%dma_wait3A_97, %dma_wait3A_103] : memref<80x125xi32, #tpu.memory_space<vmem>> -> memref<1x125xi32, #tpu.memory_space<vmem>>
        %dma_wait3A_105 = tpu.memref_squeeze %dma_wait3A_104 : memref<1x125xi32, #tpu.memory_space<vmem>> -> memref<125xi32, #tpu.memory_space<vmem>>
        %dma_wait3A_106 = arith.constant 0 : i32
        %dma_wait3A_107 = arith.constant 0 : i32
        %dma_wait3A_108 = tpu.memref_slice %arg4[%dma_wait3A_106, %dma_wait3A_107] : memref<10000x128xf32, #tpu.memory_space<hbm>> -> memref<10000x128xf32, #tpu.memory_space<hbm>>
        tpu.wait_indirect_dma semaphore(%arg13 : memref<!tpu.dma_semaphore, #tpu.memory_space<semaphore_mem>>) src(%dma_wait3A_108 : memref<10000x128xf32, #tpu.memory_space<hbm>>) dst(%dma_wait3A_102 : memref<125x128xf32, #tpu.memory_space<vmem>>)
        %add3A_109 = arith.constant 1 : i32
        %add3A_110 = arith.addi %mul3A_73, %add3A_109 : i32
        %run_scoped3A_111 = arith.constant 1 : i32
        "tpu.region"() ({
          %run_scoped3A_123 = tpu.sem_alloc : memref<!tpu.dma_semaphore, #tpu.memory_space<semaphore_mem>>
          %dma_start3A_124 = arith.constant 0 : i32
          %dma_start3A_125 = arith.constant 0 : i32
          %dma_start3A_126 = tpu.memref_slice %arg10[%run_scoped3A_111, %dma_start3A_124, %dma_start3A_125] : memref<2x125x128xf32, #tpu.memory_space<vmem>> -> memref<1x125x128xf32, #tpu.memory_space<vmem>>
          %dma_start3A_127 = tpu.memref_squeeze %dma_start3A_126 : memref<1x125x128xf32, #tpu.memory_space<vmem>> -> memref<125x128xf32, #tpu.memory_space<vmem>>
          %dma_start3A_128 = arith.constant 0 : i32
          %dma_start3A_129 = tpu.memref_slice %arg9[%add3A_110, %dma_start3A_128] : memref<40x125xi32, #tpu.memory_space<vmem>> -> memref<1x125xi32, #tpu.memory_space<vmem>>
          %dma_start3A_130 = tpu.memref_squeeze %dma_start3A_129 : memref<1x125xi32, #tpu.memory_space<vmem>> -> memref<125xi32, #tpu.memory_space<vmem>>
          %dma_start3A_131 = arith.constant 0 : i32
          %dma_start3A_132 = arith.constant 0 : i32
          %dma_start3A_133 = tpu.memref_slice %arg11[%dma_start3A_131, %dma_start3A_132] : memref<10000x128xf32, #tpu.memory_space<vmem_shared>> -> memref<10000x128xf32, #tpu.memory_space<vmem_shared>>
          tpu.enqueue_indirect_dma source(%dma_start3A_127 : memref<125x128xf32, #tpu.memory_space<vmem>>) target(%dma_start3A_133 : memref<10000x128xf32, #tpu.memory_space<vmem_shared>>) offsets(%dma_start3A_130 : memref<125xi32, #tpu.memory_space<vmem>>) semaphore(%run_scoped3A_123 : memref<!tpu.dma_semaphore, #tpu.memory_space<semaphore_mem>>) {add = true}
          %dma_wait3A_134 = arith.constant 0 : i32
          %dma_wait3A_135 = arith.constant 0 : i32
          %dma_wait3A_136 = tpu.memref_slice %arg10[%run_scoped3A_111, %dma_wait3A_134, %dma_wait3A_135] : memref<2x125x128xf32, #tpu.memory_space<vmem>> -> memref<1x125x128xf32, #tpu.memory_space<vmem>>
          %dma_wait3A_137 = tpu.memref_squeeze %dma_wait3A_136 : memref<1x125x128xf32, #tpu.memory_space<vmem>> -> memref<125x128xf32, #tpu.memory_space<vmem>>
          %dma_wait3A_138 = arith.constant 0 : i32
          %dma_wait3A_139 = tpu.memref_slice %arg9[%add3A_110, %dma_wait3A_138] : memref<40x125xi32, #tpu.memory_space<vmem>> -> memref<1x125xi32, #tpu.memory_space<vmem>>
          %dma_wait3A_140 = tpu.memref_squeeze %dma_wait3A_139 : memref<1x125xi32, #tpu.memory_space<vmem>> -> memref<125xi32, #tpu.memory_space<vmem>>
          %dma_wait3A_141 = arith.constant 0 : i32
          %dma_wait3A_142 = arith.constant 0 : i32
          %dma_wait3A_143 = tpu.memref_slice %arg11[%dma_wait3A_141, %dma_wait3A_142] : memref<10000x128xf32, #tpu.memory_space<vmem_shared>> -> memref<10000x128xf32, #tpu.memory_space<vmem_shared>>
          tpu.wait_indirect_dma semaphore(%run_scoped3A_123 : memref<!tpu.dma_semaphore, #tpu.memory_space<semaphore_mem>>) src(%dma_wait3A_137 : memref<125x128xf32, #tpu.memory_space<vmem>>) dst(%dma_wait3A_143 : memref<10000x128xf32, #tpu.memory_space<vmem_shared>>)
          tpu.yield
        }) : () -> ()
        %add3A_112 = arith.constant 0 : i32
        %add3A_113 = arith.addi %add3A_112, %mul3A_73 : i32
        %add3A_114 = arith.constant 2 : i32
        %add3A_115 = arith.addi %add3A_113, %add3A_114 : i32
        %add3A_116 = arith.constant 1 : i32
        %add3A_117 = arith.addi %add3A_115, %add3A_116 : i32
        %lt3A_118 = arith.constant 80 : i32
        %lt3A_119 = arith.cmpi slt, %add3A_117, %lt3A_118 : i32
        %convert_element_type3A_120 = arith.extui %lt3A_119 : i1 to i32
        %cond3A_121 = arith.constant 0 : i32
        %cond3A_122 = arith.cmpi ne, %convert_element_type3A_120, %cond3A_121 : i32
        scf.if %cond3A_122 {
          %dma_start3A_123 = arith.constant 1 : i32
          %dma_start3A_124 = arith.constant 0 : i32
          %dma_start3A_125 = arith.constant 0 : i32
          %dma_start3A_126 = tpu.memref_slice %arg10[%dma_start3A_123, %dma_start3A_124, %dma_start3A_125] : memref<2x125x128xf32, #tpu.memory_space<vmem>> -> memref<1x125x128xf32, #tpu.memory_space<vmem>>
          %dma_start3A_127 = tpu.memref_squeeze %dma_start3A_126 : memref<1x125x128xf32, #tpu.memory_space<vmem>> -> memref<125x128xf32, #tpu.memory_space<vmem>>
          %dma_start3A_128 = arith.constant 0 : i32
          %dma_start3A_129 = tpu.memref_slice %arg8[%add3A_117, %dma_start3A_128] : memref<80x125xi32, #tpu.memory_space<vmem>> -> memref<1x125xi32, #tpu.memory_space<vmem>>
          %dma_start3A_130 = tpu.memref_squeeze %dma_start3A_129 : memref<1x125xi32, #tpu.memory_space<vmem>> -> memref<125xi32, #tpu.memory_space<vmem>>
          %dma_start3A_131 = arith.constant 0 : i32
          %dma_start3A_132 = arith.constant 0 : i32
          %dma_start3A_133 = tpu.memref_slice %arg4[%dma_start3A_131, %dma_start3A_132] : memref<10000x128xf32, #tpu.memory_space<hbm>> -> memref<10000x128xf32, #tpu.memory_space<hbm>>
          tpu.enqueue_indirect_dma source(%dma_start3A_133 : memref<10000x128xf32, #tpu.memory_space<hbm>>) target(%dma_start3A_127 : memref<125x128xf32, #tpu.memory_space<vmem>>) offsets(%dma_start3A_130 : memref<125xi32, #tpu.memory_space<vmem>>) semaphore(%arg13 : memref<!tpu.dma_semaphore, #tpu.memory_space<semaphore_mem>>)
        } else {
        }
      }
      %scan3A_46 = arith.constant 20 : i32
      %mul3A_47 = arith.constant 80 : i32
      %mul3A_48 = arith.muli %arg1, %mul3A_47 : i32
      %add3A_49 = arith.constant 40 : i32
      %add3A_50 = arith.addi %mul3A_48, %add3A_49 : i32
      "tpu.region"() ({
        %run_scoped3A = tpu.sem_alloc : memref<!tpu.dma_semaphore, #tpu.memory_space<semaphore_mem>>
        %dma_start3A_67 = arith.constant 0 : i32
        %dma_start3A_68 = tpu.memref_slice %arg3[%add3A_50, %dma_start3A_67] : memref<1280x125xi32, #tpu.memory_space<hbm>> -> memref<40x125xi32, #tpu.memory_space<hbm>>
        %dma_start3A_69 = arith.constant 0 : i32
        %dma_start3A_70 = tpu.memref_slice %arg3[%add3A_50, %dma_start3A_69] : memref<1280x125xi32, #tpu.memory_space<hbm>> -> memref<40x125xi32, #tpu.memory_space<hbm>>
        tpu.enqueue_dma source(%dma_start3A_70 : memref<40x125xi32, #tpu.memory_space<hbm>>) target(%arg9 : memref<40x125xi32, #tpu.memory_space<vmem>>) target_semaphore(%run_scoped3A : memref<!tpu.dma_semaphore, #tpu.memory_space<semaphore_mem>>)
        %dma_wait3A = arith.constant 0 : i32
        %dma_wait3A_71 = tpu.memref_slice %arg3[%add3A_50, %dma_wait3A] : memref<1280x125xi32, #tpu.memory_space<hbm>> -> memref<40x125xi32, #tpu.memory_space<hbm>>
        %dma_wait3A_72 = arith.constant 0 : i32
        %dma_wait3A_73 = tpu.memref_slice %arg3[%add3A_50, %dma_wait3A_72] : memref<1280x125xi32, #tpu.memory_space<hbm>> -> memref<40x125xi32, #tpu.memory_space<hbm>>
        tpu.wait_dma2 semaphore(%run_scoped3A : memref<!tpu.dma_semaphore, #tpu.memory_space<semaphore_mem>>) src(%dma_wait3A_73 : memref<40x125xi32, #tpu.memory_space<hbm>>) dst(%arg9 : memref<40x125xi32, #tpu.memory_space<vmem>>)
        tpu.yield
      }) : () -> ()
      %scan3A_51 = arith.constant 0 : i32
      %scan3A_52 = arith.constant 20 : i32
      %scan3A_53 = arith.addi %scan3A_51, %scan3A_52 : i32
      %scan3A_54 = arith.constant 1 : i32
      scf.for %scan3A_67 = %scan3A_51 to %scan3A_53 step %scan3A_54  : i32 {
        %mul3A_68 = arith.constant 1 : i32
        %mul3A_69 = arith.muli %scan3A_67, %mul3A_68 : i32
        %add3A_70 = arith.constant 0 : i32
        %add3A_71 = arith.addi %add3A_70, %mul3A_69 : i32
        %mul3A_72 = arith.constant 2 : i32
        %mul3A_73 = arith.muli %mul3A_72, %add3A_71 : i32
        %dma_wait3A = arith.constant 0 : i32
        %dma_wait3A_74 = arith.constant 0 : i32
        %dma_wait3A_75 = arith.constant 0 : i32
        %dma_wait3A_76 = arith.constant 0 : i32
        %dma_wait3A_77 = tpu.memref_slice %arg10[%dma_wait3A_74, %dma_wait3A_75, %dma_wait3A_76] : memref<2x125x128xf32, #tpu.memory_space<vmem>> -> memref<1x125x128xf32, #tpu.memory_space<vmem>>
        %dma_wait3A_78 = tpu.memref_squeeze %dma_wait3A_77 : memref<1x125x128xf32, #tpu.memory_space<vmem>> -> memref<125x128xf32, #tpu.memory_space<vmem>>
        %dma_wait3A_79 = arith.constant 0 : i32
        %dma_wait3A_80 = tpu.memref_slice %arg8[%dma_wait3A, %dma_wait3A_79] : memref<80x125xi32, #tpu.memory_space<vmem>> -> memref<1x125xi32, #tpu.memory_space<vmem>>
        %dma_wait3A_81 = tpu.memref_squeeze %dma_wait3A_80 : memref<1x125xi32, #tpu.memory_space<vmem>> -> memref<125xi32, #tpu.memory_space<vmem>>
        %dma_wait3A_82 = arith.constant 0 : i32
        %dma_wait3A_83 = arith.constant 0 : i32
        %dma_wait3A_84 = tpu.memref_slice %arg4[%dma_wait3A_82, %dma_wait3A_83] : memref<10000x128xf32, #tpu.memory_space<hbm>> -> memref<10000x128xf32, #tpu.memory_space<hbm>>
        tpu.wait_indirect_dma semaphore(%arg12 : memref<!tpu.dma_semaphore, #tpu.memory_space<semaphore_mem>>) src(%dma_wait3A_84 : memref<10000x128xf32, #tpu.memory_space<hbm>>) dst(%dma_wait3A_78 : memref<125x128xf32, #tpu.memory_space<vmem>>)
        %add3A_85 = arith.constant 0 : i32
        %add3A_86 = arith.addi %mul3A_73, %add3A_85 : i32
        %run_scoped3A = arith.constant 0 : i32
        "tpu.region"() ({
          %run_scoped3A_123 = tpu.sem_alloc : memref<!tpu.dma_semaphore, #tpu.memory_space<semaphore_mem>>
          %dma_start3A_124 = arith.constant 0 : i32
          %dma_start3A_125 = arith.constant 0 : i32
          %dma_start3A_126 = tpu.memref_slice %arg10[%run_scoped3A, %dma_start3A_124, %dma_start3A_125] : memref<2x125x128xf32, #tpu.memory_space<vmem>> -> memref<1x125x128xf32, #tpu.memory_space<vmem>>
          %dma_start3A_127 = tpu.memref_squeeze %dma_start3A_126 : memref<1x125x128xf32, #tpu.memory_space<vmem>> -> memref<125x128xf32, #tpu.memory_space<vmem>>
          %dma_start3A_128 = arith.constant 0 : i32
          %dma_start3A_129 = tpu.memref_slice %arg9[%add3A_86, %dma_start3A_128] : memref<40x125xi32, #tpu.memory_space<vmem>> -> memref<1x125xi32, #tpu.memory_space<vmem>>
          %dma_start3A_130 = tpu.memref_squeeze %dma_start3A_129 : memref<1x125xi32, #tpu.memory_space<vmem>> -> memref<125xi32, #tpu.memory_space<vmem>>
          %dma_start3A_131 = arith.constant 0 : i32
          %dma_start3A_132 = arith.constant 0 : i32
          %dma_start3A_133 = tpu.memref_slice %arg11[%dma_start3A_131, %dma_start3A_132] : memref<10000x128xf32, #tpu.memory_space<vmem_shared>> -> memref<10000x128xf32, #tpu.memory_space<vmem_shared>>
          tpu.enqueue_indirect_dma source(%dma_start3A_127 : memref<125x128xf32, #tpu.memory_space<vmem>>) target(%dma_start3A_133 : memref<10000x128xf32, #tpu.memory_space<vmem_shared>>) offsets(%dma_start3A_130 : memref<125xi32, #tpu.memory_space<vmem>>) semaphore(%run_scoped3A_123 : memref<!tpu.dma_semaphore, #tpu.memory_space<semaphore_mem>>) {add = true}
          %dma_wait3A_134 = arith.constant 0 : i32
          %dma_wait3A_135 = arith.constant 0 : i32
          %dma_wait3A_136 = tpu.memref_slice %arg10[%run_scoped3A, %dma_wait3A_134, %dma_wait3A_135] : memref<2x125x128xf32, #tpu.memory_space<vmem>> -> memref<1x125x128xf32, #tpu.memory_space<vmem>>
          %dma_wait3A_137 = tpu.memref_squeeze %dma_wait3A_136 : memref<1x125x128xf32, #tpu.memory_space<vmem>> -> memref<125x128xf32, #tpu.memory_space<vmem>>
          %dma_wait3A_138 = arith.constant 0 : i32
          %dma_wait3A_139 = tpu.memref_slice %arg9[%add3A_86, %dma_wait3A_138] : memref<40x125xi32, #tpu.memory_space<vmem>> -> memref<1x125xi32, #tpu.memory_space<vmem>>
          %dma_wait3A_140 = tpu.memref_squeeze %dma_wait3A_139 : memref<1x125xi32, #tpu.memory_space<vmem>> -> memref<125xi32, #tpu.memory_space<vmem>>
          %dma_wait3A_141 = arith.constant 0 : i32
          %dma_wait3A_142 = arith.constant 0 : i32
          %dma_wait3A_143 = tpu.memref_slice %arg11[%dma_wait3A_141, %dma_wait3A_142] : memref<10000x128xf32, #tpu.memory_space<vmem_shared>> -> memref<10000x128xf32, #tpu.memory_space<vmem_shared>>
          tpu.wait_indirect_dma semaphore(%run_scoped3A_123 : memref<!tpu.dma_semaphore, #tpu.memory_space<semaphore_mem>>) src(%dma_wait3A_137 : memref<125x128xf32, #tpu.memory_space<vmem>>) dst(%dma_wait3A_143 : memref<10000x128xf32, #tpu.memory_space<vmem_shared>>)
          tpu.yield
        }) : () -> ()
        %add3A_87 = arith.constant 40 : i32
        %add3A_88 = arith.addi %add3A_87, %mul3A_73 : i32
        %add3A_89 = arith.constant 2 : i32
        %add3A_90 = arith.addi %add3A_88, %add3A_89 : i32
        %add3A_91 = arith.constant 0 : i32
        %add3A_92 = arith.addi %add3A_90, %add3A_91 : i32
        %lt3A = arith.constant 80 : i32
        %lt3A_93 = arith.cmpi slt, %add3A_92, %lt3A : i32
        %convert_element_type3A_94 = arith.extui %lt3A_93 : i1 to i32
        %cond3A_95 = arith.constant 0 : i32
        %cond3A_96 = arith.cmpi ne, %convert_element_type3A_94, %cond3A_95 : i32
        scf.if %cond3A_96 {
          %dma_start3A_123 = arith.constant 0 : i32
          %dma_start3A_124 = arith.constant 0 : i32
          %dma_start3A_125 = arith.constant 0 : i32
          %dma_start3A_126 = tpu.memref_slice %arg10[%dma_start3A_123, %dma_start3A_124, %dma_start3A_125] : memref<2x125x128xf32, #tpu.memory_space<vmem>> -> memref<1x125x128xf32, #tpu.memory_space<vmem>>
          %dma_start3A_127 = tpu.memref_squeeze %dma_start3A_126 : memref<1x125x128xf32, #tpu.memory_space<vmem>> -> memref<125x128xf32, #tpu.memory_space<vmem>>
          %dma_start3A_128 = arith.constant 0 : i32
          %dma_start3A_129 = tpu.memref_slice %arg8[%add3A_92, %dma_start3A_128] : memref<80x125xi32, #tpu.memory_space<vmem>> -> memref<1x125xi32, #tpu.memory_space<vmem>>
          %dma_start3A_130 = tpu.memref_squeeze %dma_start3A_129 : memref<1x125xi32, #tpu.memory_space<vmem>> -> memref<125xi32, #tpu.memory_space<vmem>>
          %dma_start3A_131 = arith.constant 0 : i32
          %dma_start3A_132 = arith.constant 0 : i32
          %dma_start3A_133 = tpu.memref_slice %arg4[%dma_start3A_131, %dma_start3A_132] : memref<10000x128xf32, #tpu.memory_space<hbm>> -> memref<10000x128xf32, #tpu.memory_space<hbm>>
          tpu.enqueue_indirect_dma source(%dma_start3A_133 : memref<10000x128xf32, #tpu.memory_space<hbm>>) target(%dma_start3A_127 : memref<125x128xf32, #tpu.memory_space<vmem>>) offsets(%dma_start3A_130 : memref<125xi32, #tpu.memory_space<vmem>>) semaphore(%arg12 : memref<!tpu.dma_semaphore, #tpu.memory_space<semaphore_mem>>)
        } else {
        }
        %dma_wait3A_97 = arith.constant 0 : i32
        %dma_wait3A_98 = arith.constant 1 : i32
        %dma_wait3A_99 = arith.constant 0 : i32
        %dma_wait3A_100 = arith.constant 0 : i32
        %dma_wait3A_101 = tpu.memref_slice %arg10[%dma_wait3A_98, %dma_wait3A_99, %dma_wait3A_100] : memref<2x125x128xf32, #tpu.memory_space<vmem>> -> memref<1x125x128xf32, #tpu.memory_space<vmem>>
        %dma_wait3A_102 = tpu.memref_squeeze %dma_wait3A_101 : memref<1x125x128xf32, #tpu.memory_space<vmem>> -> memref<125x128xf32, #tpu.memory_space<vmem>>
        %dma_wait3A_103 = arith.constant 0 : i32
        %dma_wait3A_104 = tpu.memref_slice %arg8[%dma_wait3A_97, %dma_wait3A_103] : memref<80x125xi32, #tpu.memory_space<vmem>> -> memref<1x125xi32, #tpu.memory_space<vmem>>
        %dma_wait3A_105 = tpu.memref_squeeze %dma_wait3A_104 : memref<1x125xi32, #tpu.memory_space<vmem>> -> memref<125xi32, #tpu.memory_space<vmem>>
        %dma_wait3A_106 = arith.constant 0 : i32
        %dma_wait3A_107 = arith.constant 0 : i32
        %dma_wait3A_108 = tpu.memref_slice %arg4[%dma_wait3A_106, %dma_wait3A_107] : memref<10000x128xf32, #tpu.memory_space<hbm>> -> memref<10000x128xf32, #tpu.memory_space<hbm>>
        tpu.wait_indirect_dma semaphore(%arg13 : memref<!tpu.dma_semaphore, #tpu.memory_space<semaphore_mem>>) src(%dma_wait3A_108 : memref<10000x128xf32, #tpu.memory_space<hbm>>) dst(%dma_wait3A_102 : memref<125x128xf32, #tpu.memory_space<vmem>>)
        %add3A_109 = arith.constant 1 : i32
        %add3A_110 = arith.addi %mul3A_73, %add3A_109 : i32
        %run_scoped3A_111 = arith.constant 1 : i32
        "tpu.region"() ({
          %run_scoped3A_123 = tpu.sem_alloc : memref<!tpu.dma_semaphore, #tpu.memory_space<semaphore_mem>>
          %dma_start3A_124 = arith.constant 0 : i32
          %dma_start3A_125 = arith.constant 0 : i32
          %dma_start3A_126 = tpu.memref_slice %arg10[%run_scoped3A_111, %dma_start3A_124, %dma_start3A_125] : memref<2x125x128xf32, #tpu.memory_space<vmem>> -> memref<1x125x128xf32, #tpu.memory_space<vmem>>
          %dma_start3A_127 = tpu.memref_squeeze %dma_start3A_126 : memref<1x125x128xf32, #tpu.memory_space<vmem>> -> memref<125x128xf32, #tpu.memory_space<vmem>>
          %dma_start3A_128 = arith.constant 0 : i32
          %dma_start3A_129 = tpu.memref_slice %arg9[%add3A_110, %dma_start3A_128] : memref<40x125xi32, #tpu.memory_space<vmem>> -> memref<1x125xi32, #tpu.memory_space<vmem>>
          %dma_start3A_130 = tpu.memref_squeeze %dma_start3A_129 : memref<1x125xi32, #tpu.memory_space<vmem>> -> memref<125xi32, #tpu.memory_space<vmem>>
          %dma_start3A_131 = arith.constant 0 : i32
          %dma_start3A_132 = arith.constant 0 : i32
          %dma_start3A_133 = tpu.memref_slice %arg11[%dma_start3A_131, %dma_start3A_132] : memref<10000x128xf32, #tpu.memory_space<vmem_shared>> -> memref<10000x128xf32, #tpu.memory_space<vmem_shared>>
          tpu.enqueue_indirect_dma source(%dma_start3A_127 : memref<125x128xf32, #tpu.memory_space<vmem>>) target(%dma_start3A_133 : memref<10000x128xf32, #tpu.memory_space<vmem_shared>>) offsets(%dma_start3A_130 : memref<125xi32, #tpu.memory_space<vmem>>) semaphore(%run_scoped3A_123 : memref<!tpu.dma_semaphore, #tpu.memory_space<semaphore_mem>>) {add = true}
          %dma_wait3A_134 = arith.constant 0 : i32
          %dma_wait3A_135 = arith.constant 0 : i32
          %dma_wait3A_136 = tpu.memref_slice %arg10[%run_scoped3A_111, %dma_wait3A_134, %dma_wait3A_135] : memref<2x125x128xf32, #tpu.memory_space<vmem>> -> memref<1x125x128xf32, #tpu.memory_space<vmem>>
          %dma_wait3A_137 = tpu.memref_squeeze %dma_wait3A_136 : memref<1x125x128xf32, #tpu.memory_space<vmem>> -> memref<125x128xf32, #tpu.memory_space<vmem>>
          %dma_wait3A_138 = arith.constant 0 : i32
          %dma_wait3A_139 = tpu.memref_slice %arg9[%add3A_110, %dma_wait3A_138] : memref<40x125xi32, #tpu.memory_space<vmem>> -> memref<1x125xi32, #tpu.memory_space<vmem>>
          %dma_wait3A_140 = tpu.memref_squeeze %dma_wait3A_139 : memref<1x125xi32, #tpu.memory_space<vmem>> -> memref<125xi32, #tpu.memory_space<vmem>>
          %dma_wait3A_141 = arith.constant 0 : i32
          %dma_wait3A_142 = arith.constant 0 : i32
          %dma_wait3A_143 = tpu.memref_slice %arg11[%dma_wait3A_141, %dma_wait3A_142] : memref<10000x128xf32, #tpu.memory_space<vmem_shared>> -> memref<10000x128xf32, #tpu.memory_space<vmem_shared>>
          tpu.wait_indirect_dma semaphore(%run_scoped3A_123 : memref<!tpu.dma_semaphore, #tpu.memory_space<semaphore_mem>>) src(%dma_wait3A_137 : memref<125x128xf32, #tpu.memory_space<vmem>>) dst(%dma_wait3A_143 : memref<10000x128xf32, #tpu.memory_space<vmem_shared>>)
          tpu.yield
        }) : () -> ()
        %add3A_112 = arith.constant 40 : i32
        %add3A_113 = arith.addi %add3A_112, %mul3A_73 : i32
        %add3A_114 = arith.constant 2 : i32
        %add3A_115 = arith.addi %add3A_113, %add3A_114 : i32
        %add3A_116 = arith.constant 1 : i32
        %add3A_117 = arith.addi %add3A_115, %add3A_116 : i32
        %lt3A_118 = arith.constant 80 : i32
        %lt3A_119 = arith.cmpi slt, %add3A_117, %lt3A_118 : i32
        %convert_element_type3A_120 = arith.extui %lt3A_119 : i1 to i32
        %cond3A_121 = arith.constant 0 : i32
        %cond3A_122 = arith.cmpi ne, %convert_element_type3A_120, %cond3A_121 : i32
        scf.if %cond3A_122 {
          %dma_start3A_123 = arith.constant 1 : i32
          %dma_start3A_124 = arith.constant 0 : i32
          %dma_start3A_125 = arith.constant 0 : i32
          %dma_start3A_126 = tpu.memref_slice %arg10[%dma_start3A_123, %dma_start3A_124, %dma_start3A_125] : memref<2x125x128xf32, #tpu.memory_space<vmem>> -> memref<1x125x128xf32, #tpu.memory_space<vmem>>
          %dma_start3A_127 = tpu.memref_squeeze %dma_start3A_126 : memref<1x125x128xf32, #tpu.memory_space<vmem>> -> memref<125x128xf32, #tpu.memory_space<vmem>>
          %dma_start3A_128 = arith.constant 0 : i32
          %dma_start3A_129 = tpu.memref_slice %arg8[%add3A_117, %dma_start3A_128] : memref<80x125xi32, #tpu.memory_space<vmem>> -> memref<1x125xi32, #tpu.memory_space<vmem>>
          %dma_start3A_130 = tpu.memref_squeeze %dma_start3A_129 : memref<1x125xi32, #tpu.memory_space<vmem>> -> memref<125xi32, #tpu.memory_space<vmem>>
          %dma_start3A_131 = arith.constant 0 : i32
          %dma_start3A_132 = arith.constant 0 : i32
          %dma_start3A_133 = tpu.memref_slice %arg4[%dma_start3A_131, %dma_start3A_132] : memref<10000x128xf32, #tpu.memory_space<hbm>> -> memref<10000x128xf32, #tpu.memory_space<hbm>>
          tpu.enqueue_indirect_dma source(%dma_start3A_133 : memref<10000x128xf32, #tpu.memory_space<hbm>>) target(%dma_start3A_127 : memref<125x128xf32, #tpu.memory_space<vmem>>) offsets(%dma_start3A_130 : memref<125xi32, #tpu.memory_space<vmem>>) semaphore(%arg13 : memref<!tpu.dma_semaphore, #tpu.memory_space<semaphore_mem>>)
        } else {
        }
      }
      %scan3A_55 = arith.constant 20 : i32
      %barrier3A_56 = arith.constant 0 : index
      tpu.barrier barrier_id(%barrier3A_56)
      %mul3A_57 = arith.constant 624 : i32
      %mul3A_58 = arith.muli %arg1, %mul3A_57 : i32
      %mul3A_59 = arith.constant 624 : i32
      %mul3A_60 = arith.muli %arg1, %mul3A_59 : i32
      "tpu.region"() ({
        %run_scoped3A = tpu.sem_alloc : memref<!tpu.dma_semaphore, #tpu.memory_space<semaphore_mem>>
        %dma_start3A_67 = arith.constant 0 : i32
        %dma_start3A_68 = tpu.memref_slice %arg6[%mul3A_60, %dma_start3A_67] : memref<10000x128xf32, #tpu.memory_space<hbm>> -> memref<624x128xf32, #tpu.memory_space<hbm>>
        %dma_start3A_69 = arith.constant 0 : i32
        %dma_start3A_70 = tpu.memref_slice %arg11[%mul3A_58, %dma_start3A_69] : memref<10000x128xf32, #tpu.memory_space<vmem_shared>> -> memref<624x128xf32, #tpu.memory_space<vmem_shared>>
        tpu.enqueue_dma source(%dma_start3A_70 : memref<624x128xf32, #tpu.memory_space<vmem_shared>>) target(%dma_start3A_68 : memref<624x128xf32, #tpu.memory_space<hbm>>) target_semaphore(%run_scoped3A : memref<!tpu.dma_semaphore, #tpu.memory_space<semaphore_mem>>)
        %dma_wait3A = arith.constant 0 : i32
        %dma_wait3A_71 = tpu.memref_slice %arg6[%mul3A_60, %dma_wait3A] : memref<10000x128xf32, #tpu.memory_space<hbm>> -> memref<624x128xf32, #tpu.memory_space<hbm>>
        %dma_wait3A_72 = arith.constant 0 : i32
        %dma_wait3A_73 = tpu.memref_slice %arg11[%mul3A_58, %dma_wait3A_72] : memref<10000x128xf32, #tpu.memory_space<vmem_shared>> -> memref<624x128xf32, #tpu.memory_space<vmem_shared>>
        tpu.wait_dma2 semaphore(%run_scoped3A : memref<!tpu.dma_semaphore, #tpu.memory_space<semaphore_mem>>) src(%dma_wait3A_73 : memref<624x128xf32, #tpu.memory_space<vmem_shared>>) dst(%dma_wait3A_71 : memref<624x128xf32, #tpu.memory_space<hbm>>)
        tpu.yield
      }) : () -> ()
      %eq3A_61 = arith.constant 15 : i32
      %eq3A_62 = arith.cmpi eq, %arg1, %eq3A_61 : i32
      %convert_element_type3A_63 = arith.extui %eq3A_62 : i1 to i32
      %cond3A_64 = arith.constant 0 : i32
      %cond3A_65 = arith.cmpi ne, %convert_element_type3A_63, %cond3A_64 : i32
      scf.if %cond3A_65 {
        "tpu.region"() ({
          %run_scoped3A = tpu.sem_alloc : memref<!tpu.dma_semaphore, #tpu.memory_space<semaphore_mem>>
          %dma_start3A_67 = arith.constant 9984 : i32
          %dma_start3A_68 = arith.constant 0 : i32
          %dma_start3A_69 = tpu.memref_slice %arg6[%dma_start3A_67, %dma_start3A_68] : memref<10000x128xf32, #tpu.memory_space<hbm>> -> memref<16x128xf32, #tpu.memory_space<hbm>>
          %dma_start3A_70 = arith.constant 9984 : i32
          %dma_start3A_71 = arith.constant 0 : i32
          %dma_start3A_72 = tpu.memref_slice %arg11[%dma_start3A_70, %dma_start3A_71] : memref<10000x128xf32, #tpu.memory_space<vmem_shared>> -> memref<16x128xf32, #tpu.memory_space<vmem_shared>>
          tpu.enqueue_dma source(%dma_start3A_72 : memref<16x128xf32, #tpu.memory_space<vmem_shared>>) target(%dma_start3A_69 : memref<16x128xf32, #tpu.memory_space<hbm>>) target_semaphore(%run_scoped3A : memref<!tpu.dma_semaphore, #tpu.memory_space<semaphore_mem>>)
          %dma_wait3A = arith.constant 9984 : i32
          %dma_wait3A_73 = arith.constant 0 : i32
          %dma_wait3A_74 = tpu.memref_slice %arg6[%dma_wait3A, %dma_wait3A_73] : memref<10000x128xf32, #tpu.memory_space<hbm>> -> memref<16x128xf32, #tpu.memory_space<hbm>>
          %dma_wait3A_75 = arith.constant 9984 : i32
          %dma_wait3A_76 = arith.constant 0 : i32
          %dma_wait3A_77 = tpu.memref_slice %arg11[%dma_wait3A_75, %dma_wait3A_76] : memref<10000x128xf32, #tpu.memory_space<vmem_shared>> -> memref<16x128xf32, #tpu.memory_space<vmem_shared>>
          tpu.wait_dma2 semaphore(%run_scoped3A : memref<!tpu.dma_semaphore, #tpu.memory_space<semaphore_mem>>) src(%dma_wait3A_77 : memref<16x128xf32, #tpu.memory_space<vmem_shared>>) dst(%dma_wait3A_74 : memref<16x128xf32, #tpu.memory_space<hbm>>)
          tpu.yield
        }) : () -> ()
      } else {
      }
      %barrier3A_66 = arith.constant 0 : index
      tpu.barrier barrier_id(%barrier3A_66)
    } else {
    }
    %eq3A_3 = arith.constant 1 : i32
    %eq3A_4 = arith.cmpi eq, %arg0, %eq3A_3 : i32
    %convert_element_type3A_5 = arith.extui %eq3A_4 : i1 to i32
    %cond3A_6 = arith.constant 0 : i32
    %cond3A_7 = arith.cmpi ne, %convert_element_type3A_5, %cond3A_6 : i32
    scf.if %cond3A_7 {
      %mul3A_8 = arith.constant 624 : i32
      %mul3A_9 = arith.muli %arg1, %mul3A_8 : i32
      %mul3A_10 = arith.constant 624 : i32
      %mul3A_11 = arith.muli %arg1, %mul3A_10 : i32
      "tpu.region"() ({
        %run_scoped3A = tpu.sem_alloc : memref<!tpu.dma_semaphore, #tpu.memory_space<semaphore_mem>>
        %dma_start3A_67 = arith.constant 0 : i32
        %dma_start3A_68 = tpu.memref_slice %arg11[%mul3A_11, %dma_start3A_67] : memref<10000x128xf32, #tpu.memory_space<vmem_shared>> -> memref<624x128xf32, #tpu.memory_space<vmem_shared>>
        %dma_start3A_69 = arith.constant 0 : i32
        %dma_start3A_70 = tpu.memref_slice %arg5[%mul3A_9, %dma_start3A_69] : memref<10000x128xf32, #tpu.memory_space<hbm>> -> memref<624x128xf32, #tpu.memory_space<hbm>>
        tpu.enqueue_dma source(%dma_start3A_70 : memref<624x128xf32, #tpu.memory_space<hbm>>) target(%dma_start3A_68 : memref<624x128xf32, #tpu.memory_space<vmem_shared>>) target_semaphore(%run_scoped3A : memref<!tpu.dma_semaphore, #tpu.memory_space<semaphore_mem>>)
        %dma_wait3A = arith.constant 0 : i32
        %dma_wait3A_71 = tpu.memref_slice %arg11[%mul3A_11, %dma_wait3A] : memref<10000x128xf32, #tpu.memory_space<vmem_shared>> -> memref<624x128xf32, #tpu.memory_space<vmem_shared>>
        %dma_wait3A_72 = arith.constant 0 : i32
        %dma_wait3A_73 = tpu.memref_slice %arg5[%mul3A_9, %dma_wait3A_72] : memref<10000x128xf32, #tpu.memory_space<hbm>> -> memref<624x128xf32, #tpu.memory_space<hbm>>
        tpu.wait_dma2 semaphore(%run_scoped3A : memref<!tpu.dma_semaphore, #tpu.memory_space<semaphore_mem>>) src(%dma_wait3A_73 : memref<624x128xf32, #tpu.memory_space<hbm>>) dst(%dma_wait3A_71 : memref<624x128xf32, #tpu.memory_space<vmem_shared>>)
        tpu.yield
      }) : () -> ()
      %eq3A_12 = arith.constant 15 : i32
      %eq3A_13 = arith.cmpi eq, %arg1, %eq3A_12 : i32
      %convert_element_type3A_14 = arith.extui %eq3A_13 : i1 to i32
      %cond3A_15 = arith.constant 0 : i32
      %cond3A_16 = arith.cmpi ne, %convert_element_type3A_14, %cond3A_15 : i32
      scf.if %cond3A_16 {
        "tpu.region"() ({
          %run_scoped3A = tpu.sem_alloc : memref<!tpu.dma_semaphore, #tpu.memory_space<semaphore_mem>>
          %dma_start3A_67 = arith.constant 9984 : i32
          %dma_start3A_68 = arith.constant 0 : i32
          %dma_start3A_69 = tpu.memref_slice %arg11[%dma_start3A_67, %dma_start3A_68] : memref<10000x128xf32, #tpu.memory_space<vmem_shared>> -> memref<16x128xf32, #tpu.memory_space<vmem_shared>>
          %dma_start3A_70 = arith.constant 9984 : i32
          %dma_start3A_71 = arith.constant 0 : i32
          %dma_start3A_72 = tpu.memref_slice %arg5[%dma_start3A_70, %dma_start3A_71] : memref<10000x128xf32, #tpu.memory_space<hbm>> -> memref<16x128xf32, #tpu.memory_space<hbm>>
          tpu.enqueue_dma source(%dma_start3A_72 : memref<16x128xf32, #tpu.memory_space<hbm>>) target(%dma_start3A_69 : memref<16x128xf32, #tpu.memory_space<vmem_shared>>) target_semaphore(%run_scoped3A : memref<!tpu.dma_semaphore, #tpu.memory_space<semaphore_mem>>)
          %dma_wait3A = arith.constant 9984 : i32
          %dma_wait3A_73 = arith.constant 0 : i32
          %dma_wait3A_74 = tpu.memref_slice %arg11[%dma_wait3A, %dma_wait3A_73] : memref<10000x128xf32, #tpu.memory_space<vmem_shared>> -> memref<16x128xf32, #tpu.memory_space<vmem_shared>>
          %dma_wait3A_75 = arith.constant 9984 : i32
          %dma_wait3A_76 = arith.constant 0 : i32
          %dma_wait3A_77 = tpu.memref_slice %arg5[%dma_wait3A_75, %dma_wait3A_76] : memref<10000x128xf32, #tpu.memory_space<hbm>> -> memref<16x128xf32, #tpu.memory_space<hbm>>
          tpu.wait_dma2 semaphore(%run_scoped3A : memref<!tpu.dma_semaphore, #tpu.memory_space<semaphore_mem>>) src(%dma_wait3A_77 : memref<16x128xf32, #tpu.memory_space<hbm>>) dst(%dma_wait3A_74 : memref<16x128xf32, #tpu.memory_space<vmem_shared>>)
          tpu.yield
        }) : () -> ()
      } else {
      }
      %barrier3A = arith.constant 0 : index
      tpu.barrier barrier_id(%barrier3A)
      %dma_start3A = arith.constant 0 : i32
      %dma_start3A_17 = arith.constant 0 : i32
      %dma_start3A_18 = arith.constant 0 : i32
      %dma_start3A_19 = arith.constant 0 : i32
      %dma_start3A_20 = tpu.memref_slice %arg10[%dma_start3A_17, %dma_start3A_18, %dma_start3A_19] : memref<2x125x128xf32, #tpu.memory_space<vmem>> -> memref<1x125x128xf32, #tpu.memory_space<vmem>>
      %dma_start3A_21 = tpu.memref_squeeze %dma_start3A_20 : memref<1x125x128xf32, #tpu.memory_space<vmem>> -> memref<125x128xf32, #tpu.memory_space<vmem>>
      %dma_start3A_22 = arith.constant 0 : i32
      %dma_start3A_23 = tpu.memref_slice %arg8[%dma_start3A, %dma_start3A_22] : memref<80x125xi32, #tpu.memory_space<vmem>> -> memref<1x125xi32, #tpu.memory_space<vmem>>
      %dma_start3A_24 = tpu.memref_squeeze %dma_start3A_23 : memref<1x125xi32, #tpu.memory_space<vmem>> -> memref<125xi32, #tpu.memory_space<vmem>>
      %dma_start3A_25 = arith.constant 0 : i32
      %dma_start3A_26 = arith.constant 0 : i32
      %dma_start3A_27 = tpu.memref_slice %arg5[%dma_start3A_25, %dma_start3A_26] : memref<10000x128xf32, #tpu.memory_space<hbm>> -> memref<10000x128xf32, #tpu.memory_space<hbm>>
      tpu.enqueue_indirect_dma source(%dma_start3A_27 : memref<10000x128xf32, #tpu.memory_space<hbm>>) target(%dma_start3A_21 : memref<125x128xf32, #tpu.memory_space<vmem>>) offsets(%dma_start3A_24 : memref<125xi32, #tpu.memory_space<vmem>>) semaphore(%arg12 : memref<!tpu.dma_semaphore, #tpu.memory_space<semaphore_mem>>)
      %dma_start3A_28 = arith.constant 1 : i32
      %dma_start3A_29 = arith.constant 1 : i32
      %dma_start3A_30 = arith.constant 0 : i32
      %dma_start3A_31 = arith.constant 0 : i32
      %dma_start3A_32 = tpu.memref_slice %arg10[%dma_start3A_29, %dma_start3A_30, %dma_start3A_31] : memref<2x125x128xf32, #tpu.memory_space<vmem>> -> memref<1x125x128xf32, #tpu.memory_space<vmem>>
      %dma_start3A_33 = tpu.memref_squeeze %dma_start3A_32 : memref<1x125x128xf32, #tpu.memory_space<vmem>> -> memref<125x128xf32, #tpu.memory_space<vmem>>
      %dma_start3A_34 = arith.constant 0 : i32
      %dma_start3A_35 = tpu.memref_slice %arg8[%dma_start3A_28, %dma_start3A_34] : memref<80x125xi32, #tpu.memory_space<vmem>> -> memref<1x125xi32, #tpu.memory_space<vmem>>
      %dma_start3A_36 = tpu.memref_squeeze %dma_start3A_35 : memref<1x125xi32, #tpu.memory_space<vmem>> -> memref<125xi32, #tpu.memory_space<vmem>>
      %dma_start3A_37 = arith.constant 0 : i32
      %dma_start3A_38 = arith.constant 0 : i32
      %dma_start3A_39 = tpu.memref_slice %arg5[%dma_start3A_37, %dma_start3A_38] : memref<10000x128xf32, #tpu.memory_space<hbm>> -> memref<10000x128xf32, #tpu.memory_space<hbm>>
      tpu.enqueue_indirect_dma source(%dma_start3A_39 : memref<10000x128xf32, #tpu.memory_space<hbm>>) target(%dma_start3A_33 : memref<125x128xf32, #tpu.memory_space<vmem>>) offsets(%dma_start3A_36 : memref<125xi32, #tpu.memory_space<vmem>>) semaphore(%arg13 : memref<!tpu.dma_semaphore, #tpu.memory_space<semaphore_mem>>)
      %mul3A_40 = arith.constant 80 : i32
      %mul3A_41 = arith.muli %arg1, %mul3A_40 : i32
      %add3A = arith.constant 0 : i32
      %add3A_42 = arith.addi %mul3A_41, %add3A : i32
      "tpu.region"() ({
        %run_scoped3A = tpu.sem_alloc : memref<!tpu.dma_semaphore, #tpu.memory_space<semaphore_mem>>
        %dma_start3A_67 = arith.constant 0 : i32
        %dma_start3A_68 = tpu.memref_slice %arg3[%add3A_42, %dma_start3A_67] : memref<1280x125xi32, #tpu.memory_space<hbm>> -> memref<40x125xi32, #tpu.memory_space<hbm>>
        %dma_start3A_69 = arith.constant 0 : i32
        %dma_start3A_70 = tpu.memref_slice %arg3[%add3A_42, %dma_start3A_69] : memref<1280x125xi32, #tpu.memory_space<hbm>> -> memref<40x125xi32, #tpu.memory_space<hbm>>
        tpu.enqueue_dma source(%dma_start3A_70 : memref<40x125xi32, #tpu.memory_space<hbm>>) target(%arg9 : memref<40x125xi32, #tpu.memory_space<vmem>>) target_semaphore(%run_scoped3A : memref<!tpu.dma_semaphore, #tpu.memory_space<semaphore_mem>>)
        %dma_wait3A = arith.constant 0 : i32
        %dma_wait3A_71 = tpu.memref_slice %arg3[%add3A_42, %dma_wait3A] : memref<1280x125xi32, #tpu.memory_space<hbm>> -> memref<40x125xi32, #tpu.memory_space<hbm>>
        %dma_wait3A_72 = arith.constant 0 : i32
        %dma_wait3A_73 = tpu.memref_slice %arg3[%add3A_42, %dma_wait3A_72] : memref<1280x125xi32, #tpu.memory_space<hbm>> -> memref<40x125xi32, #tpu.memory_space<hbm>>
        tpu.wait_dma2 semaphore(%run_scoped3A : memref<!tpu.dma_semaphore, #tpu.memory_space<semaphore_mem>>) src(%dma_wait3A_73 : memref<40x125xi32, #tpu.memory_space<hbm>>) dst(%arg9 : memref<40x125xi32, #tpu.memory_space<vmem>>)
        tpu.yield
      }) : () -> ()
      %scan3A = arith.constant 0 : i32
      %scan3A_43 = arith.constant 20 : i32
      %scan3A_44 = arith.addi %scan3A, %scan3A_43 : i32
      %scan3A_45 = arith.constant 1 : i32
      scf.for %scan3A_67 = %scan3A to %scan3A_44 step %scan3A_45  : i32 {
        %mul3A_68 = arith.constant 1 : i32
        %mul3A_69 = arith.muli %scan3A_67, %mul3A_68 : i32
        %add3A_70 = arith.constant 0 : i32
        %add3A_71 = arith.addi %add3A_70, %mul3A_69 : i32
        %mul3A_72 = arith.constant 2 : i32
        %mul3A_73 = arith.muli %mul3A_72, %add3A_71 : i32
        %dma_wait3A = arith.constant 0 : i32
        %dma_wait3A_74 = arith.constant 0 : i32
        %dma_wait3A_75 = arith.constant 0 : i32
        %dma_wait3A_76 = arith.constant 0 : i32
        %dma_wait3A_77 = tpu.memref_slice %arg10[%dma_wait3A_74, %dma_wait3A_75, %dma_wait3A_76] : memref<2x125x128xf32, #tpu.memory_space<vmem>> -> memref<1x125x128xf32, #tpu.memory_space<vmem>>
        %dma_wait3A_78 = tpu.memref_squeeze %dma_wait3A_77 : memref<1x125x128xf32, #tpu.memory_space<vmem>> -> memref<125x128xf32, #tpu.memory_space<vmem>>
        %dma_wait3A_79 = arith.constant 0 : i32
        %dma_wait3A_80 = tpu.memref_slice %arg8[%dma_wait3A, %dma_wait3A_79] : memref<80x125xi32, #tpu.memory_space<vmem>> -> memref<1x125xi32, #tpu.memory_space<vmem>>
        %dma_wait3A_81 = tpu.memref_squeeze %dma_wait3A_80 : memref<1x125xi32, #tpu.memory_space<vmem>> -> memref<125xi32, #tpu.memory_space<vmem>>
        %dma_wait3A_82 = arith.constant 0 : i32
        %dma_wait3A_83 = arith.constant 0 : i32
        %dma_wait3A_84 = tpu.memref_slice %arg5[%dma_wait3A_82, %dma_wait3A_83] : memref<10000x128xf32, #tpu.memory_space<hbm>> -> memref<10000x128xf32, #tpu.memory_space<hbm>>
        tpu.wait_indirect_dma semaphore(%arg12 : memref<!tpu.dma_semaphore, #tpu.memory_space<semaphore_mem>>) src(%dma_wait3A_84 : memref<10000x128xf32, #tpu.memory_space<hbm>>) dst(%dma_wait3A_78 : memref<125x128xf32, #tpu.memory_space<vmem>>)
        %add3A_85 = arith.constant 0 : i32
        %add3A_86 = arith.addi %mul3A_73, %add3A_85 : i32
        %run_scoped3A = arith.constant 0 : i32
        "tpu.region"() ({
          %run_scoped3A_123 = tpu.sem_alloc : memref<!tpu.dma_semaphore, #tpu.memory_space<semaphore_mem>>
          %dma_start3A_124 = arith.constant 0 : i32
          %dma_start3A_125 = arith.constant 0 : i32
          %dma_start3A_126 = tpu.memref_slice %arg10[%run_scoped3A, %dma_start3A_124, %dma_start3A_125] : memref<2x125x128xf32, #tpu.memory_space<vmem>> -> memref<1x125x128xf32, #tpu.memory_space<vmem>>
          %dma_start3A_127 = tpu.memref_squeeze %dma_start3A_126 : memref<1x125x128xf32, #tpu.memory_space<vmem>> -> memref<125x128xf32, #tpu.memory_space<vmem>>
          %dma_start3A_128 = arith.constant 0 : i32
          %dma_start3A_129 = tpu.memref_slice %arg9[%add3A_86, %dma_start3A_128] : memref<40x125xi32, #tpu.memory_space<vmem>> -> memref<1x125xi32, #tpu.memory_space<vmem>>
          %dma_start3A_130 = tpu.memref_squeeze %dma_start3A_129 : memref<1x125xi32, #tpu.memory_space<vmem>> -> memref<125xi32, #tpu.memory_space<vmem>>
          %dma_start3A_131 = arith.constant 0 : i32
          %dma_start3A_132 = arith.constant 0 : i32
          %dma_start3A_133 = tpu.memref_slice %arg11[%dma_start3A_131, %dma_start3A_132] : memref<10000x128xf32, #tpu.memory_space<vmem_shared>> -> memref<10000x128xf32, #tpu.memory_space<vmem_shared>>
          tpu.enqueue_indirect_dma source(%dma_start3A_127 : memref<125x128xf32, #tpu.memory_space<vmem>>) target(%dma_start3A_133 : memref<10000x128xf32, #tpu.memory_space<vmem_shared>>) offsets(%dma_start3A_130 : memref<125xi32, #tpu.memory_space<vmem>>) semaphore(%run_scoped3A_123 : memref<!tpu.dma_semaphore, #tpu.memory_space<semaphore_mem>>) {add = true}
          %dma_wait3A_134 = arith.constant 0 : i32
          %dma_wait3A_135 = arith.constant 0 : i32
          %dma_wait3A_136 = tpu.memref_slice %arg10[%run_scoped3A, %dma_wait3A_134, %dma_wait3A_135] : memref<2x125x128xf32, #tpu.memory_space<vmem>> -> memref<1x125x128xf32, #tpu.memory_space<vmem>>
          %dma_wait3A_137 = tpu.memref_squeeze %dma_wait3A_136 : memref<1x125x128xf32, #tpu.memory_space<vmem>> -> memref<125x128xf32, #tpu.memory_space<vmem>>
          %dma_wait3A_138 = arith.constant 0 : i32
          %dma_wait3A_139 = tpu.memref_slice %arg9[%add3A_86, %dma_wait3A_138] : memref<40x125xi32, #tpu.memory_space<vmem>> -> memref<1x125xi32, #tpu.memory_space<vmem>>
          %dma_wait3A_140 = tpu.memref_squeeze %dma_wait3A_139 : memref<1x125xi32, #tpu.memory_space<vmem>> -> memref<125xi32, #tpu.memory_space<vmem>>
          %dma_wait3A_141 = arith.constant 0 : i32
          %dma_wait3A_142 = arith.constant 0 : i32
          %dma_wait3A_143 = tpu.memref_slice %arg11[%dma_wait3A_141, %dma_wait3A_142] : memref<10000x128xf32, #tpu.memory_space<vmem_shared>> -> memref<10000x128xf32, #tpu.memory_space<vmem_shared>>
          tpu.wait_indirect_dma semaphore(%run_scoped3A_123 : memref<!tpu.dma_semaphore, #tpu.memory_space<semaphore_mem>>) src(%dma_wait3A_137 : memref<125x128xf32, #tpu.memory_space<vmem>>) dst(%dma_wait3A_143 : memref<10000x128xf32, #tpu.memory_space<vmem_shared>>)
          tpu.yield
        }) : () -> ()
        %add3A_87 = arith.constant 0 : i32
        %add3A_88 = arith.addi %add3A_87, %mul3A_73 : i32
        %add3A_89 = arith.constant 2 : i32
        %add3A_90 = arith.addi %add3A_88, %add3A_89 : i32
        %add3A_91 = arith.constant 0 : i32
        %add3A_92 = arith.addi %add3A_90, %add3A_91 : i32
        %lt3A = arith.constant 80 : i32
        %lt3A_93 = arith.cmpi slt, %add3A_92, %lt3A : i32
        %convert_element_type3A_94 = arith.extui %lt3A_93 : i1 to i32
        %cond3A_95 = arith.constant 0 : i32
        %cond3A_96 = arith.cmpi ne, %convert_element_type3A_94, %cond3A_95 : i32
        scf.if %cond3A_96 {
          %dma_start3A_123 = arith.constant 0 : i32
          %dma_start3A_124 = arith.constant 0 : i32
          %dma_start3A_125 = arith.constant 0 : i32
          %dma_start3A_126 = tpu.memref_slice %arg10[%dma_start3A_123, %dma_start3A_124, %dma_start3A_125] : memref<2x125x128xf32, #tpu.memory_space<vmem>> -> memref<1x125x128xf32, #tpu.memory_space<vmem>>
          %dma_start3A_127 = tpu.memref_squeeze %dma_start3A_126 : memref<1x125x128xf32, #tpu.memory_space<vmem>> -> memref<125x128xf32, #tpu.memory_space<vmem>>
          %dma_start3A_128 = arith.constant 0 : i32
          %dma_start3A_129 = tpu.memref_slice %arg8[%add3A_92, %dma_start3A_128] : memref<80x125xi32, #tpu.memory_space<vmem>> -> memref<1x125xi32, #tpu.memory_space<vmem>>
          %dma_start3A_130 = tpu.memref_squeeze %dma_start3A_129 : memref<1x125xi32, #tpu.memory_space<vmem>> -> memref<125xi32, #tpu.memory_space<vmem>>
          %dma_start3A_131 = arith.constant 0 : i32
          %dma_start3A_132 = arith.constant 0 : i32
          %dma_start3A_133 = tpu.memref_slice %arg5[%dma_start3A_131, %dma_start3A_132] : memref<10000x128xf32, #tpu.memory_space<hbm>> -> memref<10000x128xf32, #tpu.memory_space<hbm>>
          tpu.enqueue_indirect_dma source(%dma_start3A_133 : memref<10000x128xf32, #tpu.memory_space<hbm>>) target(%dma_start3A_127 : memref<125x128xf32, #tpu.memory_space<vmem>>) offsets(%dma_start3A_130 : memref<125xi32, #tpu.memory_space<vmem>>) semaphore(%arg12 : memref<!tpu.dma_semaphore, #tpu.memory_space<semaphore_mem>>)
        } else {
        }
        %dma_wait3A_97 = arith.constant 0 : i32
        %dma_wait3A_98 = arith.constant 1 : i32
        %dma_wait3A_99 = arith.constant 0 : i32
        %dma_wait3A_100 = arith.constant 0 : i32
        %dma_wait3A_101 = tpu.memref_slice %arg10[%dma_wait3A_98, %dma_wait3A_99, %dma_wait3A_100] : memref<2x125x128xf32, #tpu.memory_space<vmem>> -> memref<1x125x128xf32, #tpu.memory_space<vmem>>
        %dma_wait3A_102 = tpu.memref_squeeze %dma_wait3A_101 : memref<1x125x128xf32, #tpu.memory_space<vmem>> -> memref<125x128xf32, #tpu.memory_space<vmem>>
        %dma_wait3A_103 = arith.constant 0 : i32
        %dma_wait3A_104 = tpu.memref_slice %arg8[%dma_wait3A_97, %dma_wait3A_103] : memref<80x125xi32, #tpu.memory_space<vmem>> -> memref<1x125xi32, #tpu.memory_space<vmem>>
        %dma_wait3A_105 = tpu.memref_squeeze %dma_wait3A_104 : memref<1x125xi32, #tpu.memory_space<vmem>> -> memref<125xi32, #tpu.memory_space<vmem>>
        %dma_wait3A_106 = arith.constant 0 : i32
        %dma_wait3A_107 = arith.constant 0 : i32
        %dma_wait3A_108 = tpu.memref_slice %arg5[%dma_wait3A_106, %dma_wait3A_107] : memref<10000x128xf32, #tpu.memory_space<hbm>> -> memref<10000x128xf32, #tpu.memory_space<hbm>>
        tpu.wait_indirect_dma semaphore(%arg13 : memref<!tpu.dma_semaphore, #tpu.memory_space<semaphore_mem>>) src(%dma_wait3A_108 : memref<10000x128xf32, #tpu.memory_space<hbm>>) dst(%dma_wait3A_102 : memref<125x128xf32, #tpu.memory_space<vmem>>)
        %add3A_109 = arith.constant 1 : i32
        %add3A_110 = arith.addi %mul3A_73, %add3A_109 : i32
        %run_scoped3A_111 = arith.constant 1 : i32
        "tpu.region"() ({
          %run_scoped3A_123 = tpu.sem_alloc : memref<!tpu.dma_semaphore, #tpu.memory_space<semaphore_mem>>
          %dma_start3A_124 = arith.constant 0 : i32
          %dma_start3A_125 = arith.constant 0 : i32
          %dma_start3A_126 = tpu.memref_slice %arg10[%run_scoped3A_111, %dma_start3A_124, %dma_start3A_125] : memref<2x125x128xf32, #tpu.memory_space<vmem>> -> memref<1x125x128xf32, #tpu.memory_space<vmem>>
          %dma_start3A_127 = tpu.memref_squeeze %dma_start3A_126 : memref<1x125x128xf32, #tpu.memory_space<vmem>> -> memref<125x128xf32, #tpu.memory_space<vmem>>
          %dma_start3A_128 = arith.constant 0 : i32
          %dma_start3A_129 = tpu.memref_slice %arg9[%add3A_110, %dma_start3A_128] : memref<40x125xi32, #tpu.memory_space<vmem>> -> memref<1x125xi32, #tpu.memory_space<vmem>>
          %dma_start3A_130 = tpu.memref_squeeze %dma_start3A_129 : memref<1x125xi32, #tpu.memory_space<vmem>> -> memref<125xi32, #tpu.memory_space<vmem>>
          %dma_start3A_131 = arith.constant 0 : i32
          %dma_start3A_132 = arith.constant 0 : i32
          %dma_start3A_133 = tpu.memref_slice %arg11[%dma_start3A_131, %dma_start3A_132] : memref<10000x128xf32, #tpu.memory_space<vmem_shared>> -> memref<10000x128xf32, #tpu.memory_space<vmem_shared>>
          tpu.enqueue_indirect_dma source(%dma_start3A_127 : memref<125x128xf32, #tpu.memory_space<vmem>>) target(%dma_start3A_133 : memref<10000x128xf32, #tpu.memory_space<vmem_shared>>) offsets(%dma_start3A_130 : memref<125xi32, #tpu.memory_space<vmem>>) semaphore(%run_scoped3A_123 : memref<!tpu.dma_semaphore, #tpu.memory_space<semaphore_mem>>) {add = true}
          %dma_wait3A_134 = arith.constant 0 : i32
          %dma_wait3A_135 = arith.constant 0 : i32
          %dma_wait3A_136 = tpu.memref_slice %arg10[%run_scoped3A_111, %dma_wait3A_134, %dma_wait3A_135] : memref<2x125x128xf32, #tpu.memory_space<vmem>> -> memref<1x125x128xf32, #tpu.memory_space<vmem>>
          %dma_wait3A_137 = tpu.memref_squeeze %dma_wait3A_136 : memref<1x125x128xf32, #tpu.memory_space<vmem>> -> memref<125x128xf32, #tpu.memory_space<vmem>>
          %dma_wait3A_138 = arith.constant 0 : i32
          %dma_wait3A_139 = tpu.memref_slice %arg9[%add3A_110, %dma_wait3A_138] : memref<40x125xi32, #tpu.memory_space<vmem>> -> memref<1x125xi32, #tpu.memory_space<vmem>>
          %dma_wait3A_140 = tpu.memref_squeeze %dma_wait3A_139 : memref<1x125xi32, #tpu.memory_space<vmem>> -> memref<125xi32, #tpu.memory_space<vmem>>
          %dma_wait3A_141 = arith.constant 0 : i32
          %dma_wait3A_142 = arith.constant 0 : i32
          %dma_wait3A_143 = tpu.memref_slice %arg11[%dma_wait3A_141, %dma_wait3A_142] : memref<10000x128xf32, #tpu.memory_space<vmem_shared>> -> memref<10000x128xf32, #tpu.memory_space<vmem_shared>>
          tpu.wait_indirect_dma semaphore(%run_scoped3A_123 : memref<!tpu.dma_semaphore, #tpu.memory_space<semaphore_mem>>) src(%dma_wait3A_137 : memref<125x128xf32, #tpu.memory_space<vmem>>) dst(%dma_wait3A_143 : memref<10000x128xf32, #tpu.memory_space<vmem_shared>>)
          tpu.yield
        }) : () -> ()
        %add3A_112 = arith.constant 0 : i32
        %add3A_113 = arith.addi %add3A_112, %mul3A_73 : i32
        %add3A_114 = arith.constant 2 : i32
        %add3A_115 = arith.addi %add3A_113, %add3A_114 : i32
        %add3A_116 = arith.constant 1 : i32
        %add3A_117 = arith.addi %add3A_115, %add3A_116 : i32
        %lt3A_118 = arith.constant 80 : i32
        %lt3A_119 = arith.cmpi slt, %add3A_117, %lt3A_118 : i32
        %convert_element_type3A_120 = arith.extui %lt3A_119 : i1 to i32
        %cond3A_121 = arith.constant 0 : i32
        %cond3A_122 = arith.cmpi ne, %convert_element_type3A_120, %cond3A_121 : i32
        scf.if %cond3A_122 {
          %dma_start3A_123 = arith.constant 1 : i32
          %dma_start3A_124 = arith.constant 0 : i32
          %dma_start3A_125 = arith.constant 0 : i32
          %dma_start3A_126 = tpu.memref_slice %arg10[%dma_start3A_123, %dma_start3A_124, %dma_start3A_125] : memref<2x125x128xf32, #tpu.memory_space<vmem>> -> memref<1x125x128xf32, #tpu.memory_space<vmem>>
          %dma_start3A_127 = tpu.memref_squeeze %dma_start3A_126 : memref<1x125x128xf32, #tpu.memory_space<vmem>> -> memref<125x128xf32, #tpu.memory_space<vmem>>
          %dma_start3A_128 = arith.constant 0 : i32
          %dma_start3A_129 = tpu.memref_slice %arg8[%add3A_117, %dma_start3A_128] : memref<80x125xi32, #tpu.memory_space<vmem>> -> memref<1x125xi32, #tpu.memory_space<vmem>>
          %dma_start3A_130 = tpu.memref_squeeze %dma_start3A_129 : memref<1x125xi32, #tpu.memory_space<vmem>> -> memref<125xi32, #tpu.memory_space<vmem>>
          %dma_start3A_131 = arith.constant 0 : i32
          %dma_start3A_132 = arith.constant 0 : i32
          %dma_start3A_133 = tpu.memref_slice %arg5[%dma_start3A_131, %dma_start3A_132] : memref<10000x128xf32, #tpu.memory_space<hbm>> -> memref<10000x128xf32, #tpu.memory_space<hbm>>
          tpu.enqueue_indirect_dma source(%dma_start3A_133 : memref<10000x128xf32, #tpu.memory_space<hbm>>) target(%dma_start3A_127 : memref<125x128xf32, #tpu.memory_space<vmem>>) offsets(%dma_start3A_130 : memref<125xi32, #tpu.memory_space<vmem>>) semaphore(%arg13 : memref<!tpu.dma_semaphore, #tpu.memory_space<semaphore_mem>>)
        } else {
        }
      }
      %scan3A_46 = arith.constant 20 : i32
      %mul3A_47 = arith.constant 80 : i32
      %mul3A_48 = arith.muli %arg1, %mul3A_47 : i32
      %add3A_49 = arith.constant 40 : i32
      %add3A_50 = arith.addi %mul3A_48, %add3A_49 : i32
      "tpu.region"() ({
        %run_scoped3A = tpu.sem_alloc : memref<!tpu.dma_semaphore, #tpu.memory_space<semaphore_mem>>
        %dma_start3A_67 = arith.constant 0 : i32
        %dma_start3A_68 = tpu.memref_slice %arg3[%add3A_50, %dma_start3A_67] : memref<1280x125xi32, #tpu.memory_space<hbm>> -> memref<40x125xi32, #tpu.memory_space<hbm>>
        %dma_start3A_69 = arith.constant 0 : i32
        %dma_start3A_70 = tpu.memref_slice %arg3[%add3A_50, %dma_start3A_69] : memref<1280x125xi32, #tpu.memory_space<hbm>> -> memref<40x125xi32, #tpu.memory_space<hbm>>
        tpu.enqueue_dma source(%dma_start3A_70 : memref<40x125xi32, #tpu.memory_space<hbm>>) target(%arg9 : memref<40x125xi32, #tpu.memory_space<vmem>>) target_semaphore(%run_scoped3A : memref<!tpu.dma_semaphore, #tpu.memory_space<semaphore_mem>>)
        %dma_wait3A = arith.constant 0 : i32
        %dma_wait3A_71 = tpu.memref_slice %arg3[%add3A_50, %dma_wait3A] : memref<1280x125xi32, #tpu.memory_space<hbm>> -> memref<40x125xi32, #tpu.memory_space<hbm>>
        %dma_wait3A_72 = arith.constant 0 : i32
        %dma_wait3A_73 = tpu.memref_slice %arg3[%add3A_50, %dma_wait3A_72] : memref<1280x125xi32, #tpu.memory_space<hbm>> -> memref<40x125xi32, #tpu.memory_space<hbm>>
        tpu.wait_dma2 semaphore(%run_scoped3A : memref<!tpu.dma_semaphore, #tpu.memory_space<semaphore_mem>>) src(%dma_wait3A_73 : memref<40x125xi32, #tpu.memory_space<hbm>>) dst(%arg9 : memref<40x125xi32, #tpu.memory_space<vmem>>)
        tpu.yield
      }) : () -> ()
      %scan3A_51 = arith.constant 0 : i32
      %scan3A_52 = arith.constant 20 : i32
      %scan3A_53 = arith.addi %scan3A_51, %scan3A_52 : i32
      %scan3A_54 = arith.constant 1 : i32
      scf.for %scan3A_67 = %scan3A_51 to %scan3A_53 step %scan3A_54  : i32 {
        %mul3A_68 = arith.constant 1 : i32
        %mul3A_69 = arith.muli %scan3A_67, %mul3A_68 : i32
        %add3A_70 = arith.constant 0 : i32
        %add3A_71 = arith.addi %add3A_70, %mul3A_69 : i32
        %mul3A_72 = arith.constant 2 : i32
        %mul3A_73 = arith.muli %mul3A_72, %add3A_71 : i32
        %dma_wait3A = arith.constant 0 : i32
        %dma_wait3A_74 = arith.constant 0 : i32
        %dma_wait3A_75 = arith.constant 0 : i32
        %dma_wait3A_76 = arith.constant 0 : i32
        %dma_wait3A_77 = tpu.memref_slice %arg10[%dma_wait3A_74, %dma_wait3A_75, %dma_wait3A_76] : memref<2x125x128xf32, #tpu.memory_space<vmem>> -> memref<1x125x128xf32, #tpu.memory_space<vmem>>
        %dma_wait3A_78 = tpu.memref_squeeze %dma_wait3A_77 : memref<1x125x128xf32, #tpu.memory_space<vmem>> -> memref<125x128xf32, #tpu.memory_space<vmem>>
        %dma_wait3A_79 = arith.constant 0 : i32
        %dma_wait3A_80 = tpu.memref_slice %arg8[%dma_wait3A, %dma_wait3A_79] : memref<80x125xi32, #tpu.memory_space<vmem>> -> memref<1x125xi32, #tpu.memory_space<vmem>>
        %dma_wait3A_81 = tpu.memref_squeeze %dma_wait3A_80 : memref<1x125xi32, #tpu.memory_space<vmem>> -> memref<125xi32, #tpu.memory_space<vmem>>
        %dma_wait3A_82 = arith.constant 0 : i32
        %dma_wait3A_83 = arith.constant 0 : i32
        %dma_wait3A_84 = tpu.memref_slice %arg5[%dma_wait3A_82, %dma_wait3A_83] : memref<10000x128xf32, #tpu.memory_space<hbm>> -> memref<10000x128xf32, #tpu.memory_space<hbm>>
        tpu.wait_indirect_dma semaphore(%arg12 : memref<!tpu.dma_semaphore, #tpu.memory_space<semaphore_mem>>) src(%dma_wait3A_84 : memref<10000x128xf32, #tpu.memory_space<hbm>>) dst(%dma_wait3A_78 : memref<125x128xf32, #tpu.memory_space<vmem>>)
        %add3A_85 = arith.constant 0 : i32
        %add3A_86 = arith.addi %mul3A_73, %add3A_85 : i32
        %run_scoped3A = arith.constant 0 : i32
        "tpu.region"() ({
          %run_scoped3A_123 = tpu.sem_alloc : memref<!tpu.dma_semaphore, #tpu.memory_space<semaphore_mem>>
          %dma_start3A_124 = arith.constant 0 : i32
          %dma_start3A_125 = arith.constant 0 : i32
          %dma_start3A_126 = tpu.memref_slice %arg10[%run_scoped3A, %dma_start3A_124, %dma_start3A_125] : memref<2x125x128xf32, #tpu.memory_space<vmem>> -> memref<1x125x128xf32, #tpu.memory_space<vmem>>
          %dma_start3A_127 = tpu.memref_squeeze %dma_start3A_126 : memref<1x125x128xf32, #tpu.memory_space<vmem>> -> memref<125x128xf32, #tpu.memory_space<vmem>>
          %dma_start3A_128 = arith.constant 0 : i32
          %dma_start3A_129 = tpu.memref_slice %arg9[%add3A_86, %dma_start3A_128] : memref<40x125xi32, #tpu.memory_space<vmem>> -> memref<1x125xi32, #tpu.memory_space<vmem>>
          %dma_start3A_130 = tpu.memref_squeeze %dma_start3A_129 : memref<1x125xi32, #tpu.memory_space<vmem>> -> memref<125xi32, #tpu.memory_space<vmem>>
          %dma_start3A_131 = arith.constant 0 : i32
          %dma_start3A_132 = arith.constant 0 : i32
          %dma_start3A_133 = tpu.memref_slice %arg11[%dma_start3A_131, %dma_start3A_132] : memref<10000x128xf32, #tpu.memory_space<vmem_shared>> -> memref<10000x128xf32, #tpu.memory_space<vmem_shared>>
          tpu.enqueue_indirect_dma source(%dma_start3A_127 : memref<125x128xf32, #tpu.memory_space<vmem>>) target(%dma_start3A_133 : memref<10000x128xf32, #tpu.memory_space<vmem_shared>>) offsets(%dma_start3A_130 : memref<125xi32, #tpu.memory_space<vmem>>) semaphore(%run_scoped3A_123 : memref<!tpu.dma_semaphore, #tpu.memory_space<semaphore_mem>>) {add = true}
          %dma_wait3A_134 = arith.constant 0 : i32
          %dma_wait3A_135 = arith.constant 0 : i32
          %dma_wait3A_136 = tpu.memref_slice %arg10[%run_scoped3A, %dma_wait3A_134, %dma_wait3A_135] : memref<2x125x128xf32, #tpu.memory_space<vmem>> -> memref<1x125x128xf32, #tpu.memory_space<vmem>>
          %dma_wait3A_137 = tpu.memref_squeeze %dma_wait3A_136 : memref<1x125x128xf32, #tpu.memory_space<vmem>> -> memref<125x128xf32, #tpu.memory_space<vmem>>
          %dma_wait3A_138 = arith.constant 0 : i32
          %dma_wait3A_139 = tpu.memref_slice %arg9[%add3A_86, %dma_wait3A_138] : memref<40x125xi32, #tpu.memory_space<vmem>> -> memref<1x125xi32, #tpu.memory_space<vmem>>
          %dma_wait3A_140 = tpu.memref_squeeze %dma_wait3A_139 : memref<1x125xi32, #tpu.memory_space<vmem>> -> memref<125xi32, #tpu.memory_space<vmem>>
          %dma_wait3A_141 = arith.constant 0 : i32
          %dma_wait3A_142 = arith.constant 0 : i32
          %dma_wait3A_143 = tpu.memref_slice %arg11[%dma_wait3A_141, %dma_wait3A_142] : memref<10000x128xf32, #tpu.memory_space<vmem_shared>> -> memref<10000x128xf32, #tpu.memory_space<vmem_shared>>
          tpu.wait_indirect_dma semaphore(%run_scoped3A_123 : memref<!tpu.dma_semaphore, #tpu.memory_space<semaphore_mem>>) src(%dma_wait3A_137 : memref<125x128xf32, #tpu.memory_space<vmem>>) dst(%dma_wait3A_143 : memref<10000x128xf32, #tpu.memory_space<vmem_shared>>)
          tpu.yield
        }) : () -> ()
        %add3A_87 = arith.constant 40 : i32
        %add3A_88 = arith.addi %add3A_87, %mul3A_73 : i32
        %add3A_89 = arith.constant 2 : i32
        %add3A_90 = arith.addi %add3A_88, %add3A_89 : i32
        %add3A_91 = arith.constant 0 : i32
        %add3A_92 = arith.addi %add3A_90, %add3A_91 : i32
        %lt3A = arith.constant 80 : i32
        %lt3A_93 = arith.cmpi slt, %add3A_92, %lt3A : i32
        %convert_element_type3A_94 = arith.extui %lt3A_93 : i1 to i32
        %cond3A_95 = arith.constant 0 : i32
        %cond3A_96 = arith.cmpi ne, %convert_element_type3A_94, %cond3A_95 : i32
        scf.if %cond3A_96 {
          %dma_start3A_123 = arith.constant 0 : i32
          %dma_start3A_124 = arith.constant 0 : i32
          %dma_start3A_125 = arith.constant 0 : i32
          %dma_start3A_126 = tpu.memref_slice %arg10[%dma_start3A_123, %dma_start3A_124, %dma_start3A_125] : memref<2x125x128xf32, #tpu.memory_space<vmem>> -> memref<1x125x128xf32, #tpu.memory_space<vmem>>
          %dma_start3A_127 = tpu.memref_squeeze %dma_start3A_126 : memref<1x125x128xf32, #tpu.memory_space<vmem>> -> memref<125x128xf32, #tpu.memory_space<vmem>>
          %dma_start3A_128 = arith.constant 0 : i32
          %dma_start3A_129 = tpu.memref_slice %arg8[%add3A_92, %dma_start3A_128] : memref<80x125xi32, #tpu.memory_space<vmem>> -> memref<1x125xi32, #tpu.memory_space<vmem>>
          %dma_start3A_130 = tpu.memref_squeeze %dma_start3A_129 : memref<1x125xi32, #tpu.memory_space<vmem>> -> memref<125xi32, #tpu.memory_space<vmem>>
          %dma_start3A_131 = arith.constant 0 : i32
          %dma_start3A_132 = arith.constant 0 : i32
          %dma_start3A_133 = tpu.memref_slice %arg5[%dma_start3A_131, %dma_start3A_132] : memref<10000x128xf32, #tpu.memory_space<hbm>> -> memref<10000x128xf32, #tpu.memory_space<hbm>>
          tpu.enqueue_indirect_dma source(%dma_start3A_133 : memref<10000x128xf32, #tpu.memory_space<hbm>>) target(%dma_start3A_127 : memref<125x128xf32, #tpu.memory_space<vmem>>) offsets(%dma_start3A_130 : memref<125xi32, #tpu.memory_space<vmem>>) semaphore(%arg12 : memref<!tpu.dma_semaphore, #tpu.memory_space<semaphore_mem>>)
        } else {
        }
        %dma_wait3A_97 = arith.constant 0 : i32
        %dma_wait3A_98 = arith.constant 1 : i32
        %dma_wait3A_99 = arith.constant 0 : i32
        %dma_wait3A_100 = arith.constant 0 : i32
        %dma_wait3A_101 = tpu.memref_slice %arg10[%dma_wait3A_98, %dma_wait3A_99, %dma_wait3A_100] : memref<2x125x128xf32, #tpu.memory_space<vmem>> -> memref<1x125x128xf32, #tpu.memory_space<vmem>>
        %dma_wait3A_102 = tpu.memref_squeeze %dma_wait3A_101 : memref<1x125x128xf32, #tpu.memory_space<vmem>> -> memref<125x128xf32, #tpu.memory_space<vmem>>
        %dma_wait3A_103 = arith.constant 0 : i32
        %dma_wait3A_104 = tpu.memref_slice %arg8[%dma_wait3A_97, %dma_wait3A_103] : memref<80x125xi32, #tpu.memory_space<vmem>> -> memref<1x125xi32, #tpu.memory_space<vmem>>
        %dma_wait3A_105 = tpu.memref_squeeze %dma_wait3A_104 : memref<1x125xi32, #tpu.memory_space<vmem>> -> memref<125xi32, #tpu.memory_space<vmem>>
        %dma_wait3A_106 = arith.constant 0 : i32
        %dma_wait3A_107 = arith.constant 0 : i32
        %dma_wait3A_108 = tpu.memref_slice %arg5[%dma_wait3A_106, %dma_wait3A_107] : memref<10000x128xf32, #tpu.memory_space<hbm>> -> memref<10000x128xf32, #tpu.memory_space<hbm>>
        tpu.wait_indirect_dma semaphore(%arg13 : memref<!tpu.dma_semaphore, #tpu.memory_space<semaphore_mem>>) src(%dma_wait3A_108 : memref<10000x128xf32, #tpu.memory_space<hbm>>) dst(%dma_wait3A_102 : memref<125x128xf32, #tpu.memory_space<vmem>>)
        %add3A_109 = arith.constant 1 : i32
        %add3A_110 = arith.addi %mul3A_73, %add3A_109 : i32
        %run_scoped3A_111 = arith.constant 1 : i32
        "tpu.region"() ({
          %run_scoped3A_123 = tpu.sem_alloc : memref<!tpu.dma_semaphore, #tpu.memory_space<semaphore_mem>>
          %dma_start3A_124 = arith.constant 0 : i32
          %dma_start3A_125 = arith.constant 0 : i32
          %dma_start3A_126 = tpu.memref_slice %arg10[%run_scoped3A_111, %dma_start3A_124, %dma_start3A_125] : memref<2x125x128xf32, #tpu.memory_space<vmem>> -> memref<1x125x128xf32, #tpu.memory_space<vmem>>
          %dma_start3A_127 = tpu.memref_squeeze %dma_start3A_126 : memref<1x125x128xf32, #tpu.memory_space<vmem>> -> memref<125x128xf32, #tpu.memory_space<vmem>>
          %dma_start3A_128 = arith.constant 0 : i32
          %dma_start3A_129 = tpu.memref_slice %arg9[%add3A_110, %dma_start3A_128] : memref<40x125xi32, #tpu.memory_space<vmem>> -> memref<1x125xi32, #tpu.memory_space<vmem>>
          %dma_start3A_130 = tpu.memref_squeeze %dma_start3A_129 : memref<1x125xi32, #tpu.memory_space<vmem>> -> memref<125xi32, #tpu.memory_space<vmem>>
          %dma_start3A_131 = arith.constant 0 : i32
          %dma_start3A_132 = arith.constant 0 : i32
          %dma_start3A_133 = tpu.memref_slice %arg11[%dma_start3A_131, %dma_start3A_132] : memref<10000x128xf32, #tpu.memory_space<vmem_shared>> -> memref<10000x128xf32, #tpu.memory_space<vmem_shared>>
          tpu.enqueue_indirect_dma source(%dma_start3A_127 : memref<125x128xf32, #tpu.memory_space<vmem>>) target(%dma_start3A_133 : memref<10000x128xf32, #tpu.memory_space<vmem_shared>>) offsets(%dma_start3A_130 : memref<125xi32, #tpu.memory_space<vmem>>) semaphore(%run_scoped3A_123 : memref<!tpu.dma_semaphore, #tpu.memory_space<semaphore_mem>>) {add = true}
          %dma_wait3A_134 = arith.constant 0 : i32
          %dma_wait3A_135 = arith.constant 0 : i32
          %dma_wait3A_136 = tpu.memref_slice %arg10[%run_scoped3A_111, %dma_wait3A_134, %dma_wait3A_135] : memref<2x125x128xf32, #tpu.memory_space<vmem>> -> memref<1x125x128xf32, #tpu.memory_space<vmem>>
          %dma_wait3A_137 = tpu.memref_squeeze %dma_wait3A_136 : memref<1x125x128xf32, #tpu.memory_space<vmem>> -> memref<125x128xf32, #tpu.memory_space<vmem>>
          %dma_wait3A_138 = arith.constant 0 : i32
          %dma_wait3A_139 = tpu.memref_slice %arg9[%add3A_110, %dma_wait3A_138] : memref<40x125xi32, #tpu.memory_space<vmem>> -> memref<1x125xi32, #tpu.memory_space<vmem>>
          %dma_wait3A_140 = tpu.memref_squeeze %dma_wait3A_139 : memref<1x125xi32, #tpu.memory_space<vmem>> -> memref<125xi32, #tpu.memory_space<vmem>>
          %dma_wait3A_141 = arith.constant 0 : i32
          %dma_wait3A_142 = arith.constant 0 : i32
          %dma_wait3A_143 = tpu.memref_slice %arg11[%dma_wait3A_141, %dma_wait3A_142] : memref<10000x128xf32, #tpu.memory_space<vmem_shared>> -> memref<10000x128xf32, #tpu.memory_space<vmem_shared>>
          tpu.wait_indirect_dma semaphore(%run_scoped3A_123 : memref<!tpu.dma_semaphore, #tpu.memory_space<semaphore_mem>>) src(%dma_wait3A_137 : memref<125x128xf32, #tpu.memory_space<vmem>>) dst(%dma_wait3A_143 : memref<10000x128xf32, #tpu.memory_space<vmem_shared>>)
          tpu.yield
        }) : () -> ()
        %add3A_112 = arith.constant 40 : i32
        %add3A_113 = arith.addi %add3A_112, %mul3A_73 : i32
        %add3A_114 = arith.constant 2 : i32
        %add3A_115 = arith.addi %add3A_113, %add3A_114 : i32
        %add3A_116 = arith.constant 1 : i32
        %add3A_117 = arith.addi %add3A_115, %add3A_116 : i32
        %lt3A_118 = arith.constant 80 : i32
        %lt3A_119 = arith.cmpi slt, %add3A_117, %lt3A_118 : i32
        %convert_element_type3A_120 = arith.extui %lt3A_119 : i1 to i32
        %cond3A_121 = arith.constant 0 : i32
        %cond3A_122 = arith.cmpi ne, %convert_element_type3A_120, %cond3A_121 : i32
        scf.if %cond3A_122 {
          %dma_start3A_123 = arith.constant 1 : i32
          %dma_start3A_124 = arith.constant 0 : i32
          %dma_start3A_125 = arith.constant 0 : i32
          %dma_start3A_126 = tpu.memref_slice %arg10[%dma_start3A_123, %dma_start3A_124, %dma_start3A_125] : memref<2x125x128xf32, #tpu.memory_space<vmem>> -> memref<1x125x128xf32, #tpu.memory_space<vmem>>
          %dma_start3A_127 = tpu.memref_squeeze %dma_start3A_126 : memref<1x125x128xf32, #tpu.memory_space<vmem>> -> memref<125x128xf32, #tpu.memory_space<vmem>>
          %dma_start3A_128 = arith.constant 0 : i32
          %dma_start3A_129 = tpu.memref_slice %arg8[%add3A_117, %dma_start3A_128] : memref<80x125xi32, #tpu.memory_space<vmem>> -> memref<1x125xi32, #tpu.memory_space<vmem>>
          %dma_start3A_130 = tpu.memref_squeeze %dma_start3A_129 : memref<1x125xi32, #tpu.memory_space<vmem>> -> memref<125xi32, #tpu.memory_space<vmem>>
          %dma_start3A_131 = arith.constant 0 : i32
          %dma_start3A_132 = arith.constant 0 : i32
          %dma_start3A_133 = tpu.memref_slice %arg5[%dma_start3A_131, %dma_start3A_132] : memref<10000x128xf32, #tpu.memory_space<hbm>> -> memref<10000x128xf32, #tpu.memory_space<hbm>>
          tpu.enqueue_indirect_dma source(%dma_start3A_133 : memref<10000x128xf32, #tpu.memory_space<hbm>>) target(%dma_start3A_127 : memref<125x128xf32, #tpu.memory_space<vmem>>) offsets(%dma_start3A_130 : memref<125xi32, #tpu.memory_space<vmem>>) semaphore(%arg13 : memref<!tpu.dma_semaphore, #tpu.memory_space<semaphore_mem>>)
        } else {
        }
      }
      %scan3A_55 = arith.constant 20 : i32
      %barrier3A_56 = arith.constant 0 : index
      tpu.barrier barrier_id(%barrier3A_56)
      %mul3A_57 = arith.constant 624 : i32
      %mul3A_58 = arith.muli %arg1, %mul3A_57 : i32
      %mul3A_59 = arith.constant 624 : i32
      %mul3A_60 = arith.muli %arg1, %mul3A_59 : i32
      "tpu.region"() ({
        %run_scoped3A = tpu.sem_alloc : memref<!tpu.dma_semaphore, #tpu.memory_space<semaphore_mem>>
        %dma_start3A_67 = arith.constant 0 : i32
        %dma_start3A_68 = tpu.memref_slice %arg7[%mul3A_60, %dma_start3A_67] : memref<10000x128xf32, #tpu.memory_space<hbm>> -> memref<624x128xf32, #tpu.memory_space<hbm>>
        %dma_start3A_69 = arith.constant 0 : i32
        %dma_start3A_70 = tpu.memref_slice %arg11[%mul3A_58, %dma_start3A_69] : memref<10000x128xf32, #tpu.memory_space<vmem_shared>> -> memref<624x128xf32, #tpu.memory_space<vmem_shared>>
        tpu.enqueue_dma source(%dma_start3A_70 : memref<624x128xf32, #tpu.memory_space<vmem_shared>>) target(%dma_start3A_68 : memref<624x128xf32, #tpu.memory_space<hbm>>) target_semaphore(%run_scoped3A : memref<!tpu.dma_semaphore, #tpu.memory_space<semaphore_mem>>)
        %dma_wait3A = arith.constant 0 : i32
        %dma_wait3A_71 = tpu.memref_slice %arg7[%mul3A_60, %dma_wait3A] : memref<10000x128xf32, #tpu.memory_space<hbm>> -> memref<624x128xf32, #tpu.memory_space<hbm>>
        %dma_wait3A_72 = arith.constant 0 : i32
        %dma_wait3A_73 = tpu.memref_slice %arg11[%mul3A_58, %dma_wait3A_72] : memref<10000x128xf32, #tpu.memory_space<vmem_shared>> -> memref<624x128xf32, #tpu.memory_space<vmem_shared>>
        tpu.wait_dma2 semaphore(%run_scoped3A : memref<!tpu.dma_semaphore, #tpu.memory_space<semaphore_mem>>) src(%dma_wait3A_73 : memref<624x128xf32, #tpu.memory_space<vmem_shared>>) dst(%dma_wait3A_71 : memref<624x128xf32, #tpu.memory_space<hbm>>)
        tpu.yield
      }) : () -> ()
      %eq3A_61 = arith.constant 15 : i32
      %eq3A_62 = arith.cmpi eq, %arg1, %eq3A_61 : i32
      %convert_element_type3A_63 = arith.extui %eq3A_62 : i1 to i32
      %cond3A_64 = arith.constant 0 : i32
      %cond3A_65 = arith.cmpi ne, %convert_element_type3A_63, %cond3A_64 : i32
      scf.if %cond3A_65 {
        "tpu.region"() ({
          %run_scoped3A = tpu.sem_alloc : memref<!tpu.dma_semaphore, #tpu.memory_space<semaphore_mem>>
          %dma_start3A_67 = arith.constant 9984 : i32
          %dma_start3A_68 = arith.constant 0 : i32
          %dma_start3A_69 = tpu.memref_slice %arg7[%dma_start3A_67, %dma_start3A_68] : memref<10000x128xf32, #tpu.memory_space<hbm>> -> memref<16x128xf32, #tpu.memory_space<hbm>>
          %dma_start3A_70 = arith.constant 9984 : i32
          %dma_start3A_71 = arith.constant 0 : i32
          %dma_start3A_72 = tpu.memref_slice %arg11[%dma_start3A_70, %dma_start3A_71] : memref<10000x128xf32, #tpu.memory_space<vmem_shared>> -> memref<16x128xf32, #tpu.memory_space<vmem_shared>>
          tpu.enqueue_dma source(%dma_start3A_72 : memref<16x128xf32, #tpu.memory_space<vmem_shared>>) target(%dma_start3A_69 : memref<16x128xf32, #tpu.memory_space<hbm>>) target_semaphore(%run_scoped3A : memref<!tpu.dma_semaphore, #tpu.memory_space<semaphore_mem>>)
          %dma_wait3A = arith.constant 9984 : i32
          %dma_wait3A_73 = arith.constant 0 : i32
          %dma_wait3A_74 = tpu.memref_slice %arg7[%dma_wait3A, %dma_wait3A_73] : memref<10000x128xf32, #tpu.memory_space<hbm>> -> memref<16x128xf32, #tpu.memory_space<hbm>>
          %dma_wait3A_75 = arith.constant 9984 : i32
          %dma_wait3A_76 = arith.constant 0 : i32
          %dma_wait3A_77 = tpu.memref_slice %arg11[%dma_wait3A_75, %dma_wait3A_76] : memref<10000x128xf32, #tpu.memory_space<vmem_shared>> -> memref<16x128xf32, #tpu.memory_space<vmem_shared>>
          tpu.wait_dma2 semaphore(%run_scoped3A : memref<!tpu.dma_semaphore, #tpu.memory_space<semaphore_mem>>) src(%dma_wait3A_77 : memref<16x128xf32, #tpu.memory_space<vmem_shared>>) dst(%dma_wait3A_74 : memref<16x128xf32, #tpu.memory_space<hbm>>)
          tpu.yield
        }) : () -> ()
      } else {
      }
      %barrier3A_66 = arith.constant 0 : index
      tpu.barrier barrier_id(%barrier3A_66)
    } else {
    }
    return
  }
}

#map = affine_map<(d0, d1) -> (0, 0)>
module attributes {stable_mosaic.version = 14 : i64} {
  func.func @scat_kernel(%arg0: i32, %arg1: i32, %arg2: memref<1280x125xi32, #tpu.memory_space<hbm>>, %arg3: memref<1280x125xi32, #tpu.memory_space<hbm>>, %arg4: memref<10000x128xf32, #tpu.memory_space<hbm>>, %arg5: memref<10000x128xf32, #tpu.memory_space<hbm>>, %arg6: memref<10000x128xf32, #tpu.memory_space<hbm>>, %arg7: memref<10000x128xf32, #tpu.memory_space<hbm>>, %arg8: memref<10000x128xf32, #tpu.memory_space<hbm>>, %arg9: memref<10000x128xf32, #tpu.memory_space<hbm>>, %arg10: memref<10000x128xf32, #tpu.memory_space<hbm>>, %arg11: memref<10000x128xf32, #tpu.memory_space<hbm>>, %arg12: memref<80x125xi32, #tpu.memory_space<vmem>>, %arg13: memref<40x125xi32, #tpu.memory_space<vmem>>, %arg14: memref<2x125x128xf32, #tpu.memory_space<vmem>>, %arg15: memref<10000x128xf32, #tpu.memory_space<vmem_shared>>, %arg16: memref<!tpu.dma_semaphore, #tpu.memory_space<semaphore_mem>>, %arg17: memref<!tpu.dma_semaphore, #tpu.memory_space<semaphore_mem>>) attributes {dimension_semantics = [#tpu.dimension_semantics<core_parallel>, #tpu.dimension_semantics<subcore_parallel>], iteration_bounds = array<i64: 2, 16>, scalar_prefetch = 0 : i64, scratch_operands = 6 : i64, tpu.core_type = #tpu.core_type<sc_vector_subcore>, window_params = [{transform_indices = #map}, {transform_indices = #map}, {transform_indices = #map}, {transform_indices = #map}, {transform_indices = #map}, {transform_indices = #map}, {transform_indices = #map}, {transform_indices = #map}, {transform_indices = #map}, {transform_indices = #map}]} {
    %mul3A = arith.constant 80 : i32
    %mul3A_0 = arith.muli %arg1, %mul3A : i32
    "tpu.region"() ({
      %run_scoped3A = tpu.sem_alloc : memref<!tpu.dma_semaphore, #tpu.memory_space<semaphore_mem>>
      %dma_start3A = arith.constant 0 : i32
      %dma_start3A_8 = tpu.memref_slice %arg2[%mul3A_0, %dma_start3A] : memref<1280x125xi32, #tpu.memory_space<hbm>> -> memref<80x125xi32, #tpu.memory_space<hbm>>
      %dma_start3A_9 = arith.constant 0 : i32
      %dma_start3A_10 = tpu.memref_slice %arg2[%mul3A_0, %dma_start3A_9] : memref<1280x125xi32, #tpu.memory_space<hbm>> -> memref<80x125xi32, #tpu.memory_space<hbm>>
      tpu.enqueue_dma source(%dma_start3A_10 : memref<80x125xi32, #tpu.memory_space<hbm>>) target(%arg12 : memref<80x125xi32, #tpu.memory_space<vmem>>) target_semaphore(%run_scoped3A : memref<!tpu.dma_semaphore, #tpu.memory_space<semaphore_mem>>)
      %dma_wait3A = arith.constant 0 : i32
      %dma_wait3A_11 = tpu.memref_slice %arg2[%mul3A_0, %dma_wait3A] : memref<1280x125xi32, #tpu.memory_space<hbm>> -> memref<80x125xi32, #tpu.memory_space<hbm>>
      %dma_wait3A_12 = arith.constant 0 : i32
      %dma_wait3A_13 = tpu.memref_slice %arg2[%mul3A_0, %dma_wait3A_12] : memref<1280x125xi32, #tpu.memory_space<hbm>> -> memref<80x125xi32, #tpu.memory_space<hbm>>
      tpu.wait_dma2 semaphore(%run_scoped3A : memref<!tpu.dma_semaphore, #tpu.memory_space<semaphore_mem>>) src(%dma_wait3A_13 : memref<80x125xi32, #tpu.memory_space<hbm>>) dst(%arg12 : memref<80x125xi32, #tpu.memory_space<vmem>>)
      tpu.yield
    }) : () -> ()
    %eq3A = arith.constant 0 : i32
    %eq3A_1 = arith.cmpi eq, %arg0, %eq3A : i32
    %convert_element_type3A = arith.extui %eq3A_1 : i1 to i32
    %cond3A = arith.constant 0 : i32
    %cond3A_2 = arith.cmpi ne, %convert_element_type3A, %cond3A : i32
    scf.if %cond3A_2 {
      %mul3A_8 = arith.constant 624 : i32
      %mul3A_9 = arith.muli %arg1, %mul3A_8 : i32
      %mul3A_10 = arith.constant 624 : i32
      %mul3A_11 = arith.muli %arg1, %mul3A_10 : i32
      "tpu.region"() ({
        %run_scoped3A = tpu.sem_alloc : memref<!tpu.dma_semaphore, #tpu.memory_space<semaphore_mem>>
        %dma_start3A_130 = arith.constant 0 : i32
        %dma_start3A_131 = tpu.memref_slice %arg15[%mul3A_11, %dma_start3A_130] : memref<10000x128xf32, #tpu.memory_space<vmem_shared>> -> memref<624x128xf32, #tpu.memory_space<vmem_shared>>
        %dma_start3A_132 = arith.constant 0 : i32
        %dma_start3A_133 = tpu.memref_slice %arg4[%mul3A_9, %dma_start3A_132] : memref<10000x128xf32, #tpu.memory_space<hbm>> -> memref<624x128xf32, #tpu.memory_space<hbm>>
        tpu.enqueue_dma source(%dma_start3A_133 : memref<624x128xf32, #tpu.memory_space<hbm>>) target(%dma_start3A_131 : memref<624x128xf32, #tpu.memory_space<vmem_shared>>) target_semaphore(%run_scoped3A : memref<!tpu.dma_semaphore, #tpu.memory_space<semaphore_mem>>)
        %dma_wait3A = arith.constant 0 : i32
        %dma_wait3A_134 = tpu.memref_slice %arg15[%mul3A_11, %dma_wait3A] : memref<10000x128xf32, #tpu.memory_space<vmem_shared>> -> memref<624x128xf32, #tpu.memory_space<vmem_shared>>
        %dma_wait3A_135 = arith.constant 0 : i32
        %dma_wait3A_136 = tpu.memref_slice %arg4[%mul3A_9, %dma_wait3A_135] : memref<10000x128xf32, #tpu.memory_space<hbm>> -> memref<624x128xf32, #tpu.memory_space<hbm>>
        tpu.wait_dma2 semaphore(%run_scoped3A : memref<!tpu.dma_semaphore, #tpu.memory_space<semaphore_mem>>) src(%dma_wait3A_136 : memref<624x128xf32, #tpu.memory_space<hbm>>) dst(%dma_wait3A_134 : memref<624x128xf32, #tpu.memory_space<vmem_shared>>)
        tpu.yield
      }) : () -> ()
      %eq3A_12 = arith.constant 15 : i32
      %eq3A_13 = arith.cmpi eq, %arg1, %eq3A_12 : i32
      %convert_element_type3A_14 = arith.extui %eq3A_13 : i1 to i32
      %cond3A_15 = arith.constant 0 : i32
      %cond3A_16 = arith.cmpi ne, %convert_element_type3A_14, %cond3A_15 : i32
      scf.if %cond3A_16 {
        "tpu.region"() ({
          %run_scoped3A = tpu.sem_alloc : memref<!tpu.dma_semaphore, #tpu.memory_space<semaphore_mem>>
          %dma_start3A_130 = arith.constant 9984 : i32
          %dma_start3A_131 = arith.constant 0 : i32
          %dma_start3A_132 = tpu.memref_slice %arg15[%dma_start3A_130, %dma_start3A_131] : memref<10000x128xf32, #tpu.memory_space<vmem_shared>> -> memref<16x128xf32, #tpu.memory_space<vmem_shared>>
          %dma_start3A_133 = arith.constant 9984 : i32
          %dma_start3A_134 = arith.constant 0 : i32
          %dma_start3A_135 = tpu.memref_slice %arg4[%dma_start3A_133, %dma_start3A_134] : memref<10000x128xf32, #tpu.memory_space<hbm>> -> memref<16x128xf32, #tpu.memory_space<hbm>>
          tpu.enqueue_dma source(%dma_start3A_135 : memref<16x128xf32, #tpu.memory_space<hbm>>) target(%dma_start3A_132 : memref<16x128xf32, #tpu.memory_space<vmem_shared>>) target_semaphore(%run_scoped3A : memref<!tpu.dma_semaphore, #tpu.memory_space<semaphore_mem>>)
          %dma_wait3A = arith.constant 9984 : i32
          %dma_wait3A_136 = arith.constant 0 : i32
          %dma_wait3A_137 = tpu.memref_slice %arg15[%dma_wait3A, %dma_wait3A_136] : memref<10000x128xf32, #tpu.memory_space<vmem_shared>> -> memref<16x128xf32, #tpu.memory_space<vmem_shared>>
          %dma_wait3A_138 = arith.constant 9984 : i32
          %dma_wait3A_139 = arith.constant 0 : i32
          %dma_wait3A_140 = tpu.memref_slice %arg4[%dma_wait3A_138, %dma_wait3A_139] : memref<10000x128xf32, #tpu.memory_space<hbm>> -> memref<16x128xf32, #tpu.memory_space<hbm>>
          tpu.wait_dma2 semaphore(%run_scoped3A : memref<!tpu.dma_semaphore, #tpu.memory_space<semaphore_mem>>) src(%dma_wait3A_140 : memref<16x128xf32, #tpu.memory_space<hbm>>) dst(%dma_wait3A_137 : memref<16x128xf32, #tpu.memory_space<vmem_shared>>)
          tpu.yield
        }) : () -> ()
      } else {
      }
      %barrier3A = arith.constant 0 : index
      tpu.barrier barrier_id(%barrier3A)
      %dma_start3A = arith.constant 0 : i32
      %dma_start3A_17 = arith.constant 0 : i32
      %dma_start3A_18 = arith.constant 0 : i32
      %dma_start3A_19 = arith.constant 0 : i32
      %dma_start3A_20 = tpu.memref_slice %arg14[%dma_start3A_17, %dma_start3A_18, %dma_start3A_19] : memref<2x125x128xf32, #tpu.memory_space<vmem>> -> memref<1x125x128xf32, #tpu.memory_space<vmem>>
      %dma_start3A_21 = tpu.memref_squeeze %dma_start3A_20 : memref<1x125x128xf32, #tpu.memory_space<vmem>> -> memref<125x128xf32, #tpu.memory_space<vmem>>
      %dma_start3A_22 = arith.constant 0 : i32
      %dma_start3A_23 = tpu.memref_slice %arg12[%dma_start3A, %dma_start3A_22] : memref<80x125xi32, #tpu.memory_space<vmem>> -> memref<1x125xi32, #tpu.memory_space<vmem>>
      %dma_start3A_24 = tpu.memref_squeeze %dma_start3A_23 : memref<1x125xi32, #tpu.memory_space<vmem>> -> memref<125xi32, #tpu.memory_space<vmem>>
      %dma_start3A_25 = arith.constant 0 : i32
      %dma_start3A_26 = arith.constant 0 : i32
      %dma_start3A_27 = tpu.memref_slice %arg4[%dma_start3A_25, %dma_start3A_26] : memref<10000x128xf32, #tpu.memory_space<hbm>> -> memref<10000x128xf32, #tpu.memory_space<hbm>>
      tpu.enqueue_indirect_dma source(%dma_start3A_27 : memref<10000x128xf32, #tpu.memory_space<hbm>>) target(%dma_start3A_21 : memref<125x128xf32, #tpu.memory_space<vmem>>) offsets(%dma_start3A_24 : memref<125xi32, #tpu.memory_space<vmem>>) semaphore(%arg16 : memref<!tpu.dma_semaphore, #tpu.memory_space<semaphore_mem>>)
      %dma_start3A_28 = arith.constant 1 : i32
      %dma_start3A_29 = arith.constant 1 : i32
      %dma_start3A_30 = arith.constant 0 : i32
      %dma_start3A_31 = arith.constant 0 : i32
      %dma_start3A_32 = tpu.memref_slice %arg14[%dma_start3A_29, %dma_start3A_30, %dma_start3A_31] : memref<2x125x128xf32, #tpu.memory_space<vmem>> -> memref<1x125x128xf32, #tpu.memory_space<vmem>>
      %dma_start3A_33 = tpu.memref_squeeze %dma_start3A_32 : memref<1x125x128xf32, #tpu.memory_space<vmem>> -> memref<125x128xf32, #tpu.memory_space<vmem>>
      %dma_start3A_34 = arith.constant 0 : i32
      %dma_start3A_35 = tpu.memref_slice %arg12[%dma_start3A_28, %dma_start3A_34] : memref<80x125xi32, #tpu.memory_space<vmem>> -> memref<1x125xi32, #tpu.memory_space<vmem>>
      %dma_start3A_36 = tpu.memref_squeeze %dma_start3A_35 : memref<1x125xi32, #tpu.memory_space<vmem>> -> memref<125xi32, #tpu.memory_space<vmem>>
      %dma_start3A_37 = arith.constant 0 : i32
      %dma_start3A_38 = arith.constant 0 : i32
      %dma_start3A_39 = tpu.memref_slice %arg4[%dma_start3A_37, %dma_start3A_38] : memref<10000x128xf32, #tpu.memory_space<hbm>> -> memref<10000x128xf32, #tpu.memory_space<hbm>>
      tpu.enqueue_indirect_dma source(%dma_start3A_39 : memref<10000x128xf32, #tpu.memory_space<hbm>>) target(%dma_start3A_33 : memref<125x128xf32, #tpu.memory_space<vmem>>) offsets(%dma_start3A_36 : memref<125xi32, #tpu.memory_space<vmem>>) semaphore(%arg17 : memref<!tpu.dma_semaphore, #tpu.memory_space<semaphore_mem>>)
      %mul3A_40 = arith.constant 80 : i32
      %mul3A_41 = arith.muli %arg1, %mul3A_40 : i32
      %add3A = arith.constant 0 : i32
      %add3A_42 = arith.addi %mul3A_41, %add3A : i32
      "tpu.region"() ({
        %run_scoped3A = tpu.sem_alloc : memref<!tpu.dma_semaphore, #tpu.memory_space<semaphore_mem>>
        %dma_start3A_130 = arith.constant 0 : i32
        %dma_start3A_131 = tpu.memref_slice %arg3[%add3A_42, %dma_start3A_130] : memref<1280x125xi32, #tpu.memory_space<hbm>> -> memref<40x125xi32, #tpu.memory_space<hbm>>
        %dma_start3A_132 = arith.constant 0 : i32
        %dma_start3A_133 = tpu.memref_slice %arg3[%add3A_42, %dma_start3A_132] : memref<1280x125xi32, #tpu.memory_space<hbm>> -> memref<40x125xi32, #tpu.memory_space<hbm>>
        tpu.enqueue_dma source(%dma_start3A_133 : memref<40x125xi32, #tpu.memory_space<hbm>>) target(%arg13 : memref<40x125xi32, #tpu.memory_space<vmem>>) target_semaphore(%run_scoped3A : memref<!tpu.dma_semaphore, #tpu.memory_space<semaphore_mem>>)
        %dma_wait3A = arith.constant 0 : i32
        %dma_wait3A_134 = tpu.memref_slice %arg3[%add3A_42, %dma_wait3A] : memref<1280x125xi32, #tpu.memory_space<hbm>> -> memref<40x125xi32, #tpu.memory_space<hbm>>
        %dma_wait3A_135 = arith.constant 0 : i32
        %dma_wait3A_136 = tpu.memref_slice %arg3[%add3A_42, %dma_wait3A_135] : memref<1280x125xi32, #tpu.memory_space<hbm>> -> memref<40x125xi32, #tpu.memory_space<hbm>>
        tpu.wait_dma2 semaphore(%run_scoped3A : memref<!tpu.dma_semaphore, #tpu.memory_space<semaphore_mem>>) src(%dma_wait3A_136 : memref<40x125xi32, #tpu.memory_space<hbm>>) dst(%arg13 : memref<40x125xi32, #tpu.memory_space<vmem>>)
        tpu.yield
      }) : () -> ()
      %scan3A = arith.constant 0 : i32
      %scan3A_43 = arith.constant 20 : i32
      %scan3A_44 = arith.addi %scan3A, %scan3A_43 : i32
      %scan3A_45 = arith.constant 1 : i32
      scf.for %scan3A_130 = %scan3A to %scan3A_44 step %scan3A_45  : i32 {
        %mul3A_131 = arith.constant 1 : i32
        %mul3A_132 = arith.muli %scan3A_130, %mul3A_131 : i32
        %add3A_133 = arith.constant 0 : i32
        %add3A_134 = arith.addi %add3A_133, %mul3A_132 : i32
        %mul3A_135 = arith.constant 2 : i32
        %mul3A_136 = arith.muli %mul3A_135, %add3A_134 : i32
        %dma_wait3A = arith.constant 0 : i32
        %dma_wait3A_137 = arith.constant 0 : i32
        %dma_wait3A_138 = arith.constant 0 : i32
        %dma_wait3A_139 = arith.constant 0 : i32
        %dma_wait3A_140 = tpu.memref_slice %arg14[%dma_wait3A_137, %dma_wait3A_138, %dma_wait3A_139] : memref<2x125x128xf32, #tpu.memory_space<vmem>> -> memref<1x125x128xf32, #tpu.memory_space<vmem>>
        %dma_wait3A_141 = tpu.memref_squeeze %dma_wait3A_140 : memref<1x125x128xf32, #tpu.memory_space<vmem>> -> memref<125x128xf32, #tpu.memory_space<vmem>>
        %dma_wait3A_142 = arith.constant 0 : i32
        %dma_wait3A_143 = tpu.memref_slice %arg12[%dma_wait3A, %dma_wait3A_142] : memref<80x125xi32, #tpu.memory_space<vmem>> -> memref<1x125xi32, #tpu.memory_space<vmem>>
        %dma_wait3A_144 = tpu.memref_squeeze %dma_wait3A_143 : memref<1x125xi32, #tpu.memory_space<vmem>> -> memref<125xi32, #tpu.memory_space<vmem>>
        %dma_wait3A_145 = arith.constant 0 : i32
        %dma_wait3A_146 = arith.constant 0 : i32
        %dma_wait3A_147 = tpu.memref_slice %arg4[%dma_wait3A_145, %dma_wait3A_146] : memref<10000x128xf32, #tpu.memory_space<hbm>> -> memref<10000x128xf32, #tpu.memory_space<hbm>>
        tpu.wait_indirect_dma semaphore(%arg16 : memref<!tpu.dma_semaphore, #tpu.memory_space<semaphore_mem>>) src(%dma_wait3A_147 : memref<10000x128xf32, #tpu.memory_space<hbm>>) dst(%dma_wait3A_141 : memref<125x128xf32, #tpu.memory_space<vmem>>)
        %add3A_148 = arith.constant 0 : i32
        %add3A_149 = arith.addi %mul3A_136, %add3A_148 : i32
        %run_scoped3A = arith.constant 0 : i32
        "tpu.region"() ({
          %run_scoped3A_186 = tpu.sem_alloc : memref<!tpu.dma_semaphore, #tpu.memory_space<semaphore_mem>>
          %dma_start3A_187 = arith.constant 0 : i32
          %dma_start3A_188 = arith.constant 0 : i32
          %dma_start3A_189 = tpu.memref_slice %arg14[%run_scoped3A, %dma_start3A_187, %dma_start3A_188] : memref<2x125x128xf32, #tpu.memory_space<vmem>> -> memref<1x125x128xf32, #tpu.memory_space<vmem>>
          %dma_start3A_190 = tpu.memref_squeeze %dma_start3A_189 : memref<1x125x128xf32, #tpu.memory_space<vmem>> -> memref<125x128xf32, #tpu.memory_space<vmem>>
          %dma_start3A_191 = arith.constant 0 : i32
          %dma_start3A_192 = tpu.memref_slice %arg13[%add3A_149, %dma_start3A_191] : memref<40x125xi32, #tpu.memory_space<vmem>> -> memref<1x125xi32, #tpu.memory_space<vmem>>
          %dma_start3A_193 = tpu.memref_squeeze %dma_start3A_192 : memref<1x125xi32, #tpu.memory_space<vmem>> -> memref<125xi32, #tpu.memory_space<vmem>>
          %dma_start3A_194 = arith.constant 0 : i32
          %dma_start3A_195 = arith.constant 0 : i32
          %dma_start3A_196 = tpu.memref_slice %arg15[%dma_start3A_194, %dma_start3A_195] : memref<10000x128xf32, #tpu.memory_space<vmem_shared>> -> memref<10000x128xf32, #tpu.memory_space<vmem_shared>>
          tpu.enqueue_indirect_dma source(%dma_start3A_190 : memref<125x128xf32, #tpu.memory_space<vmem>>) target(%dma_start3A_196 : memref<10000x128xf32, #tpu.memory_space<vmem_shared>>) offsets(%dma_start3A_193 : memref<125xi32, #tpu.memory_space<vmem>>) semaphore(%run_scoped3A_186 : memref<!tpu.dma_semaphore, #tpu.memory_space<semaphore_mem>>) {add = true}
          %dma_wait3A_197 = arith.constant 0 : i32
          %dma_wait3A_198 = arith.constant 0 : i32
          %dma_wait3A_199 = tpu.memref_slice %arg14[%run_scoped3A, %dma_wait3A_197, %dma_wait3A_198] : memref<2x125x128xf32, #tpu.memory_space<vmem>> -> memref<1x125x128xf32, #tpu.memory_space<vmem>>
          %dma_wait3A_200 = tpu.memref_squeeze %dma_wait3A_199 : memref<1x125x128xf32, #tpu.memory_space<vmem>> -> memref<125x128xf32, #tpu.memory_space<vmem>>
          %dma_wait3A_201 = arith.constant 0 : i32
          %dma_wait3A_202 = tpu.memref_slice %arg13[%add3A_149, %dma_wait3A_201] : memref<40x125xi32, #tpu.memory_space<vmem>> -> memref<1x125xi32, #tpu.memory_space<vmem>>
          %dma_wait3A_203 = tpu.memref_squeeze %dma_wait3A_202 : memref<1x125xi32, #tpu.memory_space<vmem>> -> memref<125xi32, #tpu.memory_space<vmem>>
          %dma_wait3A_204 = arith.constant 0 : i32
          %dma_wait3A_205 = arith.constant 0 : i32
          %dma_wait3A_206 = tpu.memref_slice %arg15[%dma_wait3A_204, %dma_wait3A_205] : memref<10000x128xf32, #tpu.memory_space<vmem_shared>> -> memref<10000x128xf32, #tpu.memory_space<vmem_shared>>
          tpu.wait_indirect_dma semaphore(%run_scoped3A_186 : memref<!tpu.dma_semaphore, #tpu.memory_space<semaphore_mem>>) src(%dma_wait3A_200 : memref<125x128xf32, #tpu.memory_space<vmem>>) dst(%dma_wait3A_206 : memref<10000x128xf32, #tpu.memory_space<vmem_shared>>)
          tpu.yield
        }) : () -> ()
        %add3A_150 = arith.constant 0 : i32
        %add3A_151 = arith.addi %add3A_150, %mul3A_136 : i32
        %add3A_152 = arith.constant 2 : i32
        %add3A_153 = arith.addi %add3A_151, %add3A_152 : i32
        %add3A_154 = arith.constant 0 : i32
        %add3A_155 = arith.addi %add3A_153, %add3A_154 : i32
        %lt3A = arith.constant 80 : i32
        %lt3A_156 = arith.cmpi slt, %add3A_155, %lt3A : i32
        %convert_element_type3A_157 = arith.extui %lt3A_156 : i1 to i32
        %cond3A_158 = arith.constant 0 : i32
        %cond3A_159 = arith.cmpi ne, %convert_element_type3A_157, %cond3A_158 : i32
        scf.if %cond3A_159 {
          %dma_start3A_186 = arith.constant 0 : i32
          %dma_start3A_187 = arith.constant 0 : i32
          %dma_start3A_188 = arith.constant 0 : i32
          %dma_start3A_189 = tpu.memref_slice %arg14[%dma_start3A_186, %dma_start3A_187, %dma_start3A_188] : memref<2x125x128xf32, #tpu.memory_space<vmem>> -> memref<1x125x128xf32, #tpu.memory_space<vmem>>
          %dma_start3A_190 = tpu.memref_squeeze %dma_start3A_189 : memref<1x125x128xf32, #tpu.memory_space<vmem>> -> memref<125x128xf32, #tpu.memory_space<vmem>>
          %dma_start3A_191 = arith.constant 0 : i32
          %dma_start3A_192 = tpu.memref_slice %arg12[%add3A_155, %dma_start3A_191] : memref<80x125xi32, #tpu.memory_space<vmem>> -> memref<1x125xi32, #tpu.memory_space<vmem>>
          %dma_start3A_193 = tpu.memref_squeeze %dma_start3A_192 : memref<1x125xi32, #tpu.memory_space<vmem>> -> memref<125xi32, #tpu.memory_space<vmem>>
          %dma_start3A_194 = arith.constant 0 : i32
          %dma_start3A_195 = arith.constant 0 : i32
          %dma_start3A_196 = tpu.memref_slice %arg4[%dma_start3A_194, %dma_start3A_195] : memref<10000x128xf32, #tpu.memory_space<hbm>> -> memref<10000x128xf32, #tpu.memory_space<hbm>>
          tpu.enqueue_indirect_dma source(%dma_start3A_196 : memref<10000x128xf32, #tpu.memory_space<hbm>>) target(%dma_start3A_190 : memref<125x128xf32, #tpu.memory_space<vmem>>) offsets(%dma_start3A_193 : memref<125xi32, #tpu.memory_space<vmem>>) semaphore(%arg16 : memref<!tpu.dma_semaphore, #tpu.memory_space<semaphore_mem>>)
        } else {
        }
        %dma_wait3A_160 = arith.constant 0 : i32
        %dma_wait3A_161 = arith.constant 1 : i32
        %dma_wait3A_162 = arith.constant 0 : i32
        %dma_wait3A_163 = arith.constant 0 : i32
        %dma_wait3A_164 = tpu.memref_slice %arg14[%dma_wait3A_161, %dma_wait3A_162, %dma_wait3A_163] : memref<2x125x128xf32, #tpu.memory_space<vmem>> -> memref<1x125x128xf32, #tpu.memory_space<vmem>>
        %dma_wait3A_165 = tpu.memref_squeeze %dma_wait3A_164 : memref<1x125x128xf32, #tpu.memory_space<vmem>> -> memref<125x128xf32, #tpu.memory_space<vmem>>
        %dma_wait3A_166 = arith.constant 0 : i32
        %dma_wait3A_167 = tpu.memref_slice %arg12[%dma_wait3A_160, %dma_wait3A_166] : memref<80x125xi32, #tpu.memory_space<vmem>> -> memref<1x125xi32, #tpu.memory_space<vmem>>
        %dma_wait3A_168 = tpu.memref_squeeze %dma_wait3A_167 : memref<1x125xi32, #tpu.memory_space<vmem>> -> memref<125xi32, #tpu.memory_space<vmem>>
        %dma_wait3A_169 = arith.constant 0 : i32
        %dma_wait3A_170 = arith.constant 0 : i32
        %dma_wait3A_171 = tpu.memref_slice %arg4[%dma_wait3A_169, %dma_wait3A_170] : memref<10000x128xf32, #tpu.memory_space<hbm>> -> memref<10000x128xf32, #tpu.memory_space<hbm>>
        tpu.wait_indirect_dma semaphore(%arg17 : memref<!tpu.dma_semaphore, #tpu.memory_space<semaphore_mem>>) src(%dma_wait3A_171 : memref<10000x128xf32, #tpu.memory_space<hbm>>) dst(%dma_wait3A_165 : memref<125x128xf32, #tpu.memory_space<vmem>>)
        %add3A_172 = arith.constant 1 : i32
        %add3A_173 = arith.addi %mul3A_136, %add3A_172 : i32
        %run_scoped3A_174 = arith.constant 1 : i32
        "tpu.region"() ({
          %run_scoped3A_186 = tpu.sem_alloc : memref<!tpu.dma_semaphore, #tpu.memory_space<semaphore_mem>>
          %dma_start3A_187 = arith.constant 0 : i32
          %dma_start3A_188 = arith.constant 0 : i32
          %dma_start3A_189 = tpu.memref_slice %arg14[%run_scoped3A_174, %dma_start3A_187, %dma_start3A_188] : memref<2x125x128xf32, #tpu.memory_space<vmem>> -> memref<1x125x128xf32, #tpu.memory_space<vmem>>
          %dma_start3A_190 = tpu.memref_squeeze %dma_start3A_189 : memref<1x125x128xf32, #tpu.memory_space<vmem>> -> memref<125x128xf32, #tpu.memory_space<vmem>>
          %dma_start3A_191 = arith.constant 0 : i32
          %dma_start3A_192 = tpu.memref_slice %arg13[%add3A_173, %dma_start3A_191] : memref<40x125xi32, #tpu.memory_space<vmem>> -> memref<1x125xi32, #tpu.memory_space<vmem>>
          %dma_start3A_193 = tpu.memref_squeeze %dma_start3A_192 : memref<1x125xi32, #tpu.memory_space<vmem>> -> memref<125xi32, #tpu.memory_space<vmem>>
          %dma_start3A_194 = arith.constant 0 : i32
          %dma_start3A_195 = arith.constant 0 : i32
          %dma_start3A_196 = tpu.memref_slice %arg15[%dma_start3A_194, %dma_start3A_195] : memref<10000x128xf32, #tpu.memory_space<vmem_shared>> -> memref<10000x128xf32, #tpu.memory_space<vmem_shared>>
          tpu.enqueue_indirect_dma source(%dma_start3A_190 : memref<125x128xf32, #tpu.memory_space<vmem>>) target(%dma_start3A_196 : memref<10000x128xf32, #tpu.memory_space<vmem_shared>>) offsets(%dma_start3A_193 : memref<125xi32, #tpu.memory_space<vmem>>) semaphore(%run_scoped3A_186 : memref<!tpu.dma_semaphore, #tpu.memory_space<semaphore_mem>>) {add = true}
          %dma_wait3A_197 = arith.constant 0 : i32
          %dma_wait3A_198 = arith.constant 0 : i32
          %dma_wait3A_199 = tpu.memref_slice %arg14[%run_scoped3A_174, %dma_wait3A_197, %dma_wait3A_198] : memref<2x125x128xf32, #tpu.memory_space<vmem>> -> memref<1x125x128xf32, #tpu.memory_space<vmem>>
          %dma_wait3A_200 = tpu.memref_squeeze %dma_wait3A_199 : memref<1x125x128xf32, #tpu.memory_space<vmem>> -> memref<125x128xf32, #tpu.memory_space<vmem>>
          %dma_wait3A_201 = arith.constant 0 : i32
          %dma_wait3A_202 = tpu.memref_slice %arg13[%add3A_173, %dma_wait3A_201] : memref<40x125xi32, #tpu.memory_space<vmem>> -> memref<1x125xi32, #tpu.memory_space<vmem>>
          %dma_wait3A_203 = tpu.memref_squeeze %dma_wait3A_202 : memref<1x125xi32, #tpu.memory_space<vmem>> -> memref<125xi32, #tpu.memory_space<vmem>>
          %dma_wait3A_204 = arith.constant 0 : i32
          %dma_wait3A_205 = arith.constant 0 : i32
          %dma_wait3A_206 = tpu.memref_slice %arg15[%dma_wait3A_204, %dma_wait3A_205] : memref<10000x128xf32, #tpu.memory_space<vmem_shared>> -> memref<10000x128xf32, #tpu.memory_space<vmem_shared>>
          tpu.wait_indirect_dma semaphore(%run_scoped3A_186 : memref<!tpu.dma_semaphore, #tpu.memory_space<semaphore_mem>>) src(%dma_wait3A_200 : memref<125x128xf32, #tpu.memory_space<vmem>>) dst(%dma_wait3A_206 : memref<10000x128xf32, #tpu.memory_space<vmem_shared>>)
          tpu.yield
        }) : () -> ()
        %add3A_175 = arith.constant 0 : i32
        %add3A_176 = arith.addi %add3A_175, %mul3A_136 : i32
        %add3A_177 = arith.constant 2 : i32
        %add3A_178 = arith.addi %add3A_176, %add3A_177 : i32
        %add3A_179 = arith.constant 1 : i32
        %add3A_180 = arith.addi %add3A_178, %add3A_179 : i32
        %lt3A_181 = arith.constant 80 : i32
        %lt3A_182 = arith.cmpi slt, %add3A_180, %lt3A_181 : i32
        %convert_element_type3A_183 = arith.extui %lt3A_182 : i1 to i32
        %cond3A_184 = arith.constant 0 : i32
        %cond3A_185 = arith.cmpi ne, %convert_element_type3A_183, %cond3A_184 : i32
        scf.if %cond3A_185 {
          %dma_start3A_186 = arith.constant 1 : i32
          %dma_start3A_187 = arith.constant 0 : i32
          %dma_start3A_188 = arith.constant 0 : i32
          %dma_start3A_189 = tpu.memref_slice %arg14[%dma_start3A_186, %dma_start3A_187, %dma_start3A_188] : memref<2x125x128xf32, #tpu.memory_space<vmem>> -> memref<1x125x128xf32, #tpu.memory_space<vmem>>
          %dma_start3A_190 = tpu.memref_squeeze %dma_start3A_189 : memref<1x125x128xf32, #tpu.memory_space<vmem>> -> memref<125x128xf32, #tpu.memory_space<vmem>>
          %dma_start3A_191 = arith.constant 0 : i32
          %dma_start3A_192 = tpu.memref_slice %arg12[%add3A_180, %dma_start3A_191] : memref<80x125xi32, #tpu.memory_space<vmem>> -> memref<1x125xi32, #tpu.memory_space<vmem>>
          %dma_start3A_193 = tpu.memref_squeeze %dma_start3A_192 : memref<1x125xi32, #tpu.memory_space<vmem>> -> memref<125xi32, #tpu.memory_space<vmem>>
          %dma_start3A_194 = arith.constant 0 : i32
          %dma_start3A_195 = arith.constant 0 : i32
          %dma_start3A_196 = tpu.memref_slice %arg4[%dma_start3A_194, %dma_start3A_195] : memref<10000x128xf32, #tpu.memory_space<hbm>> -> memref<10000x128xf32, #tpu.memory_space<hbm>>
          tpu.enqueue_indirect_dma source(%dma_start3A_196 : memref<10000x128xf32, #tpu.memory_space<hbm>>) target(%dma_start3A_190 : memref<125x128xf32, #tpu.memory_space<vmem>>) offsets(%dma_start3A_193 : memref<125xi32, #tpu.memory_space<vmem>>) semaphore(%arg17 : memref<!tpu.dma_semaphore, #tpu.memory_space<semaphore_mem>>)
        } else {
        }
      }
      %scan3A_46 = arith.constant 20 : i32
      %mul3A_47 = arith.constant 80 : i32
      %mul3A_48 = arith.muli %arg1, %mul3A_47 : i32
      %add3A_49 = arith.constant 40 : i32
      %add3A_50 = arith.addi %mul3A_48, %add3A_49 : i32
      "tpu.region"() ({
        %run_scoped3A = tpu.sem_alloc : memref<!tpu.dma_semaphore, #tpu.memory_space<semaphore_mem>>
        %dma_start3A_130 = arith.constant 0 : i32
        %dma_start3A_131 = tpu.memref_slice %arg3[%add3A_50, %dma_start3A_130] : memref<1280x125xi32, #tpu.memory_space<hbm>> -> memref<40x125xi32, #tpu.memory_space<hbm>>
        %dma_start3A_132 = arith.constant 0 : i32
        %dma_start3A_133 = tpu.memref_slice %arg3[%add3A_50, %dma_start3A_132] : memref<1280x125xi32, #tpu.memory_space<hbm>> -> memref<40x125xi32, #tpu.memory_space<hbm>>
        tpu.enqueue_dma source(%dma_start3A_133 : memref<40x125xi32, #tpu.memory_space<hbm>>) target(%arg13 : memref<40x125xi32, #tpu.memory_space<vmem>>) target_semaphore(%run_scoped3A : memref<!tpu.dma_semaphore, #tpu.memory_space<semaphore_mem>>)
        %dma_wait3A = arith.constant 0 : i32
        %dma_wait3A_134 = tpu.memref_slice %arg3[%add3A_50, %dma_wait3A] : memref<1280x125xi32, #tpu.memory_space<hbm>> -> memref<40x125xi32, #tpu.memory_space<hbm>>
        %dma_wait3A_135 = arith.constant 0 : i32
        %dma_wait3A_136 = tpu.memref_slice %arg3[%add3A_50, %dma_wait3A_135] : memref<1280x125xi32, #tpu.memory_space<hbm>> -> memref<40x125xi32, #tpu.memory_space<hbm>>
        tpu.wait_dma2 semaphore(%run_scoped3A : memref<!tpu.dma_semaphore, #tpu.memory_space<semaphore_mem>>) src(%dma_wait3A_136 : memref<40x125xi32, #tpu.memory_space<hbm>>) dst(%arg13 : memref<40x125xi32, #tpu.memory_space<vmem>>)
        tpu.yield
      }) : () -> ()
      %scan3A_51 = arith.constant 0 : i32
      %scan3A_52 = arith.constant 20 : i32
      %scan3A_53 = arith.addi %scan3A_51, %scan3A_52 : i32
      %scan3A_54 = arith.constant 1 : i32
      scf.for %scan3A_130 = %scan3A_51 to %scan3A_53 step %scan3A_54  : i32 {
        %mul3A_131 = arith.constant 1 : i32
        %mul3A_132 = arith.muli %scan3A_130, %mul3A_131 : i32
        %add3A_133 = arith.constant 0 : i32
        %add3A_134 = arith.addi %add3A_133, %mul3A_132 : i32
        %mul3A_135 = arith.constant 2 : i32
        %mul3A_136 = arith.muli %mul3A_135, %add3A_134 : i32
        %dma_wait3A = arith.constant 0 : i32
        %dma_wait3A_137 = arith.constant 0 : i32
        %dma_wait3A_138 = arith.constant 0 : i32
        %dma_wait3A_139 = arith.constant 0 : i32
        %dma_wait3A_140 = tpu.memref_slice %arg14[%dma_wait3A_137, %dma_wait3A_138, %dma_wait3A_139] : memref<2x125x128xf32, #tpu.memory_space<vmem>> -> memref<1x125x128xf32, #tpu.memory_space<vmem>>
        %dma_wait3A_141 = tpu.memref_squeeze %dma_wait3A_140 : memref<1x125x128xf32, #tpu.memory_space<vmem>> -> memref<125x128xf32, #tpu.memory_space<vmem>>
        %dma_wait3A_142 = arith.constant 0 : i32
        %dma_wait3A_143 = tpu.memref_slice %arg12[%dma_wait3A, %dma_wait3A_142] : memref<80x125xi32, #tpu.memory_space<vmem>> -> memref<1x125xi32, #tpu.memory_space<vmem>>
        %dma_wait3A_144 = tpu.memref_squeeze %dma_wait3A_143 : memref<1x125xi32, #tpu.memory_space<vmem>> -> memref<125xi32, #tpu.memory_space<vmem>>
        %dma_wait3A_145 = arith.constant 0 : i32
        %dma_wait3A_146 = arith.constant 0 : i32
        %dma_wait3A_147 = tpu.memref_slice %arg4[%dma_wait3A_145, %dma_wait3A_146] : memref<10000x128xf32, #tpu.memory_space<hbm>> -> memref<10000x128xf32, #tpu.memory_space<hbm>>
        tpu.wait_indirect_dma semaphore(%arg16 : memref<!tpu.dma_semaphore, #tpu.memory_space<semaphore_mem>>) src(%dma_wait3A_147 : memref<10000x128xf32, #tpu.memory_space<hbm>>) dst(%dma_wait3A_141 : memref<125x128xf32, #tpu.memory_space<vmem>>)
        %add3A_148 = arith.constant 0 : i32
        %add3A_149 = arith.addi %mul3A_136, %add3A_148 : i32
        %run_scoped3A = arith.constant 0 : i32
        "tpu.region"() ({
          %run_scoped3A_186 = tpu.sem_alloc : memref<!tpu.dma_semaphore, #tpu.memory_space<semaphore_mem>>
          %dma_start3A_187 = arith.constant 0 : i32
          %dma_start3A_188 = arith.constant 0 : i32
          %dma_start3A_189 = tpu.memref_slice %arg14[%run_scoped3A, %dma_start3A_187, %dma_start3A_188] : memref<2x125x128xf32, #tpu.memory_space<vmem>> -> memref<1x125x128xf32, #tpu.memory_space<vmem>>
          %dma_start3A_190 = tpu.memref_squeeze %dma_start3A_189 : memref<1x125x128xf32, #tpu.memory_space<vmem>> -> memref<125x128xf32, #tpu.memory_space<vmem>>
          %dma_start3A_191 = arith.constant 0 : i32
          %dma_start3A_192 = tpu.memref_slice %arg13[%add3A_149, %dma_start3A_191] : memref<40x125xi32, #tpu.memory_space<vmem>> -> memref<1x125xi32, #tpu.memory_space<vmem>>
          %dma_start3A_193 = tpu.memref_squeeze %dma_start3A_192 : memref<1x125xi32, #tpu.memory_space<vmem>> -> memref<125xi32, #tpu.memory_space<vmem>>
          %dma_start3A_194 = arith.constant 0 : i32
          %dma_start3A_195 = arith.constant 0 : i32
          %dma_start3A_196 = tpu.memref_slice %arg15[%dma_start3A_194, %dma_start3A_195] : memref<10000x128xf32, #tpu.memory_space<vmem_shared>> -> memref<10000x128xf32, #tpu.memory_space<vmem_shared>>
          tpu.enqueue_indirect_dma source(%dma_start3A_190 : memref<125x128xf32, #tpu.memory_space<vmem>>) target(%dma_start3A_196 : memref<10000x128xf32, #tpu.memory_space<vmem_shared>>) offsets(%dma_start3A_193 : memref<125xi32, #tpu.memory_space<vmem>>) semaphore(%run_scoped3A_186 : memref<!tpu.dma_semaphore, #tpu.memory_space<semaphore_mem>>) {add = true}
          %dma_wait3A_197 = arith.constant 0 : i32
          %dma_wait3A_198 = arith.constant 0 : i32
          %dma_wait3A_199 = tpu.memref_slice %arg14[%run_scoped3A, %dma_wait3A_197, %dma_wait3A_198] : memref<2x125x128xf32, #tpu.memory_space<vmem>> -> memref<1x125x128xf32, #tpu.memory_space<vmem>>
          %dma_wait3A_200 = tpu.memref_squeeze %dma_wait3A_199 : memref<1x125x128xf32, #tpu.memory_space<vmem>> -> memref<125x128xf32, #tpu.memory_space<vmem>>
          %dma_wait3A_201 = arith.constant 0 : i32
          %dma_wait3A_202 = tpu.memref_slice %arg13[%add3A_149, %dma_wait3A_201] : memref<40x125xi32, #tpu.memory_space<vmem>> -> memref<1x125xi32, #tpu.memory_space<vmem>>
          %dma_wait3A_203 = tpu.memref_squeeze %dma_wait3A_202 : memref<1x125xi32, #tpu.memory_space<vmem>> -> memref<125xi32, #tpu.memory_space<vmem>>
          %dma_wait3A_204 = arith.constant 0 : i32
          %dma_wait3A_205 = arith.constant 0 : i32
          %dma_wait3A_206 = tpu.memref_slice %arg15[%dma_wait3A_204, %dma_wait3A_205] : memref<10000x128xf32, #tpu.memory_space<vmem_shared>> -> memref<10000x128xf32, #tpu.memory_space<vmem_shared>>
          tpu.wait_indirect_dma semaphore(%run_scoped3A_186 : memref<!tpu.dma_semaphore, #tpu.memory_space<semaphore_mem>>) src(%dma_wait3A_200 : memref<125x128xf32, #tpu.memory_space<vmem>>) dst(%dma_wait3A_206 : memref<10000x128xf32, #tpu.memory_space<vmem_shared>>)
          tpu.yield
        }) : () -> ()
        %add3A_150 = arith.constant 40 : i32
        %add3A_151 = arith.addi %add3A_150, %mul3A_136 : i32
        %add3A_152 = arith.constant 2 : i32
        %add3A_153 = arith.addi %add3A_151, %add3A_152 : i32
        %add3A_154 = arith.constant 0 : i32
        %add3A_155 = arith.addi %add3A_153, %add3A_154 : i32
        %lt3A = arith.constant 80 : i32
        %lt3A_156 = arith.cmpi slt, %add3A_155, %lt3A : i32
        %convert_element_type3A_157 = arith.extui %lt3A_156 : i1 to i32
        %cond3A_158 = arith.constant 0 : i32
        %cond3A_159 = arith.cmpi ne, %convert_element_type3A_157, %cond3A_158 : i32
        scf.if %cond3A_159 {
          %dma_start3A_186 = arith.constant 0 : i32
          %dma_start3A_187 = arith.constant 0 : i32
          %dma_start3A_188 = arith.constant 0 : i32
          %dma_start3A_189 = tpu.memref_slice %arg14[%dma_start3A_186, %dma_start3A_187, %dma_start3A_188] : memref<2x125x128xf32, #tpu.memory_space<vmem>> -> memref<1x125x128xf32, #tpu.memory_space<vmem>>
          %dma_start3A_190 = tpu.memref_squeeze %dma_start3A_189 : memref<1x125x128xf32, #tpu.memory_space<vmem>> -> memref<125x128xf32, #tpu.memory_space<vmem>>
          %dma_start3A_191 = arith.constant 0 : i32
          %dma_start3A_192 = tpu.memref_slice %arg12[%add3A_155, %dma_start3A_191] : memref<80x125xi32, #tpu.memory_space<vmem>> -> memref<1x125xi32, #tpu.memory_space<vmem>>
          %dma_start3A_193 = tpu.memref_squeeze %dma_start3A_192 : memref<1x125xi32, #tpu.memory_space<vmem>> -> memref<125xi32, #tpu.memory_space<vmem>>
          %dma_start3A_194 = arith.constant 0 : i32
          %dma_start3A_195 = arith.constant 0 : i32
          %dma_start3A_196 = tpu.memref_slice %arg4[%dma_start3A_194, %dma_start3A_195] : memref<10000x128xf32, #tpu.memory_space<hbm>> -> memref<10000x128xf32, #tpu.memory_space<hbm>>
          tpu.enqueue_indirect_dma source(%dma_start3A_196 : memref<10000x128xf32, #tpu.memory_space<hbm>>) target(%dma_start3A_190 : memref<125x128xf32, #tpu.memory_space<vmem>>) offsets(%dma_start3A_193 : memref<125xi32, #tpu.memory_space<vmem>>) semaphore(%arg16 : memref<!tpu.dma_semaphore, #tpu.memory_space<semaphore_mem>>)
        } else {
        }
        %dma_wait3A_160 = arith.constant 0 : i32
        %dma_wait3A_161 = arith.constant 1 : i32
        %dma_wait3A_162 = arith.constant 0 : i32
        %dma_wait3A_163 = arith.constant 0 : i32
        %dma_wait3A_164 = tpu.memref_slice %arg14[%dma_wait3A_161, %dma_wait3A_162, %dma_wait3A_163] : memref<2x125x128xf32, #tpu.memory_space<vmem>> -> memref<1x125x128xf32, #tpu.memory_space<vmem>>
        %dma_wait3A_165 = tpu.memref_squeeze %dma_wait3A_164 : memref<1x125x128xf32, #tpu.memory_space<vmem>> -> memref<125x128xf32, #tpu.memory_space<vmem>>
        %dma_wait3A_166 = arith.constant 0 : i32
        %dma_wait3A_167 = tpu.memref_slice %arg12[%dma_wait3A_160, %dma_wait3A_166] : memref<80x125xi32, #tpu.memory_space<vmem>> -> memref<1x125xi32, #tpu.memory_space<vmem>>
        %dma_wait3A_168 = tpu.memref_squeeze %dma_wait3A_167 : memref<1x125xi32, #tpu.memory_space<vmem>> -> memref<125xi32, #tpu.memory_space<vmem>>
        %dma_wait3A_169 = arith.constant 0 : i32
        %dma_wait3A_170 = arith.constant 0 : i32
        %dma_wait3A_171 = tpu.memref_slice %arg4[%dma_wait3A_169, %dma_wait3A_170] : memref<10000x128xf32, #tpu.memory_space<hbm>> -> memref<10000x128xf32, #tpu.memory_space<hbm>>
        tpu.wait_indirect_dma semaphore(%arg17 : memref<!tpu.dma_semaphore, #tpu.memory_space<semaphore_mem>>) src(%dma_wait3A_171 : memref<10000x128xf32, #tpu.memory_space<hbm>>) dst(%dma_wait3A_165 : memref<125x128xf32, #tpu.memory_space<vmem>>)
        %add3A_172 = arith.constant 1 : i32
        %add3A_173 = arith.addi %mul3A_136, %add3A_172 : i32
        %run_scoped3A_174 = arith.constant 1 : i32
        "tpu.region"() ({
          %run_scoped3A_186 = tpu.sem_alloc : memref<!tpu.dma_semaphore, #tpu.memory_space<semaphore_mem>>
          %dma_start3A_187 = arith.constant 0 : i32
          %dma_start3A_188 = arith.constant 0 : i32
          %dma_start3A_189 = tpu.memref_slice %arg14[%run_scoped3A_174, %dma_start3A_187, %dma_start3A_188] : memref<2x125x128xf32, #tpu.memory_space<vmem>> -> memref<1x125x128xf32, #tpu.memory_space<vmem>>
          %dma_start3A_190 = tpu.memref_squeeze %dma_start3A_189 : memref<1x125x128xf32, #tpu.memory_space<vmem>> -> memref<125x128xf32, #tpu.memory_space<vmem>>
          %dma_start3A_191 = arith.constant 0 : i32
          %dma_start3A_192 = tpu.memref_slice %arg13[%add3A_173, %dma_start3A_191] : memref<40x125xi32, #tpu.memory_space<vmem>> -> memref<1x125xi32, #tpu.memory_space<vmem>>
          %dma_start3A_193 = tpu.memref_squeeze %dma_start3A_192 : memref<1x125xi32, #tpu.memory_space<vmem>> -> memref<125xi32, #tpu.memory_space<vmem>>
          %dma_start3A_194 = arith.constant 0 : i32
          %dma_start3A_195 = arith.constant 0 : i32
          %dma_start3A_196 = tpu.memref_slice %arg15[%dma_start3A_194, %dma_start3A_195] : memref<10000x128xf32, #tpu.memory_space<vmem_shared>> -> memref<10000x128xf32, #tpu.memory_space<vmem_shared>>
          tpu.enqueue_indirect_dma source(%dma_start3A_190 : memref<125x128xf32, #tpu.memory_space<vmem>>) target(%dma_start3A_196 : memref<10000x128xf32, #tpu.memory_space<vmem_shared>>) offsets(%dma_start3A_193 : memref<125xi32, #tpu.memory_space<vmem>>) semaphore(%run_scoped3A_186 : memref<!tpu.dma_semaphore, #tpu.memory_space<semaphore_mem>>) {add = true}
          %dma_wait3A_197 = arith.constant 0 : i32
          %dma_wait3A_198 = arith.constant 0 : i32
          %dma_wait3A_199 = tpu.memref_slice %arg14[%run_scoped3A_174, %dma_wait3A_197, %dma_wait3A_198] : memref<2x125x128xf32, #tpu.memory_space<vmem>> -> memref<1x125x128xf32, #tpu.memory_space<vmem>>
          %dma_wait3A_200 = tpu.memref_squeeze %dma_wait3A_199 : memref<1x125x128xf32, #tpu.memory_space<vmem>> -> memref<125x128xf32, #tpu.memory_space<vmem>>
          %dma_wait3A_201 = arith.constant 0 : i32
          %dma_wait3A_202 = tpu.memref_slice %arg13[%add3A_173, %dma_wait3A_201] : memref<40x125xi32, #tpu.memory_space<vmem>> -> memref<1x125xi32, #tpu.memory_space<vmem>>
          %dma_wait3A_203 = tpu.memref_squeeze %dma_wait3A_202 : memref<1x125xi32, #tpu.memory_space<vmem>> -> memref<125xi32, #tpu.memory_space<vmem>>
          %dma_wait3A_204 = arith.constant 0 : i32
          %dma_wait3A_205 = arith.constant 0 : i32
          %dma_wait3A_206 = tpu.memref_slice %arg15[%dma_wait3A_204, %dma_wait3A_205] : memref<10000x128xf32, #tpu.memory_space<vmem_shared>> -> memref<10000x128xf32, #tpu.memory_space<vmem_shared>>
          tpu.wait_indirect_dma semaphore(%run_scoped3A_186 : memref<!tpu.dma_semaphore, #tpu.memory_space<semaphore_mem>>) src(%dma_wait3A_200 : memref<125x128xf32, #tpu.memory_space<vmem>>) dst(%dma_wait3A_206 : memref<10000x128xf32, #tpu.memory_space<vmem_shared>>)
          tpu.yield
        }) : () -> ()
        %add3A_175 = arith.constant 40 : i32
        %add3A_176 = arith.addi %add3A_175, %mul3A_136 : i32
        %add3A_177 = arith.constant 2 : i32
        %add3A_178 = arith.addi %add3A_176, %add3A_177 : i32
        %add3A_179 = arith.constant 1 : i32
        %add3A_180 = arith.addi %add3A_178, %add3A_179 : i32
        %lt3A_181 = arith.constant 80 : i32
        %lt3A_182 = arith.cmpi slt, %add3A_180, %lt3A_181 : i32
        %convert_element_type3A_183 = arith.extui %lt3A_182 : i1 to i32
        %cond3A_184 = arith.constant 0 : i32
        %cond3A_185 = arith.cmpi ne, %convert_element_type3A_183, %cond3A_184 : i32
        scf.if %cond3A_185 {
          %dma_start3A_186 = arith.constant 1 : i32
          %dma_start3A_187 = arith.constant 0 : i32
          %dma_start3A_188 = arith.constant 0 : i32
          %dma_start3A_189 = tpu.memref_slice %arg14[%dma_start3A_186, %dma_start3A_187, %dma_start3A_188] : memref<2x125x128xf32, #tpu.memory_space<vmem>> -> memref<1x125x128xf32, #tpu.memory_space<vmem>>
          %dma_start3A_190 = tpu.memref_squeeze %dma_start3A_189 : memref<1x125x128xf32, #tpu.memory_space<vmem>> -> memref<125x128xf32, #tpu.memory_space<vmem>>
          %dma_start3A_191 = arith.constant 0 : i32
          %dma_start3A_192 = tpu.memref_slice %arg12[%add3A_180, %dma_start3A_191] : memref<80x125xi32, #tpu.memory_space<vmem>> -> memref<1x125xi32, #tpu.memory_space<vmem>>
          %dma_start3A_193 = tpu.memref_squeeze %dma_start3A_192 : memref<1x125xi32, #tpu.memory_space<vmem>> -> memref<125xi32, #tpu.memory_space<vmem>>
          %dma_start3A_194 = arith.constant 0 : i32
          %dma_start3A_195 = arith.constant 0 : i32
          %dma_start3A_196 = tpu.memref_slice %arg4[%dma_start3A_194, %dma_start3A_195] : memref<10000x128xf32, #tpu.memory_space<hbm>> -> memref<10000x128xf32, #tpu.memory_space<hbm>>
          tpu.enqueue_indirect_dma source(%dma_start3A_196 : memref<10000x128xf32, #tpu.memory_space<hbm>>) target(%dma_start3A_190 : memref<125x128xf32, #tpu.memory_space<vmem>>) offsets(%dma_start3A_193 : memref<125xi32, #tpu.memory_space<vmem>>) semaphore(%arg17 : memref<!tpu.dma_semaphore, #tpu.memory_space<semaphore_mem>>)
        } else {
        }
      }
      %scan3A_55 = arith.constant 20 : i32
      %barrier3A_56 = arith.constant 0 : index
      tpu.barrier barrier_id(%barrier3A_56)
      %mul3A_57 = arith.constant 624 : i32
      %mul3A_58 = arith.muli %arg1, %mul3A_57 : i32
      %mul3A_59 = arith.constant 624 : i32
      %mul3A_60 = arith.muli %arg1, %mul3A_59 : i32
      "tpu.region"() ({
        %run_scoped3A = tpu.sem_alloc : memref<!tpu.dma_semaphore, #tpu.memory_space<semaphore_mem>>
        %dma_start3A_130 = arith.constant 0 : i32
        %dma_start3A_131 = tpu.memref_slice %arg8[%mul3A_60, %dma_start3A_130] : memref<10000x128xf32, #tpu.memory_space<hbm>> -> memref<624x128xf32, #tpu.memory_space<hbm>>
        %dma_start3A_132 = arith.constant 0 : i32
        %dma_start3A_133 = tpu.memref_slice %arg15[%mul3A_58, %dma_start3A_132] : memref<10000x128xf32, #tpu.memory_space<vmem_shared>> -> memref<624x128xf32, #tpu.memory_space<vmem_shared>>
        tpu.enqueue_dma source(%dma_start3A_133 : memref<624x128xf32, #tpu.memory_space<vmem_shared>>) target(%dma_start3A_131 : memref<624x128xf32, #tpu.memory_space<hbm>>) target_semaphore(%run_scoped3A : memref<!tpu.dma_semaphore, #tpu.memory_space<semaphore_mem>>)
        %dma_wait3A = arith.constant 0 : i32
        %dma_wait3A_134 = tpu.memref_slice %arg8[%mul3A_60, %dma_wait3A] : memref<10000x128xf32, #tpu.memory_space<hbm>> -> memref<624x128xf32, #tpu.memory_space<hbm>>
        %dma_wait3A_135 = arith.constant 0 : i32
        %dma_wait3A_136 = tpu.memref_slice %arg15[%mul3A_58, %dma_wait3A_135] : memref<10000x128xf32, #tpu.memory_space<vmem_shared>> -> memref<624x128xf32, #tpu.memory_space<vmem_shared>>
        tpu.wait_dma2 semaphore(%run_scoped3A : memref<!tpu.dma_semaphore, #tpu.memory_space<semaphore_mem>>) src(%dma_wait3A_136 : memref<624x128xf32, #tpu.memory_space<vmem_shared>>) dst(%dma_wait3A_134 : memref<624x128xf32, #tpu.memory_space<hbm>>)
        tpu.yield
      }) : () -> ()
      %eq3A_61 = arith.constant 15 : i32
      %eq3A_62 = arith.cmpi eq, %arg1, %eq3A_61 : i32
      %convert_element_type3A_63 = arith.extui %eq3A_62 : i1 to i32
      %cond3A_64 = arith.constant 0 : i32
      %cond3A_65 = arith.cmpi ne, %convert_element_type3A_63, %cond3A_64 : i32
      scf.if %cond3A_65 {
        "tpu.region"() ({
          %run_scoped3A = tpu.sem_alloc : memref<!tpu.dma_semaphore, #tpu.memory_space<semaphore_mem>>
          %dma_start3A_130 = arith.constant 9984 : i32
          %dma_start3A_131 = arith.constant 0 : i32
          %dma_start3A_132 = tpu.memref_slice %arg8[%dma_start3A_130, %dma_start3A_131] : memref<10000x128xf32, #tpu.memory_space<hbm>> -> memref<16x128xf32, #tpu.memory_space<hbm>>
          %dma_start3A_133 = arith.constant 9984 : i32
          %dma_start3A_134 = arith.constant 0 : i32
          %dma_start3A_135 = tpu.memref_slice %arg15[%dma_start3A_133, %dma_start3A_134] : memref<10000x128xf32, #tpu.memory_space<vmem_shared>> -> memref<16x128xf32, #tpu.memory_space<vmem_shared>>
          tpu.enqueue_dma source(%dma_start3A_135 : memref<16x128xf32, #tpu.memory_space<vmem_shared>>) target(%dma_start3A_132 : memref<16x128xf32, #tpu.memory_space<hbm>>) target_semaphore(%run_scoped3A : memref<!tpu.dma_semaphore, #tpu.memory_space<semaphore_mem>>)
          %dma_wait3A = arith.constant 9984 : i32
          %dma_wait3A_136 = arith.constant 0 : i32
          %dma_wait3A_137 = tpu.memref_slice %arg8[%dma_wait3A, %dma_wait3A_136] : memref<10000x128xf32, #tpu.memory_space<hbm>> -> memref<16x128xf32, #tpu.memory_space<hbm>>
          %dma_wait3A_138 = arith.constant 9984 : i32
          %dma_wait3A_139 = arith.constant 0 : i32
          %dma_wait3A_140 = tpu.memref_slice %arg15[%dma_wait3A_138, %dma_wait3A_139] : memref<10000x128xf32, #tpu.memory_space<vmem_shared>> -> memref<16x128xf32, #tpu.memory_space<vmem_shared>>
          tpu.wait_dma2 semaphore(%run_scoped3A : memref<!tpu.dma_semaphore, #tpu.memory_space<semaphore_mem>>) src(%dma_wait3A_140 : memref<16x128xf32, #tpu.memory_space<vmem_shared>>) dst(%dma_wait3A_137 : memref<16x128xf32, #tpu.memory_space<hbm>>)
          tpu.yield
        }) : () -> ()
      } else {
      }
      %barrier3A_66 = arith.constant 0 : index
      tpu.barrier barrier_id(%barrier3A_66)
      %mul3A_67 = arith.constant 624 : i32
      %mul3A_68 = arith.muli %arg1, %mul3A_67 : i32
      %mul3A_69 = arith.constant 624 : i32
      %mul3A_70 = arith.muli %arg1, %mul3A_69 : i32
      "tpu.region"() ({
        %run_scoped3A = tpu.sem_alloc : memref<!tpu.dma_semaphore, #tpu.memory_space<semaphore_mem>>
        %dma_start3A_130 = arith.constant 0 : i32
        %dma_start3A_131 = tpu.memref_slice %arg15[%mul3A_70, %dma_start3A_130] : memref<10000x128xf32, #tpu.memory_space<vmem_shared>> -> memref<624x128xf32, #tpu.memory_space<vmem_shared>>
        %dma_start3A_132 = arith.constant 0 : i32
        %dma_start3A_133 = tpu.memref_slice %arg5[%mul3A_68, %dma_start3A_132] : memref<10000x128xf32, #tpu.memory_space<hbm>> -> memref<624x128xf32, #tpu.memory_space<hbm>>
        tpu.enqueue_dma source(%dma_start3A_133 : memref<624x128xf32, #tpu.memory_space<hbm>>) target(%dma_start3A_131 : memref<624x128xf32, #tpu.memory_space<vmem_shared>>) target_semaphore(%run_scoped3A : memref<!tpu.dma_semaphore, #tpu.memory_space<semaphore_mem>>)
        %dma_wait3A = arith.constant 0 : i32
        %dma_wait3A_134 = tpu.memref_slice %arg15[%mul3A_70, %dma_wait3A] : memref<10000x128xf32, #tpu.memory_space<vmem_shared>> -> memref<624x128xf32, #tpu.memory_space<vmem_shared>>
        %dma_wait3A_135 = arith.constant 0 : i32
        %dma_wait3A_136 = tpu.memref_slice %arg5[%mul3A_68, %dma_wait3A_135] : memref<10000x128xf32, #tpu.memory_space<hbm>> -> memref<624x128xf32, #tpu.memory_space<hbm>>
        tpu.wait_dma2 semaphore(%run_scoped3A : memref<!tpu.dma_semaphore, #tpu.memory_space<semaphore_mem>>) src(%dma_wait3A_136 : memref<624x128xf32, #tpu.memory_space<hbm>>) dst(%dma_wait3A_134 : memref<624x128xf32, #tpu.memory_space<vmem_shared>>)
        tpu.yield
      }) : () -> ()
      %eq3A_71 = arith.constant 15 : i32
      %eq3A_72 = arith.cmpi eq, %arg1, %eq3A_71 : i32
      %convert_element_type3A_73 = arith.extui %eq3A_72 : i1 to i32
      %cond3A_74 = arith.constant 0 : i32
      %cond3A_75 = arith.cmpi ne, %convert_element_type3A_73, %cond3A_74 : i32
      scf.if %cond3A_75 {
        "tpu.region"() ({
          %run_scoped3A = tpu.sem_alloc : memref<!tpu.dma_semaphore, #tpu.memory_space<semaphore_mem>>
          %dma_start3A_130 = arith.constant 9984 : i32
          %dma_start3A_131 = arith.constant 0 : i32
          %dma_start3A_132 = tpu.memref_slice %arg15[%dma_start3A_130, %dma_start3A_131] : memref<10000x128xf32, #tpu.memory_space<vmem_shared>> -> memref<16x128xf32, #tpu.memory_space<vmem_shared>>
          %dma_start3A_133 = arith.constant 9984 : i32
          %dma_start3A_134 = arith.constant 0 : i32
          %dma_start3A_135 = tpu.memref_slice %arg5[%dma_start3A_133, %dma_start3A_134] : memref<10000x128xf32, #tpu.memory_space<hbm>> -> memref<16x128xf32, #tpu.memory_space<hbm>>
          tpu.enqueue_dma source(%dma_start3A_135 : memref<16x128xf32, #tpu.memory_space<hbm>>) target(%dma_start3A_132 : memref<16x128xf32, #tpu.memory_space<vmem_shared>>) target_semaphore(%run_scoped3A : memref<!tpu.dma_semaphore, #tpu.memory_space<semaphore_mem>>)
          %dma_wait3A = arith.constant 9984 : i32
          %dma_wait3A_136 = arith.constant 0 : i32
          %dma_wait3A_137 = tpu.memref_slice %arg15[%dma_wait3A, %dma_wait3A_136] : memref<10000x128xf32, #tpu.memory_space<vmem_shared>> -> memref<16x128xf32, #tpu.memory_space<vmem_shared>>
          %dma_wait3A_138 = arith.constant 9984 : i32
          %dma_wait3A_139 = arith.constant 0 : i32
          %dma_wait3A_140 = tpu.memref_slice %arg5[%dma_wait3A_138, %dma_wait3A_139] : memref<10000x128xf32, #tpu.memory_space<hbm>> -> memref<16x128xf32, #tpu.memory_space<hbm>>
          tpu.wait_dma2 semaphore(%run_scoped3A : memref<!tpu.dma_semaphore, #tpu.memory_space<semaphore_mem>>) src(%dma_wait3A_140 : memref<16x128xf32, #tpu.memory_space<hbm>>) dst(%dma_wait3A_137 : memref<16x128xf32, #tpu.memory_space<vmem_shared>>)
          tpu.yield
        }) : () -> ()
      } else {
      }
      %barrier3A_76 = arith.constant 0 : index
      tpu.barrier barrier_id(%barrier3A_76)
      %dma_start3A_77 = arith.constant 0 : i32
      %dma_start3A_78 = arith.constant 0 : i32
      %dma_start3A_79 = arith.constant 0 : i32
      %dma_start3A_80 = arith.constant 0 : i32
      %dma_start3A_81 = tpu.memref_slice %arg14[%dma_start3A_78, %dma_start3A_79, %dma_start3A_80] : memref<2x125x128xf32, #tpu.memory_space<vmem>> -> memref<1x125x128xf32, #tpu.memory_space<vmem>>
      %dma_start3A_82 = tpu.memref_squeeze %dma_start3A_81 : memref<1x125x128xf32, #tpu.memory_space<vmem>> -> memref<125x128xf32, #tpu.memory_space<vmem>>
      %dma_start3A_83 = arith.constant 0 : i32
      %dma_start3A_84 = tpu.memref_slice %arg12[%dma_start3A_77, %dma_start3A_83] : memref<80x125xi32, #tpu.memory_space<vmem>> -> memref<1x125xi32, #tpu.memory_space<vmem>>
      %dma_start3A_85 = tpu.memref_squeeze %dma_start3A_84 : memref<1x125xi32, #tpu.memory_space<vmem>> -> memref<125xi32, #tpu.memory_space<vmem>>
      %dma_start3A_86 = arith.constant 0 : i32
      %dma_start3A_87 = arith.constant 0 : i32
      %dma_start3A_88 = tpu.memref_slice %arg5[%dma_start3A_86, %dma_start3A_87] : memref<10000x128xf32, #tpu.memory_space<hbm>> -> memref<10000x128xf32, #tpu.memory_space<hbm>>
      tpu.enqueue_indirect_dma source(%dma_start3A_88 : memref<10000x128xf32, #tpu.memory_space<hbm>>) target(%dma_start3A_82 : memref<125x128xf32, #tpu.memory_space<vmem>>) offsets(%dma_start3A_85 : memref<125xi32, #tpu.memory_space<vmem>>) semaphore(%arg16 : memref<!tpu.dma_semaphore, #tpu.memory_space<semaphore_mem>>)
      %dma_start3A_89 = arith.constant 1 : i32
      %dma_start3A_90 = arith.constant 1 : i32
      %dma_start3A_91 = arith.constant 0 : i32
      %dma_start3A_92 = arith.constant 0 : i32
      %dma_start3A_93 = tpu.memref_slice %arg14[%dma_start3A_90, %dma_start3A_91, %dma_start3A_92] : memref<2x125x128xf32, #tpu.memory_space<vmem>> -> memref<1x125x128xf32, #tpu.memory_space<vmem>>
      %dma_start3A_94 = tpu.memref_squeeze %dma_start3A_93 : memref<1x125x128xf32, #tpu.memory_space<vmem>> -> memref<125x128xf32, #tpu.memory_space<vmem>>
      %dma_start3A_95 = arith.constant 0 : i32
      %dma_start3A_96 = tpu.memref_slice %arg12[%dma_start3A_89, %dma_start3A_95] : memref<80x125xi32, #tpu.memory_space<vmem>> -> memref<1x125xi32, #tpu.memory_space<vmem>>
      %dma_start3A_97 = tpu.memref_squeeze %dma_start3A_96 : memref<1x125xi32, #tpu.memory_space<vmem>> -> memref<125xi32, #tpu.memory_space<vmem>>
      %dma_start3A_98 = arith.constant 0 : i32
      %dma_start3A_99 = arith.constant 0 : i32
      %dma_start3A_100 = tpu.memref_slice %arg5[%dma_start3A_98, %dma_start3A_99] : memref<10000x128xf32, #tpu.memory_space<hbm>> -> memref<10000x128xf32, #tpu.memory_space<hbm>>
      tpu.enqueue_indirect_dma source(%dma_start3A_100 : memref<10000x128xf32, #tpu.memory_space<hbm>>) target(%dma_start3A_94 : memref<125x128xf32, #tpu.memory_space<vmem>>) offsets(%dma_start3A_97 : memref<125xi32, #tpu.memory_space<vmem>>) semaphore(%arg17 : memref<!tpu.dma_semaphore, #tpu.memory_space<semaphore_mem>>)
      %mul3A_101 = arith.constant 80 : i32
      %mul3A_102 = arith.muli %arg1, %mul3A_101 : i32
      %add3A_103 = arith.constant 0 : i32
      %add3A_104 = arith.addi %mul3A_102, %add3A_103 : i32
      "tpu.region"() ({
        %run_scoped3A = tpu.sem_alloc : memref<!tpu.dma_semaphore, #tpu.memory_space<semaphore_mem>>
        %dma_start3A_130 = arith.constant 0 : i32
        %dma_start3A_131 = tpu.memref_slice %arg3[%add3A_104, %dma_start3A_130] : memref<1280x125xi32, #tpu.memory_space<hbm>> -> memref<40x125xi32, #tpu.memory_space<hbm>>
        %dma_start3A_132 = arith.constant 0 : i32
        %dma_start3A_133 = tpu.memref_slice %arg3[%add3A_104, %dma_start3A_132] : memref<1280x125xi32, #tpu.memory_space<hbm>> -> memref<40x125xi32, #tpu.memory_space<hbm>>
        tpu.enqueue_dma source(%dma_start3A_133 : memref<40x125xi32, #tpu.memory_space<hbm>>) target(%arg13 : memref<40x125xi32, #tpu.memory_space<vmem>>) target_semaphore(%run_scoped3A : memref<!tpu.dma_semaphore, #tpu.memory_space<semaphore_mem>>)
        %dma_wait3A = arith.constant 0 : i32
        %dma_wait3A_134 = tpu.memref_slice %arg3[%add3A_104, %dma_wait3A] : memref<1280x125xi32, #tpu.memory_space<hbm>> -> memref<40x125xi32, #tpu.memory_space<hbm>>
        %dma_wait3A_135 = arith.constant 0 : i32
        %dma_wait3A_136 = tpu.memref_slice %arg3[%add3A_104, %dma_wait3A_135] : memref<1280x125xi32, #tpu.memory_space<hbm>> -> memref<40x125xi32, #tpu.memory_space<hbm>>
        tpu.wait_dma2 semaphore(%run_scoped3A : memref<!tpu.dma_semaphore, #tpu.memory_space<semaphore_mem>>) src(%dma_wait3A_136 : memref<40x125xi32, #tpu.memory_space<hbm>>) dst(%arg13 : memref<40x125xi32, #tpu.memory_space<vmem>>)
        tpu.yield
      }) : () -> ()
      %scan3A_105 = arith.constant 0 : i32
      %scan3A_106 = arith.constant 20 : i32
      %scan3A_107 = arith.addi %scan3A_105, %scan3A_106 : i32
      %scan3A_108 = arith.constant 1 : i32
      scf.for %scan3A_130 = %scan3A_105 to %scan3A_107 step %scan3A_108  : i32 {
        %mul3A_131 = arith.constant 1 : i32
        %mul3A_132 = arith.muli %scan3A_130, %mul3A_131 : i32
        %add3A_133 = arith.constant 0 : i32
        %add3A_134 = arith.addi %add3A_133, %mul3A_132 : i32
        %mul3A_135 = arith.constant 2 : i32
        %mul3A_136 = arith.muli %mul3A_135, %add3A_134 : i32
        %dma_wait3A = arith.constant 0 : i32
        %dma_wait3A_137 = arith.constant 0 : i32
        %dma_wait3A_138 = arith.constant 0 : i32
        %dma_wait3A_139 = arith.constant 0 : i32
        %dma_wait3A_140 = tpu.memref_slice %arg14[%dma_wait3A_137, %dma_wait3A_138, %dma_wait3A_139] : memref<2x125x128xf32, #tpu.memory_space<vmem>> -> memref<1x125x128xf32, #tpu.memory_space<vmem>>
        %dma_wait3A_141 = tpu.memref_squeeze %dma_wait3A_140 : memref<1x125x128xf32, #tpu.memory_space<vmem>> -> memref<125x128xf32, #tpu.memory_space<vmem>>
        %dma_wait3A_142 = arith.constant 0 : i32
        %dma_wait3A_143 = tpu.memref_slice %arg12[%dma_wait3A, %dma_wait3A_142] : memref<80x125xi32, #tpu.memory_space<vmem>> -> memref<1x125xi32, #tpu.memory_space<vmem>>
        %dma_wait3A_144 = tpu.memref_squeeze %dma_wait3A_143 : memref<1x125xi32, #tpu.memory_space<vmem>> -> memref<125xi32, #tpu.memory_space<vmem>>
        %dma_wait3A_145 = arith.constant 0 : i32
        %dma_wait3A_146 = arith.constant 0 : i32
        %dma_wait3A_147 = tpu.memref_slice %arg5[%dma_wait3A_145, %dma_wait3A_146] : memref<10000x128xf32, #tpu.memory_space<hbm>> -> memref<10000x128xf32, #tpu.memory_space<hbm>>
        tpu.wait_indirect_dma semaphore(%arg16 : memref<!tpu.dma_semaphore, #tpu.memory_space<semaphore_mem>>) src(%dma_wait3A_147 : memref<10000x128xf32, #tpu.memory_space<hbm>>) dst(%dma_wait3A_141 : memref<125x128xf32, #tpu.memory_space<vmem>>)
        %add3A_148 = arith.constant 0 : i32
        %add3A_149 = arith.addi %mul3A_136, %add3A_148 : i32
        %run_scoped3A = arith.constant 0 : i32
        "tpu.region"() ({
          %run_scoped3A_186 = tpu.sem_alloc : memref<!tpu.dma_semaphore, #tpu.memory_space<semaphore_mem>>
          %dma_start3A_187 = arith.constant 0 : i32
          %dma_start3A_188 = arith.constant 0 : i32
          %dma_start3A_189 = tpu.memref_slice %arg14[%run_scoped3A, %dma_start3A_187, %dma_start3A_188] : memref<2x125x128xf32, #tpu.memory_space<vmem>> -> memref<1x125x128xf32, #tpu.memory_space<vmem>>
          %dma_start3A_190 = tpu.memref_squeeze %dma_start3A_189 : memref<1x125x128xf32, #tpu.memory_space<vmem>> -> memref<125x128xf32, #tpu.memory_space<vmem>>
          %dma_start3A_191 = arith.constant 0 : i32
          %dma_start3A_192 = tpu.memref_slice %arg13[%add3A_149, %dma_start3A_191] : memref<40x125xi32, #tpu.memory_space<vmem>> -> memref<1x125xi32, #tpu.memory_space<vmem>>
          %dma_start3A_193 = tpu.memref_squeeze %dma_start3A_192 : memref<1x125xi32, #tpu.memory_space<vmem>> -> memref<125xi32, #tpu.memory_space<vmem>>
          %dma_start3A_194 = arith.constant 0 : i32
          %dma_start3A_195 = arith.constant 0 : i32
          %dma_start3A_196 = tpu.memref_slice %arg15[%dma_start3A_194, %dma_start3A_195] : memref<10000x128xf32, #tpu.memory_space<vmem_shared>> -> memref<10000x128xf32, #tpu.memory_space<vmem_shared>>
          tpu.enqueue_indirect_dma source(%dma_start3A_190 : memref<125x128xf32, #tpu.memory_space<vmem>>) target(%dma_start3A_196 : memref<10000x128xf32, #tpu.memory_space<vmem_shared>>) offsets(%dma_start3A_193 : memref<125xi32, #tpu.memory_space<vmem>>) semaphore(%run_scoped3A_186 : memref<!tpu.dma_semaphore, #tpu.memory_space<semaphore_mem>>) {add = true}
          %dma_wait3A_197 = arith.constant 0 : i32
          %dma_wait3A_198 = arith.constant 0 : i32
          %dma_wait3A_199 = tpu.memref_slice %arg14[%run_scoped3A, %dma_wait3A_197, %dma_wait3A_198] : memref<2x125x128xf32, #tpu.memory_space<vmem>> -> memref<1x125x128xf32, #tpu.memory_space<vmem>>
          %dma_wait3A_200 = tpu.memref_squeeze %dma_wait3A_199 : memref<1x125x128xf32, #tpu.memory_space<vmem>> -> memref<125x128xf32, #tpu.memory_space<vmem>>
          %dma_wait3A_201 = arith.constant 0 : i32
          %dma_wait3A_202 = tpu.memref_slice %arg13[%add3A_149, %dma_wait3A_201] : memref<40x125xi32, #tpu.memory_space<vmem>> -> memref<1x125xi32, #tpu.memory_space<vmem>>
          %dma_wait3A_203 = tpu.memref_squeeze %dma_wait3A_202 : memref<1x125xi32, #tpu.memory_space<vmem>> -> memref<125xi32, #tpu.memory_space<vmem>>
          %dma_wait3A_204 = arith.constant 0 : i32
          %dma_wait3A_205 = arith.constant 0 : i32
          %dma_wait3A_206 = tpu.memref_slice %arg15[%dma_wait3A_204, %dma_wait3A_205] : memref<10000x128xf32, #tpu.memory_space<vmem_shared>> -> memref<10000x128xf32, #tpu.memory_space<vmem_shared>>
          tpu.wait_indirect_dma semaphore(%run_scoped3A_186 : memref<!tpu.dma_semaphore, #tpu.memory_space<semaphore_mem>>) src(%dma_wait3A_200 : memref<125x128xf32, #tpu.memory_space<vmem>>) dst(%dma_wait3A_206 : memref<10000x128xf32, #tpu.memory_space<vmem_shared>>)
          tpu.yield
        }) : () -> ()
        %add3A_150 = arith.constant 0 : i32
        %add3A_151 = arith.addi %add3A_150, %mul3A_136 : i32
        %add3A_152 = arith.constant 2 : i32
        %add3A_153 = arith.addi %add3A_151, %add3A_152 : i32
        %add3A_154 = arith.constant 0 : i32
        %add3A_155 = arith.addi %add3A_153, %add3A_154 : i32
        %lt3A = arith.constant 80 : i32
        %lt3A_156 = arith.cmpi slt, %add3A_155, %lt3A : i32
        %convert_element_type3A_157 = arith.extui %lt3A_156 : i1 to i32
        %cond3A_158 = arith.constant 0 : i32
        %cond3A_159 = arith.cmpi ne, %convert_element_type3A_157, %cond3A_158 : i32
        scf.if %cond3A_159 {
          %dma_start3A_186 = arith.constant 0 : i32
          %dma_start3A_187 = arith.constant 0 : i32
          %dma_start3A_188 = arith.constant 0 : i32
          %dma_start3A_189 = tpu.memref_slice %arg14[%dma_start3A_186, %dma_start3A_187, %dma_start3A_188] : memref<2x125x128xf32, #tpu.memory_space<vmem>> -> memref<1x125x128xf32, #tpu.memory_space<vmem>>
          %dma_start3A_190 = tpu.memref_squeeze %dma_start3A_189 : memref<1x125x128xf32, #tpu.memory_space<vmem>> -> memref<125x128xf32, #tpu.memory_space<vmem>>
          %dma_start3A_191 = arith.constant 0 : i32
          %dma_start3A_192 = tpu.memref_slice %arg12[%add3A_155, %dma_start3A_191] : memref<80x125xi32, #tpu.memory_space<vmem>> -> memref<1x125xi32, #tpu.memory_space<vmem>>
          %dma_start3A_193 = tpu.memref_squeeze %dma_start3A_192 : memref<1x125xi32, #tpu.memory_space<vmem>> -> memref<125xi32, #tpu.memory_space<vmem>>
          %dma_start3A_194 = arith.constant 0 : i32
          %dma_start3A_195 = arith.constant 0 : i32
          %dma_start3A_196 = tpu.memref_slice %arg5[%dma_start3A_194, %dma_start3A_195] : memref<10000x128xf32, #tpu.memory_space<hbm>> -> memref<10000x128xf32, #tpu.memory_space<hbm>>
          tpu.enqueue_indirect_dma source(%dma_start3A_196 : memref<10000x128xf32, #tpu.memory_space<hbm>>) target(%dma_start3A_190 : memref<125x128xf32, #tpu.memory_space<vmem>>) offsets(%dma_start3A_193 : memref<125xi32, #tpu.memory_space<vmem>>) semaphore(%arg16 : memref<!tpu.dma_semaphore, #tpu.memory_space<semaphore_mem>>)
        } else {
        }
        %dma_wait3A_160 = arith.constant 0 : i32
        %dma_wait3A_161 = arith.constant 1 : i32
        %dma_wait3A_162 = arith.constant 0 : i32
        %dma_wait3A_163 = arith.constant 0 : i32
        %dma_wait3A_164 = tpu.memref_slice %arg14[%dma_wait3A_161, %dma_wait3A_162, %dma_wait3A_163] : memref<2x125x128xf32, #tpu.memory_space<vmem>> -> memref<1x125x128xf32, #tpu.memory_space<vmem>>
        %dma_wait3A_165 = tpu.memref_squeeze %dma_wait3A_164 : memref<1x125x128xf32, #tpu.memory_space<vmem>> -> memref<125x128xf32, #tpu.memory_space<vmem>>
        %dma_wait3A_166 = arith.constant 0 : i32
        %dma_wait3A_167 = tpu.memref_slice %arg12[%dma_wait3A_160, %dma_wait3A_166] : memref<80x125xi32, #tpu.memory_space<vmem>> -> memref<1x125xi32, #tpu.memory_space<vmem>>
        %dma_wait3A_168 = tpu.memref_squeeze %dma_wait3A_167 : memref<1x125xi32, #tpu.memory_space<vmem>> -> memref<125xi32, #tpu.memory_space<vmem>>
        %dma_wait3A_169 = arith.constant 0 : i32
        %dma_wait3A_170 = arith.constant 0 : i32
        %dma_wait3A_171 = tpu.memref_slice %arg5[%dma_wait3A_169, %dma_wait3A_170] : memref<10000x128xf32, #tpu.memory_space<hbm>> -> memref<10000x128xf32, #tpu.memory_space<hbm>>
        tpu.wait_indirect_dma semaphore(%arg17 : memref<!tpu.dma_semaphore, #tpu.memory_space<semaphore_mem>>) src(%dma_wait3A_171 : memref<10000x128xf32, #tpu.memory_space<hbm>>) dst(%dma_wait3A_165 : memref<125x128xf32, #tpu.memory_space<vmem>>)
        %add3A_172 = arith.constant 1 : i32
        %add3A_173 = arith.addi %mul3A_136, %add3A_172 : i32
        %run_scoped3A_174 = arith.constant 1 : i32
        "tpu.region"() ({
          %run_scoped3A_186 = tpu.sem_alloc : memref<!tpu.dma_semaphore, #tpu.memory_space<semaphore_mem>>
          %dma_start3A_187 = arith.constant 0 : i32
          %dma_start3A_188 = arith.constant 0 : i32
          %dma_start3A_189 = tpu.memref_slice %arg14[%run_scoped3A_174, %dma_start3A_187, %dma_start3A_188] : memref<2x125x128xf32, #tpu.memory_space<vmem>> -> memref<1x125x128xf32, #tpu.memory_space<vmem>>
          %dma_start3A_190 = tpu.memref_squeeze %dma_start3A_189 : memref<1x125x128xf32, #tpu.memory_space<vmem>> -> memref<125x128xf32, #tpu.memory_space<vmem>>
          %dma_start3A_191 = arith.constant 0 : i32
          %dma_start3A_192 = tpu.memref_slice %arg13[%add3A_173, %dma_start3A_191] : memref<40x125xi32, #tpu.memory_space<vmem>> -> memref<1x125xi32, #tpu.memory_space<vmem>>
          %dma_start3A_193 = tpu.memref_squeeze %dma_start3A_192 : memref<1x125xi32, #tpu.memory_space<vmem>> -> memref<125xi32, #tpu.memory_space<vmem>>
          %dma_start3A_194 = arith.constant 0 : i32
          %dma_start3A_195 = arith.constant 0 : i32
          %dma_start3A_196 = tpu.memref_slice %arg15[%dma_start3A_194, %dma_start3A_195] : memref<10000x128xf32, #tpu.memory_space<vmem_shared>> -> memref<10000x128xf32, #tpu.memory_space<vmem_shared>>
          tpu.enqueue_indirect_dma source(%dma_start3A_190 : memref<125x128xf32, #tpu.memory_space<vmem>>) target(%dma_start3A_196 : memref<10000x128xf32, #tpu.memory_space<vmem_shared>>) offsets(%dma_start3A_193 : memref<125xi32, #tpu.memory_space<vmem>>) semaphore(%run_scoped3A_186 : memref<!tpu.dma_semaphore, #tpu.memory_space<semaphore_mem>>) {add = true}
          %dma_wait3A_197 = arith.constant 0 : i32
          %dma_wait3A_198 = arith.constant 0 : i32
          %dma_wait3A_199 = tpu.memref_slice %arg14[%run_scoped3A_174, %dma_wait3A_197, %dma_wait3A_198] : memref<2x125x128xf32, #tpu.memory_space<vmem>> -> memref<1x125x128xf32, #tpu.memory_space<vmem>>
          %dma_wait3A_200 = tpu.memref_squeeze %dma_wait3A_199 : memref<1x125x128xf32, #tpu.memory_space<vmem>> -> memref<125x128xf32, #tpu.memory_space<vmem>>
          %dma_wait3A_201 = arith.constant 0 : i32
          %dma_wait3A_202 = tpu.memref_slice %arg13[%add3A_173, %dma_wait3A_201] : memref<40x125xi32, #tpu.memory_space<vmem>> -> memref<1x125xi32, #tpu.memory_space<vmem>>
          %dma_wait3A_203 = tpu.memref_squeeze %dma_wait3A_202 : memref<1x125xi32, #tpu.memory_space<vmem>> -> memref<125xi32, #tpu.memory_space<vmem>>
          %dma_wait3A_204 = arith.constant 0 : i32
          %dma_wait3A_205 = arith.constant 0 : i32
          %dma_wait3A_206 = tpu.memref_slice %arg15[%dma_wait3A_204, %dma_wait3A_205] : memref<10000x128xf32, #tpu.memory_space<vmem_shared>> -> memref<10000x128xf32, #tpu.memory_space<vmem_shared>>
          tpu.wait_indirect_dma semaphore(%run_scoped3A_186 : memref<!tpu.dma_semaphore, #tpu.memory_space<semaphore_mem>>) src(%dma_wait3A_200 : memref<125x128xf32, #tpu.memory_space<vmem>>) dst(%dma_wait3A_206 : memref<10000x128xf32, #tpu.memory_space<vmem_shared>>)
          tpu.yield
        }) : () -> ()
        %add3A_175 = arith.constant 0 : i32
        %add3A_176 = arith.addi %add3A_175, %mul3A_136 : i32
        %add3A_177 = arith.constant 2 : i32
        %add3A_178 = arith.addi %add3A_176, %add3A_177 : i32
        %add3A_179 = arith.constant 1 : i32
        %add3A_180 = arith.addi %add3A_178, %add3A_179 : i32
        %lt3A_181 = arith.constant 80 : i32
        %lt3A_182 = arith.cmpi slt, %add3A_180, %lt3A_181 : i32
        %convert_element_type3A_183 = arith.extui %lt3A_182 : i1 to i32
        %cond3A_184 = arith.constant 0 : i32
        %cond3A_185 = arith.cmpi ne, %convert_element_type3A_183, %cond3A_184 : i32
        scf.if %cond3A_185 {
          %dma_start3A_186 = arith.constant 1 : i32
          %dma_start3A_187 = arith.constant 0 : i32
          %dma_start3A_188 = arith.constant 0 : i32
          %dma_start3A_189 = tpu.memref_slice %arg14[%dma_start3A_186, %dma_start3A_187, %dma_start3A_188] : memref<2x125x128xf32, #tpu.memory_space<vmem>> -> memref<1x125x128xf32, #tpu.memory_space<vmem>>
          %dma_start3A_190 = tpu.memref_squeeze %dma_start3A_189 : memref<1x125x128xf32, #tpu.memory_space<vmem>> -> memref<125x128xf32, #tpu.memory_space<vmem>>
          %dma_start3A_191 = arith.constant 0 : i32
          %dma_start3A_192 = tpu.memref_slice %arg12[%add3A_180, %dma_start3A_191] : memref<80x125xi32, #tpu.memory_space<vmem>> -> memref<1x125xi32, #tpu.memory_space<vmem>>
          %dma_start3A_193 = tpu.memref_squeeze %dma_start3A_192 : memref<1x125xi32, #tpu.memory_space<vmem>> -> memref<125xi32, #tpu.memory_space<vmem>>
          %dma_start3A_194 = arith.constant 0 : i32
          %dma_start3A_195 = arith.constant 0 : i32
          %dma_start3A_196 = tpu.memref_slice %arg5[%dma_start3A_194, %dma_start3A_195] : memref<10000x128xf32, #tpu.memory_space<hbm>> -> memref<10000x128xf32, #tpu.memory_space<hbm>>
          tpu.enqueue_indirect_dma source(%dma_start3A_196 : memref<10000x128xf32, #tpu.memory_space<hbm>>) target(%dma_start3A_190 : memref<125x128xf32, #tpu.memory_space<vmem>>) offsets(%dma_start3A_193 : memref<125xi32, #tpu.memory_space<vmem>>) semaphore(%arg17 : memref<!tpu.dma_semaphore, #tpu.memory_space<semaphore_mem>>)
        } else {
        }
      }
      %scan3A_109 = arith.constant 20 : i32
      %mul3A_110 = arith.constant 80 : i32
      %mul3A_111 = arith.muli %arg1, %mul3A_110 : i32
      %add3A_112 = arith.constant 40 : i32
      %add3A_113 = arith.addi %mul3A_111, %add3A_112 : i32
      "tpu.region"() ({
        %run_scoped3A = tpu.sem_alloc : memref<!tpu.dma_semaphore, #tpu.memory_space<semaphore_mem>>
        %dma_start3A_130 = arith.constant 0 : i32
        %dma_start3A_131 = tpu.memref_slice %arg3[%add3A_113, %dma_start3A_130] : memref<1280x125xi32, #tpu.memory_space<hbm>> -> memref<40x125xi32, #tpu.memory_space<hbm>>
        %dma_start3A_132 = arith.constant 0 : i32
        %dma_start3A_133 = tpu.memref_slice %arg3[%add3A_113, %dma_start3A_132] : memref<1280x125xi32, #tpu.memory_space<hbm>> -> memref<40x125xi32, #tpu.memory_space<hbm>>
        tpu.enqueue_dma source(%dma_start3A_133 : memref<40x125xi32, #tpu.memory_space<hbm>>) target(%arg13 : memref<40x125xi32, #tpu.memory_space<vmem>>) target_semaphore(%run_scoped3A : memref<!tpu.dma_semaphore, #tpu.memory_space<semaphore_mem>>)
        %dma_wait3A = arith.constant 0 : i32
        %dma_wait3A_134 = tpu.memref_slice %arg3[%add3A_113, %dma_wait3A] : memref<1280x125xi32, #tpu.memory_space<hbm>> -> memref<40x125xi32, #tpu.memory_space<hbm>>
        %dma_wait3A_135 = arith.constant 0 : i32
        %dma_wait3A_136 = tpu.memref_slice %arg3[%add3A_113, %dma_wait3A_135] : memref<1280x125xi32, #tpu.memory_space<hbm>> -> memref<40x125xi32, #tpu.memory_space<hbm>>
        tpu.wait_dma2 semaphore(%run_scoped3A : memref<!tpu.dma_semaphore, #tpu.memory_space<semaphore_mem>>) src(%dma_wait3A_136 : memref<40x125xi32, #tpu.memory_space<hbm>>) dst(%arg13 : memref<40x125xi32, #tpu.memory_space<vmem>>)
        tpu.yield
      }) : () -> ()
      %scan3A_114 = arith.constant 0 : i32
      %scan3A_115 = arith.constant 20 : i32
      %scan3A_116 = arith.addi %scan3A_114, %scan3A_115 : i32
      %scan3A_117 = arith.constant 1 : i32
      scf.for %scan3A_130 = %scan3A_114 to %scan3A_116 step %scan3A_117  : i32 {
        %mul3A_131 = arith.constant 1 : i32
        %mul3A_132 = arith.muli %scan3A_130, %mul3A_131 : i32
        %add3A_133 = arith.constant 0 : i32
        %add3A_134 = arith.addi %add3A_133, %mul3A_132 : i32
        %mul3A_135 = arith.constant 2 : i32
        %mul3A_136 = arith.muli %mul3A_135, %add3A_134 : i32
        %dma_wait3A = arith.constant 0 : i32
        %dma_wait3A_137 = arith.constant 0 : i32
        %dma_wait3A_138 = arith.constant 0 : i32
        %dma_wait3A_139 = arith.constant 0 : i32
        %dma_wait3A_140 = tpu.memref_slice %arg14[%dma_wait3A_137, %dma_wait3A_138, %dma_wait3A_139] : memref<2x125x128xf32, #tpu.memory_space<vmem>> -> memref<1x125x128xf32, #tpu.memory_space<vmem>>
        %dma_wait3A_141 = tpu.memref_squeeze %dma_wait3A_140 : memref<1x125x128xf32, #tpu.memory_space<vmem>> -> memref<125x128xf32, #tpu.memory_space<vmem>>
        %dma_wait3A_142 = arith.constant 0 : i32
        %dma_wait3A_143 = tpu.memref_slice %arg12[%dma_wait3A, %dma_wait3A_142] : memref<80x125xi32, #tpu.memory_space<vmem>> -> memref<1x125xi32, #tpu.memory_space<vmem>>
        %dma_wait3A_144 = tpu.memref_squeeze %dma_wait3A_143 : memref<1x125xi32, #tpu.memory_space<vmem>> -> memref<125xi32, #tpu.memory_space<vmem>>
        %dma_wait3A_145 = arith.constant 0 : i32
        %dma_wait3A_146 = arith.constant 0 : i32
        %dma_wait3A_147 = tpu.memref_slice %arg5[%dma_wait3A_145, %dma_wait3A_146] : memref<10000x128xf32, #tpu.memory_space<hbm>> -> memref<10000x128xf32, #tpu.memory_space<hbm>>
        tpu.wait_indirect_dma semaphore(%arg16 : memref<!tpu.dma_semaphore, #tpu.memory_space<semaphore_mem>>) src(%dma_wait3A_147 : memref<10000x128xf32, #tpu.memory_space<hbm>>) dst(%dma_wait3A_141 : memref<125x128xf32, #tpu.memory_space<vmem>>)
        %add3A_148 = arith.constant 0 : i32
        %add3A_149 = arith.addi %mul3A_136, %add3A_148 : i32
        %run_scoped3A = arith.constant 0 : i32
        "tpu.region"() ({
          %run_scoped3A_186 = tpu.sem_alloc : memref<!tpu.dma_semaphore, #tpu.memory_space<semaphore_mem>>
          %dma_start3A_187 = arith.constant 0 : i32
          %dma_start3A_188 = arith.constant 0 : i32
          %dma_start3A_189 = tpu.memref_slice %arg14[%run_scoped3A, %dma_start3A_187, %dma_start3A_188] : memref<2x125x128xf32, #tpu.memory_space<vmem>> -> memref<1x125x128xf32, #tpu.memory_space<vmem>>
          %dma_start3A_190 = tpu.memref_squeeze %dma_start3A_189 : memref<1x125x128xf32, #tpu.memory_space<vmem>> -> memref<125x128xf32, #tpu.memory_space<vmem>>
          %dma_start3A_191 = arith.constant 0 : i32
          %dma_start3A_192 = tpu.memref_slice %arg13[%add3A_149, %dma_start3A_191] : memref<40x125xi32, #tpu.memory_space<vmem>> -> memref<1x125xi32, #tpu.memory_space<vmem>>
          %dma_start3A_193 = tpu.memref_squeeze %dma_start3A_192 : memref<1x125xi32, #tpu.memory_space<vmem>> -> memref<125xi32, #tpu.memory_space<vmem>>
          %dma_start3A_194 = arith.constant 0 : i32
          %dma_start3A_195 = arith.constant 0 : i32
          %dma_start3A_196 = tpu.memref_slice %arg15[%dma_start3A_194, %dma_start3A_195] : memref<10000x128xf32, #tpu.memory_space<vmem_shared>> -> memref<10000x128xf32, #tpu.memory_space<vmem_shared>>
          tpu.enqueue_indirect_dma source(%dma_start3A_190 : memref<125x128xf32, #tpu.memory_space<vmem>>) target(%dma_start3A_196 : memref<10000x128xf32, #tpu.memory_space<vmem_shared>>) offsets(%dma_start3A_193 : memref<125xi32, #tpu.memory_space<vmem>>) semaphore(%run_scoped3A_186 : memref<!tpu.dma_semaphore, #tpu.memory_space<semaphore_mem>>) {add = true}
          %dma_wait3A_197 = arith.constant 0 : i32
          %dma_wait3A_198 = arith.constant 0 : i32
          %dma_wait3A_199 = tpu.memref_slice %arg14[%run_scoped3A, %dma_wait3A_197, %dma_wait3A_198] : memref<2x125x128xf32, #tpu.memory_space<vmem>> -> memref<1x125x128xf32, #tpu.memory_space<vmem>>
          %dma_wait3A_200 = tpu.memref_squeeze %dma_wait3A_199 : memref<1x125x128xf32, #tpu.memory_space<vmem>> -> memref<125x128xf32, #tpu.memory_space<vmem>>
          %dma_wait3A_201 = arith.constant 0 : i32
          %dma_wait3A_202 = tpu.memref_slice %arg13[%add3A_149, %dma_wait3A_201] : memref<40x125xi32, #tpu.memory_space<vmem>> -> memref<1x125xi32, #tpu.memory_space<vmem>>
          %dma_wait3A_203 = tpu.memref_squeeze %dma_wait3A_202 : memref<1x125xi32, #tpu.memory_space<vmem>> -> memref<125xi32, #tpu.memory_space<vmem>>
          %dma_wait3A_204 = arith.constant 0 : i32
          %dma_wait3A_205 = arith.constant 0 : i32
          %dma_wait3A_206 = tpu.memref_slice %arg15[%dma_wait3A_204, %dma_wait3A_205] : memref<10000x128xf32, #tpu.memory_space<vmem_shared>> -> memref<10000x128xf32, #tpu.memory_space<vmem_shared>>
          tpu.wait_indirect_dma semaphore(%run_scoped3A_186 : memref<!tpu.dma_semaphore, #tpu.memory_space<semaphore_mem>>) src(%dma_wait3A_200 : memref<125x128xf32, #tpu.memory_space<vmem>>) dst(%dma_wait3A_206 : memref<10000x128xf32, #tpu.memory_space<vmem_shared>>)
          tpu.yield
        }) : () -> ()
        %add3A_150 = arith.constant 40 : i32
        %add3A_151 = arith.addi %add3A_150, %mul3A_136 : i32
        %add3A_152 = arith.constant 2 : i32
        %add3A_153 = arith.addi %add3A_151, %add3A_152 : i32
        %add3A_154 = arith.constant 0 : i32
        %add3A_155 = arith.addi %add3A_153, %add3A_154 : i32
        %lt3A = arith.constant 80 : i32
        %lt3A_156 = arith.cmpi slt, %add3A_155, %lt3A : i32
        %convert_element_type3A_157 = arith.extui %lt3A_156 : i1 to i32
        %cond3A_158 = arith.constant 0 : i32
        %cond3A_159 = arith.cmpi ne, %convert_element_type3A_157, %cond3A_158 : i32
        scf.if %cond3A_159 {
          %dma_start3A_186 = arith.constant 0 : i32
          %dma_start3A_187 = arith.constant 0 : i32
          %dma_start3A_188 = arith.constant 0 : i32
          %dma_start3A_189 = tpu.memref_slice %arg14[%dma_start3A_186, %dma_start3A_187, %dma_start3A_188] : memref<2x125x128xf32, #tpu.memory_space<vmem>> -> memref<1x125x128xf32, #tpu.memory_space<vmem>>
          %dma_start3A_190 = tpu.memref_squeeze %dma_start3A_189 : memref<1x125x128xf32, #tpu.memory_space<vmem>> -> memref<125x128xf32, #tpu.memory_space<vmem>>
          %dma_start3A_191 = arith.constant 0 : i32
          %dma_start3A_192 = tpu.memref_slice %arg12[%add3A_155, %dma_start3A_191] : memref<80x125xi32, #tpu.memory_space<vmem>> -> memref<1x125xi32, #tpu.memory_space<vmem>>
          %dma_start3A_193 = tpu.memref_squeeze %dma_start3A_192 : memref<1x125xi32, #tpu.memory_space<vmem>> -> memref<125xi32, #tpu.memory_space<vmem>>
          %dma_start3A_194 = arith.constant 0 : i32
          %dma_start3A_195 = arith.constant 0 : i32
          %dma_start3A_196 = tpu.memref_slice %arg5[%dma_start3A_194, %dma_start3A_195] : memref<10000x128xf32, #tpu.memory_space<hbm>> -> memref<10000x128xf32, #tpu.memory_space<hbm>>
          tpu.enqueue_indirect_dma source(%dma_start3A_196 : memref<10000x128xf32, #tpu.memory_space<hbm>>) target(%dma_start3A_190 : memref<125x128xf32, #tpu.memory_space<vmem>>) offsets(%dma_start3A_193 : memref<125xi32, #tpu.memory_space<vmem>>) semaphore(%arg16 : memref<!tpu.dma_semaphore, #tpu.memory_space<semaphore_mem>>)
        } else {
        }
        %dma_wait3A_160 = arith.constant 0 : i32
        %dma_wait3A_161 = arith.constant 1 : i32
        %dma_wait3A_162 = arith.constant 0 : i32
        %dma_wait3A_163 = arith.constant 0 : i32
        %dma_wait3A_164 = tpu.memref_slice %arg14[%dma_wait3A_161, %dma_wait3A_162, %dma_wait3A_163] : memref<2x125x128xf32, #tpu.memory_space<vmem>> -> memref<1x125x128xf32, #tpu.memory_space<vmem>>
        %dma_wait3A_165 = tpu.memref_squeeze %dma_wait3A_164 : memref<1x125x128xf32, #tpu.memory_space<vmem>> -> memref<125x128xf32, #tpu.memory_space<vmem>>
        %dma_wait3A_166 = arith.constant 0 : i32
        %dma_wait3A_167 = tpu.memref_slice %arg12[%dma_wait3A_160, %dma_wait3A_166] : memref<80x125xi32, #tpu.memory_space<vmem>> -> memref<1x125xi32, #tpu.memory_space<vmem>>
        %dma_wait3A_168 = tpu.memref_squeeze %dma_wait3A_167 : memref<1x125xi32, #tpu.memory_space<vmem>> -> memref<125xi32, #tpu.memory_space<vmem>>
        %dma_wait3A_169 = arith.constant 0 : i32
        %dma_wait3A_170 = arith.constant 0 : i32
        %dma_wait3A_171 = tpu.memref_slice %arg5[%dma_wait3A_169, %dma_wait3A_170] : memref<10000x128xf32, #tpu.memory_space<hbm>> -> memref<10000x128xf32, #tpu.memory_space<hbm>>
        tpu.wait_indirect_dma semaphore(%arg17 : memref<!tpu.dma_semaphore, #tpu.memory_space<semaphore_mem>>) src(%dma_wait3A_171 : memref<10000x128xf32, #tpu.memory_space<hbm>>) dst(%dma_wait3A_165 : memref<125x128xf32, #tpu.memory_space<vmem>>)
        %add3A_172 = arith.constant 1 : i32
        %add3A_173 = arith.addi %mul3A_136, %add3A_172 : i32
        %run_scoped3A_174 = arith.constant 1 : i32
        "tpu.region"() ({
          %run_scoped3A_186 = tpu.sem_alloc : memref<!tpu.dma_semaphore, #tpu.memory_space<semaphore_mem>>
          %dma_start3A_187 = arith.constant 0 : i32
          %dma_start3A_188 = arith.constant 0 : i32
          %dma_start3A_189 = tpu.memref_slice %arg14[%run_scoped3A_174, %dma_start3A_187, %dma_start3A_188] : memref<2x125x128xf32, #tpu.memory_space<vmem>> -> memref<1x125x128xf32, #tpu.memory_space<vmem>>
          %dma_start3A_190 = tpu.memref_squeeze %dma_start3A_189 : memref<1x125x128xf32, #tpu.memory_space<vmem>> -> memref<125x128xf32, #tpu.memory_space<vmem>>
          %dma_start3A_191 = arith.constant 0 : i32
          %dma_start3A_192 = tpu.memref_slice %arg13[%add3A_173, %dma_start3A_191] : memref<40x125xi32, #tpu.memory_space<vmem>> -> memref<1x125xi32, #tpu.memory_space<vmem>>
          %dma_start3A_193 = tpu.memref_squeeze %dma_start3A_192 : memref<1x125xi32, #tpu.memory_space<vmem>> -> memref<125xi32, #tpu.memory_space<vmem>>
          %dma_start3A_194 = arith.constant 0 : i32
          %dma_start3A_195 = arith.constant 0 : i32
          %dma_start3A_196 = tpu.memref_slice %arg15[%dma_start3A_194, %dma_start3A_195] : memref<10000x128xf32, #tpu.memory_space<vmem_shared>> -> memref<10000x128xf32, #tpu.memory_space<vmem_shared>>
          tpu.enqueue_indirect_dma source(%dma_start3A_190 : memref<125x128xf32, #tpu.memory_space<vmem>>) target(%dma_start3A_196 : memref<10000x128xf32, #tpu.memory_space<vmem_shared>>) offsets(%dma_start3A_193 : memref<125xi32, #tpu.memory_space<vmem>>) semaphore(%run_scoped3A_186 : memref<!tpu.dma_semaphore, #tpu.memory_space<semaphore_mem>>) {add = true}
          %dma_wait3A_197 = arith.constant 0 : i32
          %dma_wait3A_198 = arith.constant 0 : i32
          %dma_wait3A_199 = tpu.memref_slice %arg14[%run_scoped3A_174, %dma_wait3A_197, %dma_wait3A_198] : memref<2x125x128xf32, #tpu.memory_space<vmem>> -> memref<1x125x128xf32, #tpu.memory_space<vmem>>
          %dma_wait3A_200 = tpu.memref_squeeze %dma_wait3A_199 : memref<1x125x128xf32, #tpu.memory_space<vmem>> -> memref<125x128xf32, #tpu.memory_space<vmem>>
          %dma_wait3A_201 = arith.constant 0 : i32
          %dma_wait3A_202 = tpu.memref_slice %arg13[%add3A_173, %dma_wait3A_201] : memref<40x125xi32, #tpu.memory_space<vmem>> -> memref<1x125xi32, #tpu.memory_space<vmem>>
          %dma_wait3A_203 = tpu.memref_squeeze %dma_wait3A_202 : memref<1x125xi32, #tpu.memory_space<vmem>> -> memref<125xi32, #tpu.memory_space<vmem>>
          %dma_wait3A_204 = arith.constant 0 : i32
          %dma_wait3A_205 = arith.constant 0 : i32
          %dma_wait3A_206 = tpu.memref_slice %arg15[%dma_wait3A_204, %dma_wait3A_205] : memref<10000x128xf32, #tpu.memory_space<vmem_shared>> -> memref<10000x128xf32, #tpu.memory_space<vmem_shared>>
          tpu.wait_indirect_dma semaphore(%run_scoped3A_186 : memref<!tpu.dma_semaphore, #tpu.memory_space<semaphore_mem>>) src(%dma_wait3A_200 : memref<125x128xf32, #tpu.memory_space<vmem>>) dst(%dma_wait3A_206 : memref<10000x128xf32, #tpu.memory_space<vmem_shared>>)
          tpu.yield
        }) : () -> ()
        %add3A_175 = arith.constant 40 : i32
        %add3A_176 = arith.addi %add3A_175, %mul3A_136 : i32
        %add3A_177 = arith.constant 2 : i32
        %add3A_178 = arith.addi %add3A_176, %add3A_177 : i32
        %add3A_179 = arith.constant 1 : i32
        %add3A_180 = arith.addi %add3A_178, %add3A_179 : i32
        %lt3A_181 = arith.constant 80 : i32
        %lt3A_182 = arith.cmpi slt, %add3A_180, %lt3A_181 : i32
        %convert_element_type3A_183 = arith.extui %lt3A_182 : i1 to i32
        %cond3A_184 = arith.constant 0 : i32
        %cond3A_185 = arith.cmpi ne, %convert_element_type3A_183, %cond3A_184 : i32
        scf.if %cond3A_185 {
          %dma_start3A_186 = arith.constant 1 : i32
          %dma_start3A_187 = arith.constant 0 : i32
          %dma_start3A_188 = arith.constant 0 : i32
          %dma_start3A_189 = tpu.memref_slice %arg14[%dma_start3A_186, %dma_start3A_187, %dma_start3A_188] : memref<2x125x128xf32, #tpu.memory_space<vmem>> -> memref<1x125x128xf32, #tpu.memory_space<vmem>>
          %dma_start3A_190 = tpu.memref_squeeze %dma_start3A_189 : memref<1x125x128xf32, #tpu.memory_space<vmem>> -> memref<125x128xf32, #tpu.memory_space<vmem>>
          %dma_start3A_191 = arith.constant 0 : i32
          %dma_start3A_192 = tpu.memref_slice %arg12[%add3A_180, %dma_start3A_191] : memref<80x125xi32, #tpu.memory_space<vmem>> -> memref<1x125xi32, #tpu.memory_space<vmem>>
          %dma_start3A_193 = tpu.memref_squeeze %dma_start3A_192 : memref<1x125xi32, #tpu.memory_space<vmem>> -> memref<125xi32, #tpu.memory_space<vmem>>
          %dma_start3A_194 = arith.constant 0 : i32
          %dma_start3A_195 = arith.constant 0 : i32
          %dma_start3A_196 = tpu.memref_slice %arg5[%dma_start3A_194, %dma_start3A_195] : memref<10000x128xf32, #tpu.memory_space<hbm>> -> memref<10000x128xf32, #tpu.memory_space<hbm>>
          tpu.enqueue_indirect_dma source(%dma_start3A_196 : memref<10000x128xf32, #tpu.memory_space<hbm>>) target(%dma_start3A_190 : memref<125x128xf32, #tpu.memory_space<vmem>>) offsets(%dma_start3A_193 : memref<125xi32, #tpu.memory_space<vmem>>) semaphore(%arg17 : memref<!tpu.dma_semaphore, #tpu.memory_space<semaphore_mem>>)
        } else {
        }
      }
      %scan3A_118 = arith.constant 20 : i32
      %barrier3A_119 = arith.constant 0 : index
      tpu.barrier barrier_id(%barrier3A_119)
      %mul3A_120 = arith.constant 624 : i32
      %mul3A_121 = arith.muli %arg1, %mul3A_120 : i32
      %mul3A_122 = arith.constant 624 : i32
      %mul3A_123 = arith.muli %arg1, %mul3A_122 : i32
      "tpu.region"() ({
        %run_scoped3A = tpu.sem_alloc : memref<!tpu.dma_semaphore, #tpu.memory_space<semaphore_mem>>
        %dma_start3A_130 = arith.constant 0 : i32
        %dma_start3A_131 = tpu.memref_slice %arg9[%mul3A_123, %dma_start3A_130] : memref<10000x128xf32, #tpu.memory_space<hbm>> -> memref<624x128xf32, #tpu.memory_space<hbm>>
        %dma_start3A_132 = arith.constant 0 : i32
        %dma_start3A_133 = tpu.memref_slice %arg15[%mul3A_121, %dma_start3A_132] : memref<10000x128xf32, #tpu.memory_space<vmem_shared>> -> memref<624x128xf32, #tpu.memory_space<vmem_shared>>
        tpu.enqueue_dma source(%dma_start3A_133 : memref<624x128xf32, #tpu.memory_space<vmem_shared>>) target(%dma_start3A_131 : memref<624x128xf32, #tpu.memory_space<hbm>>) target_semaphore(%run_scoped3A : memref<!tpu.dma_semaphore, #tpu.memory_space<semaphore_mem>>)
        %dma_wait3A = arith.constant 0 : i32
        %dma_wait3A_134 = tpu.memref_slice %arg9[%mul3A_123, %dma_wait3A] : memref<10000x128xf32, #tpu.memory_space<hbm>> -> memref<624x128xf32, #tpu.memory_space<hbm>>
        %dma_wait3A_135 = arith.constant 0 : i32
        %dma_wait3A_136 = tpu.memref_slice %arg15[%mul3A_121, %dma_wait3A_135] : memref<10000x128xf32, #tpu.memory_space<vmem_shared>> -> memref<624x128xf32, #tpu.memory_space<vmem_shared>>
        tpu.wait_dma2 semaphore(%run_scoped3A : memref<!tpu.dma_semaphore, #tpu.memory_space<semaphore_mem>>) src(%dma_wait3A_136 : memref<624x128xf32, #tpu.memory_space<vmem_shared>>) dst(%dma_wait3A_134 : memref<624x128xf32, #tpu.memory_space<hbm>>)
        tpu.yield
      }) : () -> ()
      %eq3A_124 = arith.constant 15 : i32
      %eq3A_125 = arith.cmpi eq, %arg1, %eq3A_124 : i32
      %convert_element_type3A_126 = arith.extui %eq3A_125 : i1 to i32
      %cond3A_127 = arith.constant 0 : i32
      %cond3A_128 = arith.cmpi ne, %convert_element_type3A_126, %cond3A_127 : i32
      scf.if %cond3A_128 {
        "tpu.region"() ({
          %run_scoped3A = tpu.sem_alloc : memref<!tpu.dma_semaphore, #tpu.memory_space<semaphore_mem>>
          %dma_start3A_130 = arith.constant 9984 : i32
          %dma_start3A_131 = arith.constant 0 : i32
          %dma_start3A_132 = tpu.memref_slice %arg9[%dma_start3A_130, %dma_start3A_131] : memref<10000x128xf32, #tpu.memory_space<hbm>> -> memref<16x128xf32, #tpu.memory_space<hbm>>
          %dma_start3A_133 = arith.constant 9984 : i32
          %dma_start3A_134 = arith.constant 0 : i32
          %dma_start3A_135 = tpu.memref_slice %arg15[%dma_start3A_133, %dma_start3A_134] : memref<10000x128xf32, #tpu.memory_space<vmem_shared>> -> memref<16x128xf32, #tpu.memory_space<vmem_shared>>
          tpu.enqueue_dma source(%dma_start3A_135 : memref<16x128xf32, #tpu.memory_space<vmem_shared>>) target(%dma_start3A_132 : memref<16x128xf32, #tpu.memory_space<hbm>>) target_semaphore(%run_scoped3A : memref<!tpu.dma_semaphore, #tpu.memory_space<semaphore_mem>>)
          %dma_wait3A = arith.constant 9984 : i32
          %dma_wait3A_136 = arith.constant 0 : i32
          %dma_wait3A_137 = tpu.memref_slice %arg9[%dma_wait3A, %dma_wait3A_136] : memref<10000x128xf32, #tpu.memory_space<hbm>> -> memref<16x128xf32, #tpu.memory_space<hbm>>
          %dma_wait3A_138 = arith.constant 9984 : i32
          %dma_wait3A_139 = arith.constant 0 : i32
          %dma_wait3A_140 = tpu.memref_slice %arg15[%dma_wait3A_138, %dma_wait3A_139] : memref<10000x128xf32, #tpu.memory_space<vmem_shared>> -> memref<16x128xf32, #tpu.memory_space<vmem_shared>>
          tpu.wait_dma2 semaphore(%run_scoped3A : memref<!tpu.dma_semaphore, #tpu.memory_space<semaphore_mem>>) src(%dma_wait3A_140 : memref<16x128xf32, #tpu.memory_space<vmem_shared>>) dst(%dma_wait3A_137 : memref<16x128xf32, #tpu.memory_space<hbm>>)
          tpu.yield
        }) : () -> ()
      } else {
      }
      %barrier3A_129 = arith.constant 0 : index
      tpu.barrier barrier_id(%barrier3A_129)
    } else {
    }
    %eq3A_3 = arith.constant 1 : i32
    %eq3A_4 = arith.cmpi eq, %arg0, %eq3A_3 : i32
    %convert_element_type3A_5 = arith.extui %eq3A_4 : i1 to i32
    %cond3A_6 = arith.constant 0 : i32
    %cond3A_7 = arith.cmpi ne, %convert_element_type3A_5, %cond3A_6 : i32
    scf.if %cond3A_7 {
      %mul3A_8 = arith.constant 624 : i32
      %mul3A_9 = arith.muli %arg1, %mul3A_8 : i32
      %mul3A_10 = arith.constant 624 : i32
      %mul3A_11 = arith.muli %arg1, %mul3A_10 : i32
      "tpu.region"() ({
        %run_scoped3A = tpu.sem_alloc : memref<!tpu.dma_semaphore, #tpu.memory_space<semaphore_mem>>
        %dma_start3A_130 = arith.constant 0 : i32
        %dma_start3A_131 = tpu.memref_slice %arg15[%mul3A_11, %dma_start3A_130] : memref<10000x128xf32, #tpu.memory_space<vmem_shared>> -> memref<624x128xf32, #tpu.memory_space<vmem_shared>>
        %dma_start3A_132 = arith.constant 0 : i32
        %dma_start3A_133 = tpu.memref_slice %arg6[%mul3A_9, %dma_start3A_132] : memref<10000x128xf32, #tpu.memory_space<hbm>> -> memref<624x128xf32, #tpu.memory_space<hbm>>
        tpu.enqueue_dma source(%dma_start3A_133 : memref<624x128xf32, #tpu.memory_space<hbm>>) target(%dma_start3A_131 : memref<624x128xf32, #tpu.memory_space<vmem_shared>>) target_semaphore(%run_scoped3A : memref<!tpu.dma_semaphore, #tpu.memory_space<semaphore_mem>>)
        %dma_wait3A = arith.constant 0 : i32
        %dma_wait3A_134 = tpu.memref_slice %arg15[%mul3A_11, %dma_wait3A] : memref<10000x128xf32, #tpu.memory_space<vmem_shared>> -> memref<624x128xf32, #tpu.memory_space<vmem_shared>>
        %dma_wait3A_135 = arith.constant 0 : i32
        %dma_wait3A_136 = tpu.memref_slice %arg6[%mul3A_9, %dma_wait3A_135] : memref<10000x128xf32, #tpu.memory_space<hbm>> -> memref<624x128xf32, #tpu.memory_space<hbm>>
        tpu.wait_dma2 semaphore(%run_scoped3A : memref<!tpu.dma_semaphore, #tpu.memory_space<semaphore_mem>>) src(%dma_wait3A_136 : memref<624x128xf32, #tpu.memory_space<hbm>>) dst(%dma_wait3A_134 : memref<624x128xf32, #tpu.memory_space<vmem_shared>>)
        tpu.yield
      }) : () -> ()
      %eq3A_12 = arith.constant 15 : i32
      %eq3A_13 = arith.cmpi eq, %arg1, %eq3A_12 : i32
      %convert_element_type3A_14 = arith.extui %eq3A_13 : i1 to i32
      %cond3A_15 = arith.constant 0 : i32
      %cond3A_16 = arith.cmpi ne, %convert_element_type3A_14, %cond3A_15 : i32
      scf.if %cond3A_16 {
        "tpu.region"() ({
          %run_scoped3A = tpu.sem_alloc : memref<!tpu.dma_semaphore, #tpu.memory_space<semaphore_mem>>
          %dma_start3A_130 = arith.constant 9984 : i32
          %dma_start3A_131 = arith.constant 0 : i32
          %dma_start3A_132 = tpu.memref_slice %arg15[%dma_start3A_130, %dma_start3A_131] : memref<10000x128xf32, #tpu.memory_space<vmem_shared>> -> memref<16x128xf32, #tpu.memory_space<vmem_shared>>
          %dma_start3A_133 = arith.constant 9984 : i32
          %dma_start3A_134 = arith.constant 0 : i32
          %dma_start3A_135 = tpu.memref_slice %arg6[%dma_start3A_133, %dma_start3A_134] : memref<10000x128xf32, #tpu.memory_space<hbm>> -> memref<16x128xf32, #tpu.memory_space<hbm>>
          tpu.enqueue_dma source(%dma_start3A_135 : memref<16x128xf32, #tpu.memory_space<hbm>>) target(%dma_start3A_132 : memref<16x128xf32, #tpu.memory_space<vmem_shared>>) target_semaphore(%run_scoped3A : memref<!tpu.dma_semaphore, #tpu.memory_space<semaphore_mem>>)
          %dma_wait3A = arith.constant 9984 : i32
          %dma_wait3A_136 = arith.constant 0 : i32
          %dma_wait3A_137 = tpu.memref_slice %arg15[%dma_wait3A, %dma_wait3A_136] : memref<10000x128xf32, #tpu.memory_space<vmem_shared>> -> memref<16x128xf32, #tpu.memory_space<vmem_shared>>
          %dma_wait3A_138 = arith.constant 9984 : i32
          %dma_wait3A_139 = arith.constant 0 : i32
          %dma_wait3A_140 = tpu.memref_slice %arg6[%dma_wait3A_138, %dma_wait3A_139] : memref<10000x128xf32, #tpu.memory_space<hbm>> -> memref<16x128xf32, #tpu.memory_space<hbm>>
          tpu.wait_dma2 semaphore(%run_scoped3A : memref<!tpu.dma_semaphore, #tpu.memory_space<semaphore_mem>>) src(%dma_wait3A_140 : memref<16x128xf32, #tpu.memory_space<hbm>>) dst(%dma_wait3A_137 : memref<16x128xf32, #tpu.memory_space<vmem_shared>>)
          tpu.yield
        }) : () -> ()
      } else {
      }
      %barrier3A = arith.constant 0 : index
      tpu.barrier barrier_id(%barrier3A)
      %dma_start3A = arith.constant 0 : i32
      %dma_start3A_17 = arith.constant 0 : i32
      %dma_start3A_18 = arith.constant 0 : i32
      %dma_start3A_19 = arith.constant 0 : i32
      %dma_start3A_20 = tpu.memref_slice %arg14[%dma_start3A_17, %dma_start3A_18, %dma_start3A_19] : memref<2x125x128xf32, #tpu.memory_space<vmem>> -> memref<1x125x128xf32, #tpu.memory_space<vmem>>
      %dma_start3A_21 = tpu.memref_squeeze %dma_start3A_20 : memref<1x125x128xf32, #tpu.memory_space<vmem>> -> memref<125x128xf32, #tpu.memory_space<vmem>>
      %dma_start3A_22 = arith.constant 0 : i32
      %dma_start3A_23 = tpu.memref_slice %arg12[%dma_start3A, %dma_start3A_22] : memref<80x125xi32, #tpu.memory_space<vmem>> -> memref<1x125xi32, #tpu.memory_space<vmem>>
      %dma_start3A_24 = tpu.memref_squeeze %dma_start3A_23 : memref<1x125xi32, #tpu.memory_space<vmem>> -> memref<125xi32, #tpu.memory_space<vmem>>
      %dma_start3A_25 = arith.constant 0 : i32
      %dma_start3A_26 = arith.constant 0 : i32
      %dma_start3A_27 = tpu.memref_slice %arg6[%dma_start3A_25, %dma_start3A_26] : memref<10000x128xf32, #tpu.memory_space<hbm>> -> memref<10000x128xf32, #tpu.memory_space<hbm>>
      tpu.enqueue_indirect_dma source(%dma_start3A_27 : memref<10000x128xf32, #tpu.memory_space<hbm>>) target(%dma_start3A_21 : memref<125x128xf32, #tpu.memory_space<vmem>>) offsets(%dma_start3A_24 : memref<125xi32, #tpu.memory_space<vmem>>) semaphore(%arg16 : memref<!tpu.dma_semaphore, #tpu.memory_space<semaphore_mem>>)
      %dma_start3A_28 = arith.constant 1 : i32
      %dma_start3A_29 = arith.constant 1 : i32
      %dma_start3A_30 = arith.constant 0 : i32
      %dma_start3A_31 = arith.constant 0 : i32
      %dma_start3A_32 = tpu.memref_slice %arg14[%dma_start3A_29, %dma_start3A_30, %dma_start3A_31] : memref<2x125x128xf32, #tpu.memory_space<vmem>> -> memref<1x125x128xf32, #tpu.memory_space<vmem>>
      %dma_start3A_33 = tpu.memref_squeeze %dma_start3A_32 : memref<1x125x128xf32, #tpu.memory_space<vmem>> -> memref<125x128xf32, #tpu.memory_space<vmem>>
      %dma_start3A_34 = arith.constant 0 : i32
      %dma_start3A_35 = tpu.memref_slice %arg12[%dma_start3A_28, %dma_start3A_34] : memref<80x125xi32, #tpu.memory_space<vmem>> -> memref<1x125xi32, #tpu.memory_space<vmem>>
      %dma_start3A_36 = tpu.memref_squeeze %dma_start3A_35 : memref<1x125xi32, #tpu.memory_space<vmem>> -> memref<125xi32, #tpu.memory_space<vmem>>
      %dma_start3A_37 = arith.constant 0 : i32
      %dma_start3A_38 = arith.constant 0 : i32
      %dma_start3A_39 = tpu.memref_slice %arg6[%dma_start3A_37, %dma_start3A_38] : memref<10000x128xf32, #tpu.memory_space<hbm>> -> memref<10000x128xf32, #tpu.memory_space<hbm>>
      tpu.enqueue_indirect_dma source(%dma_start3A_39 : memref<10000x128xf32, #tpu.memory_space<hbm>>) target(%dma_start3A_33 : memref<125x128xf32, #tpu.memory_space<vmem>>) offsets(%dma_start3A_36 : memref<125xi32, #tpu.memory_space<vmem>>) semaphore(%arg17 : memref<!tpu.dma_semaphore, #tpu.memory_space<semaphore_mem>>)
      %mul3A_40 = arith.constant 80 : i32
      %mul3A_41 = arith.muli %arg1, %mul3A_40 : i32
      %add3A = arith.constant 0 : i32
      %add3A_42 = arith.addi %mul3A_41, %add3A : i32
      "tpu.region"() ({
        %run_scoped3A = tpu.sem_alloc : memref<!tpu.dma_semaphore, #tpu.memory_space<semaphore_mem>>
        %dma_start3A_130 = arith.constant 0 : i32
        %dma_start3A_131 = tpu.memref_slice %arg3[%add3A_42, %dma_start3A_130] : memref<1280x125xi32, #tpu.memory_space<hbm>> -> memref<40x125xi32, #tpu.memory_space<hbm>>
        %dma_start3A_132 = arith.constant 0 : i32
        %dma_start3A_133 = tpu.memref_slice %arg3[%add3A_42, %dma_start3A_132] : memref<1280x125xi32, #tpu.memory_space<hbm>> -> memref<40x125xi32, #tpu.memory_space<hbm>>
        tpu.enqueue_dma source(%dma_start3A_133 : memref<40x125xi32, #tpu.memory_space<hbm>>) target(%arg13 : memref<40x125xi32, #tpu.memory_space<vmem>>) target_semaphore(%run_scoped3A : memref<!tpu.dma_semaphore, #tpu.memory_space<semaphore_mem>>)
        %dma_wait3A = arith.constant 0 : i32
        %dma_wait3A_134 = tpu.memref_slice %arg3[%add3A_42, %dma_wait3A] : memref<1280x125xi32, #tpu.memory_space<hbm>> -> memref<40x125xi32, #tpu.memory_space<hbm>>
        %dma_wait3A_135 = arith.constant 0 : i32
        %dma_wait3A_136 = tpu.memref_slice %arg3[%add3A_42, %dma_wait3A_135] : memref<1280x125xi32, #tpu.memory_space<hbm>> -> memref<40x125xi32, #tpu.memory_space<hbm>>
        tpu.wait_dma2 semaphore(%run_scoped3A : memref<!tpu.dma_semaphore, #tpu.memory_space<semaphore_mem>>) src(%dma_wait3A_136 : memref<40x125xi32, #tpu.memory_space<hbm>>) dst(%arg13 : memref<40x125xi32, #tpu.memory_space<vmem>>)
        tpu.yield
      }) : () -> ()
      %scan3A = arith.constant 0 : i32
      %scan3A_43 = arith.constant 20 : i32
      %scan3A_44 = arith.addi %scan3A, %scan3A_43 : i32
      %scan3A_45 = arith.constant 1 : i32
      scf.for %scan3A_130 = %scan3A to %scan3A_44 step %scan3A_45  : i32 {
        %mul3A_131 = arith.constant 1 : i32
        %mul3A_132 = arith.muli %scan3A_130, %mul3A_131 : i32
        %add3A_133 = arith.constant 0 : i32
        %add3A_134 = arith.addi %add3A_133, %mul3A_132 : i32
        %mul3A_135 = arith.constant 2 : i32
        %mul3A_136 = arith.muli %mul3A_135, %add3A_134 : i32
        %dma_wait3A = arith.constant 0 : i32
        %dma_wait3A_137 = arith.constant 0 : i32
        %dma_wait3A_138 = arith.constant 0 : i32
        %dma_wait3A_139 = arith.constant 0 : i32
        %dma_wait3A_140 = tpu.memref_slice %arg14[%dma_wait3A_137, %dma_wait3A_138, %dma_wait3A_139] : memref<2x125x128xf32, #tpu.memory_space<vmem>> -> memref<1x125x128xf32, #tpu.memory_space<vmem>>
        %dma_wait3A_141 = tpu.memref_squeeze %dma_wait3A_140 : memref<1x125x128xf32, #tpu.memory_space<vmem>> -> memref<125x128xf32, #tpu.memory_space<vmem>>
        %dma_wait3A_142 = arith.constant 0 : i32
        %dma_wait3A_143 = tpu.memref_slice %arg12[%dma_wait3A, %dma_wait3A_142] : memref<80x125xi32, #tpu.memory_space<vmem>> -> memref<1x125xi32, #tpu.memory_space<vmem>>
        %dma_wait3A_144 = tpu.memref_squeeze %dma_wait3A_143 : memref<1x125xi32, #tpu.memory_space<vmem>> -> memref<125xi32, #tpu.memory_space<vmem>>
        %dma_wait3A_145 = arith.constant 0 : i32
        %dma_wait3A_146 = arith.constant 0 : i32
        %dma_wait3A_147 = tpu.memref_slice %arg6[%dma_wait3A_145, %dma_wait3A_146] : memref<10000x128xf32, #tpu.memory_space<hbm>> -> memref<10000x128xf32, #tpu.memory_space<hbm>>
        tpu.wait_indirect_dma semaphore(%arg16 : memref<!tpu.dma_semaphore, #tpu.memory_space<semaphore_mem>>) src(%dma_wait3A_147 : memref<10000x128xf32, #tpu.memory_space<hbm>>) dst(%dma_wait3A_141 : memref<125x128xf32, #tpu.memory_space<vmem>>)
        %add3A_148 = arith.constant 0 : i32
        %add3A_149 = arith.addi %mul3A_136, %add3A_148 : i32
        %run_scoped3A = arith.constant 0 : i32
        "tpu.region"() ({
          %run_scoped3A_186 = tpu.sem_alloc : memref<!tpu.dma_semaphore, #tpu.memory_space<semaphore_mem>>
          %dma_start3A_187 = arith.constant 0 : i32
          %dma_start3A_188 = arith.constant 0 : i32
          %dma_start3A_189 = tpu.memref_slice %arg14[%run_scoped3A, %dma_start3A_187, %dma_start3A_188] : memref<2x125x128xf32, #tpu.memory_space<vmem>> -> memref<1x125x128xf32, #tpu.memory_space<vmem>>
          %dma_start3A_190 = tpu.memref_squeeze %dma_start3A_189 : memref<1x125x128xf32, #tpu.memory_space<vmem>> -> memref<125x128xf32, #tpu.memory_space<vmem>>
          %dma_start3A_191 = arith.constant 0 : i32
          %dma_start3A_192 = tpu.memref_slice %arg13[%add3A_149, %dma_start3A_191] : memref<40x125xi32, #tpu.memory_space<vmem>> -> memref<1x125xi32, #tpu.memory_space<vmem>>
          %dma_start3A_193 = tpu.memref_squeeze %dma_start3A_192 : memref<1x125xi32, #tpu.memory_space<vmem>> -> memref<125xi32, #tpu.memory_space<vmem>>
          %dma_start3A_194 = arith.constant 0 : i32
          %dma_start3A_195 = arith.constant 0 : i32
          %dma_start3A_196 = tpu.memref_slice %arg15[%dma_start3A_194, %dma_start3A_195] : memref<10000x128xf32, #tpu.memory_space<vmem_shared>> -> memref<10000x128xf32, #tpu.memory_space<vmem_shared>>
          tpu.enqueue_indirect_dma source(%dma_start3A_190 : memref<125x128xf32, #tpu.memory_space<vmem>>) target(%dma_start3A_196 : memref<10000x128xf32, #tpu.memory_space<vmem_shared>>) offsets(%dma_start3A_193 : memref<125xi32, #tpu.memory_space<vmem>>) semaphore(%run_scoped3A_186 : memref<!tpu.dma_semaphore, #tpu.memory_space<semaphore_mem>>) {add = true}
          %dma_wait3A_197 = arith.constant 0 : i32
          %dma_wait3A_198 = arith.constant 0 : i32
          %dma_wait3A_199 = tpu.memref_slice %arg14[%run_scoped3A, %dma_wait3A_197, %dma_wait3A_198] : memref<2x125x128xf32, #tpu.memory_space<vmem>> -> memref<1x125x128xf32, #tpu.memory_space<vmem>>
          %dma_wait3A_200 = tpu.memref_squeeze %dma_wait3A_199 : memref<1x125x128xf32, #tpu.memory_space<vmem>> -> memref<125x128xf32, #tpu.memory_space<vmem>>
          %dma_wait3A_201 = arith.constant 0 : i32
          %dma_wait3A_202 = tpu.memref_slice %arg13[%add3A_149, %dma_wait3A_201] : memref<40x125xi32, #tpu.memory_space<vmem>> -> memref<1x125xi32, #tpu.memory_space<vmem>>
          %dma_wait3A_203 = tpu.memref_squeeze %dma_wait3A_202 : memref<1x125xi32, #tpu.memory_space<vmem>> -> memref<125xi32, #tpu.memory_space<vmem>>
          %dma_wait3A_204 = arith.constant 0 : i32
          %dma_wait3A_205 = arith.constant 0 : i32
          %dma_wait3A_206 = tpu.memref_slice %arg15[%dma_wait3A_204, %dma_wait3A_205] : memref<10000x128xf32, #tpu.memory_space<vmem_shared>> -> memref<10000x128xf32, #tpu.memory_space<vmem_shared>>
          tpu.wait_indirect_dma semaphore(%run_scoped3A_186 : memref<!tpu.dma_semaphore, #tpu.memory_space<semaphore_mem>>) src(%dma_wait3A_200 : memref<125x128xf32, #tpu.memory_space<vmem>>) dst(%dma_wait3A_206 : memref<10000x128xf32, #tpu.memory_space<vmem_shared>>)
          tpu.yield
        }) : () -> ()
        %add3A_150 = arith.constant 0 : i32
        %add3A_151 = arith.addi %add3A_150, %mul3A_136 : i32
        %add3A_152 = arith.constant 2 : i32
        %add3A_153 = arith.addi %add3A_151, %add3A_152 : i32
        %add3A_154 = arith.constant 0 : i32
        %add3A_155 = arith.addi %add3A_153, %add3A_154 : i32
        %lt3A = arith.constant 80 : i32
        %lt3A_156 = arith.cmpi slt, %add3A_155, %lt3A : i32
        %convert_element_type3A_157 = arith.extui %lt3A_156 : i1 to i32
        %cond3A_158 = arith.constant 0 : i32
        %cond3A_159 = arith.cmpi ne, %convert_element_type3A_157, %cond3A_158 : i32
        scf.if %cond3A_159 {
          %dma_start3A_186 = arith.constant 0 : i32
          %dma_start3A_187 = arith.constant 0 : i32
          %dma_start3A_188 = arith.constant 0 : i32
          %dma_start3A_189 = tpu.memref_slice %arg14[%dma_start3A_186, %dma_start3A_187, %dma_start3A_188] : memref<2x125x128xf32, #tpu.memory_space<vmem>> -> memref<1x125x128xf32, #tpu.memory_space<vmem>>
          %dma_start3A_190 = tpu.memref_squeeze %dma_start3A_189 : memref<1x125x128xf32, #tpu.memory_space<vmem>> -> memref<125x128xf32, #tpu.memory_space<vmem>>
          %dma_start3A_191 = arith.constant 0 : i32
          %dma_start3A_192 = tpu.memref_slice %arg12[%add3A_155, %dma_start3A_191] : memref<80x125xi32, #tpu.memory_space<vmem>> -> memref<1x125xi32, #tpu.memory_space<vmem>>
          %dma_start3A_193 = tpu.memref_squeeze %dma_start3A_192 : memref<1x125xi32, #tpu.memory_space<vmem>> -> memref<125xi32, #tpu.memory_space<vmem>>
          %dma_start3A_194 = arith.constant 0 : i32
          %dma_start3A_195 = arith.constant 0 : i32
          %dma_start3A_196 = tpu.memref_slice %arg6[%dma_start3A_194, %dma_start3A_195] : memref<10000x128xf32, #tpu.memory_space<hbm>> -> memref<10000x128xf32, #tpu.memory_space<hbm>>
          tpu.enqueue_indirect_dma source(%dma_start3A_196 : memref<10000x128xf32, #tpu.memory_space<hbm>>) target(%dma_start3A_190 : memref<125x128xf32, #tpu.memory_space<vmem>>) offsets(%dma_start3A_193 : memref<125xi32, #tpu.memory_space<vmem>>) semaphore(%arg16 : memref<!tpu.dma_semaphore, #tpu.memory_space<semaphore_mem>>)
        } else {
        }
        %dma_wait3A_160 = arith.constant 0 : i32
        %dma_wait3A_161 = arith.constant 1 : i32
        %dma_wait3A_162 = arith.constant 0 : i32
        %dma_wait3A_163 = arith.constant 0 : i32
        %dma_wait3A_164 = tpu.memref_slice %arg14[%dma_wait3A_161, %dma_wait3A_162, %dma_wait3A_163] : memref<2x125x128xf32, #tpu.memory_space<vmem>> -> memref<1x125x128xf32, #tpu.memory_space<vmem>>
        %dma_wait3A_165 = tpu.memref_squeeze %dma_wait3A_164 : memref<1x125x128xf32, #tpu.memory_space<vmem>> -> memref<125x128xf32, #tpu.memory_space<vmem>>
        %dma_wait3A_166 = arith.constant 0 : i32
        %dma_wait3A_167 = tpu.memref_slice %arg12[%dma_wait3A_160, %dma_wait3A_166] : memref<80x125xi32, #tpu.memory_space<vmem>> -> memref<1x125xi32, #tpu.memory_space<vmem>>
        %dma_wait3A_168 = tpu.memref_squeeze %dma_wait3A_167 : memref<1x125xi32, #tpu.memory_space<vmem>> -> memref<125xi32, #tpu.memory_space<vmem>>
        %dma_wait3A_169 = arith.constant 0 : i32
        %dma_wait3A_170 = arith.constant 0 : i32
        %dma_wait3A_171 = tpu.memref_slice %arg6[%dma_wait3A_169, %dma_wait3A_170] : memref<10000x128xf32, #tpu.memory_space<hbm>> -> memref<10000x128xf32, #tpu.memory_space<hbm>>
        tpu.wait_indirect_dma semaphore(%arg17 : memref<!tpu.dma_semaphore, #tpu.memory_space<semaphore_mem>>) src(%dma_wait3A_171 : memref<10000x128xf32, #tpu.memory_space<hbm>>) dst(%dma_wait3A_165 : memref<125x128xf32, #tpu.memory_space<vmem>>)
        %add3A_172 = arith.constant 1 : i32
        %add3A_173 = arith.addi %mul3A_136, %add3A_172 : i32
        %run_scoped3A_174 = arith.constant 1 : i32
        "tpu.region"() ({
          %run_scoped3A_186 = tpu.sem_alloc : memref<!tpu.dma_semaphore, #tpu.memory_space<semaphore_mem>>
          %dma_start3A_187 = arith.constant 0 : i32
          %dma_start3A_188 = arith.constant 0 : i32
          %dma_start3A_189 = tpu.memref_slice %arg14[%run_scoped3A_174, %dma_start3A_187, %dma_start3A_188] : memref<2x125x128xf32, #tpu.memory_space<vmem>> -> memref<1x125x128xf32, #tpu.memory_space<vmem>>
          %dma_start3A_190 = tpu.memref_squeeze %dma_start3A_189 : memref<1x125x128xf32, #tpu.memory_space<vmem>> -> memref<125x128xf32, #tpu.memory_space<vmem>>
          %dma_start3A_191 = arith.constant 0 : i32
          %dma_start3A_192 = tpu.memref_slice %arg13[%add3A_173, %dma_start3A_191] : memref<40x125xi32, #tpu.memory_space<vmem>> -> memref<1x125xi32, #tpu.memory_space<vmem>>
          %dma_start3A_193 = tpu.memref_squeeze %dma_start3A_192 : memref<1x125xi32, #tpu.memory_space<vmem>> -> memref<125xi32, #tpu.memory_space<vmem>>
          %dma_start3A_194 = arith.constant 0 : i32
          %dma_start3A_195 = arith.constant 0 : i32
          %dma_start3A_196 = tpu.memref_slice %arg15[%dma_start3A_194, %dma_start3A_195] : memref<10000x128xf32, #tpu.memory_space<vmem_shared>> -> memref<10000x128xf32, #tpu.memory_space<vmem_shared>>
          tpu.enqueue_indirect_dma source(%dma_start3A_190 : memref<125x128xf32, #tpu.memory_space<vmem>>) target(%dma_start3A_196 : memref<10000x128xf32, #tpu.memory_space<vmem_shared>>) offsets(%dma_start3A_193 : memref<125xi32, #tpu.memory_space<vmem>>) semaphore(%run_scoped3A_186 : memref<!tpu.dma_semaphore, #tpu.memory_space<semaphore_mem>>) {add = true}
          %dma_wait3A_197 = arith.constant 0 : i32
          %dma_wait3A_198 = arith.constant 0 : i32
          %dma_wait3A_199 = tpu.memref_slice %arg14[%run_scoped3A_174, %dma_wait3A_197, %dma_wait3A_198] : memref<2x125x128xf32, #tpu.memory_space<vmem>> -> memref<1x125x128xf32, #tpu.memory_space<vmem>>
          %dma_wait3A_200 = tpu.memref_squeeze %dma_wait3A_199 : memref<1x125x128xf32, #tpu.memory_space<vmem>> -> memref<125x128xf32, #tpu.memory_space<vmem>>
          %dma_wait3A_201 = arith.constant 0 : i32
          %dma_wait3A_202 = tpu.memref_slice %arg13[%add3A_173, %dma_wait3A_201] : memref<40x125xi32, #tpu.memory_space<vmem>> -> memref<1x125xi32, #tpu.memory_space<vmem>>
          %dma_wait3A_203 = tpu.memref_squeeze %dma_wait3A_202 : memref<1x125xi32, #tpu.memory_space<vmem>> -> memref<125xi32, #tpu.memory_space<vmem>>
          %dma_wait3A_204 = arith.constant 0 : i32
          %dma_wait3A_205 = arith.constant 0 : i32
          %dma_wait3A_206 = tpu.memref_slice %arg15[%dma_wait3A_204, %dma_wait3A_205] : memref<10000x128xf32, #tpu.memory_space<vmem_shared>> -> memref<10000x128xf32, #tpu.memory_space<vmem_shared>>
          tpu.wait_indirect_dma semaphore(%run_scoped3A_186 : memref<!tpu.dma_semaphore, #tpu.memory_space<semaphore_mem>>) src(%dma_wait3A_200 : memref<125x128xf32, #tpu.memory_space<vmem>>) dst(%dma_wait3A_206 : memref<10000x128xf32, #tpu.memory_space<vmem_shared>>)
          tpu.yield
        }) : () -> ()
        %add3A_175 = arith.constant 0 : i32
        %add3A_176 = arith.addi %add3A_175, %mul3A_136 : i32
        %add3A_177 = arith.constant 2 : i32
        %add3A_178 = arith.addi %add3A_176, %add3A_177 : i32
        %add3A_179 = arith.constant 1 : i32
        %add3A_180 = arith.addi %add3A_178, %add3A_179 : i32
        %lt3A_181 = arith.constant 80 : i32
        %lt3A_182 = arith.cmpi slt, %add3A_180, %lt3A_181 : i32
        %convert_element_type3A_183 = arith.extui %lt3A_182 : i1 to i32
        %cond3A_184 = arith.constant 0 : i32
        %cond3A_185 = arith.cmpi ne, %convert_element_type3A_183, %cond3A_184 : i32
        scf.if %cond3A_185 {
          %dma_start3A_186 = arith.constant 1 : i32
          %dma_start3A_187 = arith.constant 0 : i32
          %dma_start3A_188 = arith.constant 0 : i32
          %dma_start3A_189 = tpu.memref_slice %arg14[%dma_start3A_186, %dma_start3A_187, %dma_start3A_188] : memref<2x125x128xf32, #tpu.memory_space<vmem>> -> memref<1x125x128xf32, #tpu.memory_space<vmem>>
          %dma_start3A_190 = tpu.memref_squeeze %dma_start3A_189 : memref<1x125x128xf32, #tpu.memory_space<vmem>> -> memref<125x128xf32, #tpu.memory_space<vmem>>
          %dma_start3A_191 = arith.constant 0 : i32
          %dma_start3A_192 = tpu.memref_slice %arg12[%add3A_180, %dma_start3A_191] : memref<80x125xi32, #tpu.memory_space<vmem>> -> memref<1x125xi32, #tpu.memory_space<vmem>>
          %dma_start3A_193 = tpu.memref_squeeze %dma_start3A_192 : memref<1x125xi32, #tpu.memory_space<vmem>> -> memref<125xi32, #tpu.memory_space<vmem>>
          %dma_start3A_194 = arith.constant 0 : i32
          %dma_start3A_195 = arith.constant 0 : i32
          %dma_start3A_196 = tpu.memref_slice %arg6[%dma_start3A_194, %dma_start3A_195] : memref<10000x128xf32, #tpu.memory_space<hbm>> -> memref<10000x128xf32, #tpu.memory_space<hbm>>
          tpu.enqueue_indirect_dma source(%dma_start3A_196 : memref<10000x128xf32, #tpu.memory_space<hbm>>) target(%dma_start3A_190 : memref<125x128xf32, #tpu.memory_space<vmem>>) offsets(%dma_start3A_193 : memref<125xi32, #tpu.memory_space<vmem>>) semaphore(%arg17 : memref<!tpu.dma_semaphore, #tpu.memory_space<semaphore_mem>>)
        } else {
        }
      }
      %scan3A_46 = arith.constant 20 : i32
      %mul3A_47 = arith.constant 80 : i32
      %mul3A_48 = arith.muli %arg1, %mul3A_47 : i32
      %add3A_49 = arith.constant 40 : i32
      %add3A_50 = arith.addi %mul3A_48, %add3A_49 : i32
      "tpu.region"() ({
        %run_scoped3A = tpu.sem_alloc : memref<!tpu.dma_semaphore, #tpu.memory_space<semaphore_mem>>
        %dma_start3A_130 = arith.constant 0 : i32
        %dma_start3A_131 = tpu.memref_slice %arg3[%add3A_50, %dma_start3A_130] : memref<1280x125xi32, #tpu.memory_space<hbm>> -> memref<40x125xi32, #tpu.memory_space<hbm>>
        %dma_start3A_132 = arith.constant 0 : i32
        %dma_start3A_133 = tpu.memref_slice %arg3[%add3A_50, %dma_start3A_132] : memref<1280x125xi32, #tpu.memory_space<hbm>> -> memref<40x125xi32, #tpu.memory_space<hbm>>
        tpu.enqueue_dma source(%dma_start3A_133 : memref<40x125xi32, #tpu.memory_space<hbm>>) target(%arg13 : memref<40x125xi32, #tpu.memory_space<vmem>>) target_semaphore(%run_scoped3A : memref<!tpu.dma_semaphore, #tpu.memory_space<semaphore_mem>>)
        %dma_wait3A = arith.constant 0 : i32
        %dma_wait3A_134 = tpu.memref_slice %arg3[%add3A_50, %dma_wait3A] : memref<1280x125xi32, #tpu.memory_space<hbm>> -> memref<40x125xi32, #tpu.memory_space<hbm>>
        %dma_wait3A_135 = arith.constant 0 : i32
        %dma_wait3A_136 = tpu.memref_slice %arg3[%add3A_50, %dma_wait3A_135] : memref<1280x125xi32, #tpu.memory_space<hbm>> -> memref<40x125xi32, #tpu.memory_space<hbm>>
        tpu.wait_dma2 semaphore(%run_scoped3A : memref<!tpu.dma_semaphore, #tpu.memory_space<semaphore_mem>>) src(%dma_wait3A_136 : memref<40x125xi32, #tpu.memory_space<hbm>>) dst(%arg13 : memref<40x125xi32, #tpu.memory_space<vmem>>)
        tpu.yield
      }) : () -> ()
      %scan3A_51 = arith.constant 0 : i32
      %scan3A_52 = arith.constant 20 : i32
      %scan3A_53 = arith.addi %scan3A_51, %scan3A_52 : i32
      %scan3A_54 = arith.constant 1 : i32
      scf.for %scan3A_130 = %scan3A_51 to %scan3A_53 step %scan3A_54  : i32 {
        %mul3A_131 = arith.constant 1 : i32
        %mul3A_132 = arith.muli %scan3A_130, %mul3A_131 : i32
        %add3A_133 = arith.constant 0 : i32
        %add3A_134 = arith.addi %add3A_133, %mul3A_132 : i32
        %mul3A_135 = arith.constant 2 : i32
        %mul3A_136 = arith.muli %mul3A_135, %add3A_134 : i32
        %dma_wait3A = arith.constant 0 : i32
        %dma_wait3A_137 = arith.constant 0 : i32
        %dma_wait3A_138 = arith.constant 0 : i32
        %dma_wait3A_139 = arith.constant 0 : i32
        %dma_wait3A_140 = tpu.memref_slice %arg14[%dma_wait3A_137, %dma_wait3A_138, %dma_wait3A_139] : memref<2x125x128xf32, #tpu.memory_space<vmem>> -> memref<1x125x128xf32, #tpu.memory_space<vmem>>
        %dma_wait3A_141 = tpu.memref_squeeze %dma_wait3A_140 : memref<1x125x128xf32, #tpu.memory_space<vmem>> -> memref<125x128xf32, #tpu.memory_space<vmem>>
        %dma_wait3A_142 = arith.constant 0 : i32
        %dma_wait3A_143 = tpu.memref_slice %arg12[%dma_wait3A, %dma_wait3A_142] : memref<80x125xi32, #tpu.memory_space<vmem>> -> memref<1x125xi32, #tpu.memory_space<vmem>>
        %dma_wait3A_144 = tpu.memref_squeeze %dma_wait3A_143 : memref<1x125xi32, #tpu.memory_space<vmem>> -> memref<125xi32, #tpu.memory_space<vmem>>
        %dma_wait3A_145 = arith.constant 0 : i32
        %dma_wait3A_146 = arith.constant 0 : i32
        %dma_wait3A_147 = tpu.memref_slice %arg6[%dma_wait3A_145, %dma_wait3A_146] : memref<10000x128xf32, #tpu.memory_space<hbm>> -> memref<10000x128xf32, #tpu.memory_space<hbm>>
        tpu.wait_indirect_dma semaphore(%arg16 : memref<!tpu.dma_semaphore, #tpu.memory_space<semaphore_mem>>) src(%dma_wait3A_147 : memref<10000x128xf32, #tpu.memory_space<hbm>>) dst(%dma_wait3A_141 : memref<125x128xf32, #tpu.memory_space<vmem>>)
        %add3A_148 = arith.constant 0 : i32
        %add3A_149 = arith.addi %mul3A_136, %add3A_148 : i32
        %run_scoped3A = arith.constant 0 : i32
        "tpu.region"() ({
          %run_scoped3A_186 = tpu.sem_alloc : memref<!tpu.dma_semaphore, #tpu.memory_space<semaphore_mem>>
          %dma_start3A_187 = arith.constant 0 : i32
          %dma_start3A_188 = arith.constant 0 : i32
          %dma_start3A_189 = tpu.memref_slice %arg14[%run_scoped3A, %dma_start3A_187, %dma_start3A_188] : memref<2x125x128xf32, #tpu.memory_space<vmem>> -> memref<1x125x128xf32, #tpu.memory_space<vmem>>
          %dma_start3A_190 = tpu.memref_squeeze %dma_start3A_189 : memref<1x125x128xf32, #tpu.memory_space<vmem>> -> memref<125x128xf32, #tpu.memory_space<vmem>>
          %dma_start3A_191 = arith.constant 0 : i32
          %dma_start3A_192 = tpu.memref_slice %arg13[%add3A_149, %dma_start3A_191] : memref<40x125xi32, #tpu.memory_space<vmem>> -> memref<1x125xi32, #tpu.memory_space<vmem>>
          %dma_start3A_193 = tpu.memref_squeeze %dma_start3A_192 : memref<1x125xi32, #tpu.memory_space<vmem>> -> memref<125xi32, #tpu.memory_space<vmem>>
          %dma_start3A_194 = arith.constant 0 : i32
          %dma_start3A_195 = arith.constant 0 : i32
          %dma_start3A_196 = tpu.memref_slice %arg15[%dma_start3A_194, %dma_start3A_195] : memref<10000x128xf32, #tpu.memory_space<vmem_shared>> -> memref<10000x128xf32, #tpu.memory_space<vmem_shared>>
          tpu.enqueue_indirect_dma source(%dma_start3A_190 : memref<125x128xf32, #tpu.memory_space<vmem>>) target(%dma_start3A_196 : memref<10000x128xf32, #tpu.memory_space<vmem_shared>>) offsets(%dma_start3A_193 : memref<125xi32, #tpu.memory_space<vmem>>) semaphore(%run_scoped3A_186 : memref<!tpu.dma_semaphore, #tpu.memory_space<semaphore_mem>>) {add = true}
          %dma_wait3A_197 = arith.constant 0 : i32
          %dma_wait3A_198 = arith.constant 0 : i32
          %dma_wait3A_199 = tpu.memref_slice %arg14[%run_scoped3A, %dma_wait3A_197, %dma_wait3A_198] : memref<2x125x128xf32, #tpu.memory_space<vmem>> -> memref<1x125x128xf32, #tpu.memory_space<vmem>>
          %dma_wait3A_200 = tpu.memref_squeeze %dma_wait3A_199 : memref<1x125x128xf32, #tpu.memory_space<vmem>> -> memref<125x128xf32, #tpu.memory_space<vmem>>
          %dma_wait3A_201 = arith.constant 0 : i32
          %dma_wait3A_202 = tpu.memref_slice %arg13[%add3A_149, %dma_wait3A_201] : memref<40x125xi32, #tpu.memory_space<vmem>> -> memref<1x125xi32, #tpu.memory_space<vmem>>
          %dma_wait3A_203 = tpu.memref_squeeze %dma_wait3A_202 : memref<1x125xi32, #tpu.memory_space<vmem>> -> memref<125xi32, #tpu.memory_space<vmem>>
          %dma_wait3A_204 = arith.constant 0 : i32
          %dma_wait3A_205 = arith.constant 0 : i32
          %dma_wait3A_206 = tpu.memref_slice %arg15[%dma_wait3A_204, %dma_wait3A_205] : memref<10000x128xf32, #tpu.memory_space<vmem_shared>> -> memref<10000x128xf32, #tpu.memory_space<vmem_shared>>
          tpu.wait_indirect_dma semaphore(%run_scoped3A_186 : memref<!tpu.dma_semaphore, #tpu.memory_space<semaphore_mem>>) src(%dma_wait3A_200 : memref<125x128xf32, #tpu.memory_space<vmem>>) dst(%dma_wait3A_206 : memref<10000x128xf32, #tpu.memory_space<vmem_shared>>)
          tpu.yield
        }) : () -> ()
        %add3A_150 = arith.constant 40 : i32
        %add3A_151 = arith.addi %add3A_150, %mul3A_136 : i32
        %add3A_152 = arith.constant 2 : i32
        %add3A_153 = arith.addi %add3A_151, %add3A_152 : i32
        %add3A_154 = arith.constant 0 : i32
        %add3A_155 = arith.addi %add3A_153, %add3A_154 : i32
        %lt3A = arith.constant 80 : i32
        %lt3A_156 = arith.cmpi slt, %add3A_155, %lt3A : i32
        %convert_element_type3A_157 = arith.extui %lt3A_156 : i1 to i32
        %cond3A_158 = arith.constant 0 : i32
        %cond3A_159 = arith.cmpi ne, %convert_element_type3A_157, %cond3A_158 : i32
        scf.if %cond3A_159 {
          %dma_start3A_186 = arith.constant 0 : i32
          %dma_start3A_187 = arith.constant 0 : i32
          %dma_start3A_188 = arith.constant 0 : i32
          %dma_start3A_189 = tpu.memref_slice %arg14[%dma_start3A_186, %dma_start3A_187, %dma_start3A_188] : memref<2x125x128xf32, #tpu.memory_space<vmem>> -> memref<1x125x128xf32, #tpu.memory_space<vmem>>
          %dma_start3A_190 = tpu.memref_squeeze %dma_start3A_189 : memref<1x125x128xf32, #tpu.memory_space<vmem>> -> memref<125x128xf32, #tpu.memory_space<vmem>>
          %dma_start3A_191 = arith.constant 0 : i32
          %dma_start3A_192 = tpu.memref_slice %arg12[%add3A_155, %dma_start3A_191] : memref<80x125xi32, #tpu.memory_space<vmem>> -> memref<1x125xi32, #tpu.memory_space<vmem>>
          %dma_start3A_193 = tpu.memref_squeeze %dma_start3A_192 : memref<1x125xi32, #tpu.memory_space<vmem>> -> memref<125xi32, #tpu.memory_space<vmem>>
          %dma_start3A_194 = arith.constant 0 : i32
          %dma_start3A_195 = arith.constant 0 : i32
          %dma_start3A_196 = tpu.memref_slice %arg6[%dma_start3A_194, %dma_start3A_195] : memref<10000x128xf32, #tpu.memory_space<hbm>> -> memref<10000x128xf32, #tpu.memory_space<hbm>>
          tpu.enqueue_indirect_dma source(%dma_start3A_196 : memref<10000x128xf32, #tpu.memory_space<hbm>>) target(%dma_start3A_190 : memref<125x128xf32, #tpu.memory_space<vmem>>) offsets(%dma_start3A_193 : memref<125xi32, #tpu.memory_space<vmem>>) semaphore(%arg16 : memref<!tpu.dma_semaphore, #tpu.memory_space<semaphore_mem>>)
        } else {
        }
        %dma_wait3A_160 = arith.constant 0 : i32
        %dma_wait3A_161 = arith.constant 1 : i32
        %dma_wait3A_162 = arith.constant 0 : i32
        %dma_wait3A_163 = arith.constant 0 : i32
        %dma_wait3A_164 = tpu.memref_slice %arg14[%dma_wait3A_161, %dma_wait3A_162, %dma_wait3A_163] : memref<2x125x128xf32, #tpu.memory_space<vmem>> -> memref<1x125x128xf32, #tpu.memory_space<vmem>>
        %dma_wait3A_165 = tpu.memref_squeeze %dma_wait3A_164 : memref<1x125x128xf32, #tpu.memory_space<vmem>> -> memref<125x128xf32, #tpu.memory_space<vmem>>
        %dma_wait3A_166 = arith.constant 0 : i32
        %dma_wait3A_167 = tpu.memref_slice %arg12[%dma_wait3A_160, %dma_wait3A_166] : memref<80x125xi32, #tpu.memory_space<vmem>> -> memref<1x125xi32, #tpu.memory_space<vmem>>
        %dma_wait3A_168 = tpu.memref_squeeze %dma_wait3A_167 : memref<1x125xi32, #tpu.memory_space<vmem>> -> memref<125xi32, #tpu.memory_space<vmem>>
        %dma_wait3A_169 = arith.constant 0 : i32
        %dma_wait3A_170 = arith.constant 0 : i32
        %dma_wait3A_171 = tpu.memref_slice %arg6[%dma_wait3A_169, %dma_wait3A_170] : memref<10000x128xf32, #tpu.memory_space<hbm>> -> memref<10000x128xf32, #tpu.memory_space<hbm>>
        tpu.wait_indirect_dma semaphore(%arg17 : memref<!tpu.dma_semaphore, #tpu.memory_space<semaphore_mem>>) src(%dma_wait3A_171 : memref<10000x128xf32, #tpu.memory_space<hbm>>) dst(%dma_wait3A_165 : memref<125x128xf32, #tpu.memory_space<vmem>>)
        %add3A_172 = arith.constant 1 : i32
        %add3A_173 = arith.addi %mul3A_136, %add3A_172 : i32
        %run_scoped3A_174 = arith.constant 1 : i32
        "tpu.region"() ({
          %run_scoped3A_186 = tpu.sem_alloc : memref<!tpu.dma_semaphore, #tpu.memory_space<semaphore_mem>>
          %dma_start3A_187 = arith.constant 0 : i32
          %dma_start3A_188 = arith.constant 0 : i32
          %dma_start3A_189 = tpu.memref_slice %arg14[%run_scoped3A_174, %dma_start3A_187, %dma_start3A_188] : memref<2x125x128xf32, #tpu.memory_space<vmem>> -> memref<1x125x128xf32, #tpu.memory_space<vmem>>
          %dma_start3A_190 = tpu.memref_squeeze %dma_start3A_189 : memref<1x125x128xf32, #tpu.memory_space<vmem>> -> memref<125x128xf32, #tpu.memory_space<vmem>>
          %dma_start3A_191 = arith.constant 0 : i32
          %dma_start3A_192 = tpu.memref_slice %arg13[%add3A_173, %dma_start3A_191] : memref<40x125xi32, #tpu.memory_space<vmem>> -> memref<1x125xi32, #tpu.memory_space<vmem>>
          %dma_start3A_193 = tpu.memref_squeeze %dma_start3A_192 : memref<1x125xi32, #tpu.memory_space<vmem>> -> memref<125xi32, #tpu.memory_space<vmem>>
          %dma_start3A_194 = arith.constant 0 : i32
          %dma_start3A_195 = arith.constant 0 : i32
          %dma_start3A_196 = tpu.memref_slice %arg15[%dma_start3A_194, %dma_start3A_195] : memref<10000x128xf32, #tpu.memory_space<vmem_shared>> -> memref<10000x128xf32, #tpu.memory_space<vmem_shared>>
          tpu.enqueue_indirect_dma source(%dma_start3A_190 : memref<125x128xf32, #tpu.memory_space<vmem>>) target(%dma_start3A_196 : memref<10000x128xf32, #tpu.memory_space<vmem_shared>>) offsets(%dma_start3A_193 : memref<125xi32, #tpu.memory_space<vmem>>) semaphore(%run_scoped3A_186 : memref<!tpu.dma_semaphore, #tpu.memory_space<semaphore_mem>>) {add = true}
          %dma_wait3A_197 = arith.constant 0 : i32
          %dma_wait3A_198 = arith.constant 0 : i32
          %dma_wait3A_199 = tpu.memref_slice %arg14[%run_scoped3A_174, %dma_wait3A_197, %dma_wait3A_198] : memref<2x125x128xf32, #tpu.memory_space<vmem>> -> memref<1x125x128xf32, #tpu.memory_space<vmem>>
          %dma_wait3A_200 = tpu.memref_squeeze %dma_wait3A_199 : memref<1x125x128xf32, #tpu.memory_space<vmem>> -> memref<125x128xf32, #tpu.memory_space<vmem>>
          %dma_wait3A_201 = arith.constant 0 : i32
          %dma_wait3A_202 = tpu.memref_slice %arg13[%add3A_173, %dma_wait3A_201] : memref<40x125xi32, #tpu.memory_space<vmem>> -> memref<1x125xi32, #tpu.memory_space<vmem>>
          %dma_wait3A_203 = tpu.memref_squeeze %dma_wait3A_202 : memref<1x125xi32, #tpu.memory_space<vmem>> -> memref<125xi32, #tpu.memory_space<vmem>>
          %dma_wait3A_204 = arith.constant 0 : i32
          %dma_wait3A_205 = arith.constant 0 : i32
          %dma_wait3A_206 = tpu.memref_slice %arg15[%dma_wait3A_204, %dma_wait3A_205] : memref<10000x128xf32, #tpu.memory_space<vmem_shared>> -> memref<10000x128xf32, #tpu.memory_space<vmem_shared>>
          tpu.wait_indirect_dma semaphore(%run_scoped3A_186 : memref<!tpu.dma_semaphore, #tpu.memory_space<semaphore_mem>>) src(%dma_wait3A_200 : memref<125x128xf32, #tpu.memory_space<vmem>>) dst(%dma_wait3A_206 : memref<10000x128xf32, #tpu.memory_space<vmem_shared>>)
          tpu.yield
        }) : () -> ()
        %add3A_175 = arith.constant 40 : i32
        %add3A_176 = arith.addi %add3A_175, %mul3A_136 : i32
        %add3A_177 = arith.constant 2 : i32
        %add3A_178 = arith.addi %add3A_176, %add3A_177 : i32
        %add3A_179 = arith.constant 1 : i32
        %add3A_180 = arith.addi %add3A_178, %add3A_179 : i32
        %lt3A_181 = arith.constant 80 : i32
        %lt3A_182 = arith.cmpi slt, %add3A_180, %lt3A_181 : i32
        %convert_element_type3A_183 = arith.extui %lt3A_182 : i1 to i32
        %cond3A_184 = arith.constant 0 : i32
        %cond3A_185 = arith.cmpi ne, %convert_element_type3A_183, %cond3A_184 : i32
        scf.if %cond3A_185 {
          %dma_start3A_186 = arith.constant 1 : i32
          %dma_start3A_187 = arith.constant 0 : i32
          %dma_start3A_188 = arith.constant 0 : i32
          %dma_start3A_189 = tpu.memref_slice %arg14[%dma_start3A_186, %dma_start3A_187, %dma_start3A_188] : memref<2x125x128xf32, #tpu.memory_space<vmem>> -> memref<1x125x128xf32, #tpu.memory_space<vmem>>
          %dma_start3A_190 = tpu.memref_squeeze %dma_start3A_189 : memref<1x125x128xf32, #tpu.memory_space<vmem>> -> memref<125x128xf32, #tpu.memory_space<vmem>>
          %dma_start3A_191 = arith.constant 0 : i32
          %dma_start3A_192 = tpu.memref_slice %arg12[%add3A_180, %dma_start3A_191] : memref<80x125xi32, #tpu.memory_space<vmem>> -> memref<1x125xi32, #tpu.memory_space<vmem>>
          %dma_start3A_193 = tpu.memref_squeeze %dma_start3A_192 : memref<1x125xi32, #tpu.memory_space<vmem>> -> memref<125xi32, #tpu.memory_space<vmem>>
          %dma_start3A_194 = arith.constant 0 : i32
          %dma_start3A_195 = arith.constant 0 : i32
          %dma_start3A_196 = tpu.memref_slice %arg6[%dma_start3A_194, %dma_start3A_195] : memref<10000x128xf32, #tpu.memory_space<hbm>> -> memref<10000x128xf32, #tpu.memory_space<hbm>>
          tpu.enqueue_indirect_dma source(%dma_start3A_196 : memref<10000x128xf32, #tpu.memory_space<hbm>>) target(%dma_start3A_190 : memref<125x128xf32, #tpu.memory_space<vmem>>) offsets(%dma_start3A_193 : memref<125xi32, #tpu.memory_space<vmem>>) semaphore(%arg17 : memref<!tpu.dma_semaphore, #tpu.memory_space<semaphore_mem>>)
        } else {
        }
      }
      %scan3A_55 = arith.constant 20 : i32
      %barrier3A_56 = arith.constant 0 : index
      tpu.barrier barrier_id(%barrier3A_56)
      %mul3A_57 = arith.constant 624 : i32
      %mul3A_58 = arith.muli %arg1, %mul3A_57 : i32
      %mul3A_59 = arith.constant 624 : i32
      %mul3A_60 = arith.muli %arg1, %mul3A_59 : i32
      "tpu.region"() ({
        %run_scoped3A = tpu.sem_alloc : memref<!tpu.dma_semaphore, #tpu.memory_space<semaphore_mem>>
        %dma_start3A_130 = arith.constant 0 : i32
        %dma_start3A_131 = tpu.memref_slice %arg10[%mul3A_60, %dma_start3A_130] : memref<10000x128xf32, #tpu.memory_space<hbm>> -> memref<624x128xf32, #tpu.memory_space<hbm>>
        %dma_start3A_132 = arith.constant 0 : i32
        %dma_start3A_133 = tpu.memref_slice %arg15[%mul3A_58, %dma_start3A_132] : memref<10000x128xf32, #tpu.memory_space<vmem_shared>> -> memref<624x128xf32, #tpu.memory_space<vmem_shared>>
        tpu.enqueue_dma source(%dma_start3A_133 : memref<624x128xf32, #tpu.memory_space<vmem_shared>>) target(%dma_start3A_131 : memref<624x128xf32, #tpu.memory_space<hbm>>) target_semaphore(%run_scoped3A : memref<!tpu.dma_semaphore, #tpu.memory_space<semaphore_mem>>)
        %dma_wait3A = arith.constant 0 : i32
        %dma_wait3A_134 = tpu.memref_slice %arg10[%mul3A_60, %dma_wait3A] : memref<10000x128xf32, #tpu.memory_space<hbm>> -> memref<624x128xf32, #tpu.memory_space<hbm>>
        %dma_wait3A_135 = arith.constant 0 : i32
        %dma_wait3A_136 = tpu.memref_slice %arg15[%mul3A_58, %dma_wait3A_135] : memref<10000x128xf32, #tpu.memory_space<vmem_shared>> -> memref<624x128xf32, #tpu.memory_space<vmem_shared>>
        tpu.wait_dma2 semaphore(%run_scoped3A : memref<!tpu.dma_semaphore, #tpu.memory_space<semaphore_mem>>) src(%dma_wait3A_136 : memref<624x128xf32, #tpu.memory_space<vmem_shared>>) dst(%dma_wait3A_134 : memref<624x128xf32, #tpu.memory_space<hbm>>)
        tpu.yield
      }) : () -> ()
      %eq3A_61 = arith.constant 15 : i32
      %eq3A_62 = arith.cmpi eq, %arg1, %eq3A_61 : i32
      %convert_element_type3A_63 = arith.extui %eq3A_62 : i1 to i32
      %cond3A_64 = arith.constant 0 : i32
      %cond3A_65 = arith.cmpi ne, %convert_element_type3A_63, %cond3A_64 : i32
      scf.if %cond3A_65 {
        "tpu.region"() ({
          %run_scoped3A = tpu.sem_alloc : memref<!tpu.dma_semaphore, #tpu.memory_space<semaphore_mem>>
          %dma_start3A_130 = arith.constant 9984 : i32
          %dma_start3A_131 = arith.constant 0 : i32
          %dma_start3A_132 = tpu.memref_slice %arg10[%dma_start3A_130, %dma_start3A_131] : memref<10000x128xf32, #tpu.memory_space<hbm>> -> memref<16x128xf32, #tpu.memory_space<hbm>>
          %dma_start3A_133 = arith.constant 9984 : i32
          %dma_start3A_134 = arith.constant 0 : i32
          %dma_start3A_135 = tpu.memref_slice %arg15[%dma_start3A_133, %dma_start3A_134] : memref<10000x128xf32, #tpu.memory_space<vmem_shared>> -> memref<16x128xf32, #tpu.memory_space<vmem_shared>>
          tpu.enqueue_dma source(%dma_start3A_135 : memref<16x128xf32, #tpu.memory_space<vmem_shared>>) target(%dma_start3A_132 : memref<16x128xf32, #tpu.memory_space<hbm>>) target_semaphore(%run_scoped3A : memref<!tpu.dma_semaphore, #tpu.memory_space<semaphore_mem>>)
          %dma_wait3A = arith.constant 9984 : i32
          %dma_wait3A_136 = arith.constant 0 : i32
          %dma_wait3A_137 = tpu.memref_slice %arg10[%dma_wait3A, %dma_wait3A_136] : memref<10000x128xf32, #tpu.memory_space<hbm>> -> memref<16x128xf32, #tpu.memory_space<hbm>>
          %dma_wait3A_138 = arith.constant 9984 : i32
          %dma_wait3A_139 = arith.constant 0 : i32
          %dma_wait3A_140 = tpu.memref_slice %arg15[%dma_wait3A_138, %dma_wait3A_139] : memref<10000x128xf32, #tpu.memory_space<vmem_shared>> -> memref<16x128xf32, #tpu.memory_space<vmem_shared>>
          tpu.wait_dma2 semaphore(%run_scoped3A : memref<!tpu.dma_semaphore, #tpu.memory_space<semaphore_mem>>) src(%dma_wait3A_140 : memref<16x128xf32, #tpu.memory_space<vmem_shared>>) dst(%dma_wait3A_137 : memref<16x128xf32, #tpu.memory_space<hbm>>)
          tpu.yield
        }) : () -> ()
      } else {
      }
      %barrier3A_66 = arith.constant 0 : index
      tpu.barrier barrier_id(%barrier3A_66)
      %mul3A_67 = arith.constant 624 : i32
      %mul3A_68 = arith.muli %arg1, %mul3A_67 : i32
      %mul3A_69 = arith.constant 624 : i32
      %mul3A_70 = arith.muli %arg1, %mul3A_69 : i32
      "tpu.region"() ({
        %run_scoped3A = tpu.sem_alloc : memref<!tpu.dma_semaphore, #tpu.memory_space<semaphore_mem>>
        %dma_start3A_130 = arith.constant 0 : i32
        %dma_start3A_131 = tpu.memref_slice %arg15[%mul3A_70, %dma_start3A_130] : memref<10000x128xf32, #tpu.memory_space<vmem_shared>> -> memref<624x128xf32, #tpu.memory_space<vmem_shared>>
        %dma_start3A_132 = arith.constant 0 : i32
        %dma_start3A_133 = tpu.memref_slice %arg7[%mul3A_68, %dma_start3A_132] : memref<10000x128xf32, #tpu.memory_space<hbm>> -> memref<624x128xf32, #tpu.memory_space<hbm>>
        tpu.enqueue_dma source(%dma_start3A_133 : memref<624x128xf32, #tpu.memory_space<hbm>>) target(%dma_start3A_131 : memref<624x128xf32, #tpu.memory_space<vmem_shared>>) target_semaphore(%run_scoped3A : memref<!tpu.dma_semaphore, #tpu.memory_space<semaphore_mem>>)
        %dma_wait3A = arith.constant 0 : i32
        %dma_wait3A_134 = tpu.memref_slice %arg15[%mul3A_70, %dma_wait3A] : memref<10000x128xf32, #tpu.memory_space<vmem_shared>> -> memref<624x128xf32, #tpu.memory_space<vmem_shared>>
        %dma_wait3A_135 = arith.constant 0 : i32
        %dma_wait3A_136 = tpu.memref_slice %arg7[%mul3A_68, %dma_wait3A_135] : memref<10000x128xf32, #tpu.memory_space<hbm>> -> memref<624x128xf32, #tpu.memory_space<hbm>>
        tpu.wait_dma2 semaphore(%run_scoped3A : memref<!tpu.dma_semaphore, #tpu.memory_space<semaphore_mem>>) src(%dma_wait3A_136 : memref<624x128xf32, #tpu.memory_space<hbm>>) dst(%dma_wait3A_134 : memref<624x128xf32, #tpu.memory_space<vmem_shared>>)
        tpu.yield
      }) : () -> ()
      %eq3A_71 = arith.constant 15 : i32
      %eq3A_72 = arith.cmpi eq, %arg1, %eq3A_71 : i32
      %convert_element_type3A_73 = arith.extui %eq3A_72 : i1 to i32
      %cond3A_74 = arith.constant 0 : i32
      %cond3A_75 = arith.cmpi ne, %convert_element_type3A_73, %cond3A_74 : i32
      scf.if %cond3A_75 {
        "tpu.region"() ({
          %run_scoped3A = tpu.sem_alloc : memref<!tpu.dma_semaphore, #tpu.memory_space<semaphore_mem>>
          %dma_start3A_130 = arith.constant 9984 : i32
          %dma_start3A_131 = arith.constant 0 : i32
          %dma_start3A_132 = tpu.memref_slice %arg15[%dma_start3A_130, %dma_start3A_131] : memref<10000x128xf32, #tpu.memory_space<vmem_shared>> -> memref<16x128xf32, #tpu.memory_space<vmem_shared>>
          %dma_start3A_133 = arith.constant 9984 : i32
          %dma_start3A_134 = arith.constant 0 : i32
          %dma_start3A_135 = tpu.memref_slice %arg7[%dma_start3A_133, %dma_start3A_134] : memref<10000x128xf32, #tpu.memory_space<hbm>> -> memref<16x128xf32, #tpu.memory_space<hbm>>
          tpu.enqueue_dma source(%dma_start3A_135 : memref<16x128xf32, #tpu.memory_space<hbm>>) target(%dma_start3A_132 : memref<16x128xf32, #tpu.memory_space<vmem_shared>>) target_semaphore(%run_scoped3A : memref<!tpu.dma_semaphore, #tpu.memory_space<semaphore_mem>>)
          %dma_wait3A = arith.constant 9984 : i32
          %dma_wait3A_136 = arith.constant 0 : i32
          %dma_wait3A_137 = tpu.memref_slice %arg15[%dma_wait3A, %dma_wait3A_136] : memref<10000x128xf32, #tpu.memory_space<vmem_shared>> -> memref<16x128xf32, #tpu.memory_space<vmem_shared>>
          %dma_wait3A_138 = arith.constant 9984 : i32
          %dma_wait3A_139 = arith.constant 0 : i32
          %dma_wait3A_140 = tpu.memref_slice %arg7[%dma_wait3A_138, %dma_wait3A_139] : memref<10000x128xf32, #tpu.memory_space<hbm>> -> memref<16x128xf32, #tpu.memory_space<hbm>>
          tpu.wait_dma2 semaphore(%run_scoped3A : memref<!tpu.dma_semaphore, #tpu.memory_space<semaphore_mem>>) src(%dma_wait3A_140 : memref<16x128xf32, #tpu.memory_space<hbm>>) dst(%dma_wait3A_137 : memref<16x128xf32, #tpu.memory_space<vmem_shared>>)
          tpu.yield
        }) : () -> ()
      } else {
      }
      %barrier3A_76 = arith.constant 0 : index
      tpu.barrier barrier_id(%barrier3A_76)
      %dma_start3A_77 = arith.constant 0 : i32
      %dma_start3A_78 = arith.constant 0 : i32
      %dma_start3A_79 = arith.constant 0 : i32
      %dma_start3A_80 = arith.constant 0 : i32
      %dma_start3A_81 = tpu.memref_slice %arg14[%dma_start3A_78, %dma_start3A_79, %dma_start3A_80] : memref<2x125x128xf32, #tpu.memory_space<vmem>> -> memref<1x125x128xf32, #tpu.memory_space<vmem>>
      %dma_start3A_82 = tpu.memref_squeeze %dma_start3A_81 : memref<1x125x128xf32, #tpu.memory_space<vmem>> -> memref<125x128xf32, #tpu.memory_space<vmem>>
      %dma_start3A_83 = arith.constant 0 : i32
      %dma_start3A_84 = tpu.memref_slice %arg12[%dma_start3A_77, %dma_start3A_83] : memref<80x125xi32, #tpu.memory_space<vmem>> -> memref<1x125xi32, #tpu.memory_space<vmem>>
      %dma_start3A_85 = tpu.memref_squeeze %dma_start3A_84 : memref<1x125xi32, #tpu.memory_space<vmem>> -> memref<125xi32, #tpu.memory_space<vmem>>
      %dma_start3A_86 = arith.constant 0 : i32
      %dma_start3A_87 = arith.constant 0 : i32
      %dma_start3A_88 = tpu.memref_slice %arg7[%dma_start3A_86, %dma_start3A_87] : memref<10000x128xf32, #tpu.memory_space<hbm>> -> memref<10000x128xf32, #tpu.memory_space<hbm>>
      tpu.enqueue_indirect_dma source(%dma_start3A_88 : memref<10000x128xf32, #tpu.memory_space<hbm>>) target(%dma_start3A_82 : memref<125x128xf32, #tpu.memory_space<vmem>>) offsets(%dma_start3A_85 : memref<125xi32, #tpu.memory_space<vmem>>) semaphore(%arg16 : memref<!tpu.dma_semaphore, #tpu.memory_space<semaphore_mem>>)
      %dma_start3A_89 = arith.constant 1 : i32
      %dma_start3A_90 = arith.constant 1 : i32
      %dma_start3A_91 = arith.constant 0 : i32
      %dma_start3A_92 = arith.constant 0 : i32
      %dma_start3A_93 = tpu.memref_slice %arg14[%dma_start3A_90, %dma_start3A_91, %dma_start3A_92] : memref<2x125x128xf32, #tpu.memory_space<vmem>> -> memref<1x125x128xf32, #tpu.memory_space<vmem>>
      %dma_start3A_94 = tpu.memref_squeeze %dma_start3A_93 : memref<1x125x128xf32, #tpu.memory_space<vmem>> -> memref<125x128xf32, #tpu.memory_space<vmem>>
      %dma_start3A_95 = arith.constant 0 : i32
      %dma_start3A_96 = tpu.memref_slice %arg12[%dma_start3A_89, %dma_start3A_95] : memref<80x125xi32, #tpu.memory_space<vmem>> -> memref<1x125xi32, #tpu.memory_space<vmem>>
      %dma_start3A_97 = tpu.memref_squeeze %dma_start3A_96 : memref<1x125xi32, #tpu.memory_space<vmem>> -> memref<125xi32, #tpu.memory_space<vmem>>
      %dma_start3A_98 = arith.constant 0 : i32
      %dma_start3A_99 = arith.constant 0 : i32
      %dma_start3A_100 = tpu.memref_slice %arg7[%dma_start3A_98, %dma_start3A_99] : memref<10000x128xf32, #tpu.memory_space<hbm>> -> memref<10000x128xf32, #tpu.memory_space<hbm>>
      tpu.enqueue_indirect_dma source(%dma_start3A_100 : memref<10000x128xf32, #tpu.memory_space<hbm>>) target(%dma_start3A_94 : memref<125x128xf32, #tpu.memory_space<vmem>>) offsets(%dma_start3A_97 : memref<125xi32, #tpu.memory_space<vmem>>) semaphore(%arg17 : memref<!tpu.dma_semaphore, #tpu.memory_space<semaphore_mem>>)
      %mul3A_101 = arith.constant 80 : i32
      %mul3A_102 = arith.muli %arg1, %mul3A_101 : i32
      %add3A_103 = arith.constant 0 : i32
      %add3A_104 = arith.addi %mul3A_102, %add3A_103 : i32
      "tpu.region"() ({
        %run_scoped3A = tpu.sem_alloc : memref<!tpu.dma_semaphore, #tpu.memory_space<semaphore_mem>>
        %dma_start3A_130 = arith.constant 0 : i32
        %dma_start3A_131 = tpu.memref_slice %arg3[%add3A_104, %dma_start3A_130] : memref<1280x125xi32, #tpu.memory_space<hbm>> -> memref<40x125xi32, #tpu.memory_space<hbm>>
        %dma_start3A_132 = arith.constant 0 : i32
        %dma_start3A_133 = tpu.memref_slice %arg3[%add3A_104, %dma_start3A_132] : memref<1280x125xi32, #tpu.memory_space<hbm>> -> memref<40x125xi32, #tpu.memory_space<hbm>>
        tpu.enqueue_dma source(%dma_start3A_133 : memref<40x125xi32, #tpu.memory_space<hbm>>) target(%arg13 : memref<40x125xi32, #tpu.memory_space<vmem>>) target_semaphore(%run_scoped3A : memref<!tpu.dma_semaphore, #tpu.memory_space<semaphore_mem>>)
        %dma_wait3A = arith.constant 0 : i32
        %dma_wait3A_134 = tpu.memref_slice %arg3[%add3A_104, %dma_wait3A] : memref<1280x125xi32, #tpu.memory_space<hbm>> -> memref<40x125xi32, #tpu.memory_space<hbm>>
        %dma_wait3A_135 = arith.constant 0 : i32
        %dma_wait3A_136 = tpu.memref_slice %arg3[%add3A_104, %dma_wait3A_135] : memref<1280x125xi32, #tpu.memory_space<hbm>> -> memref<40x125xi32, #tpu.memory_space<hbm>>
        tpu.wait_dma2 semaphore(%run_scoped3A : memref<!tpu.dma_semaphore, #tpu.memory_space<semaphore_mem>>) src(%dma_wait3A_136 : memref<40x125xi32, #tpu.memory_space<hbm>>) dst(%arg13 : memref<40x125xi32, #tpu.memory_space<vmem>>)
        tpu.yield
      }) : () -> ()
      %scan3A_105 = arith.constant 0 : i32
      %scan3A_106 = arith.constant 20 : i32
      %scan3A_107 = arith.addi %scan3A_105, %scan3A_106 : i32
      %scan3A_108 = arith.constant 1 : i32
      scf.for %scan3A_130 = %scan3A_105 to %scan3A_107 step %scan3A_108  : i32 {
        %mul3A_131 = arith.constant 1 : i32
        %mul3A_132 = arith.muli %scan3A_130, %mul3A_131 : i32
        %add3A_133 = arith.constant 0 : i32
        %add3A_134 = arith.addi %add3A_133, %mul3A_132 : i32
        %mul3A_135 = arith.constant 2 : i32
        %mul3A_136 = arith.muli %mul3A_135, %add3A_134 : i32
        %dma_wait3A = arith.constant 0 : i32
        %dma_wait3A_137 = arith.constant 0 : i32
        %dma_wait3A_138 = arith.constant 0 : i32
        %dma_wait3A_139 = arith.constant 0 : i32
        %dma_wait3A_140 = tpu.memref_slice %arg14[%dma_wait3A_137, %dma_wait3A_138, %dma_wait3A_139] : memref<2x125x128xf32, #tpu.memory_space<vmem>> -> memref<1x125x128xf32, #tpu.memory_space<vmem>>
        %dma_wait3A_141 = tpu.memref_squeeze %dma_wait3A_140 : memref<1x125x128xf32, #tpu.memory_space<vmem>> -> memref<125x128xf32, #tpu.memory_space<vmem>>
        %dma_wait3A_142 = arith.constant 0 : i32
        %dma_wait3A_143 = tpu.memref_slice %arg12[%dma_wait3A, %dma_wait3A_142] : memref<80x125xi32, #tpu.memory_space<vmem>> -> memref<1x125xi32, #tpu.memory_space<vmem>>
        %dma_wait3A_144 = tpu.memref_squeeze %dma_wait3A_143 : memref<1x125xi32, #tpu.memory_space<vmem>> -> memref<125xi32, #tpu.memory_space<vmem>>
        %dma_wait3A_145 = arith.constant 0 : i32
        %dma_wait3A_146 = arith.constant 0 : i32
        %dma_wait3A_147 = tpu.memref_slice %arg7[%dma_wait3A_145, %dma_wait3A_146] : memref<10000x128xf32, #tpu.memory_space<hbm>> -> memref<10000x128xf32, #tpu.memory_space<hbm>>
        tpu.wait_indirect_dma semaphore(%arg16 : memref<!tpu.dma_semaphore, #tpu.memory_space<semaphore_mem>>) src(%dma_wait3A_147 : memref<10000x128xf32, #tpu.memory_space<hbm>>) dst(%dma_wait3A_141 : memref<125x128xf32, #tpu.memory_space<vmem>>)
        %add3A_148 = arith.constant 0 : i32
        %add3A_149 = arith.addi %mul3A_136, %add3A_148 : i32
        %run_scoped3A = arith.constant 0 : i32
        "tpu.region"() ({
          %run_scoped3A_186 = tpu.sem_alloc : memref<!tpu.dma_semaphore, #tpu.memory_space<semaphore_mem>>
          %dma_start3A_187 = arith.constant 0 : i32
          %dma_start3A_188 = arith.constant 0 : i32
          %dma_start3A_189 = tpu.memref_slice %arg14[%run_scoped3A, %dma_start3A_187, %dma_start3A_188] : memref<2x125x128xf32, #tpu.memory_space<vmem>> -> memref<1x125x128xf32, #tpu.memory_space<vmem>>
          %dma_start3A_190 = tpu.memref_squeeze %dma_start3A_189 : memref<1x125x128xf32, #tpu.memory_space<vmem>> -> memref<125x128xf32, #tpu.memory_space<vmem>>
          %dma_start3A_191 = arith.constant 0 : i32
          %dma_start3A_192 = tpu.memref_slice %arg13[%add3A_149, %dma_start3A_191] : memref<40x125xi32, #tpu.memory_space<vmem>> -> memref<1x125xi32, #tpu.memory_space<vmem>>
          %dma_start3A_193 = tpu.memref_squeeze %dma_start3A_192 : memref<1x125xi32, #tpu.memory_space<vmem>> -> memref<125xi32, #tpu.memory_space<vmem>>
          %dma_start3A_194 = arith.constant 0 : i32
          %dma_start3A_195 = arith.constant 0 : i32
          %dma_start3A_196 = tpu.memref_slice %arg15[%dma_start3A_194, %dma_start3A_195] : memref<10000x128xf32, #tpu.memory_space<vmem_shared>> -> memref<10000x128xf32, #tpu.memory_space<vmem_shared>>
          tpu.enqueue_indirect_dma source(%dma_start3A_190 : memref<125x128xf32, #tpu.memory_space<vmem>>) target(%dma_start3A_196 : memref<10000x128xf32, #tpu.memory_space<vmem_shared>>) offsets(%dma_start3A_193 : memref<125xi32, #tpu.memory_space<vmem>>) semaphore(%run_scoped3A_186 : memref<!tpu.dma_semaphore, #tpu.memory_space<semaphore_mem>>) {add = true}
          %dma_wait3A_197 = arith.constant 0 : i32
          %dma_wait3A_198 = arith.constant 0 : i32
          %dma_wait3A_199 = tpu.memref_slice %arg14[%run_scoped3A, %dma_wait3A_197, %dma_wait3A_198] : memref<2x125x128xf32, #tpu.memory_space<vmem>> -> memref<1x125x128xf32, #tpu.memory_space<vmem>>
          %dma_wait3A_200 = tpu.memref_squeeze %dma_wait3A_199 : memref<1x125x128xf32, #tpu.memory_space<vmem>> -> memref<125x128xf32, #tpu.memory_space<vmem>>
          %dma_wait3A_201 = arith.constant 0 : i32
          %dma_wait3A_202 = tpu.memref_slice %arg13[%add3A_149, %dma_wait3A_201] : memref<40x125xi32, #tpu.memory_space<vmem>> -> memref<1x125xi32, #tpu.memory_space<vmem>>
          %dma_wait3A_203 = tpu.memref_squeeze %dma_wait3A_202 : memref<1x125xi32, #tpu.memory_space<vmem>> -> memref<125xi32, #tpu.memory_space<vmem>>
          %dma_wait3A_204 = arith.constant 0 : i32
          %dma_wait3A_205 = arith.constant 0 : i32
          %dma_wait3A_206 = tpu.memref_slice %arg15[%dma_wait3A_204, %dma_wait3A_205] : memref<10000x128xf32, #tpu.memory_space<vmem_shared>> -> memref<10000x128xf32, #tpu.memory_space<vmem_shared>>
          tpu.wait_indirect_dma semaphore(%run_scoped3A_186 : memref<!tpu.dma_semaphore, #tpu.memory_space<semaphore_mem>>) src(%dma_wait3A_200 : memref<125x128xf32, #tpu.memory_space<vmem>>) dst(%dma_wait3A_206 : memref<10000x128xf32, #tpu.memory_space<vmem_shared>>)
          tpu.yield
        }) : () -> ()
        %add3A_150 = arith.constant 0 : i32
        %add3A_151 = arith.addi %add3A_150, %mul3A_136 : i32
        %add3A_152 = arith.constant 2 : i32
        %add3A_153 = arith.addi %add3A_151, %add3A_152 : i32
        %add3A_154 = arith.constant 0 : i32
        %add3A_155 = arith.addi %add3A_153, %add3A_154 : i32
        %lt3A = arith.constant 80 : i32
        %lt3A_156 = arith.cmpi slt, %add3A_155, %lt3A : i32
        %convert_element_type3A_157 = arith.extui %lt3A_156 : i1 to i32
        %cond3A_158 = arith.constant 0 : i32
        %cond3A_159 = arith.cmpi ne, %convert_element_type3A_157, %cond3A_158 : i32
        scf.if %cond3A_159 {
          %dma_start3A_186 = arith.constant 0 : i32
          %dma_start3A_187 = arith.constant 0 : i32
          %dma_start3A_188 = arith.constant 0 : i32
          %dma_start3A_189 = tpu.memref_slice %arg14[%dma_start3A_186, %dma_start3A_187, %dma_start3A_188] : memref<2x125x128xf32, #tpu.memory_space<vmem>> -> memref<1x125x128xf32, #tpu.memory_space<vmem>>
          %dma_start3A_190 = tpu.memref_squeeze %dma_start3A_189 : memref<1x125x128xf32, #tpu.memory_space<vmem>> -> memref<125x128xf32, #tpu.memory_space<vmem>>
          %dma_start3A_191 = arith.constant 0 : i32
          %dma_start3A_192 = tpu.memref_slice %arg12[%add3A_155, %dma_start3A_191] : memref<80x125xi32, #tpu.memory_space<vmem>> -> memref<1x125xi32, #tpu.memory_space<vmem>>
          %dma_start3A_193 = tpu.memref_squeeze %dma_start3A_192 : memref<1x125xi32, #tpu.memory_space<vmem>> -> memref<125xi32, #tpu.memory_space<vmem>>
          %dma_start3A_194 = arith.constant 0 : i32
          %dma_start3A_195 = arith.constant 0 : i32
          %dma_start3A_196 = tpu.memref_slice %arg7[%dma_start3A_194, %dma_start3A_195] : memref<10000x128xf32, #tpu.memory_space<hbm>> -> memref<10000x128xf32, #tpu.memory_space<hbm>>
          tpu.enqueue_indirect_dma source(%dma_start3A_196 : memref<10000x128xf32, #tpu.memory_space<hbm>>) target(%dma_start3A_190 : memref<125x128xf32, #tpu.memory_space<vmem>>) offsets(%dma_start3A_193 : memref<125xi32, #tpu.memory_space<vmem>>) semaphore(%arg16 : memref<!tpu.dma_semaphore, #tpu.memory_space<semaphore_mem>>)
        } else {
        }
        %dma_wait3A_160 = arith.constant 0 : i32
        %dma_wait3A_161 = arith.constant 1 : i32
        %dma_wait3A_162 = arith.constant 0 : i32
        %dma_wait3A_163 = arith.constant 0 : i32
        %dma_wait3A_164 = tpu.memref_slice %arg14[%dma_wait3A_161, %dma_wait3A_162, %dma_wait3A_163] : memref<2x125x128xf32, #tpu.memory_space<vmem>> -> memref<1x125x128xf32, #tpu.memory_space<vmem>>
        %dma_wait3A_165 = tpu.memref_squeeze %dma_wait3A_164 : memref<1x125x128xf32, #tpu.memory_space<vmem>> -> memref<125x128xf32, #tpu.memory_space<vmem>>
        %dma_wait3A_166 = arith.constant 0 : i32
        %dma_wait3A_167 = tpu.memref_slice %arg12[%dma_wait3A_160, %dma_wait3A_166] : memref<80x125xi32, #tpu.memory_space<vmem>> -> memref<1x125xi32, #tpu.memory_space<vmem>>
        %dma_wait3A_168 = tpu.memref_squeeze %dma_wait3A_167 : memref<1x125xi32, #tpu.memory_space<vmem>> -> memref<125xi32, #tpu.memory_space<vmem>>
        %dma_wait3A_169 = arith.constant 0 : i32
        %dma_wait3A_170 = arith.constant 0 : i32
        %dma_wait3A_171 = tpu.memref_slice %arg7[%dma_wait3A_169, %dma_wait3A_170] : memref<10000x128xf32, #tpu.memory_space<hbm>> -> memref<10000x128xf32, #tpu.memory_space<hbm>>
        tpu.wait_indirect_dma semaphore(%arg17 : memref<!tpu.dma_semaphore, #tpu.memory_space<semaphore_mem>>) src(%dma_wait3A_171 : memref<10000x128xf32, #tpu.memory_space<hbm>>) dst(%dma_wait3A_165 : memref<125x128xf32, #tpu.memory_space<vmem>>)
        %add3A_172 = arith.constant 1 : i32
        %add3A_173 = arith.addi %mul3A_136, %add3A_172 : i32
        %run_scoped3A_174 = arith.constant 1 : i32
        "tpu.region"() ({
          %run_scoped3A_186 = tpu.sem_alloc : memref<!tpu.dma_semaphore, #tpu.memory_space<semaphore_mem>>
          %dma_start3A_187 = arith.constant 0 : i32
          %dma_start3A_188 = arith.constant 0 : i32
          %dma_start3A_189 = tpu.memref_slice %arg14[%run_scoped3A_174, %dma_start3A_187, %dma_start3A_188] : memref<2x125x128xf32, #tpu.memory_space<vmem>> -> memref<1x125x128xf32, #tpu.memory_space<vmem>>
          %dma_start3A_190 = tpu.memref_squeeze %dma_start3A_189 : memref<1x125x128xf32, #tpu.memory_space<vmem>> -> memref<125x128xf32, #tpu.memory_space<vmem>>
          %dma_start3A_191 = arith.constant 0 : i32
          %dma_start3A_192 = tpu.memref_slice %arg13[%add3A_173, %dma_start3A_191] : memref<40x125xi32, #tpu.memory_space<vmem>> -> memref<1x125xi32, #tpu.memory_space<vmem>>
          %dma_start3A_193 = tpu.memref_squeeze %dma_start3A_192 : memref<1x125xi32, #tpu.memory_space<vmem>> -> memref<125xi32, #tpu.memory_space<vmem>>
          %dma_start3A_194 = arith.constant 0 : i32
          %dma_start3A_195 = arith.constant 0 : i32
          %dma_start3A_196 = tpu.memref_slice %arg15[%dma_start3A_194, %dma_start3A_195] : memref<10000x128xf32, #tpu.memory_space<vmem_shared>> -> memref<10000x128xf32, #tpu.memory_space<vmem_shared>>
          tpu.enqueue_indirect_dma source(%dma_start3A_190 : memref<125x128xf32, #tpu.memory_space<vmem>>) target(%dma_start3A_196 : memref<10000x128xf32, #tpu.memory_space<vmem_shared>>) offsets(%dma_start3A_193 : memref<125xi32, #tpu.memory_space<vmem>>) semaphore(%run_scoped3A_186 : memref<!tpu.dma_semaphore, #tpu.memory_space<semaphore_mem>>) {add = true}
          %dma_wait3A_197 = arith.constant 0 : i32
          %dma_wait3A_198 = arith.constant 0 : i32
          %dma_wait3A_199 = tpu.memref_slice %arg14[%run_scoped3A_174, %dma_wait3A_197, %dma_wait3A_198] : memref<2x125x128xf32, #tpu.memory_space<vmem>> -> memref<1x125x128xf32, #tpu.memory_space<vmem>>
          %dma_wait3A_200 = tpu.memref_squeeze %dma_wait3A_199 : memref<1x125x128xf32, #tpu.memory_space<vmem>> -> memref<125x128xf32, #tpu.memory_space<vmem>>
          %dma_wait3A_201 = arith.constant 0 : i32
          %dma_wait3A_202 = tpu.memref_slice %arg13[%add3A_173, %dma_wait3A_201] : memref<40x125xi32, #tpu.memory_space<vmem>> -> memref<1x125xi32, #tpu.memory_space<vmem>>
          %dma_wait3A_203 = tpu.memref_squeeze %dma_wait3A_202 : memref<1x125xi32, #tpu.memory_space<vmem>> -> memref<125xi32, #tpu.memory_space<vmem>>
          %dma_wait3A_204 = arith.constant 0 : i32
          %dma_wait3A_205 = arith.constant 0 : i32
          %dma_wait3A_206 = tpu.memref_slice %arg15[%dma_wait3A_204, %dma_wait3A_205] : memref<10000x128xf32, #tpu.memory_space<vmem_shared>> -> memref<10000x128xf32, #tpu.memory_space<vmem_shared>>
          tpu.wait_indirect_dma semaphore(%run_scoped3A_186 : memref<!tpu.dma_semaphore, #tpu.memory_space<semaphore_mem>>) src(%dma_wait3A_200 : memref<125x128xf32, #tpu.memory_space<vmem>>) dst(%dma_wait3A_206 : memref<10000x128xf32, #tpu.memory_space<vmem_shared>>)
          tpu.yield
        }) : () -> ()
        %add3A_175 = arith.constant 0 : i32
        %add3A_176 = arith.addi %add3A_175, %mul3A_136 : i32
        %add3A_177 = arith.constant 2 : i32
        %add3A_178 = arith.addi %add3A_176, %add3A_177 : i32
        %add3A_179 = arith.constant 1 : i32
        %add3A_180 = arith.addi %add3A_178, %add3A_179 : i32
        %lt3A_181 = arith.constant 80 : i32
        %lt3A_182 = arith.cmpi slt, %add3A_180, %lt3A_181 : i32
        %convert_element_type3A_183 = arith.extui %lt3A_182 : i1 to i32
        %cond3A_184 = arith.constant 0 : i32
        %cond3A_185 = arith.cmpi ne, %convert_element_type3A_183, %cond3A_184 : i32
        scf.if %cond3A_185 {
          %dma_start3A_186 = arith.constant 1 : i32
          %dma_start3A_187 = arith.constant 0 : i32
          %dma_start3A_188 = arith.constant 0 : i32
          %dma_start3A_189 = tpu.memref_slice %arg14[%dma_start3A_186, %dma_start3A_187, %dma_start3A_188] : memref<2x125x128xf32, #tpu.memory_space<vmem>> -> memref<1x125x128xf32, #tpu.memory_space<vmem>>
          %dma_start3A_190 = tpu.memref_squeeze %dma_start3A_189 : memref<1x125x128xf32, #tpu.memory_space<vmem>> -> memref<125x128xf32, #tpu.memory_space<vmem>>
          %dma_start3A_191 = arith.constant 0 : i32
          %dma_start3A_192 = tpu.memref_slice %arg12[%add3A_180, %dma_start3A_191] : memref<80x125xi32, #tpu.memory_space<vmem>> -> memref<1x125xi32, #tpu.memory_space<vmem>>
          %dma_start3A_193 = tpu.memref_squeeze %dma_start3A_192 : memref<1x125xi32, #tpu.memory_space<vmem>> -> memref<125xi32, #tpu.memory_space<vmem>>
          %dma_start3A_194 = arith.constant 0 : i32
          %dma_start3A_195 = arith.constant 0 : i32
          %dma_start3A_196 = tpu.memref_slice %arg7[%dma_start3A_194, %dma_start3A_195] : memref<10000x128xf32, #tpu.memory_space<hbm>> -> memref<10000x128xf32, #tpu.memory_space<hbm>>
          tpu.enqueue_indirect_dma source(%dma_start3A_196 : memref<10000x128xf32, #tpu.memory_space<hbm>>) target(%dma_start3A_190 : memref<125x128xf32, #tpu.memory_space<vmem>>) offsets(%dma_start3A_193 : memref<125xi32, #tpu.memory_space<vmem>>) semaphore(%arg17 : memref<!tpu.dma_semaphore, #tpu.memory_space<semaphore_mem>>)
        } else {
        }
      }
      %scan3A_109 = arith.constant 20 : i32
      %mul3A_110 = arith.constant 80 : i32
      %mul3A_111 = arith.muli %arg1, %mul3A_110 : i32
      %add3A_112 = arith.constant 40 : i32
      %add3A_113 = arith.addi %mul3A_111, %add3A_112 : i32
      "tpu.region"() ({
        %run_scoped3A = tpu.sem_alloc : memref<!tpu.dma_semaphore, #tpu.memory_space<semaphore_mem>>
        %dma_start3A_130 = arith.constant 0 : i32
        %dma_start3A_131 = tpu.memref_slice %arg3[%add3A_113, %dma_start3A_130] : memref<1280x125xi32, #tpu.memory_space<hbm>> -> memref<40x125xi32, #tpu.memory_space<hbm>>
        %dma_start3A_132 = arith.constant 0 : i32
        %dma_start3A_133 = tpu.memref_slice %arg3[%add3A_113, %dma_start3A_132] : memref<1280x125xi32, #tpu.memory_space<hbm>> -> memref<40x125xi32, #tpu.memory_space<hbm>>
        tpu.enqueue_dma source(%dma_start3A_133 : memref<40x125xi32, #tpu.memory_space<hbm>>) target(%arg13 : memref<40x125xi32, #tpu.memory_space<vmem>>) target_semaphore(%run_scoped3A : memref<!tpu.dma_semaphore, #tpu.memory_space<semaphore_mem>>)
        %dma_wait3A = arith.constant 0 : i32
        %dma_wait3A_134 = tpu.memref_slice %arg3[%add3A_113, %dma_wait3A] : memref<1280x125xi32, #tpu.memory_space<hbm>> -> memref<40x125xi32, #tpu.memory_space<hbm>>
        %dma_wait3A_135 = arith.constant 0 : i32
        %dma_wait3A_136 = tpu.memref_slice %arg3[%add3A_113, %dma_wait3A_135] : memref<1280x125xi32, #tpu.memory_space<hbm>> -> memref<40x125xi32, #tpu.memory_space<hbm>>
        tpu.wait_dma2 semaphore(%run_scoped3A : memref<!tpu.dma_semaphore, #tpu.memory_space<semaphore_mem>>) src(%dma_wait3A_136 : memref<40x125xi32, #tpu.memory_space<hbm>>) dst(%arg13 : memref<40x125xi32, #tpu.memory_space<vmem>>)
        tpu.yield
      }) : () -> ()
      %scan3A_114 = arith.constant 0 : i32
      %scan3A_115 = arith.constant 20 : i32
      %scan3A_116 = arith.addi %scan3A_114, %scan3A_115 : i32
      %scan3A_117 = arith.constant 1 : i32
      scf.for %scan3A_130 = %scan3A_114 to %scan3A_116 step %scan3A_117  : i32 {
        %mul3A_131 = arith.constant 1 : i32
        %mul3A_132 = arith.muli %scan3A_130, %mul3A_131 : i32
        %add3A_133 = arith.constant 0 : i32
        %add3A_134 = arith.addi %add3A_133, %mul3A_132 : i32
        %mul3A_135 = arith.constant 2 : i32
        %mul3A_136 = arith.muli %mul3A_135, %add3A_134 : i32
        %dma_wait3A = arith.constant 0 : i32
        %dma_wait3A_137 = arith.constant 0 : i32
        %dma_wait3A_138 = arith.constant 0 : i32
        %dma_wait3A_139 = arith.constant 0 : i32
        %dma_wait3A_140 = tpu.memref_slice %arg14[%dma_wait3A_137, %dma_wait3A_138, %dma_wait3A_139] : memref<2x125x128xf32, #tpu.memory_space<vmem>> -> memref<1x125x128xf32, #tpu.memory_space<vmem>>
        %dma_wait3A_141 = tpu.memref_squeeze %dma_wait3A_140 : memref<1x125x128xf32, #tpu.memory_space<vmem>> -> memref<125x128xf32, #tpu.memory_space<vmem>>
        %dma_wait3A_142 = arith.constant 0 : i32
        %dma_wait3A_143 = tpu.memref_slice %arg12[%dma_wait3A, %dma_wait3A_142] : memref<80x125xi32, #tpu.memory_space<vmem>> -> memref<1x125xi32, #tpu.memory_space<vmem>>
        %dma_wait3A_144 = tpu.memref_squeeze %dma_wait3A_143 : memref<1x125xi32, #tpu.memory_space<vmem>> -> memref<125xi32, #tpu.memory_space<vmem>>
        %dma_wait3A_145 = arith.constant 0 : i32
        %dma_wait3A_146 = arith.constant 0 : i32
        %dma_wait3A_147 = tpu.memref_slice %arg7[%dma_wait3A_145, %dma_wait3A_146] : memref<10000x128xf32, #tpu.memory_space<hbm>> -> memref<10000x128xf32, #tpu.memory_space<hbm>>
        tpu.wait_indirect_dma semaphore(%arg16 : memref<!tpu.dma_semaphore, #tpu.memory_space<semaphore_mem>>) src(%dma_wait3A_147 : memref<10000x128xf32, #tpu.memory_space<hbm>>) dst(%dma_wait3A_141 : memref<125x128xf32, #tpu.memory_space<vmem>>)
        %add3A_148 = arith.constant 0 : i32
        %add3A_149 = arith.addi %mul3A_136, %add3A_148 : i32
        %run_scoped3A = arith.constant 0 : i32
        "tpu.region"() ({
          %run_scoped3A_186 = tpu.sem_alloc : memref<!tpu.dma_semaphore, #tpu.memory_space<semaphore_mem>>
          %dma_start3A_187 = arith.constant 0 : i32
          %dma_start3A_188 = arith.constant 0 : i32
          %dma_start3A_189 = tpu.memref_slice %arg14[%run_scoped3A, %dma_start3A_187, %dma_start3A_188] : memref<2x125x128xf32, #tpu.memory_space<vmem>> -> memref<1x125x128xf32, #tpu.memory_space<vmem>>
          %dma_start3A_190 = tpu.memref_squeeze %dma_start3A_189 : memref<1x125x128xf32, #tpu.memory_space<vmem>> -> memref<125x128xf32, #tpu.memory_space<vmem>>
          %dma_start3A_191 = arith.constant 0 : i32
          %dma_start3A_192 = tpu.memref_slice %arg13[%add3A_149, %dma_start3A_191] : memref<40x125xi32, #tpu.memory_space<vmem>> -> memref<1x125xi32, #tpu.memory_space<vmem>>
          %dma_start3A_193 = tpu.memref_squeeze %dma_start3A_192 : memref<1x125xi32, #tpu.memory_space<vmem>> -> memref<125xi32, #tpu.memory_space<vmem>>
          %dma_start3A_194 = arith.constant 0 : i32
          %dma_start3A_195 = arith.constant 0 : i32
          %dma_start3A_196 = tpu.memref_slice %arg15[%dma_start3A_194, %dma_start3A_195] : memref<10000x128xf32, #tpu.memory_space<vmem_shared>> -> memref<10000x128xf32, #tpu.memory_space<vmem_shared>>
          tpu.enqueue_indirect_dma source(%dma_start3A_190 : memref<125x128xf32, #tpu.memory_space<vmem>>) target(%dma_start3A_196 : memref<10000x128xf32, #tpu.memory_space<vmem_shared>>) offsets(%dma_start3A_193 : memref<125xi32, #tpu.memory_space<vmem>>) semaphore(%run_scoped3A_186 : memref<!tpu.dma_semaphore, #tpu.memory_space<semaphore_mem>>) {add = true}
          %dma_wait3A_197 = arith.constant 0 : i32
          %dma_wait3A_198 = arith.constant 0 : i32
          %dma_wait3A_199 = tpu.memref_slice %arg14[%run_scoped3A, %dma_wait3A_197, %dma_wait3A_198] : memref<2x125x128xf32, #tpu.memory_space<vmem>> -> memref<1x125x128xf32, #tpu.memory_space<vmem>>
          %dma_wait3A_200 = tpu.memref_squeeze %dma_wait3A_199 : memref<1x125x128xf32, #tpu.memory_space<vmem>> -> memref<125x128xf32, #tpu.memory_space<vmem>>
          %dma_wait3A_201 = arith.constant 0 : i32
          %dma_wait3A_202 = tpu.memref_slice %arg13[%add3A_149, %dma_wait3A_201] : memref<40x125xi32, #tpu.memory_space<vmem>> -> memref<1x125xi32, #tpu.memory_space<vmem>>
          %dma_wait3A_203 = tpu.memref_squeeze %dma_wait3A_202 : memref<1x125xi32, #tpu.memory_space<vmem>> -> memref<125xi32, #tpu.memory_space<vmem>>
          %dma_wait3A_204 = arith.constant 0 : i32
          %dma_wait3A_205 = arith.constant 0 : i32
          %dma_wait3A_206 = tpu.memref_slice %arg15[%dma_wait3A_204, %dma_wait3A_205] : memref<10000x128xf32, #tpu.memory_space<vmem_shared>> -> memref<10000x128xf32, #tpu.memory_space<vmem_shared>>
          tpu.wait_indirect_dma semaphore(%run_scoped3A_186 : memref<!tpu.dma_semaphore, #tpu.memory_space<semaphore_mem>>) src(%dma_wait3A_200 : memref<125x128xf32, #tpu.memory_space<vmem>>) dst(%dma_wait3A_206 : memref<10000x128xf32, #tpu.memory_space<vmem_shared>>)
          tpu.yield
        }) : () -> ()
        %add3A_150 = arith.constant 40 : i32
        %add3A_151 = arith.addi %add3A_150, %mul3A_136 : i32
        %add3A_152 = arith.constant 2 : i32
        %add3A_153 = arith.addi %add3A_151, %add3A_152 : i32
        %add3A_154 = arith.constant 0 : i32
        %add3A_155 = arith.addi %add3A_153, %add3A_154 : i32
        %lt3A = arith.constant 80 : i32
        %lt3A_156 = arith.cmpi slt, %add3A_155, %lt3A : i32
        %convert_element_type3A_157 = arith.extui %lt3A_156 : i1 to i32
        %cond3A_158 = arith.constant 0 : i32
        %cond3A_159 = arith.cmpi ne, %convert_element_type3A_157, %cond3A_158 : i32
        scf.if %cond3A_159 {
          %dma_start3A_186 = arith.constant 0 : i32
          %dma_start3A_187 = arith.constant 0 : i32
          %dma_start3A_188 = arith.constant 0 : i32
          %dma_start3A_189 = tpu.memref_slice %arg14[%dma_start3A_186, %dma_start3A_187, %dma_start3A_188] : memref<2x125x128xf32, #tpu.memory_space<vmem>> -> memref<1x125x128xf32, #tpu.memory_space<vmem>>
          %dma_start3A_190 = tpu.memref_squeeze %dma_start3A_189 : memref<1x125x128xf32, #tpu.memory_space<vmem>> -> memref<125x128xf32, #tpu.memory_space<vmem>>
          %dma_start3A_191 = arith.constant 0 : i32
          %dma_start3A_192 = tpu.memref_slice %arg12[%add3A_155, %dma_start3A_191] : memref<80x125xi32, #tpu.memory_space<vmem>> -> memref<1x125xi32, #tpu.memory_space<vmem>>
          %dma_start3A_193 = tpu.memref_squeeze %dma_start3A_192 : memref<1x125xi32, #tpu.memory_space<vmem>> -> memref<125xi32, #tpu.memory_space<vmem>>
          %dma_start3A_194 = arith.constant 0 : i32
          %dma_start3A_195 = arith.constant 0 : i32
          %dma_start3A_196 = tpu.memref_slice %arg7[%dma_start3A_194, %dma_start3A_195] : memref<10000x128xf32, #tpu.memory_space<hbm>> -> memref<10000x128xf32, #tpu.memory_space<hbm>>
          tpu.enqueue_indirect_dma source(%dma_start3A_196 : memref<10000x128xf32, #tpu.memory_space<hbm>>) target(%dma_start3A_190 : memref<125x128xf32, #tpu.memory_space<vmem>>) offsets(%dma_start3A_193 : memref<125xi32, #tpu.memory_space<vmem>>) semaphore(%arg16 : memref<!tpu.dma_semaphore, #tpu.memory_space<semaphore_mem>>)
        } else {
        }
        %dma_wait3A_160 = arith.constant 0 : i32
        %dma_wait3A_161 = arith.constant 1 : i32
        %dma_wait3A_162 = arith.constant 0 : i32
        %dma_wait3A_163 = arith.constant 0 : i32
        %dma_wait3A_164 = tpu.memref_slice %arg14[%dma_wait3A_161, %dma_wait3A_162, %dma_wait3A_163] : memref<2x125x128xf32, #tpu.memory_space<vmem>> -> memref<1x125x128xf32, #tpu.memory_space<vmem>>
        %dma_wait3A_165 = tpu.memref_squeeze %dma_wait3A_164 : memref<1x125x128xf32, #tpu.memory_space<vmem>> -> memref<125x128xf32, #tpu.memory_space<vmem>>
        %dma_wait3A_166 = arith.constant 0 : i32
        %dma_wait3A_167 = tpu.memref_slice %arg12[%dma_wait3A_160, %dma_wait3A_166] : memref<80x125xi32, #tpu.memory_space<vmem>> -> memref<1x125xi32, #tpu.memory_space<vmem>>
        %dma_wait3A_168 = tpu.memref_squeeze %dma_wait3A_167 : memref<1x125xi32, #tpu.memory_space<vmem>> -> memref<125xi32, #tpu.memory_space<vmem>>
        %dma_wait3A_169 = arith.constant 0 : i32
        %dma_wait3A_170 = arith.constant 0 : i32
        %dma_wait3A_171 = tpu.memref_slice %arg7[%dma_wait3A_169, %dma_wait3A_170] : memref<10000x128xf32, #tpu.memory_space<hbm>> -> memref<10000x128xf32, #tpu.memory_space<hbm>>
        tpu.wait_indirect_dma semaphore(%arg17 : memref<!tpu.dma_semaphore, #tpu.memory_space<semaphore_mem>>) src(%dma_wait3A_171 : memref<10000x128xf32, #tpu.memory_space<hbm>>) dst(%dma_wait3A_165 : memref<125x128xf32, #tpu.memory_space<vmem>>)
        %add3A_172 = arith.constant 1 : i32
        %add3A_173 = arith.addi %mul3A_136, %add3A_172 : i32
        %run_scoped3A_174 = arith.constant 1 : i32
        "tpu.region"() ({
          %run_scoped3A_186 = tpu.sem_alloc : memref<!tpu.dma_semaphore, #tpu.memory_space<semaphore_mem>>
          %dma_start3A_187 = arith.constant 0 : i32
          %dma_start3A_188 = arith.constant 0 : i32
          %dma_start3A_189 = tpu.memref_slice %arg14[%run_scoped3A_174, %dma_start3A_187, %dma_start3A_188] : memref<2x125x128xf32, #tpu.memory_space<vmem>> -> memref<1x125x128xf32, #tpu.memory_space<vmem>>
          %dma_start3A_190 = tpu.memref_squeeze %dma_start3A_189 : memref<1x125x128xf32, #tpu.memory_space<vmem>> -> memref<125x128xf32, #tpu.memory_space<vmem>>
          %dma_start3A_191 = arith.constant 0 : i32
          %dma_start3A_192 = tpu.memref_slice %arg13[%add3A_173, %dma_start3A_191] : memref<40x125xi32, #tpu.memory_space<vmem>> -> memref<1x125xi32, #tpu.memory_space<vmem>>
          %dma_start3A_193 = tpu.memref_squeeze %dma_start3A_192 : memref<1x125xi32, #tpu.memory_space<vmem>> -> memref<125xi32, #tpu.memory_space<vmem>>
          %dma_start3A_194 = arith.constant 0 : i32
          %dma_start3A_195 = arith.constant 0 : i32
          %dma_start3A_196 = tpu.memref_slice %arg15[%dma_start3A_194, %dma_start3A_195] : memref<10000x128xf32, #tpu.memory_space<vmem_shared>> -> memref<10000x128xf32, #tpu.memory_space<vmem_shared>>
          tpu.enqueue_indirect_dma source(%dma_start3A_190 : memref<125x128xf32, #tpu.memory_space<vmem>>) target(%dma_start3A_196 : memref<10000x128xf32, #tpu.memory_space<vmem_shared>>) offsets(%dma_start3A_193 : memref<125xi32, #tpu.memory_space<vmem>>) semaphore(%run_scoped3A_186 : memref<!tpu.dma_semaphore, #tpu.memory_space<semaphore_mem>>) {add = true}
          %dma_wait3A_197 = arith.constant 0 : i32
          %dma_wait3A_198 = arith.constant 0 : i32
          %dma_wait3A_199 = tpu.memref_slice %arg14[%run_scoped3A_174, %dma_wait3A_197, %dma_wait3A_198] : memref<2x125x128xf32, #tpu.memory_space<vmem>> -> memref<1x125x128xf32, #tpu.memory_space<vmem>>
          %dma_wait3A_200 = tpu.memref_squeeze %dma_wait3A_199 : memref<1x125x128xf32, #tpu.memory_space<vmem>> -> memref<125x128xf32, #tpu.memory_space<vmem>>
          %dma_wait3A_201 = arith.constant 0 : i32
          %dma_wait3A_202 = tpu.memref_slice %arg13[%add3A_173, %dma_wait3A_201] : memref<40x125xi32, #tpu.memory_space<vmem>> -> memref<1x125xi32, #tpu.memory_space<vmem>>
          %dma_wait3A_203 = tpu.memref_squeeze %dma_wait3A_202 : memref<1x125xi32, #tpu.memory_space<vmem>> -> memref<125xi32, #tpu.memory_space<vmem>>
          %dma_wait3A_204 = arith.constant 0 : i32
          %dma_wait3A_205 = arith.constant 0 : i32
          %dma_wait3A_206 = tpu.memref_slice %arg15[%dma_wait3A_204, %dma_wait3A_205] : memref<10000x128xf32, #tpu.memory_space<vmem_shared>> -> memref<10000x128xf32, #tpu.memory_space<vmem_shared>>
          tpu.wait_indirect_dma semaphore(%run_scoped3A_186 : memref<!tpu.dma_semaphore, #tpu.memory_space<semaphore_mem>>) src(%dma_wait3A_200 : memref<125x128xf32, #tpu.memory_space<vmem>>) dst(%dma_wait3A_206 : memref<10000x128xf32, #tpu.memory_space<vmem_shared>>)
          tpu.yield
        }) : () -> ()
        %add3A_175 = arith.constant 40 : i32
        %add3A_176 = arith.addi %add3A_175, %mul3A_136 : i32
        %add3A_177 = arith.constant 2 : i32
        %add3A_178 = arith.addi %add3A_176, %add3A_177 : i32
        %add3A_179 = arith.constant 1 : i32
        %add3A_180 = arith.addi %add3A_178, %add3A_179 : i32
        %lt3A_181 = arith.constant 80 : i32
        %lt3A_182 = arith.cmpi slt, %add3A_180, %lt3A_181 : i32
        %convert_element_type3A_183 = arith.extui %lt3A_182 : i1 to i32
        %cond3A_184 = arith.constant 0 : i32
        %cond3A_185 = arith.cmpi ne, %convert_element_type3A_183, %cond3A_184 : i32
        scf.if %cond3A_185 {
          %dma_start3A_186 = arith.constant 1 : i32
          %dma_start3A_187 = arith.constant 0 : i32
          %dma_start3A_188 = arith.constant 0 : i32
          %dma_start3A_189 = tpu.memref_slice %arg14[%dma_start3A_186, %dma_start3A_187, %dma_start3A_188] : memref<2x125x128xf32, #tpu.memory_space<vmem>> -> memref<1x125x128xf32, #tpu.memory_space<vmem>>
          %dma_start3A_190 = tpu.memref_squeeze %dma_start3A_189 : memref<1x125x128xf32, #tpu.memory_space<vmem>> -> memref<125x128xf32, #tpu.memory_space<vmem>>
          %dma_start3A_191 = arith.constant 0 : i32
          %dma_start3A_192 = tpu.memref_slice %arg12[%add3A_180, %dma_start3A_191] : memref<80x125xi32, #tpu.memory_space<vmem>> -> memref<1x125xi32, #tpu.memory_space<vmem>>
          %dma_start3A_193 = tpu.memref_squeeze %dma_start3A_192 : memref<1x125xi32, #tpu.memory_space<vmem>> -> memref<125xi32, #tpu.memory_space<vmem>>
          %dma_start3A_194 = arith.constant 0 : i32
          %dma_start3A_195 = arith.constant 0 : i32
          %dma_start3A_196 = tpu.memref_slice %arg7[%dma_start3A_194, %dma_start3A_195] : memref<10000x128xf32, #tpu.memory_space<hbm>> -> memref<10000x128xf32, #tpu.memory_space<hbm>>
          tpu.enqueue_indirect_dma source(%dma_start3A_196 : memref<10000x128xf32, #tpu.memory_space<hbm>>) target(%dma_start3A_190 : memref<125x128xf32, #tpu.memory_space<vmem>>) offsets(%dma_start3A_193 : memref<125xi32, #tpu.memory_space<vmem>>) semaphore(%arg17 : memref<!tpu.dma_semaphore, #tpu.memory_space<semaphore_mem>>)
        } else {
        }
      }
      %scan3A_118 = arith.constant 20 : i32
      %barrier3A_119 = arith.constant 0 : index
      tpu.barrier barrier_id(%barrier3A_119)
      %mul3A_120 = arith.constant 624 : i32
      %mul3A_121 = arith.muli %arg1, %mul3A_120 : i32
      %mul3A_122 = arith.constant 624 : i32
      %mul3A_123 = arith.muli %arg1, %mul3A_122 : i32
      "tpu.region"() ({
        %run_scoped3A = tpu.sem_alloc : memref<!tpu.dma_semaphore, #tpu.memory_space<semaphore_mem>>
        %dma_start3A_130 = arith.constant 0 : i32
        %dma_start3A_131 = tpu.memref_slice %arg11[%mul3A_123, %dma_start3A_130] : memref<10000x128xf32, #tpu.memory_space<hbm>> -> memref<624x128xf32, #tpu.memory_space<hbm>>
        %dma_start3A_132 = arith.constant 0 : i32
        %dma_start3A_133 = tpu.memref_slice %arg15[%mul3A_121, %dma_start3A_132] : memref<10000x128xf32, #tpu.memory_space<vmem_shared>> -> memref<624x128xf32, #tpu.memory_space<vmem_shared>>
        tpu.enqueue_dma source(%dma_start3A_133 : memref<624x128xf32, #tpu.memory_space<vmem_shared>>) target(%dma_start3A_131 : memref<624x128xf32, #tpu.memory_space<hbm>>) target_semaphore(%run_scoped3A : memref<!tpu.dma_semaphore, #tpu.memory_space<semaphore_mem>>)
        %dma_wait3A = arith.constant 0 : i32
        %dma_wait3A_134 = tpu.memref_slice %arg11[%mul3A_123, %dma_wait3A] : memref<10000x128xf32, #tpu.memory_space<hbm>> -> memref<624x128xf32, #tpu.memory_space<hbm>>
        %dma_wait3A_135 = arith.constant 0 : i32
        %dma_wait3A_136 = tpu.memref_slice %arg15[%mul3A_121, %dma_wait3A_135] : memref<10000x128xf32, #tpu.memory_space<vmem_shared>> -> memref<624x128xf32, #tpu.memory_space<vmem_shared>>
        tpu.wait_dma2 semaphore(%run_scoped3A : memref<!tpu.dma_semaphore, #tpu.memory_space<semaphore_mem>>) src(%dma_wait3A_136 : memref<624x128xf32, #tpu.memory_space<vmem_shared>>) dst(%dma_wait3A_134 : memref<624x128xf32, #tpu.memory_space<hbm>>)
        tpu.yield
      }) : () -> ()
      %eq3A_124 = arith.constant 15 : i32
      %eq3A_125 = arith.cmpi eq, %arg1, %eq3A_124 : i32
      %convert_element_type3A_126 = arith.extui %eq3A_125 : i1 to i32
      %cond3A_127 = arith.constant 0 : i32
      %cond3A_128 = arith.cmpi ne, %convert_element_type3A_126, %cond3A_127 : i32
      scf.if %cond3A_128 {
        "tpu.region"() ({
          %run_scoped3A = tpu.sem_alloc : memref<!tpu.dma_semaphore, #tpu.memory_space<semaphore_mem>>
          %dma_start3A_130 = arith.constant 9984 : i32
          %dma_start3A_131 = arith.constant 0 : i32
          %dma_start3A_132 = tpu.memref_slice %arg11[%dma_start3A_130, %dma_start3A_131] : memref<10000x128xf32, #tpu.memory_space<hbm>> -> memref<16x128xf32, #tpu.memory_space<hbm>>
          %dma_start3A_133 = arith.constant 9984 : i32
          %dma_start3A_134 = arith.constant 0 : i32
          %dma_start3A_135 = tpu.memref_slice %arg15[%dma_start3A_133, %dma_start3A_134] : memref<10000x128xf32, #tpu.memory_space<vmem_shared>> -> memref<16x128xf32, #tpu.memory_space<vmem_shared>>
          tpu.enqueue_dma source(%dma_start3A_135 : memref<16x128xf32, #tpu.memory_space<vmem_shared>>) target(%dma_start3A_132 : memref<16x128xf32, #tpu.memory_space<hbm>>) target_semaphore(%run_scoped3A : memref<!tpu.dma_semaphore, #tpu.memory_space<semaphore_mem>>)
          %dma_wait3A = arith.constant 9984 : i32
          %dma_wait3A_136 = arith.constant 0 : i32
          %dma_wait3A_137 = tpu.memref_slice %arg11[%dma_wait3A, %dma_wait3A_136] : memref<10000x128xf32, #tpu.memory_space<hbm>> -> memref<16x128xf32, #tpu.memory_space<hbm>>
          %dma_wait3A_138 = arith.constant 9984 : i32
          %dma_wait3A_139 = arith.constant 0 : i32
          %dma_wait3A_140 = tpu.memref_slice %arg15[%dma_wait3A_138, %dma_wait3A_139] : memref<10000x128xf32, #tpu.memory_space<vmem_shared>> -> memref<16x128xf32, #tpu.memory_space<vmem_shared>>
          tpu.wait_dma2 semaphore(%run_scoped3A : memref<!tpu.dma_semaphore, #tpu.memory_space<semaphore_mem>>) src(%dma_wait3A_140 : memref<16x128xf32, #tpu.memory_space<vmem_shared>>) dst(%dma_wait3A_137 : memref<16x128xf32, #tpu.memory_space<hbm>>)
          tpu.yield
        }) : () -> ()
      } else {
      }
      %barrier3A_129 = arith.constant 0 : index
      tpu.barrier barrier_id(%barrier3A_129)
    } else {
    }
    return
  }
}

module attributes {stable_mosaic.version = 14 : i64} {
  func.func @body(%arg0: i32, %arg1: memref<2000x256xf32, #tpu.memory_space<vmem>>, %arg2: memref<256x512xf32, #tpu.memory_space<vmem>>, %arg3: memref<2000x128xf32, #tpu.memory_space<vmem>>, %arg4: memref<2000x128xf32, #tpu.memory_space<vmem>>, %arg5: memref<2000x8xf32, #tpu.memory_space<vmem>>, %arg6: memref<2000x128xf32, #tpu.memory_space<vmem>>, %arg7: memref<2000x128xf32, #tpu.memory_space<vmem>>, %arg8: memref<2000x128xf32, #tpu.memory_space<vmem>>, %arg9: memref<2000x128xf32, #tpu.memory_space<vmem>>) attributes {dimension_semantics = [#tpu.dimension_semantics<arbitrary>], iteration_bounds = array<i64: 5>, scalar_prefetch = 0 : i64, scratch_operands = 0 : i64, tpu.core_type = #tpu.core_type<tc>, window_params = [{transform_indices = @transform_0, window_bounds = array<i64: 2000, 256>}, {pipeline_mode = #tpu.pipeline_mode<synchronous>, transform_indices = @transform_1, window_bounds = array<i64: 256, 512>}, {transform_indices = @transform_2, window_bounds = array<i64: 2000, 128>}, {transform_indices = @transform_3, window_bounds = array<i64: 2000, 128>}, {transform_indices = @transform_4, window_bounds = array<i64: 2000, 8>}, {transform_indices = @transform_5, window_bounds = array<i64: 2000, 128>}, {transform_indices = @transform_6, window_bounds = array<i64: 2000, 128>}, {transform_indices = @transform_7, window_bounds = array<i64: 2000, 128>}, {transform_indices = @transform_8, window_bounds = array<i64: 2000, 128>}]} {
    %get3A = arith.constant 0 : index
    %get3A_0 = arith.constant 0 : index
    %get3A_1 = vector.load %arg3[%get3A, %get3A_0] : memref<2000x128xf32, #tpu.memory_space<vmem>>, vector<2000x128xf32>
    %get3A_2 = arith.constant 0 : index
    %get3A_3 = arith.constant 0 : index
    %get3A_4 = vector.load %arg4[%get3A_2, %get3A_3] : memref<2000x128xf32, #tpu.memory_space<vmem>>, vector<2000x128xf32>
    %add3A = arith.addf %get3A_1, %get3A_4 : vector<2000x128xf32>
    %add3A_5 = arith.constant 1.000000e+00 : f32
    %add3A_6 = vector.broadcast %add3A_5 : f32 to vector<2000x128xf32>
    %add3A_7 = arith.addf %add3A, %add3A_6 : vector<2000x128xf32>
    %rsqrt3A = math.rsqrt %add3A_7 : vector<2000x128xf32>
    %slice3A = vector.extract_strided_slice %rsqrt3A {offsets = [0, 0], sizes = [2000, 8], strides = [1, 1]} : vector<2000x128xf32> to vector<2000x8xf32>
    %swap3A = arith.constant 0 : index
    %swap3A_8 = arith.constant 0 : index
    %swap3A_9 = vector.load %arg5[%swap3A, %swap3A_8] : memref<2000x8xf32, #tpu.memory_space<vmem>>, vector<2000x8xf32>
    tpu.vector_store %arg5[%swap3A, %swap3A_8], %slice3A {strides = array<i32>} : memref<2000x8xf32, #tpu.memory_space<vmem>>, vector<2000x8xf32>,
    %get3A_10 = arith.constant 0 : index
    %get3A_11 = arith.constant 0 : index
    %get3A_12 = vector.load %arg1[%get3A_10, %get3A_11] : memref<2000x256xf32, #tpu.memory_space<vmem>>, vector<2000x256xf32>
    %get3A_13 = arith.constant 0 : index
    %get3A_14 = arith.constant 0 : index
    %get3A_15 = vector.load %arg2[%get3A_13, %get3A_14] : memref<256x512xf32, #tpu.memory_space<vmem>>, vector<256x512xf32>
    %dot_general3A = arith.constant dense<0.000000e+00> : vector<2000x512xf32>
    %dot_general3A_16 = tpu.matmul %get3A_12, %get3A_15, %dot_general3A {dimension_numbers = #tpu.dot_dimension_numbers<[1], [0], [0], [1], [0, 0, 1, 1], [], []>, transpose_lhs_hint = false} : vector<2000x256xf32>, vector<256x512xf32>, vector<2000x512xf32> -> vector<2000x512xf32>
    %slice3A_17 = vector.extract_strided_slice %rsqrt3A {offsets = [0, 0], sizes = [2000, 1], strides = [1, 1]} : vector<2000x128xf32> to vector<2000x1xf32>
    %mul3A = vector.broadcast %slice3A_17 : vector<2000x1xf32> to vector<2000x512xf32>
    %mul3A_18 = arith.mulf %dot_general3A_16, %mul3A : vector<2000x512xf32>
    %slice3A_19 = vector.extract_strided_slice %mul3A_18 {offsets = [0, 0], sizes = [2000, 128], strides = [1, 1]} : vector<2000x512xf32> to vector<2000x128xf32>
    %swap3A_20 = arith.constant 0 : index
    %swap3A_21 = arith.constant 0 : index
    %swap3A_22 = vector.load %arg6[%swap3A_20, %swap3A_21] : memref<2000x128xf32, #tpu.memory_space<vmem>>, vector<2000x128xf32>
    tpu.vector_store %arg6[%swap3A_20, %swap3A_21], %slice3A_19 {strides = array<i32>} : memref<2000x128xf32, #tpu.memory_space<vmem>>, vector<2000x128xf32>,
    %slice3A_23 = vector.extract_strided_slice %mul3A_18 {offsets = [0, 128], sizes = [2000, 128], strides = [1, 1]} : vector<2000x512xf32> to vector<2000x128xf32>
    %swap3A_24 = arith.constant 0 : index
    %swap3A_25 = arith.constant 0 : index
    %swap3A_26 = vector.load %arg7[%swap3A_24, %swap3A_25] : memref<2000x128xf32, #tpu.memory_space<vmem>>, vector<2000x128xf32>
    tpu.vector_store %arg7[%swap3A_24, %swap3A_25], %slice3A_23 {strides = array<i32>} : memref<2000x128xf32, #tpu.memory_space<vmem>>, vector<2000x128xf32>,
    %slice3A_27 = vector.extract_strided_slice %mul3A_18 {offsets = [0, 256], sizes = [2000, 128], strides = [1, 1]} : vector<2000x512xf32> to vector<2000x128xf32>
    %swap3A_28 = arith.constant 0 : index
    %swap3A_29 = arith.constant 0 : index
    %swap3A_30 = vector.load %arg8[%swap3A_28, %swap3A_29] : memref<2000x128xf32, #tpu.memory_space<vmem>>, vector<2000x128xf32>
    tpu.vector_store %arg8[%swap3A_28, %swap3A_29], %slice3A_27 {strides = array<i32>} : memref<2000x128xf32, #tpu.memory_space<vmem>>, vector<2000x128xf32>,
    %slice3A_31 = vector.extract_strided_slice %mul3A_18 {offsets = [0, 384], sizes = [2000, 128], strides = [1, 1]} : vector<2000x512xf32> to vector<2000x128xf32>
    %swap3A_32 = arith.constant 0 : index
    %swap3A_33 = arith.constant 0 : index
    %swap3A_34 = vector.load %arg9[%swap3A_32, %swap3A_33] : memref<2000x128xf32, #tpu.memory_space<vmem>>, vector<2000x128xf32>
    tpu.vector_store %arg9[%swap3A_32, %swap3A_33], %slice3A_31 {strides = array<i32>} : memref<2000x128xf32, #tpu.memory_space<vmem>>, vector<2000x128xf32>,
    return
  }
  func.func @transform_0(%arg0: i32) -> (i32, i32) {
    %c0_i32 = arith.constant 0 : i32
    %c0_i32_0 = arith.constant 0 : i32
    return %arg0, %c0_i32 : i32, i32
  }
  func.func @transform_1(%arg0: i32) -> (i32, i32) {
    %c0_i32 = arith.constant 0 : i32
    %c0_i32_0 = arith.constant 0 : i32
    %c0_i32_1 = arith.constant 0 : i32
    return %c0_i32, %c0_i32_0 : i32, i32
  }
  func.func @transform_2(%arg0: i32) -> (i32, i32) {
    %c0_i32 = arith.constant 0 : i32
    %c0_i32_0 = arith.constant 0 : i32
    return %arg0, %c0_i32 : i32, i32
  }
  func.func @transform_3(%arg0: i32) -> (i32, i32) {
    %c0_i32 = arith.constant 0 : i32
    %c0_i32_0 = arith.constant 0 : i32
    return %arg0, %c0_i32 : i32, i32
  }
  func.func @transform_4(%arg0: i32) -> (i32, i32) {
    %c0_i32 = arith.constant 0 : i32
    %c0_i32_0 = arith.constant 0 : i32
    return %arg0, %c0_i32 : i32, i32
  }
  func.func @transform_5(%arg0: i32) -> (i32, i32) {
    %c0_i32 = arith.constant 0 : i32
    %c0_i32_0 = arith.constant 0 : i32
    return %arg0, %c0_i32 : i32, i32
  }
  func.func @transform_6(%arg0: i32) -> (i32, i32) {
    %c0_i32 = arith.constant 0 : i32
    %c0_i32_0 = arith.constant 0 : i32
    return %arg0, %c0_i32 : i32, i32
  }
  func.func @transform_7(%arg0: i32) -> (i32, i32) {
    %c0_i32 = arith.constant 0 : i32
    %c0_i32_0 = arith.constant 0 : i32
    return %arg0, %c0_i32 : i32, i32
  }
  func.func @transform_8(%arg0: i32) -> (i32, i32) {
    %c0_i32 = arith.constant 0 : i32
    %c0_i32_0 = arith.constant 0 : i32
    return %arg0, %c0_i32 : i32, i32
  }
}

module attributes {stable_mosaic.version = 14 : i64} {
  func.func @body(%arg0: i32, %arg1: memref<2000x128xf32, #tpu.memory_space<vmem>>, %arg2: memref<2000x128xf32, #tpu.memory_space<vmem>>, %arg3: memref<2000x128xf32, #tpu.memory_space<vmem>>, %arg4: memref<2000x128xf32, #tpu.memory_space<vmem>>, %arg5: memref<2000x8xf32, #tpu.memory_space<vmem>>, %arg6: memref<1x512xf32, #tpu.memory_space<vmem>>, %arg7: memref<512x256xf32, #tpu.memory_space<vmem>>, %arg8: memref<2000x128xf32, #tpu.memory_space<vmem>>, %arg9: memref<2000x128xf32, #tpu.memory_space<vmem>>) attributes {dimension_semantics = [#tpu.dimension_semantics<arbitrary>], iteration_bounds = array<i64: 5>, scalar_prefetch = 0 : i64, scratch_operands = 0 : i64, tpu.core_type = #tpu.core_type<tc>, window_params = [{transform_indices = @transform_0, window_bounds = array<i64: 2000, 128>}, {transform_indices = @transform_1, window_bounds = array<i64: 2000, 128>}, {transform_indices = @transform_2, window_bounds = array<i64: 2000, 128>}, {transform_indices = @transform_3, window_bounds = array<i64: 2000, 128>}, {transform_indices = @transform_4, window_bounds = array<i64: 2000, 8>}, {pipeline_mode = #tpu.pipeline_mode<synchronous>, transform_indices = @transform_5, window_bounds = array<i64: 1, 512>}, {pipeline_mode = #tpu.pipeline_mode<synchronous>, transform_indices = @transform_6, window_bounds = array<i64: 512, 256>}, {transform_indices = @transform_7, window_bounds = array<i64: 2000, 128>}, {transform_indices = @transform_8, window_bounds = array<i64: 2000, 128>}]} {
    %get3A = arith.constant 0 : index
    %get3A_0 = arith.constant 0 : index
    %get3A_1 = vector.load %arg5[%get3A, %get3A_0] : memref<2000x8xf32, #tpu.memory_space<vmem>>, vector<2000x1xf32>
    %broadcast_in_dim3A = arith.constant 0.000000e+00 : f32
    %broadcast_in_dim3A_2 = vector.broadcast %broadcast_in_dim3A : f32 to vector<2000x256xf32>
    %get3A_3 = arith.constant 0 : index
    %get3A_4 = arith.constant 0 : index
    %get3A_5 = vector.load %arg1[%get3A_3, %get3A_4] : memref<2000x128xf32, #tpu.memory_space<vmem>>, vector<2000x128xf32>
    %mul3A = vector.broadcast %get3A_1 : vector<2000x1xf32> to vector<2000x128xf32>
    %mul3A_6 = arith.mulf %get3A_5, %mul3A : vector<2000x128xf32>
    %get3A_7 = arith.constant 0 : index
    %get3A_8 = arith.constant 0 : index
    %get3A_9 = vector.load %arg6[%get3A_7, %get3A_8] : memref<1x512xf32, #tpu.memory_space<vmem>>, vector<1x128xf32>
    %add3A = vector.broadcast %get3A_9 : vector<1x128xf32> to vector<2000x128xf32>
    %add3A_10 = arith.addf %mul3A_6, %add3A : vector<2000x128xf32>
    %max3A = arith.constant 0.000000e+00 : f32
    %max3A_11 = vector.broadcast %max3A : f32 to vector<2000x128xf32>
    %max3A_12 = arith.maximumf %add3A_10, %max3A_11 : vector<2000x128xf32>
    %get3A_13 = arith.constant 0 : index
    %get3A_14 = arith.constant 0 : index
    %get3A_15 = vector.load %arg7[%get3A_13, %get3A_14] : memref<512x256xf32, #tpu.memory_space<vmem>>, vector<128x256xf32>
    %dot_general3A = arith.constant dense<0.000000e+00> : vector<2000x256xf32>
    %dot_general3A_16 = tpu.matmul %max3A_12, %get3A_15, %dot_general3A {dimension_numbers = #tpu.dot_dimension_numbers<[1], [0], [0], [1], [0, 0, 1, 1], [], []>, transpose_lhs_hint = false} : vector<2000x128xf32>, vector<128x256xf32>, vector<2000x256xf32> -> vector<2000x256xf32>
    %add3A_17 = arith.addf %broadcast_in_dim3A_2, %dot_general3A_16 : vector<2000x256xf32>
    %get3A_18 = arith.constant 0 : index
    %get3A_19 = arith.constant 0 : index
    %get3A_20 = vector.load %arg2[%get3A_18, %get3A_19] : memref<2000x128xf32, #tpu.memory_space<vmem>>, vector<2000x128xf32>
    %mul3A_21 = vector.broadcast %get3A_1 : vector<2000x1xf32> to vector<2000x128xf32>
    %mul3A_22 = arith.mulf %get3A_20, %mul3A_21 : vector<2000x128xf32>
    %get3A_23 = arith.constant 0 : index
    %get3A_24 = arith.constant 128 : index
    %get3A_25 = vector.load %arg6[%get3A_23, %get3A_24] : memref<1x512xf32, #tpu.memory_space<vmem>>, vector<1x128xf32>
    %add3A_26 = vector.broadcast %get3A_25 : vector<1x128xf32> to vector<2000x128xf32>
    %add3A_27 = arith.addf %mul3A_22, %add3A_26 : vector<2000x128xf32>
    %max3A_28 = arith.constant 0.000000e+00 : f32
    %max3A_29 = vector.broadcast %max3A_28 : f32 to vector<2000x128xf32>
    %max3A_30 = arith.maximumf %add3A_27, %max3A_29 : vector<2000x128xf32>
    %get3A_31 = arith.constant 128 : index
    %get3A_32 = arith.constant 0 : index
    %get3A_33 = vector.load %arg7[%get3A_31, %get3A_32] : memref<512x256xf32, #tpu.memory_space<vmem>>, vector<128x256xf32>
    %dot_general3A_34 = arith.constant dense<0.000000e+00> : vector<2000x256xf32>
    %dot_general3A_35 = tpu.matmul %max3A_30, %get3A_33, %dot_general3A_34 {dimension_numbers = #tpu.dot_dimension_numbers<[1], [0], [0], [1], [0, 0, 1, 1], [], []>, transpose_lhs_hint = false} : vector<2000x128xf32>, vector<128x256xf32>, vector<2000x256xf32> -> vector<2000x256xf32>
    %add3A_36 = arith.addf %add3A_17, %dot_general3A_35 : vector<2000x256xf32>
    %get3A_37 = arith.constant 0 : index
    %get3A_38 = arith.constant 0 : index
    %get3A_39 = vector.load %arg3[%get3A_37, %get3A_38] : memref<2000x128xf32, #tpu.memory_space<vmem>>, vector<2000x128xf32>
    %mul3A_40 = vector.broadcast %get3A_1 : vector<2000x1xf32> to vector<2000x128xf32>
    %mul3A_41 = arith.mulf %get3A_39, %mul3A_40 : vector<2000x128xf32>
    %get3A_42 = arith.constant 0 : index
    %get3A_43 = arith.constant 256 : index
    %get3A_44 = vector.load %arg6[%get3A_42, %get3A_43] : memref<1x512xf32, #tpu.memory_space<vmem>>, vector<1x128xf32>
    %add3A_45 = vector.broadcast %get3A_44 : vector<1x128xf32> to vector<2000x128xf32>
    %add3A_46 = arith.addf %mul3A_41, %add3A_45 : vector<2000x128xf32>
    %max3A_47 = arith.constant 0.000000e+00 : f32
    %max3A_48 = vector.broadcast %max3A_47 : f32 to vector<2000x128xf32>
    %max3A_49 = arith.maximumf %add3A_46, %max3A_48 : vector<2000x128xf32>
    %get3A_50 = arith.constant 256 : index
    %get3A_51 = arith.constant 0 : index
    %get3A_52 = vector.load %arg7[%get3A_50, %get3A_51] : memref<512x256xf32, #tpu.memory_space<vmem>>, vector<128x256xf32>
    %dot_general3A_53 = arith.constant dense<0.000000e+00> : vector<2000x256xf32>
    %dot_general3A_54 = tpu.matmul %max3A_49, %get3A_52, %dot_general3A_53 {dimension_numbers = #tpu.dot_dimension_numbers<[1], [0], [0], [1], [0, 0, 1, 1], [], []>, transpose_lhs_hint = false} : vector<2000x128xf32>, vector<128x256xf32>, vector<2000x256xf32> -> vector<2000x256xf32>
    %add3A_55 = arith.addf %add3A_36, %dot_general3A_54 : vector<2000x256xf32>
    %get3A_56 = arith.constant 0 : index
    %get3A_57 = arith.constant 0 : index
    %get3A_58 = vector.load %arg4[%get3A_56, %get3A_57] : memref<2000x128xf32, #tpu.memory_space<vmem>>, vector<2000x128xf32>
    %mul3A_59 = vector.broadcast %get3A_1 : vector<2000x1xf32> to vector<2000x128xf32>
    %mul3A_60 = arith.mulf %get3A_58, %mul3A_59 : vector<2000x128xf32>
    %get3A_61 = arith.constant 0 : index
    %get3A_62 = arith.constant 384 : index
    %get3A_63 = vector.load %arg6[%get3A_61, %get3A_62] : memref<1x512xf32, #tpu.memory_space<vmem>>, vector<1x128xf32>
    %add3A_64 = vector.broadcast %get3A_63 : vector<1x128xf32> to vector<2000x128xf32>
    %add3A_65 = arith.addf %mul3A_60, %add3A_64 : vector<2000x128xf32>
    %max3A_66 = arith.constant 0.000000e+00 : f32
    %max3A_67 = vector.broadcast %max3A_66 : f32 to vector<2000x128xf32>
    %max3A_68 = arith.maximumf %add3A_65, %max3A_67 : vector<2000x128xf32>
    %get3A_69 = arith.constant 384 : index
    %get3A_70 = arith.constant 0 : index
    %get3A_71 = vector.load %arg7[%get3A_69, %get3A_70] : memref<512x256xf32, #tpu.memory_space<vmem>>, vector<128x256xf32>
    %dot_general3A_72 = arith.constant dense<0.000000e+00> : vector<2000x256xf32>
    %dot_general3A_73 = tpu.matmul %max3A_68, %get3A_71, %dot_general3A_72 {dimension_numbers = #tpu.dot_dimension_numbers<[1], [0], [0], [1], [0, 0, 1, 1], [], []>, transpose_lhs_hint = false} : vector<2000x128xf32>, vector<128x256xf32>, vector<2000x256xf32> -> vector<2000x256xf32>
    %add3A_74 = arith.addf %add3A_55, %dot_general3A_73 : vector<2000x256xf32>
    %mul3A_75 = vector.broadcast %get3A_1 : vector<2000x1xf32> to vector<2000x256xf32>
    %mul3A_76 = arith.mulf %add3A_74, %mul3A_75 : vector<2000x256xf32>
    %slice3A = vector.extract_strided_slice %mul3A_76 {offsets = [0, 0], sizes = [2000, 128], strides = [1, 1]} : vector<2000x256xf32> to vector<2000x128xf32>
    %swap3A = arith.constant 0 : index
    %swap3A_77 = arith.constant 0 : index
    %swap3A_78 = vector.load %arg8[%swap3A, %swap3A_77] : memref<2000x128xf32, #tpu.memory_space<vmem>>, vector<2000x128xf32>
    tpu.vector_store %arg8[%swap3A, %swap3A_77], %slice3A {strides = array<i32>} : memref<2000x128xf32, #tpu.memory_space<vmem>>, vector<2000x128xf32>,
    %slice3A_79 = vector.extract_strided_slice %mul3A_76 {offsets = [0, 128], sizes = [2000, 128], strides = [1, 1]} : vector<2000x256xf32> to vector<2000x128xf32>
    %swap3A_80 = arith.constant 0 : index
    %swap3A_81 = arith.constant 0 : index
    %swap3A_82 = vector.load %arg9[%swap3A_80, %swap3A_81] : memref<2000x128xf32, #tpu.memory_space<vmem>>, vector<2000x128xf32>
    tpu.vector_store %arg9[%swap3A_80, %swap3A_81], %slice3A_79 {strides = array<i32>} : memref<2000x128xf32, #tpu.memory_space<vmem>>, vector<2000x128xf32>,
    return
  }
  func.func @transform_0(%arg0: i32) -> (i32, i32) {
    %c0_i32 = arith.constant 0 : i32
    %c0_i32_0 = arith.constant 0 : i32
    return %arg0, %c0_i32 : i32, i32
  }
  func.func @transform_1(%arg0: i32) -> (i32, i32) {
    %c0_i32 = arith.constant 0 : i32
    %c0_i32_0 = arith.constant 0 : i32
    return %arg0, %c0_i32 : i32, i32
  }
  func.func @transform_2(%arg0: i32) -> (i32, i32) {
    %c0_i32 = arith.constant 0 : i32
    %c0_i32_0 = arith.constant 0 : i32
    return %arg0, %c0_i32 : i32, i32
  }
  func.func @transform_3(%arg0: i32) -> (i32, i32) {
    %c0_i32 = arith.constant 0 : i32
    %c0_i32_0 = arith.constant 0 : i32
    return %arg0, %c0_i32 : i32, i32
  }
  func.func @transform_4(%arg0: i32) -> (i32, i32) {
    %c0_i32 = arith.constant 0 : i32
    %c0_i32_0 = arith.constant 0 : i32
    return %arg0, %c0_i32 : i32, i32
  }
  func.func @transform_5(%arg0: i32) -> (i32, i32) {
    %c0_i32 = arith.constant 0 : i32
    %c0_i32_0 = arith.constant 0 : i32
    %c0_i32_1 = arith.constant 0 : i32
    return %c0_i32, %c0_i32_0 : i32, i32
  }
  func.func @transform_6(%arg0: i32) -> (i32, i32) {
    %c0_i32 = arith.constant 0 : i32
    %c0_i32_0 = arith.constant 0 : i32
    %c0_i32_1 = arith.constant 0 : i32
    return %c0_i32, %c0_i32_0 : i32, i32
  }
  func.func @transform_7(%arg0: i32) -> (i32, i32) {
    %c0_i32 = arith.constant 0 : i32
    %c0_i32_0 = arith.constant 0 : i32
    return %arg0, %c0_i32 : i32, i32
  }
  func.func @transform_8(%arg0: i32) -> (i32, i32) {
    %c0_i32 = arith.constant 0 : i32
    %c0_i32_0 = arith.constant 0 : i32
    return %arg0, %c0_i32 : i32, i32
  }
}

module attributes {stable_mosaic.version = 14 : i64} {
  func.func @body(%arg0: i32, %arg1: memref<2000x128xf32, #tpu.memory_space<vmem>>, %arg2: memref<2000x128xf32, #tpu.memory_space<vmem>>, %arg3: memref<2000x8xf32, #tpu.memory_space<vmem>>, %arg4: memref<1x256xf32, #tpu.memory_space<vmem>>, %arg5: memref<256x8xf32, #tpu.memory_space<vmem>>, %arg6: memref<2000x8xf32, #tpu.memory_space<vmem>>) attributes {dimension_semantics = [#tpu.dimension_semantics<arbitrary>], iteration_bounds = array<i64: 5>, scalar_prefetch = 0 : i64, scratch_operands = 0 : i64, tpu.core_type = #tpu.core_type<tc>, window_params = [{transform_indices = @transform_0, window_bounds = array<i64: 2000, 128>}, {transform_indices = @transform_1, window_bounds = array<i64: 2000, 128>}, {transform_indices = @transform_2, window_bounds = array<i64: 2000, 8>}, {pipeline_mode = #tpu.pipeline_mode<synchronous>, transform_indices = @transform_3, window_bounds = array<i64: 1, 256>}, {pipeline_mode = #tpu.pipeline_mode<synchronous>, transform_indices = @transform_4, window_bounds = array<i64: 256, 8>}, {transform_indices = @transform_5, window_bounds = array<i64: 2000, 8>}]} {
    %get3A = arith.constant 0 : index
    %get3A_0 = arith.constant 0 : index
    %get3A_1 = vector.load %arg3[%get3A, %get3A_0] : memref<2000x8xf32, #tpu.memory_space<vmem>>, vector<2000x1xf32>
    %broadcast_in_dim3A = arith.constant 0.000000e+00 : f32
    %broadcast_in_dim3A_2 = vector.broadcast %broadcast_in_dim3A : f32 to vector<2000x8xf32>
    %get3A_3 = arith.constant 0 : index
    %get3A_4 = arith.constant 0 : index
    %get3A_5 = vector.load %arg1[%get3A_3, %get3A_4] : memref<2000x128xf32, #tpu.memory_space<vmem>>, vector<2000x128xf32>
    %mul3A = vector.broadcast %get3A_1 : vector<2000x1xf32> to vector<2000x128xf32>
    %mul3A_6 = arith.mulf %get3A_5, %mul3A : vector<2000x128xf32>
    %get3A_7 = arith.constant 0 : index
    %get3A_8 = arith.constant 0 : index
    %get3A_9 = vector.load %arg4[%get3A_7, %get3A_8] : memref<1x256xf32, #tpu.memory_space<vmem>>, vector<1x128xf32>
    %add3A = vector.broadcast %get3A_9 : vector<1x128xf32> to vector<2000x128xf32>
    %add3A_10 = arith.addf %mul3A_6, %add3A : vector<2000x128xf32>
    %max3A = arith.constant 0.000000e+00 : f32
    %max3A_11 = vector.broadcast %max3A : f32 to vector<2000x128xf32>
    %max3A_12 = arith.maximumf %add3A_10, %max3A_11 : vector<2000x128xf32>
    %get3A_13 = arith.constant 0 : index
    %get3A_14 = arith.constant 0 : index
    %get3A_15 = vector.load %arg5[%get3A_13, %get3A_14] : memref<256x8xf32, #tpu.memory_space<vmem>>, vector<128x8xf32>
    %dot_general3A = arith.constant dense<0.000000e+00> : vector<2000x8xf32>
    %dot_general3A_16 = tpu.matmul %max3A_12, %get3A_15, %dot_general3A {dimension_numbers = #tpu.dot_dimension_numbers<[1], [0], [0], [1], [0, 0, 1, 1], [], []>, transpose_lhs_hint = false} : vector<2000x128xf32>, vector<128x8xf32>, vector<2000x8xf32> -> vector<2000x8xf32>
    %add3A_17 = arith.addf %broadcast_in_dim3A_2, %dot_general3A_16 : vector<2000x8xf32>
    %get3A_18 = arith.constant 0 : index
    %get3A_19 = arith.constant 0 : index
    %get3A_20 = vector.load %arg2[%get3A_18, %get3A_19] : memref<2000x128xf32, #tpu.memory_space<vmem>>, vector<2000x128xf32>
    %mul3A_21 = vector.broadcast %get3A_1 : vector<2000x1xf32> to vector<2000x128xf32>
    %mul3A_22 = arith.mulf %get3A_20, %mul3A_21 : vector<2000x128xf32>
    %get3A_23 = arith.constant 0 : index
    %get3A_24 = arith.constant 128 : index
    %get3A_25 = vector.load %arg4[%get3A_23, %get3A_24] : memref<1x256xf32, #tpu.memory_space<vmem>>, vector<1x128xf32>
    %add3A_26 = vector.broadcast %get3A_25 : vector<1x128xf32> to vector<2000x128xf32>
    %add3A_27 = arith.addf %mul3A_22, %add3A_26 : vector<2000x128xf32>
    %max3A_28 = arith.constant 0.000000e+00 : f32
    %max3A_29 = vector.broadcast %max3A_28 : f32 to vector<2000x128xf32>
    %max3A_30 = arith.maximumf %add3A_27, %max3A_29 : vector<2000x128xf32>
    %get3A_31 = arith.constant 128 : index
    %get3A_32 = arith.constant 0 : index
    %get3A_33 = vector.load %arg5[%get3A_31, %get3A_32] : memref<256x8xf32, #tpu.memory_space<vmem>>, vector<128x8xf32>
    %dot_general3A_34 = arith.constant dense<0.000000e+00> : vector<2000x8xf32>
    %dot_general3A_35 = tpu.matmul %max3A_30, %get3A_33, %dot_general3A_34 {dimension_numbers = #tpu.dot_dimension_numbers<[1], [0], [0], [1], [0, 0, 1, 1], [], []>, transpose_lhs_hint = false} : vector<2000x128xf32>, vector<128x8xf32>, vector<2000x8xf32> -> vector<2000x8xf32>
    %add3A_36 = arith.addf %add3A_17, %dot_general3A_35 : vector<2000x8xf32>
    %swap3A = arith.constant 0 : index
    %swap3A_37 = arith.constant 0 : index
    %swap3A_38 = vector.load %arg6[%swap3A, %swap3A_37] : memref<2000x8xf32, #tpu.memory_space<vmem>>, vector<2000x8xf32>
    tpu.vector_store %arg6[%swap3A, %swap3A_37], %add3A_36 {strides = array<i32>} : memref<2000x8xf32, #tpu.memory_space<vmem>>, vector<2000x8xf32>,
    return
  }
  func.func @transform_0(%arg0: i32) -> (i32, i32) {
    %c0_i32 = arith.constant 0 : i32
    %c0_i32_0 = arith.constant 0 : i32
    return %arg0, %c0_i32 : i32, i32
  }
  func.func @transform_1(%arg0: i32) -> (i32, i32) {
    %c0_i32 = arith.constant 0 : i32
    %c0_i32_0 = arith.constant 0 : i32
    return %arg0, %c0_i32 : i32, i32
  }
  func.func @transform_2(%arg0: i32) -> (i32, i32) {
    %c0_i32 = arith.constant 0 : i32
    %c0_i32_0 = arith.constant 0 : i32
    return %arg0, %c0_i32 : i32, i32
  }
  func.func @transform_3(%arg0: i32) -> (i32, i32) {
    %c0_i32 = arith.constant 0 : i32
    %c0_i32_0 = arith.constant 0 : i32
    %c0_i32_1 = arith.constant 0 : i32
    return %c0_i32, %c0_i32_0 : i32, i32
  }
  func.func @transform_4(%arg0: i32) -> (i32, i32) {
    %c0_i32 = arith.constant 0 : i32
    %c0_i32_0 = arith.constant 0 : i32
    %c0_i32_1 = arith.constant 0 : i32
    return %c0_i32, %c0_i32_0 : i32, i32
  }
  func.func @transform_5(%arg0: i32) -> (i32, i32) {
    %c0_i32 = arith.constant 0 : i32
    %c0_i32_0 = arith.constant 0 : i32
    return %arg0, %c0_i32 : i32, i32
  }
}

</mosaic_0001>

<sc_bundles>
// kernel: kernel.11.cloned.1.call-start
scs
__scs_entry_jumppad:
0x0: {  	(pc) =	sbr.rel $0x88, $3  }
0x1: {  	(tag) =	ssettag $0x0;
	lr =	simm.s32 $0x1  }
0x2: {  	[smem:$0x3F9A] =	sst lr;
	_ =	strace $0xD0000000  }
0x3: {  	_ = 	snop  }
0x4: {  	_ = 	snop  }
0x5: {  	_ = 	snop  }
0x6: {  	_ = 	snop  }
0x7: {  	_ = 	snop  }
__scs_overlays_trampoline_lowered:
0x8: {  	[smem:$0x3FA9] =	sst s0  }
0x9: {  	[smem:$0x3FAA] =	sst s1  }
0xa: {  	[smem:$0x3FAB] =	sst s2  }
0xb: {  	[smem:$0x3FAC] =	sst s3  }
0xc: {  	[smem:$0x3FAD] =	sst s4  }
0xd: {  	[smem:$0x3FAE] =	sst s5  }
0xe: {  	[smem:$0x3FAF] =	sst s6  }
0xf: {  	[smem:$0x3FB0] =	sst s7  }
0x10: {  	[smem:$0x3FB1] =	sst s8  }
0x11: {  	[smem:$0x3FB2] =	sst s9;
	s0 =	simm.s32 @!p0 $0x0  }
0x12: {  	s1 =	sld [smem:$0x3F98];
	s0 =	simm.s32 @p0 $0x1  }
0x13: {  	[smem:$0x3FB3] =	sst s0;
	s0 =	simm.s32 @!p1 $0x0  }
0x14: {  	s2 =	sld [smem:$0x3F97];
	s0 =	simm.s32 @p1 $0x1  }
0x15: {  	[smem:$0x3FB4] =	sst s0;
	s0 =	simm.s32 @!p2 $0x0  }
0x16: {  	s3 =	sld [smem:$0x3FDB];
	s0 =	simm.s32 @p2 $0x1  }
0x17: {  	s4 =	simm.s32 $0x1BF5;
	[smem:$0x3FB6] =	sst s0  }
0x18: {  	s0 =	sld [smem:$0x3F99];
	_ =	swait.ge [sflag:s4], $0x0  }
0x19: {  	s7 =	sld [smem:$0x3F9A]  }
0x1a: {  	s8 =	sadd.s32 $0xFFFFE003, lr  }
0x1b: {  	s9 =	sadd.s32 $0xFFFFFEF7, lr;
	s5 =	simm.s32 $0xFFFFFFFF;
	p2 =	slt.u32 s8, $0xFFFFF086  }
0x1c: {  	p1 =	slt.u32 s9, $0xF7A;
	s5 =	simm.s32 @!p2 $0x0  }
0x1d: {  	s5 =	simm.s32 @p1 $0x1;
	p0 =	seq.s32 s7, s2  }
0x1e: {  	s7 =	smul.u32 @!p0 $0xF7A, s2;
	p2 =	seq.s32 @!p0 s5, $0x0  }
0x1f: {  	s9 =	smul.u32 $0xF7A, s1;
	s8 =	simm.s32 @!p0 $0x1BF5;
	p2 =	por !p2, p0  }
0x20: {  	[sflag:s8] =	ssyncset.s32 @!p0 $0xFFFFF086;
	s6 =	sadd.s32 @!p0 s3, s7;
	s7 =	simm.s32 @!p0 $0x108  }
0x21: {  	s3 =	sadd.s32 s3, s9;
	s6 =	sadd.s32 @!p0 $0x88, s6;
	s7 =	simm.s32 @p2 $0x1082  }
0x22: {  	[simem:s7], [sflag:s8] =	dma.local @!p0 [hbm:s6], $0xF7A  }
0x23: {  	s9 =	sor.u32 $0xD0000000, s2;
	s6 =	simm.s32 $0x108;
	_ =	swait.ge @!p0 [sflag:s8], $0x0  }
0x24: {  	s3 =	sadd.s32 $0x88, s3;
	s6 =	simm.s32 @!p1 $0x1082;
	[sflag:s4] =	ssyncset.s32 $0xFFFFF086  }
0x25: {  	[simem:s6], [sflag:s4] =	dma.local [hbm:s3], $0xF7A  }
0x26: {  	[smem:$0x3F9A] =	sst s1;
	(tag) =	ssettag s2;
	_ =	strace s9  }
0x27: {  	s1 =	sld [smem:$0x3FAA]  }
0x28: {  	s2 =	sld [smem:$0x3FAB]  }
0x29: {  	s4 =	sld [smem:$0x3FAD]  }
0x2a: {  	p0 =	seq.s32 s5, $0x0;
	s5 =	sld [smem:$0x3FAE]  }
0x2b: {  	s6 =	sld [smem:$0x3FAF]  }
0x2c: {  	s7 =	sld [smem:$0x3FB0]  }
0x2d: {  	s3 =	simm.s32 $0x108;
	s8 =	sld [smem:$0x3FB1]  }
0x2e: {  	s3 =	simm.s32 @!p0 $0x1082;
	s9 =	sld [smem:$0x3FB2]  }
0x2f: {  	lr =	sadd.s32 s0, s3;
	s0 =	sld [smem:$0x3FA9]  }
0x30: {  	s3 =	sld [smem:$0x3FAC]  }
0x31: {  	[smem:$0x3FB5] =	sst s10  }
0x32: {  	s10 =	sld [smem:$0x3FB3];
	_ =	sdelay $0x3  }
0x33: {  	p0 =	seq.s32 s10, $0x1;
	s10 =	sld [smem:$0x3FB5];
	_ =	sdelay $0x3  }
0x34: {  	[smem:$0x3FB5] =	sst s10  }
0x35: {  	s10 =	sld [smem:$0x3FB4];
	_ =	sdelay $0x3  }
0x36: {  	p1 =	seq.s32 s10, $0x1;
	s10 =	sld [smem:$0x3FB5];
	_ =	sdelay $0x3  }
0x37: {  	[smem:$0x3FB5] =	sst s10  }
0x38: {  	s10 =	sld [smem:$0x3FB6]  }
0x39: {  	_ = 	snop;
	(pc) =	sbr.ind lr, $3  }
0x3a: {  	_ = 	snop  }
0x3b: {  	_ = 	snop  }
0x3c: {  	p2 =	seq.s32 s10, $0x1;
	s10 =	sld [smem:$0x3FB5]  }
0x3d: {  	_ =	shalt  }
0x3e: {  	_ =	shalt  }
0x3f: {  	_ =	shalt  }
0x40: {  	_ =	shalt  }
0x41: {  	_ =	shalt  }
0x42: {  	_ =	shalt  }
0x43: {  	_ =	shalt  }
0x44: {  	_ =	shalt  }
0x45: {  	_ =	shalt  }
0x46: {  	_ =	shalt  }
0x47: {  	_ =	shalt  }
0x48: {  	_ =	shalt  }
0x49: {  	_ =	shalt  }
0x4a: {  	_ =	shalt  }
0x4b: {  	_ =	shalt  }
0x4c: {  	_ =	shalt  }
0x4d: {  	_ =	shalt  }
0x4e: {  	_ =	shalt  }
0x4f: {  	_ =	shalt  }
0x50: {  	_ =	shalt  }
0x51: {  	_ =	shalt  }
0x52: {  	_ =	shalt  }
0x53: {  	_ =	shalt  }
0x54: {  	_ =	shalt  }
0x55: {  	_ =	shalt  }
0x56: {  	_ =	shalt  }
0x57: {  	_ =	shalt  }
0x58: {  	_ =	shalt  }
0x59: {  	_ =	shalt  }
0x5a: {  	_ =	shalt  }
0x5b: {  	_ =	shalt  }
0x5c: {  	_ =	shalt  }
0x5d: {  	_ =	shalt  }
0x5e: {  	_ =	shalt  }
0x5f: {  	_ =	shalt  }
0x60: {  	_ =	shalt  }
0x61: {  	_ =	shalt  }
0x62: {  	_ =	shalt  }
0x63: {  	_ =	shalt  }
0x64: {  	_ =	shalt  }
0x65: {  	_ =	shalt  }
0x66: {  	_ =	shalt  }
0x67: {  	_ =	shalt  }
0x68: {  	_ =	shalt  }
0x69: {  	_ =	shalt  }
0x6a: {  	_ =	shalt  }
0x6b: {  	_ =	shalt  }
0x6c: {  	_ =	shalt  }
0x6d: {  	_ =	shalt  }
0x6e: {  	_ =	shalt  }
0x6f: {  	_ =	shalt  }
0x70: {  	_ =	shalt  }
0x71: {  	_ =	shalt  }
0x72: {  	_ =	shalt  }
0x73: {  	_ =	shalt  }
0x74: {  	_ =	shalt  }
0x75: {  	_ =	shalt  }
0x76: {  	_ =	shalt  }
0x77: {  	_ =	shalt  }
0x78: {  	_ =	shalt  }
0x79: {  	_ =	shalt  }
0x7a: {  	_ =	shalt  }
0x7b: {  	_ =	shalt  }
0x7c: {  	_ =	shalt  }
0x7d: {  	_ =	shalt  }
0x7e: {  	_ =	shalt  }
0x7f: {  	_ =	shalt  }
0x80: {  	_ =	shalt  }
0x81: {  	_ =	shalt  }
0x82: {  	_ =	shalt  }
0x83: {  	_ =	shalt  }
0x84: {  	_ =	shalt  }
0x85: {  	_ =	shalt  }
0x86: {  	_ =	shalt  }
0x87: {  	_ =	shalt  }
.Lfunc_end0:
.L_simem_size_0:
called_computation.1_lowered:
.L_overlay_start_0:
0x88: {  	s2 =	sld [smem:$0x3FD9]  }
0x89: {  	s3 =	sld [smem:$0x3FFE];
	_ =	sdelay $0x1  }
0x8a: {  	s1 =	srdreg.scid  }
0x8b: {  	s0 =	sand.u32 $0x1, s1  }
0x8c: {  	s16 =	sshll.u32 s0, $0xA;
	s2 =	sadd.s32 s3, s2  }
0x8d: {  	s2 =	sadd.s32 s2, s16  }
0x8e: {  	[smem:$0x3FC1] =	sst s2  }
0x8f: {  	_ = 	snop  }
0x90: {  	(tm) =	ssettm $0x1  }
0x91: {  	s17 =	sld [smem:$0x3FFB];
	_ =	sdelay $0x3  }
0x92: {  	_ =	strace s17  }
0x93: {  	s2 =	sld [smem:$0x3FFC];
	_ =	sdelay $0x3  }
0x94: {  	_ =	strace s2  }
0x95: {  	s2 =	sld [smem:$0x3FFD];
	_ =	sdelay $0x3  }
0x96: {  	_ =	strace s2  }
0x97: {  	_ =	strace $0x8FFFFFFF  }
0x98: {  	s18 =	sld [smem:$0x3FDB];
	_ =	sdelay $0x1  }
0x99: {  	s19 =	simm.s32 $_scs_section_size  }
0x9a: {  	s4 =	simm.s32 $_size__tile_overlayer_lowered;
	s5 =	simm.s32 $_tile_overlayer_lowered  }
0x9b: {  	s22 =	simm.s32 $0x1BFF;
	s21 =	sshll.u32 s5, $0x1;
	s2 =	sadd.s32 s19, s18  }
0x9c: {  	s6 =	simm.s32 $0x0;
	s20 =	sshll.u32 s4, $0x1;
	s4 =	sadd.s32 s21, s2  }
0x9d: {  	[timem:s6], [sflag:s22] =	dma.local [hbm:s4], s20  }
0x9e: {  	_ =	swait.ge [sflag:s22], s20  }
0x9f: {  	s3 =	ssub.s32 $0x0, s20;
	[sflag:s22] =	ssyncset.done $0x0  }
0xa0: {  	[sflag:s22] =	ssyncadd.s32 s3;
	_ =	sdelay $0x1  }
0xa1: {  	s23 =	simm.s32 $0x1B8B  }
0xa2: {  	_ =	swait.ge [sflag:s23], $0x1  }
0xa3: {  	[sflag:s23] =	ssyncset.done $0x0  }
0xa4: {  	s25 =	simm.s32 $0x1B8E;
	s24 =	sld [smem:$0x3FFE];
	[sflag:s23] =	ssyncadd.s32 $0xFFFFFFFF  }
0xa5: {  	s26 =	simm.s32 $execute0_lowered;
	[smem:$0x3FD2] =	sst s25  }
0xa6: {  	s4 =	sshll.u32 s26, $0x1;
	_ =	strace $0x80000049;
	[dreg:$0x1] =	wrdreg $0xFFFFFFFF  }
0xa7: {  	s28 =	simm.s32 $_size_execute0_lowered;
	s2 =	sadd.s32 s2, s4;
	[dreg:$0x0] =	wrdreg $0x0  }
0xa8: {  	s4 =	sshll.u32 s28, $0x1;
	[dreg:$0x2] =	wrdreg s2  }
0xa9: {  	[dreg:$0x3] =	wrdreg s4  }
0xaa: {  	[dreg:$0x4] =	wrdreg $0xC0  }
0xab: {  	_ =	task [dreg:s6], $0x5FFFF  }
0xac: {  	[dreg:$0x1] =	wrdreg $0xFFFFFFFF  }
0xad: {  	[dreg:$0x0] =	wrdreg $0x60  }
0xae: {  	[dreg:$0x2] =	wrdreg s24  }
0xaf: {  	[dreg:$0x3] =	wrdreg $0xB9000  }
0xb0: {  	[dreg:$0x4] =	wrdreg $0x9  }
0xb1: {  	_ =	task.clear_ibuf [dreg:s6], $0x5FFFF;
	_ =	strace $0x90000049  }
0xb2: {  	s29 =	simm.s32 $0x9;
	_ =	strace $0x8000004B  }
0xb3: {  	_ =	swait.ge [sflag:s29], $0x1  }
0xb4: {  	[sflag:s29] =	ssyncadd.s32 $0xFFFFFFFF  }
0xb5: {  	_ =	strace $0x9000004B  }
0xb6: {  	_ =	sfence  }
0xb7: {  	s30 =	sld [smem:$0x0];
	_ =	sdelay $0x2  }
0xb8: {  	s31 =	sshll.u32 s1, $0xD;
	s1 =	sshrl.u32 s1, $0x2  }
0xb9: {  	s3 =	sand.u32 $0x4000, s31;
	s1 =	sadd.s32 s1, s30  }
0xba: {  	s0 =	sor.u32 s3, s0;
	s1 =	sshll.u32 s1, $0x11  }
0xbb: {  	s0 =	sor.u32 s1, s0  }
0xbc: {  	s0 =	sadd.s32 $0x8F2B, s0  }
0xbd: {  	[sflag:s0] =	ssyncadd.remote.s32 $0x1  }
0xbe: {  	_ =	sfence.sel $0xFFFF  }
0xbf: {  	[dreg:$0x0] =	wrdreg $0xFFFFFFFF;
	(pc) =	sbr.abs _section_cstart, $3  }
0xc0: {  	[dreg:$0x1] =	wrdreg $0xFFFFFFFF  }
0xc1: {  	_ =	task.clear_ibuf [dreg:s6], $0x2FFFF;
	_ =	strace $0x9FFFFFFF  }
0xc2: {  	(tm) =	ssettm $0x7FFFFFFF  }
0xc3: {  	_ =	shalt  }
tec
execute0_lowered:
.L_overlay_start_1:
0x0: {  	(tag) =	ssettag $0x1  }
0x1: {  	s0 =	rddreg [dreg:$0x0]  }
0x2: {  	s2 =	rddreg [dreg:$0x1];
	s18 =	stileid.u32;
	s3 =	simm.s32 $0x0  }
0x3: {  	s7 =	srdreg.scid;
	s31 =	simm.s32 $0x3;
	s1 =	smul.u32 $0x500, s18  }
0x4: {  	[smem:$0x7FF] =	sst s3;
	s8 =	sadd.s32 $0x3C00, s0;
	s4 =	sadd.s32 $0x8C00, s0  }
0x5: {  	s5 =	sadd.s32 $0x2FE00, s0;
	s6 =	sadd.s32 $0x83200, s0;
	s9 =	smul.u32 $0x13800, s18  }
0x6: {  	s11 =	sand.u32 $0x1, s7;
	s7 =	sadd.s32 $0x5C000, s0;
	s19 =	sadd.s32 $0xF8800, s0  }
0x7: {  	s14 =	smul.u32 $0x2800, s18;
	s20 =	sadd.s32 $0x146C00, s0;
	s28 =	sadd.s32 $0x2FC00, s0  }
0x8: {  	s21 =	sadd.s32 $0x56E00, s0;
	_ =	strace $0x8000004A;
	[dreg:$0x7] =	wrdreg s28  }
0x9: {  	s22 =	sadd.s32 $0xAA200, s0;
	p1 =	sne.s32 s18, $0xF;
	[dreg:$0xa] =	wrdreg s21  }
0xa: {  	p2 =	seq.s32 s18, $0xF;
	s30 =	sadd.s32 $0x138000, s2;
	[dreg:$0xb] =	wrdreg s22  }
0xb: {  	s18 =	simm.s32 $0x1;
	s10 =	ssub.s32 $0x2, s11;
	[dreg:$0x3] =	wrdreg s19  }
0xc: {  	p0 =	seq.s32 s11, $0x1;
	[dreg:$0x4] =	wrdreg s20;
	s21 =	simm.s32 $0x3B80  }
0xd: {  	s22 =	simm.s32 $0x0;
	s24 =	sadd.s32 s1, s0;
	s12 =	sshrl.u32 s9, $0x3  }
0xe: {  	s13 =	sshrl.u32 s10, $0x1;
	s25 =	sshrl.u32 s14, $0x3;
	s11 =	sadd.s32 s9, s2  }
0xf: {  	s14 =	sadd.s32 s8, s1;
	s16 =	sadd.s32 s12, s0;
	s3 =	sadd.s32 $0x57000, s24  }
0x10: {  	s13 =	ssub.s32 s10, s13;
	s26 =	sadd.s32 s4, s12;
	[dreg:$0x5] =	wrdreg s3  }
0x11: {  	s17 =	sadd.s32 s5, s12;
	s10 =	sadd.s32 $0xF8600, s0;
	[dreg:$0x6] =	wrdreg s26  }
0x12: {  	s24 =	sadd.s32 $0x146A00, s0;
	s0 =	sadd.s32 $0x83000, s0;
	[dreg:$0x9] =	wrdreg s10  }
0x13: {  	s28 =	sadd.s32 s20, s12;
	s20 =	simm.s32 $0x3B00;
	[dreg:$0xd] =	wrdreg s24  }
0x14: {  	s3 =	sadd.s32 s8, s25;
	s9 =	sadd.s32 $0xD1600, s16;
	[dreg:$0xe] =	wrdreg s0  }
0x15: {  	s23 =	sadd.s32 $0x11FA00, s16;
	s25 =	sadd.s32 s19, s12;
	[dreg:$0x11] =	wrdreg s28  }
.Ltmp0:
0x16: {  	s26 =	sadd.s32 s6, s12;
	[dreg:$0x8] =	wrdreg s9;
	(pc) =	sbr.rel .LBB2_1-.Ltmp0, $4  }
0x17: {  	s29 =	smax.u32 s13, $0x1;
	s0 =	simm.s32 $0x7D;
	[dreg:$0xc] =	wrdreg s23  }
0x18: {  	s13 =	simm.s32 $0x7A80;
	s16 =	simm.s32 $0x2800;
	[dreg:$0xf] =	wrdreg s25  }
0x19: {  	s19 =	simm.s32 $0x2;
	s15 =	sadd.s32 $0x280, s3;
	[dreg:$0x10] =	wrdreg s26  }
0x1a: {  	s26 =	sadd.s32 s7, s12;
	s3 =	simm.s32 $0x3C00;
	s12 =	simm.s32 $0x80  }
.LBB2_20:
0x1b: {  	s1 =	sadd.s32 $0x27000, s1;
	s8 =	sshrl.u32 s30, $0x3  }
0x1c: {  	[hbm:s1], [sflag:s23] =	dma.local [spmem:s8], $0x100  }
0x1d: {  	_ =	swait.ge [sflag:s31], $0x100  }
0x1e: {  	[sflag:s31] =	ssyncset.done $0x0  }
0x1f: {  	[sflag:s31] =	ssyncadd.s32 $0xFFFFFF00  }
.LBB2_21:
0x20: {  	s22 =	sadd.s32 $0x1, s22  }
0x21: {  	p3 =	sne.s32 s22, s29  }
.Ltmp1:
0x22: {  	_ = 	snop;
	(pc) =	sbr.rel @!p3 .LBB2_22-.Ltmp1, $2  }
0x23: {  	_ =	sdelay $0x1  }
0x24: {  	[bflag:$0x0] =	sbarrier.arrive $0xFFFF;
	_ =	sdelay $0x1  }
.LBB2_1:
0x25: {  	s8 =	rddreg [dreg:$0x5]  }
.Ltmp2:
0x26: {  	s1 =	simm.s32 $0x0;
	s25 =	stileid.u32;
	(pc) =	sbr.rel @!p0 .LBB2_2-.Ltmp2, $4  }
0x27: {  	[tilespmem:s1], [sflag:$0x3] =	stream.linear.gather [hbm4b:s8+s1], $0x2800, $0x38;
	[tilespmem:$0x1F180] =	vst v63  }
0x28: {  	s24 =	sshrl.u32 s11, $0x3;
	s28 =	sshrl.u32 @!p1 s11, $0x3;
	_ =	swait.ge [sflag:s31], $0x2800  }
0x29: {  	s9 =	sshll.u32 s25, $0x6;
	s25 =	sshrl.u32 @!p1 s30, $0x3;
	[sflag:s31] =	ssyncset.done $0x0  }
0x2a: {  	s8 =	sshrl.u32 @p1 s11, $0x3;
	s23 =	sor.u32 $0x1C03, s9;
	[sflag:s31] =	ssyncadd.s32 $0xFFFFD800  }
0x2b: {  	s23 =	sor.u32 $0x1C03, s9;
	s1 =	rddreg [dreg:$0x10]  }
0x2c: {  	[spmem:s24], [sflag:s23] =	dma.local [hbm:s1], $0x2700  }
0x2d: {  	_ =	swait.ge [sflag:s31], $0x2700  }
0x2e: {  	[sflag:s31] =	ssyncset.done $0x0  }
0x2f: {  	s1 =	rddreg [dreg:$0xb];
	[sflag:s31] =	ssyncadd.s32 $0xFFFFD900  }
0x30: {  	[spmem:s25], [sflag:s23] =	dma.local @!p1 [hbm:s1], $0x100  }
0x31: {  	s1 =	simm.s32 @!p1 $0x3  }
0x32: {  	_ =	swait.ge @!p1 [sflag:s1], $0x100  }
0x33: {  	[sflag:s1] =	ssyncset.done @!p1 $0x0  }
0x34: {  	[sflag:s1] =	ssyncadd.s32 @!p1 $0xFFFFFF00  }
0x35: {  	s9 =	simm.s32 $0x0;
	[bflag:$0x0] =	sbarrier.arrive $0xFFFF  }
0x36: {  	[tilespmem:s3], [sflag:$0x1] =	stream.indirect.gather [hbm4b:s6+s0], $0x80, s9, s0, $0xb8;
	[tilespmem:$0x1F180] =	vst v63  }
0x37: {  	_ = 	snop  }
0x38: {  	[tilespmem:s13], [sflag:$0x2] =	stream.indirect.gather [hbm4b:s6+s0], $0x80, s12, s0, $0xb8;
	[tilespmem:$0x1F180] =	vst v63  }
0x39: {  	_ = 	snop  }
0x3a: {  	[tilespmem:s16], [sflag:$0x3] =	stream.linear.gather [hbm4b:s14+s9], $0x1400, $0x38;
	[tilespmem:$0x1F180] =	vst v63  }
0x3b: {  	_ =	swait.ge [sflag:s31], $0x1400  }
0x3c: {  	[sflag:s31] =	ssyncset.done $0x0  }
0x3d: {  	[sflag:s31] =	ssyncadd.s32 $0xFFFFEC00  }
0x3e: {  	_ =	swait.ge [sflag:s18], $0x3E80  }
0x3f: {  	[sflag:s18] =	ssyncset.done $0x0  }
0x40: {  	s10 =	simm.s32 $0x2800;
	[sflag:s18] =	ssyncadd.s32 $0xFFFFC180  }
0x41: {  	[spmem:s2] =	stream.indirect.scatter.add.f32 [tilespmem:s3], [sflag:$0x3], $0x80, s10, s0, $0xb8;
	[tilespmem:$0x1F180] =	vst v63  }
0x42: {  	_ =	swait.ge [sflag:s31], $0x3E80  }
0x43: {  	[sflag:s31] =	ssyncset.done $0x0  }
0x44: {  	s9 =	simm.s32 $0x100;
	[sflag:s31] =	ssyncadd.s32 $0xFFFFC180  }
0x45: {  	[tilespmem:s3], [sflag:$0x1] =	stream.indirect.gather [hbm4b:s6+s0], $0x80, s9, s0, $0xb8;
	[tilespmem:$0x1F180] =	vst v63  }
0x46: {  	_ =	swait.ge [sflag:s19], $0x3E80  }
0x47: {  	[sflag:s19] =	ssyncset.done $0x0  }
0x48: {  	s10 =	simm.s32 $0x2880;
	[sflag:s19] =	ssyncadd.s32 $0xFFFFC180  }
0x49: {  	[spmem:s2] =	stream.indirect.scatter.add.f32 [tilespmem:s13], [sflag:$0x3], $0x80, s10, s0, $0xb8;
	[tilespmem:$0x1F180] =	vst v63  }
0x4a: {  	_ =	swait.ge [sflag:s31], $0x3E80  }
0x4b: {  	[sflag:s31] =	ssyncset.done $0x0  }
0x4c: {  	s1 =	simm.s32 $0x180;
	s9 =	simm.s32 $0x400;
	[sflag:s31] =	ssyncadd.s32 $0xFFFFC180  }
.LBB2_12:
0x4d: {  	[tilespmem:s13], [sflag:$0x2] =	stream.indirect.gather [hbm4b:s6+s0], $0x80, s1, s0, $0xb8;
	[tilespmem:$0x1F180] =	vst v63  }
0x4e: {  	s1 =	smov.u32 s9  }
0x4f: {  	p3 =	sne.s32 s9, $0x4C00;
	s9 =	sadd.s32 $0x400, s9;
	_ =	swait.ge [sflag:s18], $0x3E80  }
0x50: {  	s1 =	sshra.s32 s1, $0x2;
	[sflag:s18] =	ssyncset.done $0x0  }
0x51: {  	s10 =	sadd.s32 $0x2800, s1;
	[sflag:s18] =	ssyncadd.s32 $0xFFFFC180  }
0x52: {  	[spmem:s2] =	stream.indirect.scatter.add.f32 [tilespmem:s3], [sflag:$0x3], $0x80, s10, s0, $0xb8;
	[tilespmem:$0x1F180] =	vst v63  }
0x53: {  	_ =	swait.ge [sflag:s31], $0x3E80  }
0x54: {  	[sflag:s31] =	ssyncset.done $0x0  }
0x55: {  	s10 =	sadd.s32 $0x100, s1;
	[sflag:s31] =	ssyncadd.s32 $0xFFFFC180  }
0x56: {  	[tilespmem:s3], [sflag:$0x1] =	stream.indirect.gather [hbm4b:s6+s0], $0x80, s10, s0, $0xb8;
	[tilespmem:$0x1F180] =	vst v63  }
0x57: {  	_ =	swait.ge [sflag:s19], $0x3E80  }
0x58: {  	[sflag:s19] =	ssyncset.done $0x0  }
.Ltmp3:
0x59: {  	s10 =	sadd.s32 $0x2880, s1;
	[sflag:s19] =	ssyncadd.s32 $0xFFFFC180;
	(pc) =	sbr.rel @p3 .LBB2_12-.Ltmp3, $4  }
0x5a: {  	[spmem:s2] =	stream.indirect.scatter.add.f32 [tilespmem:s13], [sflag:$0x3], $0x80, s10, s0, $0xb8;
	[tilespmem:$0x1F180] =	vst v63  }
0x5b: {  	_ =	swait.ge [sflag:s31], $0x3E80  }
0x5c: {  	[sflag:s31] =	ssyncset.done $0x0  }
0x5d: {  	s1 =	sadd.s32 $0x180, s1;
	[sflag:s31] =	ssyncadd.s32 $0xFFFFC180  }
0x5e: {  	[tilespmem:s13], [sflag:$0x2] =	stream.indirect.gather [hbm4b:s6+s0], $0x80, s1, s0, $0xb8;
	[tilespmem:$0x1F180] =	vst v63  }
0x5f: {  	s9 =	simm.s32 $0x0  }
0x60: {  	[tilespmem:s16], [sflag:$0x3] =	stream.linear.gather [hbm4b:s15+s9], $0x1400, $0x38;
	[tilespmem:$0x1F180] =	vst v63  }
0x61: {  	_ =	swait.ge [sflag:s31], $0x1400  }
0x62: {  	[sflag:s31] =	ssyncset.done $0x0  }
0x63: {  	[sflag:s31] =	ssyncadd.s32 $0xFFFFEC00  }
0x64: {  	_ =	swait.ge [sflag:s18], $0x3E80  }
0x65: {  	[sflag:s18] =	ssyncset.done $0x0  }
0x66: {  	s10 =	simm.s32 $0x2800;
	[sflag:s18] =	ssyncadd.s32 $0xFFFFC180  }
0x67: {  	[spmem:s2] =	stream.indirect.scatter.add.f32 [tilespmem:s3], [sflag:$0x3], $0x80, s10, s0, $0xb8;
	[tilespmem:$0x1F180] =	vst v63  }
0x68: {  	_ =	swait.ge [sflag:s31], $0x3E80  }
0x69: {  	[sflag:s31] =	ssyncset.done $0x0  }
0x6a: {  	s9 =	simm.s32 $0x1500;
	[sflag:s31] =	ssyncadd.s32 $0xFFFFC180  }
0x6b: {  	[tilespmem:s3], [sflag:$0x1] =	stream.indirect.gather [hbm4b:s6+s0], $0x80, s9, s0, $0xb8;
	[tilespmem:$0x1F180] =	vst v63  }
0x6c: {  	_ =	swait.ge [sflag:s19], $0x3E80  }
0x6d: {  	[sflag:s19] =	ssyncset.done $0x0  }
0x6e: {  	s10 =	simm.s32 $0x2880;
	[sflag:s19] =	ssyncadd.s32 $0xFFFFC180  }
0x6f: {  	[spmem:s2] =	stream.indirect.scatter.add.f32 [tilespmem:s13], [sflag:$0x3], $0x80, s10, s0, $0xb8;
	[tilespmem:$0x1F180] =	vst v63  }
0x70: {  	_ =	swait.ge [sflag:s31], $0x3E80  }
0x71: {  	[sflag:s31] =	ssyncset.done $0x0  }
0x72: {  	s1 =	simm.s32 $0x1580;
	s9 =	simm.s32 $0x400;
	[sflag:s31] =	ssyncadd.s32 $0xFFFFC180  }
.LBB2_14:
0x73: {  	[tilespmem:s13], [sflag:$0x2] =	stream.indirect.gather [hbm4b:s6+s0], $0x80, s1, s0, $0xb8;
	[tilespmem:$0x1F180] =	vst v63  }
0x74: {  	s1 =	smov.u32 s9  }
0x75: {  	p3 =	sne.s32 s9, $0x4800;
	s9 =	sadd.s32 $0x400, s9;
	_ =	swait.ge [sflag:s18], $0x3E80  }
0x76: {  	s1 =	sshra.s32 s1, $0x2;
	[sflag:s18] =	ssyncset.done $0x0  }
0x77: {  	s10 =	sadd.s32 $0x2800, s1;
	[sflag:s18] =	ssyncadd.s32 $0xFFFFC180  }
0x78: {  	[spmem:s2] =	stream.indirect.scatter.add.f32 [tilespmem:s3], [sflag:$0x3], $0x80, s10, s0, $0xb8;
	[tilespmem:$0x1F180] =	vst v63  }
0x79: {  	_ =	swait.ge [sflag:s31], $0x3E80  }
0x7a: {  	[sflag:s31] =	ssyncset.done $0x0  }
0x7b: {  	s10 =	sadd.s32 $0x1500, s1;
	[sflag:s31] =	ssyncadd.s32 $0xFFFFC180  }
0x7c: {  	[tilespmem:s3], [sflag:$0x1] =	stream.indirect.gather [hbm4b:s6+s0], $0x80, s10, s0, $0xb8;
	[tilespmem:$0x1F180] =	vst v63  }
0x7d: {  	_ =	swait.ge [sflag:s19], $0x3E80  }
0x7e: {  	[sflag:s19] =	ssyncset.done $0x0  }
.Ltmp4:
0x7f: {  	s10 =	sadd.s32 $0x2880, s1;
	[sflag:s19] =	ssyncadd.s32 $0xFFFFC180;
	(pc) =	sbr.rel @p3 .LBB2_14-.Ltmp4, $4  }
0x80: {  	[spmem:s2] =	stream.indirect.scatter.add.f32 [tilespmem:s13], [sflag:$0x3], $0x80, s10, s0, $0xb8;
	[tilespmem:$0x1F180] =	vst v63  }
0x81: {  	_ =	swait.ge [sflag:s31], $0x3E80  }
0x82: {  	[sflag:s31] =	ssyncset.done $0x0  }
0x83: {  	s1 =	sadd.s32 $0x1580, s1;
	[sflag:s31] =	ssyncadd.s32 $0xFFFFC180  }
0x84: {  	[tilespmem:s13], [sflag:$0x2] =	stream.indirect.gather [hbm4b:s6+s0], $0x80, s1, s0, $0xb8;
	[tilespmem:$0x1F180] =	vst v63  }
0x85: {  	_ =	swait.ge [sflag:s18], $0x3E80  }
0x86: {  	[sflag:s18] =	ssyncset.done $0x0  }
0x87: {  	[sflag:s18] =	ssyncadd.s32 $0xFFFFC180  }
0x88: {  	[spmem:s2] =	stream.indirect.scatter.add.f32 [tilespmem:s3], [sflag:$0x3], $0x80, s20, s0, $0xb8;
	[tilespmem:$0x1F180] =	vst v63  }
0x89: {  	_ =	swait.ge [sflag:s31], $0x3E80  }
0x8a: {  	[sflag:s31] =	ssyncset.done $0x0  }
0x8b: {  	[sflag:s31] =	ssyncadd.s32 $0xFFFFC180  }
0x8c: {  	_ =	swait.ge [sflag:s19], $0x3E80  }
0x8d: {  	[sflag:s19] =	ssyncset.done $0x0  }
0x8e: {  	[sflag:s19] =	ssyncadd.s32 $0xFFFFC180  }
0x8f: {  	[spmem:s2] =	stream.indirect.scatter.add.f32 [tilespmem:s13], [sflag:$0x3], $0x80, s21, s0, $0xb8;
	[tilespmem:$0x1F180] =	vst v63  }
0x90: {  	_ =	swait.ge [sflag:s31], $0x3E80  }
0x91: {  	[sflag:s31] =	ssyncset.done $0x0  }
0x92: {  	[sflag:s31] =	ssyncadd.s32 $0xFFFFC180  }
0x93: {  	[bflag:$0x0] =	sbarrier.arrive $0xFFFF  }
0x94: {  	s10 =	rddreg [dreg:$0xc]  }
0x95: {  	[hbm:s10], [sflag:s23] =	dma.local [spmem:s24], $0x2700  }
0x96: {  	_ =	swait.ge [sflag:s31], $0x2700  }
0x97: {  	[sflag:s31] =	ssyncset.done $0x0  }
0x98: {  	[sflag:s31] =	ssyncadd.s32 $0xFFFFD900  }
0x99: {  	s1 =	simm.s32 @p1 $0x3;
	[bflag:$0x0] =	sbarrier.arrive @p1 $0xFFFF  }
0x9a: {  	[spmem:s8], [sflag:s23] =	dma.local @p1 [hbm:s26], $0x2700  }
0x9b: {  	_ =	swait.ge @p1 [sflag:s1], $0x2700  }
0x9c: {  	[sflag:s1] =	ssyncset.done @p1 $0x0  }
0x9d: {  	[sflag:s1] =	ssyncadd.s32 @p1 $0xFFFFD900;
	s1 =	rddreg [dreg:$0xd]  }
0x9e: {  	[hbm:s1], [sflag:s23] =	dma.local @!p1 [spmem:s25], $0x100  }
0x9f: {  	s1 =	simm.s32 @!p1 $0x3  }
0xa0: {  	_ =	swait.ge @!p1 [sflag:s1], $0x100  }
0xa1: {  	[sflag:s1] =	ssyncset.done @!p1 $0x0  }
0xa2: {  	[sflag:s1] =	ssyncadd.s32 @!p1 $0xFFFFFF00  }
0xa3: {  	[bflag:$0x0] =	sbarrier.arrive @!p1 $0xFFFF  }
0xa4: {  	[spmem:s28], [sflag:s23] =	dma.local @!p1 [hbm:s26], $0x2700  }
0xa5: {  	_ =	swait.ge @!p1 [sflag:s1], $0x2700  }
0xa6: {  	[sflag:s1] =	ssyncset.done @!p1 $0x0  }
0xa7: {  	s8 =	rddreg [dreg:$0xe];
	[sflag:s1] =	ssyncadd.s32 @!p1 $0xFFFFD900  }
0xa8: {  	[spmem:s25], [sflag:s23] =	dma.local @!p1 [hbm:s8], $0x100  }
0xa9: {  	_ =	swait.ge @!p1 [sflag:s1], $0x100  }
0xaa: {  	[sflag:s1] =	ssyncset.done @!p1 $0x0  }
0xab: {  	[sflag:s1] =	ssyncadd.s32 @!p1 $0xFFFFFF00  }
0xac: {  	s9 =	simm.s32 $0x0;
	[bflag:$0x0] =	sbarrier.arrive $0xFFFF  }
0xad: {  	[tilespmem:s3], [sflag:$0x1] =	stream.indirect.gather [hbm4b:s7+s0], $0x80, s9, s0, $0xb8;
	[tilespmem:$0x1F180] =	vst v63  }
0xae: {  	_ = 	snop  }
0xaf: {  	[tilespmem:s13], [sflag:$0x2] =	stream.indirect.gather [hbm4b:s7+s0], $0x80, s12, s0, $0xb8;
	[tilespmem:$0x1F180] =	vst v63  }
0xb0: {  	_ = 	snop  }
0xb1: {  	[tilespmem:s16], [sflag:$0x3] =	stream.linear.gather [hbm4b:s14+s9], $0x1400, $0x38;
	[tilespmem:$0x1F180] =	vst v63  }
0xb2: {  	_ =	swait.ge [sflag:s31], $0x1400  }
0xb3: {  	[sflag:s31] =	ssyncset.done $0x0  }
0xb4: {  	[sflag:s31] =	ssyncadd.s32 $0xFFFFEC00  }
0xb5: {  	_ =	swait.ge [sflag:s18], $0x3E80  }
0xb6: {  	[sflag:s18] =	ssyncset.done $0x0  }
0xb7: {  	s10 =	simm.s32 $0x2800;
	[sflag:s18] =	ssyncadd.s32 $0xFFFFC180  }
0xb8: {  	[spmem:s2] =	stream.indirect.scatter.add.f32 [tilespmem:s3], [sflag:$0x3], $0x80, s10, s0, $0xb8;
	[tilespmem:$0x1F180] =	vst v63  }
0xb9: {  	_ =	swait.ge [sflag:s31], $0x3E80  }
0xba: {  	[sflag:s31] =	ssyncset.done $0x0  }
0xbb: {  	s25 =	simm.s32 $0x100;
	[sflag:s31] =	ssyncadd.s32 $0xFFFFC180  }
0xbc: {  	[tilespmem:s3], [sflag:$0x1] =	stream.indirect.gather [hbm4b:s7+s0], $0x80, s25, s0, $0xb8;
	[tilespmem:$0x1F180] =	vst v63  }
0xbd: {  	_ =	swait.ge [sflag:s19], $0x3E80  }
0xbe: {  	[sflag:s19] =	ssyncset.done $0x0  }
0xbf: {  	s28 =	simm.s32 $0x2880;
	[sflag:s19] =	ssyncadd.s32 $0xFFFFC180  }
0xc0: {  	[spmem:s2] =	stream.indirect.scatter.add.f32 [tilespmem:s13], [sflag:$0x3], $0x80, s28, s0, $0xb8;
	[tilespmem:$0x1F180] =	vst v63  }
0xc1: {  	_ =	swait.ge [sflag:s31], $0x3E80  }
0xc2: {  	[sflag:s31] =	ssyncset.done $0x0  }
0xc3: {  	s8 =	simm.s32 $0x400;
	s1 =	simm.s32 $0x180;
	[sflag:s31] =	ssyncadd.s32 $0xFFFFC180  }
.LBB2_16:
0xc4: {  	[tilespmem:s13], [sflag:$0x2] =	stream.indirect.gather [hbm4b:s7+s0], $0x80, s1, s0, $0xb8;
	[tilespmem:$0x1F180] =	vst v63  }
0xc5: {  	s1 =	smov.u32 s8  }
0xc6: {  	p3 =	sne.s32 s8, $0x4C00;
	s8 =	sadd.s32 $0x400, s8;
	_ =	swait.ge [sflag:s18], $0x3E80  }
0xc7: {  	s1 =	sshra.s32 s1, $0x2;
	[sflag:s18] =	ssyncset.done $0x0  }
0xc8: {  	s9 =	sadd.s32 $0x2800, s1;
	[sflag:s18] =	ssyncadd.s32 $0xFFFFC180  }
0xc9: {  	[spmem:s2] =	stream.indirect.scatter.add.f32 [tilespmem:s3], [sflag:$0x3], $0x80, s9, s0, $0xb8;
	[tilespmem:$0x1F180] =	vst v63  }
0xca: {  	_ =	swait.ge [sflag:s31], $0x3E80  }
0xcb: {  	[sflag:s31] =	ssyncset.done $0x0  }
0xcc: {  	s9 =	sadd.s32 $0x100, s1;
	[sflag:s31] =	ssyncadd.s32 $0xFFFFC180  }
0xcd: {  	[tilespmem:s3], [sflag:$0x1] =	stream.indirect.gather [hbm4b:s7+s0], $0x80, s9, s0, $0xb8;
	[tilespmem:$0x1F180] =	vst v63  }
0xce: {  	_ =	swait.ge [sflag:s19], $0x3E80  }
0xcf: {  	[sflag:s19] =	ssyncset.done $0x0  }
.Ltmp5:
0xd0: {  	s9 =	sadd.s32 $0x2880, s1;
	[sflag:s19] =	ssyncadd.s32 $0xFFFFC180;
	(pc) =	sbr.rel @p3 .LBB2_16-.Ltmp5, $4  }
0xd1: {  	[spmem:s2] =	stream.indirect.scatter.add.f32 [tilespmem:s13], [sflag:$0x3], $0x80, s9, s0, $0xb8;
	[tilespmem:$0x1F180] =	vst v63  }
0xd2: {  	_ =	swait.ge [sflag:s31], $0x3E80  }
0xd3: {  	[sflag:s31] =	ssyncset.done $0x0  }
0xd4: {  	s1 =	sadd.s32 $0x180, s1;
	[sflag:s31] =	ssyncadd.s32 $0xFFFFC180  }
0xd5: {  	[tilespmem:s13], [sflag:$0x2] =	stream.indirect.gather [hbm4b:s7+s0], $0x80, s1, s0, $0xb8;
	[tilespmem:$0x1F180] =	vst v63  }
0xd6: {  	s9 =	simm.s32 $0x0  }
0xd7: {  	[tilespmem:s16], [sflag:$0x3] =	stream.linear.gather [hbm4b:s15+s9], $0x1400, $0x38;
	[tilespmem:$0x1F180] =	vst v63  }
0xd8: {  	_ =	swait.ge [sflag:s31], $0x1400  }
0xd9: {  	[sflag:s31] =	ssyncset.done $0x0  }
0xda: {  	[sflag:s31] =	ssyncadd.s32 $0xFFFFEC00  }
0xdb: {  	_ =	swait.ge [sflag:s18], $0x3E80  }
0xdc: {  	[sflag:s18] =	ssyncset.done $0x0  }
0xdd: {  	s10 =	simm.s32 $0x2800;
	[sflag:s18] =	ssyncadd.s32 $0xFFFFC180  }
0xde: {  	[spmem:s2] =	stream.indirect.scatter.add.f32 [tilespmem:s3], [sflag:$0x3], $0x80, s10, s0, $0xb8;
	[tilespmem:$0x1F180] =	vst v63  }
0xdf: {  	_ =	swait.ge [sflag:s31], $0x3E80  }
0xe0: {  	[sflag:s31] =	ssyncset.done $0x0  }
0xe1: {  	s25 =	simm.s32 $0x1500;
	[sflag:s31] =	ssyncadd.s32 $0xFFFFC180  }
0xe2: {  	[tilespmem:s3], [sflag:$0x1] =	stream.indirect.gather [hbm4b:s7+s0], $0x80, s25, s0, $0xb8;
	[tilespmem:$0x1F180] =	vst v63  }
0xe3: {  	_ =	swait.ge [sflag:s19], $0x3E80  }
0xe4: {  	[sflag:s19] =	ssyncset.done $0x0  }
0xe5: {  	s28 =	simm.s32 $0x2880;
	[sflag:s19] =	ssyncadd.s32 $0xFFFFC180  }
0xe6: {  	[spmem:s2] =	stream.indirect.scatter.add.f32 [tilespmem:s13], [sflag:$0x3], $0x80, s28, s0, $0xb8;
	[tilespmem:$0x1F180] =	vst v63  }
0xe7: {  	_ =	swait.ge [sflag:s31], $0x3E80  }
0xe8: {  	[sflag:s31] =	ssyncset.done $0x0  }
0xe9: {  	s8 =	simm.s32 $0x400;
	s1 =	simm.s32 $0x1580;
	[sflag:s31] =	ssyncadd.s32 $0xFFFFC180  }
.LBB2_18:
0xea: {  	[tilespmem:s13], [sflag:$0x2] =	stream.indirect.gather [hbm4b:s7+s0], $0x80, s1, s0, $0xb8;
	[tilespmem:$0x1F180] =	vst v63  }
0xeb: {  	s1 =	smov.u32 s8  }
0xec: {  	p3 =	sne.s32 s8, $0x4800;
	s8 =	sadd.s32 $0x400, s8;
	_ =	swait.ge [sflag:s18], $0x3E80  }
0xed: {  	s1 =	sshra.s32 s1, $0x2;
	[sflag:s18] =	ssyncset.done $0x0  }
0xee: {  	s9 =	sadd.s32 $0x2800, s1;
	[sflag:s18] =	ssyncadd.s32 $0xFFFFC180  }
0xef: {  	[spmem:s2] =	stream.indirect.scatter.add.f32 [tilespmem:s3], [sflag:$0x3], $0x80, s9, s0, $0xb8;
	[tilespmem:$0x1F180] =	vst v63  }
0xf0: {  	_ =	swait.ge [sflag:s31], $0x3E80  }
0xf1: {  	[sflag:s31] =	ssyncset.done $0x0  }
0xf2: {  	s9 =	sadd.s32 $0x1500, s1;
	[sflag:s31] =	ssyncadd.s32 $0xFFFFC180  }
0xf3: {  	[tilespmem:s3], [sflag:$0x1] =	stream.indirect.gather [hbm4b:s7+s0], $0x80, s9, s0, $0xb8;
	[tilespmem:$0x1F180] =	vst v63  }
0xf4: {  	_ =	swait.ge [sflag:s19], $0x3E80  }
0xf5: {  	[sflag:s19] =	ssyncset.done $0x0  }
.Ltmp6:
0xf6: {  	s9 =	sadd.s32 $0x2880, s1;
	[sflag:s19] =	ssyncadd.s32 $0xFFFFC180;
	(pc) =	sbr.rel @p3 .LBB2_18-.Ltmp6, $4  }
0xf7: {  	[spmem:s2] =	stream.indirect.scatter.add.f32 [tilespmem:s13], [sflag:$0x3], $0x80, s9, s0, $0xb8;
	[tilespmem:$0x1F180] =	vst v63  }
0xf8: {  	_ =	swait.ge [sflag:s31], $0x3E80  }
0xf9: {  	[sflag:s31] =	ssyncset.done $0x0  }
0xfa: {  	s1 =	sadd.s32 $0x1580, s1;
	[sflag:s31] =	ssyncadd.s32 $0xFFFFC180  }
0xfb: {  	[tilespmem:s13], [sflag:$0x2] =	stream.indirect.gather [hbm4b:s7+s0], $0x80, s1, s0, $0xb8;
	[tilespmem:$0x1F180] =	vst v63  }
0xfc: {  	_ =	swait.ge [sflag:s18], $0x3E80  }
0xfd: {  	[sflag:s18] =	ssyncset.done $0x0  }
0xfe: {  	[sflag:s18] =	ssyncadd.s32 $0xFFFFC180  }
0xff: {  	[spmem:s2] =	stream.indirect.scatter.add.f32 [tilespmem:s3], [sflag:$0x3], $0x80, s20, s0, $0xb8;
	[tilespmem:$0x1F180] =	vst v63  }
0x100: {  	_ =	swait.ge [sflag:s31], $0x3E80  }
0x101: {  	[sflag:s31] =	ssyncset.done $0x0  }
0x102: {  	[sflag:s31] =	ssyncadd.s32 $0xFFFFC180  }
0x103: {  	_ =	swait.ge [sflag:s19], $0x3E80  }
0x104: {  	[sflag:s19] =	ssyncset.done $0x0  }
0x105: {  	[sflag:s19] =	ssyncadd.s32 $0xFFFFC180  }
0x106: {  	[spmem:s2] =	stream.indirect.scatter.add.f32 [tilespmem:s13], [sflag:$0x3], $0x80, s21, s0, $0xb8;
	[tilespmem:$0x1F180] =	vst v63  }
0x107: {  	_ =	swait.ge [sflag:s31], $0x3E80  }
0x108: {  	[sflag:s31] =	ssyncset.done $0x0  }
0x109: {  	[sflag:s31] =	ssyncadd.s32 $0xFFFFC180  }
0x10a: {  	[bflag:$0x0] =	sbarrier.arrive $0xFFFF  }
0x10b: {  	s28 =	rddreg [dreg:$0x11]  }
0x10c: {  	[hbm:s28], [sflag:s23] =	dma.local [spmem:s24], $0x2700  }
.Ltmp7:
0x10d: {  	_ = 	snop;
	(pc) =	sbr.rel @p1 .LBB2_21-.Ltmp7, $4  }
.Ltmp8:
0x10e: {  	_ = 	snop;
	(pc) =	sbr.rel @!p1 .LBB2_20-.Ltmp8, $4  }
0x10f: {  	_ =	swait.ge [sflag:s31], $0x2700  }
0x110: {  	[sflag:s31] =	ssyncset.done $0x0  }
0x111: {  	s1 =	rddreg [dreg:$0x4];
	[sflag:s31] =	ssyncadd.s32 $0xFFFFD900  }
0x112: {  	_ = 	snop  }
.LBB2_2:
0x113: {  	s1 =	rddreg [dreg:$0x6]  }
0x114: {  	[spmem:s24], [sflag:s23] =	dma.local [hbm:s1], $0x2700  }
0x115: {  	_ =	swait.ge [sflag:s31], $0x2700  }
0x116: {  	[sflag:s31] =	ssyncset.done $0x0  }
0x117: {  	s1 =	rddreg [dreg:$0x7];
	[sflag:s31] =	ssyncadd.s32 $0xFFFFD900  }
0x118: {  	[spmem:s25], [sflag:s23] =	dma.local @!p1 [hbm:s1], $0x100  }
0x119: {  	s1 =	simm.s32 @!p1 $0x3  }
0x11a: {  	_ =	swait.ge @!p1 [sflag:s1], $0x100  }
0x11b: {  	[sflag:s1] =	ssyncset.done @!p1 $0x0  }
0x11c: {  	[sflag:s1] =	ssyncadd.s32 @!p1 $0xFFFFFF00  }
0x11d: {  	s9 =	simm.s32 $0x0;
	[bflag:$0x0] =	sbarrier.arrive $0xFFFF  }
0x11e: {  	[tilespmem:s3], [sflag:$0x1] =	stream.indirect.gather [hbm4b:s4+s0], $0x80, s9, s0, $0xb8;
	[tilespmem:$0x1F180] =	vst v63  }
0x11f: {  	_ = 	snop  }
0x120: {  	[tilespmem:s13], [sflag:$0x2] =	stream.indirect.gather [hbm4b:s4+s0], $0x80, s12, s0, $0xb8;
	[tilespmem:$0x1F180] =	vst v63  }
0x121: {  	_ = 	snop  }
0x122: {  	[tilespmem:s16], [sflag:$0x3] =	stream.linear.gather [hbm4b:s14+s9], $0x1400, $0x38;
	[tilespmem:$0x1F180] =	vst v63  }
0x123: {  	_ =	swait.ge [sflag:s31], $0x1400  }
0x124: {  	[sflag:s31] =	ssyncset.done $0x0  }
0x125: {  	[sflag:s31] =	ssyncadd.s32 $0xFFFFEC00  }
0x126: {  	_ =	swait.ge [sflag:s18], $0x3E80  }
0x127: {  	[sflag:s18] =	ssyncset.done $0x0  }
0x128: {  	s10 =	simm.s32 $0x2800;
	[sflag:s18] =	ssyncadd.s32 $0xFFFFC180  }
0x129: {  	[spmem:s2] =	stream.indirect.scatter.add.f32 [tilespmem:s3], [sflag:$0x3], $0x80, s10, s0, $0xb8;
	[tilespmem:$0x1F180] =	vst v63  }
0x12a: {  	_ =	swait.ge [sflag:s31], $0x3E80  }
0x12b: {  	[sflag:s31] =	ssyncset.done $0x0  }
0x12c: {  	s9 =	simm.s32 $0x100;
	[sflag:s31] =	ssyncadd.s32 $0xFFFFC180  }
0x12d: {  	[tilespmem:s3], [sflag:$0x1] =	stream.indirect.gather [hbm4b:s4+s0], $0x80, s9, s0, $0xb8;
	[tilespmem:$0x1F180] =	vst v63  }
0x12e: {  	_ =	swait.ge [sflag:s19], $0x3E80  }
0x12f: {  	[sflag:s19] =	ssyncset.done $0x0  }
0x130: {  	s10 =	simm.s32 $0x2880;
	[sflag:s19] =	ssyncadd.s32 $0xFFFFC180  }
0x131: {  	[spmem:s2] =	stream.indirect.scatter.add.f32 [tilespmem:s13], [sflag:$0x3], $0x80, s10, s0, $0xb8;
	[tilespmem:$0x1F180] =	vst v63  }
0x132: {  	_ =	swait.ge [sflag:s31], $0x3E80  }
0x133: {  	[sflag:s31] =	ssyncset.done $0x0  }
0x134: {  	s1 =	simm.s32 $0x180;
	s9 =	simm.s32 $0x400;
	[sflag:s31] =	ssyncadd.s32 $0xFFFFC180  }
.LBB2_3:
0x135: {  	[tilespmem:s13], [sflag:$0x2] =	stream.indirect.gather [hbm4b:s4+s0], $0x80, s1, s0, $0xb8;
	[tilespmem:$0x1F180] =	vst v63  }
0x136: {  	s1 =	smov.u32 s9  }
0x137: {  	p3 =	sne.s32 s9, $0x4C00;
	s9 =	sadd.s32 $0x400, s9;
	_ =	swait.ge [sflag:s18], $0x3E80  }
0x138: {  	s1 =	sshra.s32 s1, $0x2;
	[sflag:s18] =	ssyncset.done $0x0  }
0x139: {  	s10 =	sadd.s32 $0x2800, s1;
	[sflag:s18] =	ssyncadd.s32 $0xFFFFC180  }
0x13a: {  	[spmem:s2] =	stream.indirect.scatter.add.f32 [tilespmem:s3], [sflag:$0x3], $0x80, s10, s0, $0xb8;
	[tilespmem:$0x1F180] =	vst v63  }
0x13b: {  	_ =	swait.ge [sflag:s31], $0x3E80  }
0x13c: {  	[sflag:s31] =	ssyncset.done $0x0  }
0x13d: {  	s10 =	sadd.s32 $0x100, s1;
	[sflag:s31] =	ssyncadd.s32 $0xFFFFC180  }
0x13e: {  	[tilespmem:s3], [sflag:$0x1] =	stream.indirect.gather [hbm4b:s4+s0], $0x80, s10, s0, $0xb8;
	[tilespmem:$0x1F180] =	vst v63  }
0x13f: {  	_ =	swait.ge [sflag:s19], $0x3E80  }
0x140: {  	[sflag:s19] =	ssyncset.done $0x0  }
.Ltmp9:
0x141: {  	s10 =	sadd.s32 $0x2880, s1;
	[sflag:s19] =	ssyncadd.s32 $0xFFFFC180;
	(pc) =	sbr.rel @p3 .LBB2_3-.Ltmp9, $4  }
0x142: {  	[spmem:s2] =	stream.indirect.scatter.add.f32 [tilespmem:s13], [sflag:$0x3], $0x80, s10, s0, $0xb8;
	[tilespmem:$0x1F180] =	vst v63  }
0x143: {  	_ =	swait.ge [sflag:s31], $0x3E80  }
0x144: {  	[sflag:s31] =	ssyncset.done $0x0  }
0x145: {  	s1 =	sadd.s32 $0x180, s1;
	[sflag:s31] =	ssyncadd.s32 $0xFFFFC180  }
0x146: {  	[tilespmem:s13], [sflag:$0x2] =	stream.indirect.gather [hbm4b:s4+s0], $0x80, s1, s0, $0xb8;
	[tilespmem:$0x1F180] =	vst v63  }
0x147: {  	s9 =	simm.s32 $0x0  }
0x148: {  	[tilespmem:s16], [sflag:$0x3] =	stream.linear.gather [hbm4b:s15+s9], $0x1400, $0x38;
	[tilespmem:$0x1F180] =	vst v63  }
0x149: {  	_ =	swait.ge [sflag:s31], $0x1400  }
0x14a: {  	[sflag:s31] =	ssyncset.done $0x0  }
0x14b: {  	[sflag:s31] =	ssyncadd.s32 $0xFFFFEC00  }
0x14c: {  	_ =	swait.ge [sflag:s18], $0x3E80  }
0x14d: {  	[sflag:s18] =	ssyncset.done $0x0  }
0x14e: {  	s10 =	simm.s32 $0x2800;
	[sflag:s18] =	ssyncadd.s32 $0xFFFFC180  }
0x14f: {  	[spmem:s2] =	stream.indirect.scatter.add.f32 [tilespmem:s3], [sflag:$0x3], $0x80, s10, s0, $0xb8;
	[tilespmem:$0x1F180] =	vst v63  }
0x150: {  	_ =	swait.ge [sflag:s31], $0x3E80  }
0x151: {  	[sflag:s31] =	ssyncset.done $0x0  }
0x152: {  	s9 =	simm.s32 $0x1500;
	[sflag:s31] =	ssyncadd.s32 $0xFFFFC180  }
0x153: {  	[tilespmem:s3], [sflag:$0x1] =	stream.indirect.gather [hbm4b:s4+s0], $0x80, s9, s0, $0xb8;
	[tilespmem:$0x1F180] =	vst v63  }
0x154: {  	_ =	swait.ge [sflag:s19], $0x3E80  }
0x155: {  	[sflag:s19] =	ssyncset.done $0x0  }
0x156: {  	s10 =	simm.s32 $0x2880;
	[sflag:s19] =	ssyncadd.s32 $0xFFFFC180  }
0x157: {  	[spmem:s2] =	stream.indirect.scatter.add.f32 [tilespmem:s13], [sflag:$0x3], $0x80, s10, s0, $0xb8;
	[tilespmem:$0x1F180] =	vst v63  }
0x158: {  	_ =	swait.ge [sflag:s31], $0x3E80  }
0x159: {  	[sflag:s31] =	ssyncset.done $0x0  }
0x15a: {  	s1 =	simm.s32 $0x1580;
	s9 =	simm.s32 $0x400;
	[sflag:s31] =	ssyncadd.s32 $0xFFFFC180  }
.LBB2_5:
0x15b: {  	[tilespmem:s13], [sflag:$0x2] =	stream.indirect.gather [hbm4b:s4+s0], $0x80, s1, s0, $0xb8;
	[tilespmem:$0x1F180] =	vst v63  }
0x15c: {  	s1 =	smov.u32 s9  }
0x15d: {  	p3 =	sne.s32 s9, $0x4800;
	s9 =	sadd.s32 $0x400, s9;
	_ =	swait.ge [sflag:s18], $0x3E80  }
0x15e: {  	s1 =	sshra.s32 s1, $0x2;
	[sflag:s18] =	ssyncset.done $0x0  }
0x15f: {  	s10 =	sadd.s32 $0x2800, s1;
	[sflag:s18] =	ssyncadd.s32 $0xFFFFC180  }
0x160: {  	[spmem:s2] =	stream.indirect.scatter.add.f32 [tilespmem:s3], [sflag:$0x3], $0x80, s10, s0, $0xb8;
	[tilespmem:$0x1F180] =	vst v63  }
0x161: {  	_ =	swait.ge [sflag:s31], $0x3E80  }
0x162: {  	[sflag:s31] =	ssyncset.done $0x0  }
0x163: {  	s10 =	sadd.s32 $0x1500, s1;
	[sflag:s31] =	ssyncadd.s32 $0xFFFFC180  }
0x164: {  	[tilespmem:s3], [sflag:$0x1] =	stream.indirect.gather [hbm4b:s4+s0], $0x80, s10, s0, $0xb8;
	[tilespmem:$0x1F180] =	vst v63  }
0x165: {  	_ =	swait.ge [sflag:s19], $0x3E80  }
0x166: {  	[sflag:s19] =	ssyncset.done $0x0  }
.Ltmp10:
0x167: {  	s10 =	sadd.s32 $0x2880, s1;
	[sflag:s19] =	ssyncadd.s32 $0xFFFFC180;
	(pc) =	sbr.rel @p3 .LBB2_5-.Ltmp10, $4  }
0x168: {  	[spmem:s2] =	stream.indirect.scatter.add.f32 [tilespmem:s13], [sflag:$0x3], $0x80, s10, s0, $0xb8;
	[tilespmem:$0x1F180] =	vst v63  }
0x169: {  	_ =	swait.ge [sflag:s31], $0x3E80  }
0x16a: {  	[sflag:s31] =	ssyncset.done $0x0  }
0x16b: {  	s1 =	sadd.s32 $0x1580, s1;
	[sflag:s31] =	ssyncadd.s32 $0xFFFFC180  }
0x16c: {  	[tilespmem:s13], [sflag:$0x2] =	stream.indirect.gather [hbm4b:s4+s0], $0x80, s1, s0, $0xb8;
	[tilespmem:$0x1F180] =	vst v63  }
0x16d: {  	_ =	swait.ge [sflag:s18], $0x3E80  }
0x16e: {  	[sflag:s18] =	ssyncset.done $0x0  }
0x16f: {  	[sflag:s18] =	ssyncadd.s32 $0xFFFFC180  }
0x170: {  	[spmem:s2] =	stream.indirect.scatter.add.f32 [tilespmem:s3], [sflag:$0x3], $0x80, s20, s0, $0xb8;
	[tilespmem:$0x1F180] =	vst v63  }
0x171: {  	_ =	swait.ge [sflag:s31], $0x3E80  }
0x172: {  	[sflag:s31] =	ssyncset.done $0x0  }
0x173: {  	[sflag:s31] =	ssyncadd.s32 $0xFFFFC180  }
0x174: {  	_ =	swait.ge [sflag:s19], $0x3E80  }
0x175: {  	[sflag:s19] =	ssyncset.done $0x0  }
0x176: {  	[sflag:s19] =	ssyncadd.s32 $0xFFFFC180  }
0x177: {  	[spmem:s2] =	stream.indirect.scatter.add.f32 [tilespmem:s13], [sflag:$0x3], $0x80, s21, s0, $0xb8;
	[tilespmem:$0x1F180] =	vst v63  }
0x178: {  	_ =	swait.ge [sflag:s31], $0x3E80  }
0x179: {  	[sflag:s31] =	ssyncset.done $0x0  }
0x17a: {  	[sflag:s31] =	ssyncadd.s32 $0xFFFFC180  }
0x17b: {  	[bflag:$0x0] =	sbarrier.arrive $0xFFFF  }
0x17c: {  	s10 =	rddreg [dreg:$0x8]  }
0x17d: {  	[hbm:s10], [sflag:s23] =	dma.local [spmem:s24], $0x2700  }
0x17e: {  	_ =	swait.ge [sflag:s31], $0x2700  }
0x17f: {  	[sflag:s31] =	ssyncset.done $0x0  }
0x180: {  	[sflag:s31] =	ssyncadd.s32 $0xFFFFD900  }
0x181: {  	s1 =	simm.s32 @p1 $0x3;
	[bflag:$0x0] =	sbarrier.arrive @p1 $0xFFFF  }
0x182: {  	[spmem:s8], [sflag:s23] =	dma.local @p1 [hbm:s17], $0x2700  }
0x183: {  	_ =	swait.ge @p1 [sflag:s1], $0x2700  }
0x184: {  	[sflag:s1] =	ssyncset.done @p1 $0x0  }
0x185: {  	[sflag:s1] =	ssyncadd.s32 @p1 $0xFFFFD900;
	s1 =	rddreg [dreg:$0x9]  }
0x186: {  	[hbm:s1], [sflag:s23] =	dma.local @!p1 [spmem:s25], $0x100  }
0x187: {  	s1 =	simm.s32 @!p1 $0x3  }
0x188: {  	_ =	swait.ge @!p1 [sflag:s1], $0x100  }
0x189: {  	[sflag:s1] =	ssyncset.done @!p1 $0x0  }
0x18a: {  	[sflag:s1] =	ssyncadd.s32 @!p1 $0xFFFFFF00  }
0x18b: {  	[bflag:$0x0] =	sbarrier.arrive @!p1 $0xFFFF  }
0x18c: {  	[spmem:s28], [sflag:s23] =	dma.local @!p1 [hbm:s17], $0x2700  }
0x18d: {  	_ =	swait.ge @!p1 [sflag:s1], $0x2700  }
0x18e: {  	[sflag:s1] =	ssyncset.done @!p1 $0x0  }
0x18f: {  	s8 =	rddreg [dreg:$0xa];
	[sflag:s1] =	ssyncadd.s32 @!p1 $0xFFFFD900  }
0x190: {  	[spmem:s25], [sflag:s23] =	dma.local @!p1 [hbm:s8], $0x100  }
0x191: {  	_ =	swait.ge @!p1 [sflag:s1], $0x100  }
0x192: {  	[sflag:s1] =	ssyncset.done @!p1 $0x0  }
0x193: {  	[sflag:s1] =	ssyncadd.s32 @!p1 $0xFFFFFF00  }
0x194: {  	s9 =	simm.s32 $0x0;
	[bflag:$0x0] =	sbarrier.arrive $0xFFFF  }
0x195: {  	[tilespmem:s3], [sflag:$0x1] =	stream.indirect.gather [hbm4b:s5+s0], $0x80, s9, s0, $0xb8;
	[tilespmem:$0x1F180] =	vst v63  }
0x196: {  	_ = 	snop  }
0x197: {  	[tilespmem:s13], [sflag:$0x2] =	stream.indirect.gather [hbm4b:s5+s0], $0x80, s12, s0, $0xb8;
	[tilespmem:$0x1F180] =	vst v63  }
0x198: {  	_ = 	snop  }
0x199: {  	[tilespmem:s16], [sflag:$0x3] =	stream.linear.gather [hbm4b:s14+s9], $0x1400, $0x38;
	[tilespmem:$0x1F180] =	vst v63  }
0x19a: {  	_ =	swait.ge [sflag:s31], $0x1400  }
0x19b: {  	[sflag:s31] =	ssyncset.done $0x0  }
0x19c: {  	[sflag:s31] =	ssyncadd.s32 $0xFFFFEC00  }
0x19d: {  	_ =	swait.ge [sflag:s18], $0x3E80  }
0x19e: {  	[sflag:s18] =	ssyncset.done $0x0  }
0x19f: {  	s10 =	simm.s32 $0x2800;
	[sflag:s18] =	ssyncadd.s32 $0xFFFFC180  }
0x1a0: {  	[spmem:s2] =	stream.indirect.scatter.add.f32 [tilespmem:s3], [sflag:$0x3], $0x80, s10, s0, $0xb8;
	[tilespmem:$0x1F180] =	vst v63  }
0x1a1: {  	_ =	swait.ge [sflag:s31], $0x3E80  }
0x1a2: {  	[sflag:s31] =	ssyncset.done $0x0  }
0x1a3: {  	s25 =	simm.s32 $0x100;
	[sflag:s31] =	ssyncadd.s32 $0xFFFFC180  }
0x1a4: {  	[tilespmem:s3], [sflag:$0x1] =	stream.indirect.gather [hbm4b:s5+s0], $0x80, s25, s0, $0xb8;
	[tilespmem:$0x1F180] =	vst v63  }
0x1a5: {  	_ =	swait.ge [sflag:s19], $0x3E80  }
0x1a6: {  	[sflag:s19] =	ssyncset.done $0x0  }
0x1a7: {  	s28 =	simm.s32 $0x2880;
	[sflag:s19] =	ssyncadd.s32 $0xFFFFC180  }
0x1a8: {  	[spmem:s2] =	stream.indirect.scatter.add.f32 [tilespmem:s13], [sflag:$0x3], $0x80, s28, s0, $0xb8;
	[tilespmem:$0x1F180] =	vst v63  }
0x1a9: {  	_ =	swait.ge [sflag:s31], $0x3E80  }
0x1aa: {  	[sflag:s31] =	ssyncset.done $0x0  }
0x1ab: {  	s8 =	simm.s32 $0x400;
	s1 =	simm.s32 $0x180;
	[sflag:s31] =	ssyncadd.s32 $0xFFFFC180  }
.LBB2_7:
0x1ac: {  	[tilespmem:s13], [sflag:$0x2] =	stream.indirect.gather [hbm4b:s5+s0], $0x80, s1, s0, $0xb8;
	[tilespmem:$0x1F180] =	vst v63  }
0x1ad: {  	s1 =	smov.u32 s8  }
0x1ae: {  	p3 =	sne.s32 s8, $0x4C00;
	s8 =	sadd.s32 $0x400, s8;
	_ =	swait.ge [sflag:s18], $0x3E80  }
0x1af: {  	s1 =	sshra.s32 s1, $0x2;
	[sflag:s18] =	ssyncset.done $0x0  }
0x1b0: {  	s9 =	sadd.s32 $0x2800, s1;
	[sflag:s18] =	ssyncadd.s32 $0xFFFFC180  }
0x1b1: {  	[spmem:s2] =	stream.indirect.scatter.add.f32 [tilespmem:s3], [sflag:$0x3], $0x80, s9, s0, $0xb8;
	[tilespmem:$0x1F180] =	vst v63  }
0x1b2: {  	_ =	swait.ge [sflag:s31], $0x3E80  }
0x1b3: {  	[sflag:s31] =	ssyncset.done $0x0  }
0x1b4: {  	s9 =	sadd.s32 $0x100, s1;
	[sflag:s31] =	ssyncadd.s32 $0xFFFFC180  }
0x1b5: {  	[tilespmem:s3], [sflag:$0x1] =	stream.indirect.gather [hbm4b:s5+s0], $0x80, s9, s0, $0xb8;
	[tilespmem:$0x1F180] =	vst v63  }
0x1b6: {  	_ =	swait.ge [sflag:s19], $0x3E80  }
0x1b7: {  	[sflag:s19] =	ssyncset.done $0x0  }
.Ltmp11:
0x1b8: {  	s9 =	sadd.s32 $0x2880, s1;
	[sflag:s19] =	ssyncadd.s32 $0xFFFFC180;
	(pc) =	sbr.rel @p3 .LBB2_7-.Ltmp11, $4  }
0x1b9: {  	[spmem:s2] =	stream.indirect.scatter.add.f32 [tilespmem:s13], [sflag:$0x3], $0x80, s9, s0, $0xb8;
	[tilespmem:$0x1F180] =	vst v63  }
0x1ba: {  	_ =	swait.ge [sflag:s31], $0x3E80  }
0x1bb: {  	[sflag:s31] =	ssyncset.done $0x0  }
0x1bc: {  	s1 =	sadd.s32 $0x180, s1;
	[sflag:s31] =	ssyncadd.s32 $0xFFFFC180  }
0x1bd: {  	[tilespmem:s13], [sflag:$0x2] =	stream.indirect.gather [hbm4b:s5+s0], $0x80, s1, s0, $0xb8;
	[tilespmem:$0x1F180] =	vst v63  }
0x1be: {  	s9 =	simm.s32 $0x0  }
0x1bf: {  	[tilespmem:s16], [sflag:$0x3] =	stream.linear.gather [hbm4b:s15+s9], $0x1400, $0x38;
	[tilespmem:$0x1F180] =	vst v63  }
0x1c0: {  	_ =	swait.ge [sflag:s31], $0x1400  }
0x1c1: {  	[sflag:s31] =	ssyncset.done $0x0  }
0x1c2: {  	[sflag:s31] =	ssyncadd.s32 $0xFFFFEC00  }
0x1c3: {  	_ =	swait.ge [sflag:s18], $0x3E80  }
0x1c4: {  	[sflag:s18] =	ssyncset.done $0x0  }
0x1c5: {  	s10 =	simm.s32 $0x2800;
	[sflag:s18] =	ssyncadd.s32 $0xFFFFC180  }
0x1c6: {  	[spmem:s2] =	stream.indirect.scatter.add.f32 [tilespmem:s3], [sflag:$0x3], $0x80, s10, s0, $0xb8;
	[tilespmem:$0x1F180] =	vst v63  }
0x1c7: {  	_ =	swait.ge [sflag:s31], $0x3E80  }
0x1c8: {  	[sflag:s31] =	ssyncset.done $0x0  }
0x1c9: {  	s25 =	simm.s32 $0x1500;
	[sflag:s31] =	ssyncadd.s32 $0xFFFFC180  }
0x1ca: {  	[tilespmem:s3], [sflag:$0x1] =	stream.indirect.gather [hbm4b:s5+s0], $0x80, s25, s0, $0xb8;
	[tilespmem:$0x1F180] =	vst v63  }
0x1cb: {  	_ =	swait.ge [sflag:s19], $0x3E80  }
0x1cc: {  	[sflag:s19] =	ssyncset.done $0x0  }
0x1cd: {  	s28 =	simm.s32 $0x2880;
	[sflag:s19] =	ssyncadd.s32 $0xFFFFC180  }
0x1ce: {  	[spmem:s2] =	stream.indirect.scatter.add.f32 [tilespmem:s13], [sflag:$0x3], $0x80, s28, s0, $0xb8;
	[tilespmem:$0x1F180] =	vst v63  }
0x1cf: {  	_ =	swait.ge [sflag:s31], $0x3E80  }
0x1d0: {  	[sflag:s31] =	ssyncset.done $0x0  }
0x1d1: {  	s8 =	simm.s32 $0x400;
	s1 =	simm.s32 $0x1580;
	[sflag:s31] =	ssyncadd.s32 $0xFFFFC180  }
.LBB2_9:
0x1d2: {  	[tilespmem:s13], [sflag:$0x2] =	stream.indirect.gather [hbm4b:s5+s0], $0x80, s1, s0, $0xb8;
	[tilespmem:$0x1F180] =	vst v63  }
0x1d3: {  	s1 =	smov.u32 s8  }
0x1d4: {  	p3 =	sne.s32 s8, $0x4800;
	s8 =	sadd.s32 $0x400, s8;
	_ =	swait.ge [sflag:s18], $0x3E80  }
0x1d5: {  	s1 =	sshra.s32 s1, $0x2;
	[sflag:s18] =	ssyncset.done $0x0  }
0x1d6: {  	s9 =	sadd.s32 $0x2800, s1;
	[sflag:s18] =	ssyncadd.s32 $0xFFFFC180  }
0x1d7: {  	[spmem:s2] =	stream.indirect.scatter.add.f32 [tilespmem:s3], [sflag:$0x3], $0x80, s9, s0, $0xb8;
	[tilespmem:$0x1F180] =	vst v63  }
0x1d8: {  	_ =	swait.ge [sflag:s31], $0x3E80  }
0x1d9: {  	[sflag:s31] =	ssyncset.done $0x0  }
0x1da: {  	s9 =	sadd.s32 $0x1500, s1;
	[sflag:s31] =	ssyncadd.s32 $0xFFFFC180  }
0x1db: {  	[tilespmem:s3], [sflag:$0x1] =	stream.indirect.gather [hbm4b:s5+s0], $0x80, s9, s0, $0xb8;
	[tilespmem:$0x1F180] =	vst v63  }
0x1dc: {  	_ =	swait.ge [sflag:s19], $0x3E80  }
0x1dd: {  	[sflag:s19] =	ssyncset.done $0x0  }
.Ltmp12:
0x1de: {  	s9 =	sadd.s32 $0x2880, s1;
	[sflag:s19] =	ssyncadd.s32 $0xFFFFC180;
	(pc) =	sbr.rel @p3 .LBB2_9-.Ltmp12, $4  }
0x1df: {  	[spmem:s2] =	stream.indirect.scatter.add.f32 [tilespmem:s13], [sflag:$0x3], $0x80, s9, s0, $0xb8;
	[tilespmem:$0x1F180] =	vst v63  }
0x1e0: {  	_ =	swait.ge [sflag:s31], $0x3E80  }
0x1e1: {  	[sflag:s31] =	ssyncset.done $0x0  }
0x1e2: {  	s1 =	sadd.s32 $0x1580, s1;
	[sflag:s31] =	ssyncadd.s32 $0xFFFFC180  }
0x1e3: {  	[tilespmem:s13], [sflag:$0x2] =	stream.indirect.gather [hbm4b:s5+s0], $0x80, s1, s0, $0xb8;
	[tilespmem:$0x1F180] =	vst v63  }
0x1e4: {  	_ =	swait.ge [sflag:s18], $0x3E80  }
0x1e5: {  	[sflag:s18] =	ssyncset.done $0x0  }
0x1e6: {  	[sflag:s18] =	ssyncadd.s32 $0xFFFFC180  }
0x1e7: {  	[spmem:s2] =	stream.indirect.scatter.add.f32 [tilespmem:s3], [sflag:$0x3], $0x80, s20, s0, $0xb8;
	[tilespmem:$0x1F180] =	vst v63  }
0x1e8: {  	_ =	swait.ge [sflag:s31], $0x3E80  }
0x1e9: {  	[sflag:s31] =	ssyncset.done $0x0  }
0x1ea: {  	[sflag:s31] =	ssyncadd.s32 $0xFFFFC180  }
0x1eb: {  	_ =	swait.ge [sflag:s19], $0x3E80  }
0x1ec: {  	[sflag:s19] =	ssyncset.done $0x0  }
0x1ed: {  	[sflag:s19] =	ssyncadd.s32 $0xFFFFC180  }
0x1ee: {  	[spmem:s2] =	stream.indirect.scatter.add.f32 [tilespmem:s13], [sflag:$0x3], $0x80, s21, s0, $0xb8;
	[tilespmem:$0x1F180] =	vst v63  }
0x1ef: {  	_ =	swait.ge [sflag:s31], $0x3E80  }
0x1f0: {  	[sflag:s31] =	ssyncset.done $0x0  }
0x1f1: {  	[sflag:s31] =	ssyncadd.s32 $0xFFFFC180  }
0x1f2: {  	[bflag:$0x0] =	sbarrier.arrive $0xFFFF  }
0x1f3: {  	s28 =	rddreg [dreg:$0xf]  }
0x1f4: {  	[hbm:s28], [sflag:s23] =	dma.local [spmem:s24], $0x2700  }
.Ltmp13:
0x1f5: {  	_ = 	snop;
	(pc) =	sbr.rel @p2 .LBB2_20-.Ltmp13, $4  }
.Ltmp14:
0x1f6: {  	_ = 	snop;
	(pc) =	sbr.rel @!p2 .LBB2_21-.Ltmp14, $4  }
0x1f7: {  	_ =	swait.ge [sflag:s31], $0x2700  }
0x1f8: {  	[sflag:s31] =	ssyncset.done $0x0  }
0x1f9: {  	s1 =	rddreg [dreg:$0x3];
	[sflag:s31] =	ssyncadd.s32 $0xFFFFD900  }
0x1fa: {  	_ = 	snop  }
.LBB2_22:
0x1fb: {  	_ =	sfence.sel $0x180000  }
0x1fc: {  	[bflag:$0x0] =	sbarrier.arrive $0xFFFF  }
0x1fd: {  	_ =	strace $0x9000004A  }
0x1fe: {  	s0 =	stileid.u32;
	[bflag:$0x2] =	sbarrier.arrive $0xFFFF  }
0x1ff: {  	p0 =	sne.s32 s0, $0x0;
	s0 =	rddreg [dreg:$0x2]  }
0x200: {  	s0 =	sadd.s32 @!p0 $0x100000, s0  }
0x201: {  	[sflag:s0] =	ssyncadd.tile.s32 @!p0 $0x1;
	_ =	shalt  }
.Lfunc_end2:
_tile_overlayer_lowered:
.L_overlay_start_2:
0x202: {  	(tag) =	ssettag $0x2  }
0x203: {  	s0 =	rddreg [dreg:$0x0];
	s2 =	stileid.u32  }
0x204: {  	s1 =	rddreg [dreg:$0x1];
	p0 =	sne.s32 s2, $0x0  }
0x205: {  	s3 =	rddreg [dreg:$0x2];
	[bflag:$0x3] =	sbarrier.arrive $0xFFFF;
	s2 =	simm.s32 @!p0 $0x1C03  }
0x206: {  	[timem:s3], [sflag:s2] =	dma.local @!p0 [hbm:s0], s1  }
0x207: {  	s0 =	simm.s32 @!p0 $0x3  }
0x208: {  	_ =	swait.ge @!p0 [sflag:s0], s1  }
0x209: {  	s1 =	ssub.s32 @!p0 $0x0, s1;
	[sflag:s0] =	ssyncset.done @!p0 $0x0  }
0x20a: {  	[sflag:s0] =	ssyncadd.s32 @!p0 s1  }
0x20b: {  	[bflag:$0x3] =	sbarrier.arrive $0xFFFF  }
0x20c: {  	_ =	shalt  }

// kernel: kernel.14.cloned.1.call-start
scs
__scs_entry_jumppad:
0x0: {  	(pc) =	sbr.rel $0x88, $3  }
0x1: {  	(tag) =	ssettag $0x0;
	lr =	simm.s32 $0x1  }
0x2: {  	[smem:$0x3F9A] =	sst lr;
	_ =	strace $0xD0000000  }
0x3: {  	_ = 	snop  }
0x4: {  	_ = 	snop  }
0x5: {  	_ = 	snop  }
0x6: {  	_ = 	snop  }
0x7: {  	_ = 	snop  }
__scs_overlays_trampoline_lowered:
0x8: {  	[smem:$0x3FA9] =	sst s0  }
0x9: {  	[smem:$0x3FAA] =	sst s1  }
0xa: {  	[smem:$0x3FAB] =	sst s2  }
0xb: {  	[smem:$0x3FAC] =	sst s3  }
0xc: {  	[smem:$0x3FAD] =	sst s4  }
0xd: {  	[smem:$0x3FAE] =	sst s5  }
0xe: {  	[smem:$0x3FAF] =	sst s6  }
0xf: {  	[smem:$0x3FB0] =	sst s7  }
0x10: {  	[smem:$0x3FB1] =	sst s8  }
0x11: {  	[smem:$0x3FB2] =	sst s9;
	s0 =	simm.s32 @!p0 $0x0  }
0x12: {  	s1 =	sld [smem:$0x3F98];
	s0 =	simm.s32 @p0 $0x1  }
0x13: {  	[smem:$0x3FB3] =	sst s0;
	s0 =	simm.s32 @!p1 $0x0  }
0x14: {  	s2 =	sld [smem:$0x3F97];
	s0 =	simm.s32 @p1 $0x1  }
0x15: {  	[smem:$0x3FB4] =	sst s0;
	s0 =	simm.s32 @!p2 $0x0  }
0x16: {  	s3 =	sld [smem:$0x3FDB];
	s0 =	simm.s32 @p2 $0x1  }
0x17: {  	s4 =	simm.s32 $0x1BF5;
	[smem:$0x3FB6] =	sst s0  }
0x18: {  	s0 =	sld [smem:$0x3F99];
	_ =	swait.ge [sflag:s4], $0x0  }
0x19: {  	s7 =	sld [smem:$0x3F9A]  }
0x1a: {  	s8 =	sadd.s32 $0xFFFFE003, lr  }
0x1b: {  	s9 =	sadd.s32 $0xFFFFFEF7, lr;
	s5 =	simm.s32 $0xFFFFFFFF;
	p2 =	slt.u32 s8, $0xFFFFF086  }
0x1c: {  	p1 =	slt.u32 s9, $0xF7A;
	s5 =	simm.s32 @!p2 $0x0  }
0x1d: {  	s5 =	simm.s32 @p1 $0x1;
	p0 =	seq.s32 s7, s2  }
0x1e: {  	s7 =	smul.u32 @!p0 $0xF7A, s2;
	p2 =	seq.s32 @!p0 s5, $0x0  }
0x1f: {  	s9 =	smul.u32 $0xF7A, s1;
	s8 =	simm.s32 @!p0 $0x1BF5;
	p2 =	por !p2, p0  }
0x20: {  	[sflag:s8] =	ssyncset.s32 @!p0 $0xFFFFF086;
	s6 =	sadd.s32 @!p0 s3, s7;
	s7 =	simm.s32 @!p0 $0x108  }
0x21: {  	s3 =	sadd.s32 s3, s9;
	s6 =	sadd.s32 @!p0 $0x88, s6;
	s7 =	simm.s32 @p2 $0x1082  }
0x22: {  	[simem:s7], [sflag:s8] =	dma.local @!p0 [hbm:s6], $0xF7A  }
0x23: {  	s9 =	sor.u32 $0xD0000000, s2;
	s6 =	simm.s32 $0x108;
	_ =	swait.ge @!p0 [sflag:s8], $0x0  }
0x24: {  	s3 =	sadd.s32 $0x88, s3;
	s6 =	simm.s32 @!p1 $0x1082;
	[sflag:s4] =	ssyncset.s32 $0xFFFFF086  }
0x25: {  	[simem:s6], [sflag:s4] =	dma.local [hbm:s3], $0xF7A  }
0x26: {  	[smem:$0x3F9A] =	sst s1;
	(tag) =	ssettag s2;
	_ =	strace s9  }
0x27: {  	s1 =	sld [smem:$0x3FAA]  }
0x28: {  	s2 =	sld [smem:$0x3FAB]  }
0x29: {  	s4 =	sld [smem:$0x3FAD]  }
0x2a: {  	p0 =	seq.s32 s5, $0x0;
	s5 =	sld [smem:$0x3FAE]  }
0x2b: {  	s6 =	sld [smem:$0x3FAF]  }
0x2c: {  	s7 =	sld [smem:$0x3FB0]  }
0x2d: {  	s3 =	simm.s32 $0x108;
	s8 =	sld [smem:$0x3FB1]  }
0x2e: {  	s3 =	simm.s32 @!p0 $0x1082;
	s9 =	sld [smem:$0x3FB2]  }
0x2f: {  	lr =	sadd.s32 s0, s3;
	s0 =	sld [smem:$0x3FA9]  }
0x30: {  	s3 =	sld [smem:$0x3FAC]  }
0x31: {  	[smem:$0x3FB5] =	sst s10  }
0x32: {  	s10 =	sld [smem:$0x3FB3];
	_ =	sdelay $0x3  }
0x33: {  	p0 =	seq.s32 s10, $0x1;
	s10 =	sld [smem:$0x3FB5];
	_ =	sdelay $0x3  }
0x34: {  	[smem:$0x3FB5] =	sst s10  }
0x35: {  	s10 =	sld [smem:$0x3FB4];
	_ =	sdelay $0x3  }
0x36: {  	p1 =	seq.s32 s10, $0x1;
	s10 =	sld [smem:$0x3FB5];
	_ =	sdelay $0x3  }
0x37: {  	[smem:$0x3FB5] =	sst s10  }
0x38: {  	s10 =	sld [smem:$0x3FB6]  }
0x39: {  	_ = 	snop;
	(pc) =	sbr.ind lr, $3  }
0x3a: {  	_ = 	snop  }
0x3b: {  	_ = 	snop  }
0x3c: {  	p2 =	seq.s32 s10, $0x1;
	s10 =	sld [smem:$0x3FB5]  }
0x3d: {  	_ =	shalt  }
0x3e: {  	_ =	shalt  }
0x3f: {  	_ =	shalt  }
0x40: {  	_ =	shalt  }
0x41: {  	_ =	shalt  }
0x42: {  	_ =	shalt  }
0x43: {  	_ =	shalt  }
0x44: {  	_ =	shalt  }
0x45: {  	_ =	shalt  }
0x46: {  	_ =	shalt  }
0x47: {  	_ =	shalt  }
0x48: {  	_ =	shalt  }
0x49: {  	_ =	shalt  }
0x4a: {  	_ =	shalt  }
0x4b: {  	_ =	shalt  }
0x4c: {  	_ =	shalt  }
0x4d: {  	_ =	shalt  }
0x4e: {  	_ =	shalt  }
0x4f: {  	_ =	shalt  }
0x50: {  	_ =	shalt  }
0x51: {  	_ =	shalt  }
0x52: {  	_ =	shalt  }
0x53: {  	_ =	shalt  }
0x54: {  	_ =	shalt  }
0x55: {  	_ =	shalt  }
0x56: {  	_ =	shalt  }
0x57: {  	_ =	shalt  }
0x58: {  	_ =	shalt  }
0x59: {  	_ =	shalt  }
0x5a: {  	_ =	shalt  }
0x5b: {  	_ =	shalt  }
0x5c: {  	_ =	shalt  }
0x5d: {  	_ =	shalt  }
0x5e: {  	_ =	shalt  }
0x5f: {  	_ =	shalt  }
0x60: {  	_ =	shalt  }
0x61: {  	_ =	shalt  }
0x62: {  	_ =	shalt  }
0x63: {  	_ =	shalt  }
0x64: {  	_ =	shalt  }
0x65: {  	_ =	shalt  }
0x66: {  	_ =	shalt  }
0x67: {  	_ =	shalt  }
0x68: {  	_ =	shalt  }
0x69: {  	_ =	shalt  }
0x6a: {  	_ =	shalt  }
0x6b: {  	_ =	shalt  }
0x6c: {  	_ =	shalt  }
0x6d: {  	_ =	shalt  }
0x6e: {  	_ =	shalt  }
0x6f: {  	_ =	shalt  }
0x70: {  	_ =	shalt  }
0x71: {  	_ =	shalt  }
0x72: {  	_ =	shalt  }
0x73: {  	_ =	shalt  }
0x74: {  	_ =	shalt  }
0x75: {  	_ =	shalt  }
0x76: {  	_ =	shalt  }
0x77: {  	_ =	shalt  }
0x78: {  	_ =	shalt  }
0x79: {  	_ =	shalt  }
0x7a: {  	_ =	shalt  }
0x7b: {  	_ =	shalt  }
0x7c: {  	_ =	shalt  }
0x7d: {  	_ =	shalt  }
0x7e: {  	_ =	shalt  }
0x7f: {  	_ =	shalt  }
0x80: {  	_ =	shalt  }
0x81: {  	_ =	shalt  }
0x82: {  	_ =	shalt  }
0x83: {  	_ =	shalt  }
0x84: {  	_ =	shalt  }
0x85: {  	_ =	shalt  }
0x86: {  	_ =	shalt  }
0x87: {  	_ =	shalt  }
.Lfunc_end0:
.L_simem_size_0:
called_computation.2_lowered:
.L_overlay_start_0:
0x88: {  	s2 =	sld [smem:$0x3FD9]  }
0x89: {  	s3 =	sld [smem:$0x3FFE];
	_ =	sdelay $0x1  }
0x8a: {  	s1 =	srdreg.scid  }
0x8b: {  	s0 =	sand.u32 $0x1, s1  }
0x8c: {  	s16 =	sshll.u32 s0, $0xA;
	s2 =	sadd.s32 s3, s2  }
0x8d: {  	s2 =	sadd.s32 s2, s16  }
0x8e: {  	[smem:$0x3FC1] =	sst s2  }
0x8f: {  	_ = 	snop  }
0x90: {  	(tm) =	ssettm $0x1  }
0x91: {  	s17 =	sld [smem:$0x3FFB];
	_ =	sdelay $0x3  }
0x92: {  	_ =	strace s17  }
0x93: {  	s2 =	sld [smem:$0x3FFC];
	_ =	sdelay $0x3  }
0x94: {  	_ =	strace s2  }
0x95: {  	s2 =	sld [smem:$0x3FFD];
	_ =	sdelay $0x3  }
0x96: {  	_ =	strace s2  }
0x97: {  	_ =	strace $0x8FFFFFFF  }
0x98: {  	s18 =	sld [smem:$0x3FDB];
	_ =	sdelay $0x1  }
0x99: {  	s19 =	simm.s32 $_scs_section_size  }
0x9a: {  	s4 =	simm.s32 $_size__tile_overlayer_lowered;
	s5 =	simm.s32 $_tile_overlayer_lowered  }
0x9b: {  	s22 =	simm.s32 $0x1BFF;
	s21 =	sshll.u32 s5, $0x1;
	s2 =	sadd.s32 s19, s18  }
0x9c: {  	s6 =	simm.s32 $0x0;
	s20 =	sshll.u32 s4, $0x1;
	s4 =	sadd.s32 s21, s2  }
0x9d: {  	[timem:s6], [sflag:s22] =	dma.local [hbm:s4], s20  }
0x9e: {  	_ =	swait.ge [sflag:s22], s20  }
0x9f: {  	s3 =	ssub.s32 $0x0, s20;
	[sflag:s22] =	ssyncset.done $0x0  }
0xa0: {  	[sflag:s22] =	ssyncadd.s32 s3;
	_ =	sdelay $0x1  }
0xa1: {  	s23 =	simm.s32 $0x1B8B  }
0xa2: {  	_ =	swait.ge [sflag:s23], $0x1  }
0xa3: {  	[sflag:s23] =	ssyncset.done $0x0  }
0xa4: {  	s25 =	simm.s32 $0x1B8E;
	s24 =	sld [smem:$0x3FFE];
	[sflag:s23] =	ssyncadd.s32 $0xFFFFFFFF  }
0xa5: {  	s26 =	simm.s32 $execute0_lowered;
	[smem:$0x3FD2] =	sst s25  }
0xa6: {  	s4 =	sshll.u32 s26, $0x1;
	_ =	strace $0x8000004C;
	[dreg:$0x1] =	wrdreg $0xFFFFFFFF  }
0xa7: {  	s28 =	simm.s32 $_size_execute0_lowered;
	s2 =	sadd.s32 s2, s4;
	[dreg:$0x0] =	wrdreg $0x0  }
0xa8: {  	s4 =	sshll.u32 s28, $0x1;
	[dreg:$0x2] =	wrdreg s2  }
0xa9: {  	[dreg:$0x3] =	wrdreg s4  }
0xaa: {  	[dreg:$0x4] =	wrdreg $0xC0  }
0xab: {  	_ =	task [dreg:s6], $0x5FFFF  }
0xac: {  	[dreg:$0x1] =	wrdreg $0xFFFFFFFF  }
0xad: {  	[dreg:$0x0] =	wrdreg $0x60  }
0xae: {  	[dreg:$0x2] =	wrdreg s24  }
0xaf: {  	[dreg:$0x3] =	wrdreg $0xB9000  }
0xb0: {  	[dreg:$0x4] =	wrdreg $0x9  }
0xb1: {  	_ =	task.clear_ibuf [dreg:s6], $0x5FFFF;
	_ =	strace $0x9000004C  }
0xb2: {  	s29 =	simm.s32 $0x9;
	_ =	strace $0x8000004E  }
0xb3: {  	_ =	swait.ge [sflag:s29], $0x1  }
0xb4: {  	[sflag:s29] =	ssyncadd.s32 $0xFFFFFFFF  }
0xb5: {  	_ =	strace $0x9000004E  }
0xb6: {  	_ =	sfence  }
0xb7: {  	s30 =	sld [smem:$0x0];
	_ =	sdelay $0x2  }
0xb8: {  	s31 =	sshll.u32 s1, $0xD;
	s1 =	sshrl.u32 s1, $0x2  }
0xb9: {  	s3 =	sand.u32 $0x4000, s31;
	s1 =	sadd.s32 s1, s30  }
0xba: {  	s0 =	sor.u32 s3, s0;
	s1 =	sshll.u32 s1, $0x11  }
0xbb: {  	s0 =	sor.u32 s1, s0  }
0xbc: {  	s0 =	sadd.s32 $0x8F2B, s0  }
0xbd: {  	[sflag:s0] =	ssyncadd.remote.s32 $0x1  }
0xbe: {  	_ =	sfence.sel $0xFFFF  }
0xbf: {  	[dreg:$0x0] =	wrdreg $0xFFFFFFFF;
	(pc) =	sbr.abs _section_cstart, $3  }
0xc0: {  	[dreg:$0x1] =	wrdreg $0xFFFFFFFF  }
0xc1: {  	_ =	task.clear_ibuf [dreg:s6], $0x2FFFF;
	_ =	strace $0x9FFFFFFF  }
0xc2: {  	(tm) =	ssettm $0x7FFFFFFF  }
0xc3: {  	_ =	shalt  }
tec
execute0_lowered:
.L_overlay_start_1:
0x0: {  	(tag) =	ssettag $0x1  }
0x1: {  	s0 =	rddreg [dreg:$0x0]  }
0x2: {  	s2 =	rddreg [dreg:$0x1];
	s1 =	simm.s32 $0x0;
	s15 =	stileid.u32  }
0x3: {  	s3 =	srdreg.scid;
	s28 =	simm.s32 $0x7A80;
	s29 =	simm.s32 $0x2800  }
0x4: {  	s30 =	simm.s32 $0x1;
	s31 =	simm.s32 $0x2;
	[smem:$0x7FF] =	sst s1  }
0x5: {  	s19 =	smul.u32 $0x500, s15;
	s9 =	sadd.s32 $0x3C00, s0;
	s3 =	sand.u32 $0x1, s3  }
0x6: {  	s4 =	sadd.s32 $0x8C00, s0;
	s5 =	sadd.s32 $0x2FE00, s0;
	s12 =	smul.u32 $0x13800, s15  }
0x7: {  	s6 =	sadd.s32 $0x5C000, s0;
	s7 =	sadd.s32 $0x83200, s0;
	s20 =	smul.u32 $0x2800, s15  }
0x8: {  	s13 =	sadd.s32 $0x2FC00, s0;
	s16 =	sadd.s32 $0x56E00, s0;
	p1 =	sne.s32 s15, $0xF  }
0x9: {  	p2 =	seq.s32 s15, $0xF;
	s1 =	simm.s32 $0x3B80;
	_ =	strace $0x8000004D  }
0xa: {  	s10 =	ssub.s32 $0x2, s3;
	p0 =	seq.s32 s3, $0x1;
	[dreg:$0x4] =	wrdreg s13  }
0xb: {  	s3 =	simm.s32 $0x0;
	s8 =	sadd.s32 s19, s0;
	s11 =	sshrl.u32 s10, $0x1  }
0xc: {  	s21 =	sshrl.u32 s12, $0x3;
	s14 =	sadd.s32 s12, s2;
	s23 =	sshrl.u32 s20, $0x3  }
0xd: {  	s12 =	sadd.s32 s9, s19;
	s19 =	simm.s32 $0x3;
	s20 =	sshll.u32 s15, $0x6  }
0xe: {  	s0 =	simm.s32 $0x3B00;
	s11 =	ssub.s32 s10, s11;
	s8 =	sadd.s32 $0x57000, s8  }
0xf: {  	s22 =	sadd.s32 s4, s21;
	s10 =	sadd.s32 $0x138000, s2;
	s24 =	sadd.s32 s9, s23  }
.Ltmp0:
0x10: {  	s25 =	sadd.s32 s6, s21;
	[dreg:$0x3] =	wrdreg s22;
	(pc) =	sbr.rel .LBB2_1-.Ltmp0, $4  }
0x11: {  	s26 =	sadd.s32 s5, s21;
	s17 =	sadd.s32 s7, s21;
	[dreg:$0x5] =	wrdreg s25  }
0x12: {  	s9 =	sor.u32 $0x1C03, s20;
	s13 =	sadd.s32 $0x280, s24;
	[dreg:$0x6] =	wrdreg s26  }
0x13: {  	s18 =	smax.u32 s11, $0x1;
	s22 =	sshrl.u32 s14, $0x3;
	s23 =	sshrl.u32 @!p1 s10, $0x3  }
0x14: {  	s24 =	simm.s32 $0x7D;
	s25 =	simm.s32 $0x3C00;
	s26 =	simm.s32 $0x80  }
.LBB2_12:
0x15: {  	s11 =	sadd.s32 $0x27000, s11;
	s14 =	sshrl.u32 s10, $0x3  }
0x16: {  	[hbm:s11], [sflag:s21] =	dma.local [spmem:s14], $0x100  }
0x17: {  	_ =	swait.ge [sflag:s19], $0x100  }
0x18: {  	[sflag:s19] =	ssyncset.done $0x0  }
0x19: {  	[sflag:s19] =	ssyncadd.s32 $0xFFFFFF00  }
.LBB2_13:
0x1a: {  	s3 =	sadd.s32 $0x1, s3  }
0x1b: {  	p3 =	sne.s32 s3, s18  }
.Ltmp1:
0x1c: {  	_ = 	snop;
	(pc) =	sbr.rel @!p3 .LBB2_14-.Ltmp1, $2  }
0x1d: {  	_ =	sdelay $0x1  }
0x1e: {  	[bflag:$0x0] =	sbarrier.arrive $0xFFFF;
	_ =	sdelay $0x1  }
.LBB2_1:
.Ltmp2:
0x1f: {  	s11 =	simm.s32 $0x0;
	(pc) =	sbr.rel @!p0 .LBB2_2-.Ltmp2, $4  }
0x20: {  	[tilespmem:s11], [sflag:$0x3] =	stream.linear.gather [hbm4b:s8+s11], $0x2800, $0x38;
	[tilespmem:$0x1F180] =	vst v63  }
0x21: {  	_ =	swait.ge [sflag:s19], $0x2800  }
0x22: {  	[sflag:s19] =	ssyncset.done $0x0  }
0x23: {  	[sflag:s19] =	ssyncadd.s32 $0xFFFFD800  }
0x24: {  	s11 =	rddreg [dreg:$0x6]  }
0x25: {  	[spmem:s22], [sflag:s9] =	dma.local [hbm:s11], $0x2700  }
0x26: {  	_ =	swait.ge [sflag:s19], $0x2700  }
0x27: {  	[sflag:s19] =	ssyncset.done $0x0  }
0x28: {  	s11 =	simm.s32 @!p1 $0x3;
	[sflag:s19] =	ssyncadd.s32 $0xFFFFD900  }
0x29: {  	[spmem:s23], [sflag:s9] =	dma.local @!p1 [hbm:s16], $0x100  }
0x2a: {  	_ =	swait.ge @!p1 [sflag:s11], $0x100  }
0x2b: {  	[sflag:s11] =	ssyncset.done @!p1 $0x0  }
0x2c: {  	[sflag:s11] =	ssyncadd.s32 @!p1 $0xFFFFFF00  }
0x2d: {  	s21 =	simm.s32 $0x0;
	[bflag:$0x0] =	sbarrier.arrive $0xFFFF  }
0x2e: {  	[tilespmem:s25], [sflag:$0x1] =	stream.indirect.gather [hbm4b:s5+s24], $0x80, s21, s24, $0xb8;
	[tilespmem:$0x1F180] =	vst v63  }
0x2f: {  	_ = 	snop  }
0x30: {  	[tilespmem:s28], [sflag:$0x2] =	stream.indirect.gather [hbm4b:s5+s24], $0x80, s26, s24, $0xb8;
	[tilespmem:$0x1F180] =	vst v63  }
0x31: {  	_ = 	snop  }
0x32: {  	[tilespmem:s29], [sflag:$0x3] =	stream.linear.gather [hbm4b:s12+s21], $0x1400, $0x38;
	[tilespmem:$0x1F180] =	vst v63  }
0x33: {  	_ =	swait.ge [sflag:s19], $0x1400  }
0x34: {  	[sflag:s19] =	ssyncset.done $0x0  }
0x35: {  	[sflag:s19] =	ssyncadd.s32 $0xFFFFEC00  }
0x36: {  	_ =	swait.ge [sflag:s30], $0x3E80  }
0x37: {  	[sflag:s30] =	ssyncset.done $0x0  }
0x38: {  	s14 =	simm.s32 $0x2800;
	[sflag:s30] =	ssyncadd.s32 $0xFFFFC180  }
0x39: {  	[spmem:s2] =	stream.indirect.scatter.add.f32 [tilespmem:s25], [sflag:$0x3], $0x80, s14, s24, $0xb8;
	[tilespmem:$0x1F180] =	vst v63  }
0x3a: {  	_ =	swait.ge [sflag:s19], $0x3E80  }
0x3b: {  	[sflag:s19] =	ssyncset.done $0x0  }
0x3c: {  	s15 =	simm.s32 $0x100;
	[sflag:s19] =	ssyncadd.s32 $0xFFFFC180  }
0x3d: {  	[tilespmem:s25], [sflag:$0x1] =	stream.indirect.gather [hbm4b:s5+s24], $0x80, s15, s24, $0xb8;
	[tilespmem:$0x1F180] =	vst v63  }
0x3e: {  	_ =	swait.ge [sflag:s31], $0x3E80  }
0x3f: {  	[sflag:s31] =	ssyncset.done $0x0  }
0x40: {  	s21 =	simm.s32 $0x2880;
	[sflag:s31] =	ssyncadd.s32 $0xFFFFC180  }
0x41: {  	[spmem:s2] =	stream.indirect.scatter.add.f32 [tilespmem:s28], [sflag:$0x3], $0x80, s21, s24, $0xb8;
	[tilespmem:$0x1F180] =	vst v63  }
0x42: {  	_ =	swait.ge [sflag:s19], $0x3E80  }
0x43: {  	[sflag:s19] =	ssyncset.done $0x0  }
0x44: {  	s11 =	simm.s32 $0x400;
	s14 =	simm.s32 $0x180;
	[sflag:s19] =	ssyncadd.s32 $0xFFFFC180  }
.LBB2_8:
0x45: {  	[tilespmem:s28], [sflag:$0x2] =	stream.indirect.gather [hbm4b:s5+s24], $0x80, s14, s24, $0xb8;
	[tilespmem:$0x1F180] =	vst v63  }
0x46: {  	s14 =	smov.u32 s11  }
0x47: {  	p3 =	sne.s32 s11, $0x4C00;
	s11 =	sadd.s32 $0x400, s11;
	_ =	swait.ge [sflag:s30], $0x3E80  }
0x48: {  	s14 =	sshra.s32 s14, $0x2;
	[sflag:s30] =	ssyncset.done $0x0  }
0x49: {  	s15 =	sadd.s32 $0x2800, s14;
	[sflag:s30] =	ssyncadd.s32 $0xFFFFC180  }
0x4a: {  	[spmem:s2] =	stream.indirect.scatter.add.f32 [tilespmem:s25], [sflag:$0x3], $0x80, s15, s24, $0xb8;
	[tilespmem:$0x1F180] =	vst v63  }
0x4b: {  	_ =	swait.ge [sflag:s19], $0x3E80  }
0x4c: {  	[sflag:s19] =	ssyncset.done $0x0  }
0x4d: {  	s15 =	sadd.s32 $0x100, s14;
	[sflag:s19] =	ssyncadd.s32 $0xFFFFC180  }
0x4e: {  	[tilespmem:s25], [sflag:$0x1] =	stream.indirect.gather [hbm4b:s5+s24], $0x80, s15, s24, $0xb8;
	[tilespmem:$0x1F180] =	vst v63  }
0x4f: {  	_ =	swait.ge [sflag:s31], $0x3E80  }
0x50: {  	[sflag:s31] =	ssyncset.done $0x0  }
.Ltmp3:
0x51: {  	s15 =	sadd.s32 $0x2880, s14;
	[sflag:s31] =	ssyncadd.s32 $0xFFFFC180;
	(pc) =	sbr.rel @p3 .LBB2_8-.Ltmp3, $4  }
0x52: {  	[spmem:s2] =	stream.indirect.scatter.add.f32 [tilespmem:s28], [sflag:$0x3], $0x80, s15, s24, $0xb8;
	[tilespmem:$0x1F180] =	vst v63  }
0x53: {  	_ =	swait.ge [sflag:s19], $0x3E80  }
0x54: {  	[sflag:s19] =	ssyncset.done $0x0  }
0x55: {  	s14 =	sadd.s32 $0x180, s14;
	[sflag:s19] =	ssyncadd.s32 $0xFFFFC180  }
0x56: {  	[tilespmem:s28], [sflag:$0x2] =	stream.indirect.gather [hbm4b:s5+s24], $0x80, s14, s24, $0xb8;
	[tilespmem:$0x1F180] =	vst v63  }
0x57: {  	s11 =	simm.s32 $0x0  }
0x58: {  	[tilespmem:s29], [sflag:$0x3] =	stream.linear.gather [hbm4b:s13+s11], $0x1400, $0x38;
	[tilespmem:$0x1F180] =	vst v63  }
0x59: {  	_ =	swait.ge [sflag:s19], $0x1400  }
0x5a: {  	[sflag:s19] =	ssyncset.done $0x0  }
0x5b: {  	[sflag:s19] =	ssyncadd.s32 $0xFFFFEC00  }
0x5c: {  	_ =	swait.ge [sflag:s30], $0x3E80  }
0x5d: {  	[sflag:s30] =	ssyncset.done $0x0  }
0x5e: {  	s14 =	simm.s32 $0x2800;
	[sflag:s30] =	ssyncadd.s32 $0xFFFFC180  }
0x5f: {  	[spmem:s2] =	stream.indirect.scatter.add.f32 [tilespmem:s25], [sflag:$0x3], $0x80, s14, s24, $0xb8;
	[tilespmem:$0x1F180] =	vst v63  }
0x60: {  	_ =	swait.ge [sflag:s19], $0x3E80  }
0x61: {  	[sflag:s19] =	ssyncset.done $0x0  }
0x62: {  	s15 =	simm.s32 $0x1500;
	[sflag:s19] =	ssyncadd.s32 $0xFFFFC180  }
0x63: {  	[tilespmem:s25], [sflag:$0x1] =	stream.indirect.gather [hbm4b:s5+s24], $0x80, s15, s24, $0xb8;
	[tilespmem:$0x1F180] =	vst v63  }
0x64: {  	_ =	swait.ge [sflag:s31], $0x3E80  }
0x65: {  	[sflag:s31] =	ssyncset.done $0x0  }
0x66: {  	s21 =	simm.s32 $0x2880;
	[sflag:s31] =	ssyncadd.s32 $0xFFFFC180  }
0x67: {  	[spmem:s2] =	stream.indirect.scatter.add.f32 [tilespmem:s28], [sflag:$0x3], $0x80, s21, s24, $0xb8;
	[tilespmem:$0x1F180] =	vst v63  }
0x68: {  	_ =	swait.ge [sflag:s19], $0x3E80  }
0x69: {  	[sflag:s19] =	ssyncset.done $0x0  }
0x6a: {  	s11 =	simm.s32 $0x400;
	s14 =	simm.s32 $0x1580;
	[sflag:s19] =	ssyncadd.s32 $0xFFFFC180  }
.LBB2_10:
0x6b: {  	[tilespmem:s28], [sflag:$0x2] =	stream.indirect.gather [hbm4b:s5+s24], $0x80, s14, s24, $0xb8;
	[tilespmem:$0x1F180] =	vst v63  }
0x6c: {  	s14 =	smov.u32 s11  }
0x6d: {  	p3 =	sne.s32 s11, $0x4800;
	s11 =	sadd.s32 $0x400, s11;
	_ =	swait.ge [sflag:s30], $0x3E80  }
0x6e: {  	s14 =	sshra.s32 s14, $0x2;
	[sflag:s30] =	ssyncset.done $0x0  }
0x6f: {  	s15 =	sadd.s32 $0x2800, s14;
	[sflag:s30] =	ssyncadd.s32 $0xFFFFC180  }
0x70: {  	[spmem:s2] =	stream.indirect.scatter.add.f32 [tilespmem:s25], [sflag:$0x3], $0x80, s15, s24, $0xb8;
	[tilespmem:$0x1F180] =	vst v63  }
0x71: {  	_ =	swait.ge [sflag:s19], $0x3E80  }
0x72: {  	[sflag:s19] =	ssyncset.done $0x0  }
0x73: {  	s15 =	sadd.s32 $0x1500, s14;
	[sflag:s19] =	ssyncadd.s32 $0xFFFFC180  }
0x74: {  	[tilespmem:s25], [sflag:$0x1] =	stream.indirect.gather [hbm4b:s5+s24], $0x80, s15, s24, $0xb8;
	[tilespmem:$0x1F180] =	vst v63  }
0x75: {  	_ =	swait.ge [sflag:s31], $0x3E80  }
0x76: {  	[sflag:s31] =	ssyncset.done $0x0  }
.Ltmp4:
0x77: {  	s15 =	sadd.s32 $0x2880, s14;
	[sflag:s31] =	ssyncadd.s32 $0xFFFFC180;
	(pc) =	sbr.rel @p3 .LBB2_10-.Ltmp4, $4  }
0x78: {  	[spmem:s2] =	stream.indirect.scatter.add.f32 [tilespmem:s28], [sflag:$0x3], $0x80, s15, s24, $0xb8;
	[tilespmem:$0x1F180] =	vst v63  }
0x79: {  	_ =	swait.ge [sflag:s19], $0x3E80  }
0x7a: {  	[sflag:s19] =	ssyncset.done $0x0  }
0x7b: {  	s14 =	sadd.s32 $0x1580, s14;
	[sflag:s19] =	ssyncadd.s32 $0xFFFFC180  }
0x7c: {  	[tilespmem:s28], [sflag:$0x2] =	stream.indirect.gather [hbm4b:s5+s24], $0x80, s14, s24, $0xb8;
	[tilespmem:$0x1F180] =	vst v63  }
0x7d: {  	_ =	swait.ge [sflag:s30], $0x3E80  }
0x7e: {  	[sflag:s30] =	ssyncset.done $0x0  }
0x7f: {  	[sflag:s30] =	ssyncadd.s32 $0xFFFFC180  }
0x80: {  	[spmem:s2] =	stream.indirect.scatter.add.f32 [tilespmem:s25], [sflag:$0x3], $0x80, s0, s24, $0xb8;
	[tilespmem:$0x1F180] =	vst v63  }
0x81: {  	_ =	swait.ge [sflag:s19], $0x3E80  }
0x82: {  	[sflag:s19] =	ssyncset.done $0x0  }
0x83: {  	[sflag:s19] =	ssyncadd.s32 $0xFFFFC180  }
0x84: {  	_ =	swait.ge [sflag:s31], $0x3E80  }
0x85: {  	[sflag:s31] =	ssyncset.done $0x0  }
0x86: {  	[sflag:s31] =	ssyncadd.s32 $0xFFFFC180  }
0x87: {  	[spmem:s2] =	stream.indirect.scatter.add.f32 [tilespmem:s28], [sflag:$0x3], $0x80, s1, s24, $0xb8;
	[tilespmem:$0x1F180] =	vst v63  }
0x88: {  	_ =	swait.ge [sflag:s19], $0x3E80  }
0x89: {  	[sflag:s19] =	ssyncset.done $0x0  }
0x8a: {  	[sflag:s19] =	ssyncadd.s32 $0xFFFFC180  }
0x8b: {  	[bflag:$0x0] =	sbarrier.arrive $0xFFFF  }
0x8c: {  	[hbm:s17], [sflag:s9] =	dma.local [spmem:s22], $0x2700  }
.Ltmp5:
0x8d: {  	_ = 	snop;
	(pc) =	sbr.rel @p1 .LBB2_13-.Ltmp5, $4  }
.Ltmp6:
0x8e: {  	_ = 	snop;
	(pc) =	sbr.rel @!p1 .LBB2_12-.Ltmp6, $4  }
0x8f: {  	_ =	swait.ge [sflag:s19], $0x2700  }
0x90: {  	[sflag:s19] =	ssyncset.done $0x0  }
0x91: {  	s11 =	smov.u32 s7;
	s21 =	smov.u32 s9;
	[sflag:s19] =	ssyncadd.s32 $0xFFFFD900  }
0x92: {  	_ = 	snop  }
.LBB2_2:
0x93: {  	s21 =	sor.u32 $0x1C03, s20;
	s11 =	rddreg [dreg:$0x3]  }
0x94: {  	[spmem:s22], [sflag:s21] =	dma.local [hbm:s11], $0x2700  }
0x95: {  	_ =	swait.ge [sflag:s19], $0x2700  }
0x96: {  	[sflag:s19] =	ssyncset.done $0x0  }
0x97: {  	s11 =	rddreg [dreg:$0x4];
	[sflag:s19] =	ssyncadd.s32 $0xFFFFD900  }
0x98: {  	[spmem:s23], [sflag:s21] =	dma.local @!p1 [hbm:s11], $0x100  }
0x99: {  	s11 =	simm.s32 @!p1 $0x3  }
0x9a: {  	_ =	swait.ge @!p1 [sflag:s11], $0x100  }
0x9b: {  	[sflag:s11] =	ssyncset.done @!p1 $0x0  }
0x9c: {  	[sflag:s11] =	ssyncadd.s32 @!p1 $0xFFFFFF00  }
0x9d: {  	s14 =	simm.s32 $0x0;
	[bflag:$0x0] =	sbarrier.arrive $0xFFFF  }
0x9e: {  	[tilespmem:s25], [sflag:$0x1] =	stream.indirect.gather [hbm4b:s4+s24], $0x80, s14, s24, $0xb8;
	[tilespmem:$0x1F180] =	vst v63  }
0x9f: {  	_ = 	snop  }
0xa0: {  	[tilespmem:s28], [sflag:$0x2] =	stream.indirect.gather [hbm4b:s4+s24], $0x80, s26, s24, $0xb8;
	[tilespmem:$0x1F180] =	vst v63  }
0xa1: {  	_ = 	snop  }
0xa2: {  	[tilespmem:s29], [sflag:$0x3] =	stream.linear.gather [hbm4b:s12+s14], $0x1400, $0x38;
	[tilespmem:$0x1F180] =	vst v63  }
0xa3: {  	_ =	swait.ge [sflag:s19], $0x1400  }
0xa4: {  	[sflag:s19] =	ssyncset.done $0x0  }
0xa5: {  	[sflag:s19] =	ssyncadd.s32 $0xFFFFEC00  }
0xa6: {  	_ =	swait.ge [sflag:s30], $0x3E80  }
0xa7: {  	[sflag:s30] =	ssyncset.done $0x0  }
0xa8: {  	s15 =	simm.s32 $0x2800;
	[sflag:s30] =	ssyncadd.s32 $0xFFFFC180  }
0xa9: {  	[spmem:s2] =	stream.indirect.scatter.add.f32 [tilespmem:s25], [sflag:$0x3], $0x80, s15, s24, $0xb8;
	[tilespmem:$0x1F180] =	vst v63  }
0xaa: {  	_ =	swait.ge [sflag:s19], $0x3E80  }
0xab: {  	[sflag:s19] =	ssyncset.done $0x0  }
0xac: {  	s14 =	simm.s32 $0x100;
	[sflag:s19] =	ssyncadd.s32 $0xFFFFC180  }
0xad: {  	[tilespmem:s25], [sflag:$0x1] =	stream.indirect.gather [hbm4b:s4+s24], $0x80, s14, s24, $0xb8;
	[tilespmem:$0x1F180] =	vst v63  }
0xae: {  	_ =	swait.ge [sflag:s31], $0x3E80  }
0xaf: {  	[sflag:s31] =	ssyncset.done $0x0  }
0xb0: {  	s15 =	simm.s32 $0x2880;
	[sflag:s31] =	ssyncadd.s32 $0xFFFFC180  }
0xb1: {  	[spmem:s2] =	stream.indirect.scatter.add.f32 [tilespmem:s28], [sflag:$0x3], $0x80, s15, s24, $0xb8;
	[tilespmem:$0x1F180] =	vst v63  }
0xb2: {  	_ =	swait.ge [sflag:s19], $0x3E80  }
0xb3: {  	[sflag:s19] =	ssyncset.done $0x0  }
0xb4: {  	s11 =	simm.s32 $0x400;
	s14 =	simm.s32 $0x180;
	[sflag:s19] =	ssyncadd.s32 $0xFFFFC180  }
.LBB2_3:
0xb5: {  	[tilespmem:s28], [sflag:$0x2] =	stream.indirect.gather [hbm4b:s4+s24], $0x80, s14, s24, $0xb8;
	[tilespmem:$0x1F180] =	vst v63  }
0xb6: {  	s14 =	smov.u32 s11  }
0xb7: {  	p3 =	sne.s32 s11, $0x4C00;
	s11 =	sadd.s32 $0x400, s11;
	_ =	swait.ge [sflag:s30], $0x3E80  }
0xb8: {  	s14 =	sshra.s32 s14, $0x2;
	[sflag:s30] =	ssyncset.done $0x0  }
0xb9: {  	s15 =	sadd.s32 $0x2800, s14;
	[sflag:s30] =	ssyncadd.s32 $0xFFFFC180  }
0xba: {  	[spmem:s2] =	stream.indirect.scatter.add.f32 [tilespmem:s25], [sflag:$0x3], $0x80, s15, s24, $0xb8;
	[tilespmem:$0x1F180] =	vst v63  }
0xbb: {  	_ =	swait.ge [sflag:s19], $0x3E80  }
0xbc: {  	[sflag:s19] =	ssyncset.done $0x0  }
0xbd: {  	s15 =	sadd.s32 $0x100, s14;
	[sflag:s19] =	ssyncadd.s32 $0xFFFFC180  }
0xbe: {  	[tilespmem:s25], [sflag:$0x1] =	stream.indirect.gather [hbm4b:s4+s24], $0x80, s15, s24, $0xb8;
	[tilespmem:$0x1F180] =	vst v63  }
0xbf: {  	_ =	swait.ge [sflag:s31], $0x3E80  }
0xc0: {  	[sflag:s31] =	ssyncset.done $0x0  }
.Ltmp7:
0xc1: {  	s15 =	sadd.s32 $0x2880, s14;
	[sflag:s31] =	ssyncadd.s32 $0xFFFFC180;
	(pc) =	sbr.rel @p3 .LBB2_3-.Ltmp7, $4  }
0xc2: {  	[spmem:s2] =	stream.indirect.scatter.add.f32 [tilespmem:s28], [sflag:$0x3], $0x80, s15, s24, $0xb8;
	[tilespmem:$0x1F180] =	vst v63  }
0xc3: {  	_ =	swait.ge [sflag:s19], $0x3E80  }
0xc4: {  	[sflag:s19] =	ssyncset.done $0x0  }
0xc5: {  	s14 =	sadd.s32 $0x180, s14;
	[sflag:s19] =	ssyncadd.s32 $0xFFFFC180  }
0xc6: {  	[tilespmem:s28], [sflag:$0x2] =	stream.indirect.gather [hbm4b:s4+s24], $0x80, s14, s24, $0xb8;
	[tilespmem:$0x1F180] =	vst v63  }
0xc7: {  	s11 =	simm.s32 $0x0  }
0xc8: {  	[tilespmem:s29], [sflag:$0x3] =	stream.linear.gather [hbm4b:s13+s11], $0x1400, $0x38;
	[tilespmem:$0x1F180] =	vst v63  }
0xc9: {  	_ =	swait.ge [sflag:s19], $0x1400  }
0xca: {  	[sflag:s19] =	ssyncset.done $0x0  }
0xcb: {  	[sflag:s19] =	ssyncadd.s32 $0xFFFFEC00  }
0xcc: {  	_ =	swait.ge [sflag:s30], $0x3E80  }
0xcd: {  	[sflag:s30] =	ssyncset.done $0x0  }
0xce: {  	s15 =	simm.s32 $0x2800;
	[sflag:s30] =	ssyncadd.s32 $0xFFFFC180  }
0xcf: {  	[spmem:s2] =	stream.indirect.scatter.add.f32 [tilespmem:s25], [sflag:$0x3], $0x80, s15, s24, $0xb8;
	[tilespmem:$0x1F180] =	vst v63  }
0xd0: {  	_ =	swait.ge [sflag:s19], $0x3E80  }
0xd1: {  	[sflag:s19] =	ssyncset.done $0x0  }
0xd2: {  	s14 =	simm.s32 $0x1500;
	[sflag:s19] =	ssyncadd.s32 $0xFFFFC180  }
0xd3: {  	[tilespmem:s25], [sflag:$0x1] =	stream.indirect.gather [hbm4b:s4+s24], $0x80, s14, s24, $0xb8;
	[tilespmem:$0x1F180] =	vst v63  }
0xd4: {  	_ =	swait.ge [sflag:s31], $0x3E80  }
0xd5: {  	[sflag:s31] =	ssyncset.done $0x0  }
0xd6: {  	s15 =	simm.s32 $0x2880;
	[sflag:s31] =	ssyncadd.s32 $0xFFFFC180  }
0xd7: {  	[spmem:s2] =	stream.indirect.scatter.add.f32 [tilespmem:s28], [sflag:$0x3], $0x80, s15, s24, $0xb8;
	[tilespmem:$0x1F180] =	vst v63  }
0xd8: {  	_ =	swait.ge [sflag:s19], $0x3E80  }
0xd9: {  	[sflag:s19] =	ssyncset.done $0x0  }
0xda: {  	s11 =	simm.s32 $0x400;
	s14 =	simm.s32 $0x1580;
	[sflag:s19] =	ssyncadd.s32 $0xFFFFC180  }
.LBB2_5:
0xdb: {  	[tilespmem:s28], [sflag:$0x2] =	stream.indirect.gather [hbm4b:s4+s24], $0x80, s14, s24, $0xb8;
	[tilespmem:$0x1F180] =	vst v63  }
0xdc: {  	s14 =	smov.u32 s11  }
0xdd: {  	p3 =	sne.s32 s11, $0x4800;
	s11 =	sadd.s32 $0x400, s11;
	_ =	swait.ge [sflag:s30], $0x3E80  }
0xde: {  	s14 =	sshra.s32 s14, $0x2;
	[sflag:s30] =	ssyncset.done $0x0  }
0xdf: {  	s15 =	sadd.s32 $0x2800, s14;
	[sflag:s30] =	ssyncadd.s32 $0xFFFFC180  }
0xe0: {  	[spmem:s2] =	stream.indirect.scatter.add.f32 [tilespmem:s25], [sflag:$0x3], $0x80, s15, s24, $0xb8;
	[tilespmem:$0x1F180] =	vst v63  }
0xe1: {  	_ =	swait.ge [sflag:s19], $0x3E80  }
0xe2: {  	[sflag:s19] =	ssyncset.done $0x0  }
0xe3: {  	s15 =	sadd.s32 $0x1500, s14;
	[sflag:s19] =	ssyncadd.s32 $0xFFFFC180  }
0xe4: {  	[tilespmem:s25], [sflag:$0x1] =	stream.indirect.gather [hbm4b:s4+s24], $0x80, s15, s24, $0xb8;
	[tilespmem:$0x1F180] =	vst v63  }
0xe5: {  	_ =	swait.ge [sflag:s31], $0x3E80  }
0xe6: {  	[sflag:s31] =	ssyncset.done $0x0  }
.Ltmp8:
0xe7: {  	s15 =	sadd.s32 $0x2880, s14;
	[sflag:s31] =	ssyncadd.s32 $0xFFFFC180;
	(pc) =	sbr.rel @p3 .LBB2_5-.Ltmp8, $4  }
0xe8: {  	[spmem:s2] =	stream.indirect.scatter.add.f32 [tilespmem:s28], [sflag:$0x3], $0x80, s15, s24, $0xb8;
	[tilespmem:$0x1F180] =	vst v63  }
0xe9: {  	_ =	swait.ge [sflag:s19], $0x3E80  }
0xea: {  	[sflag:s19] =	ssyncset.done $0x0  }
0xeb: {  	s14 =	sadd.s32 $0x1580, s14;
	[sflag:s19] =	ssyncadd.s32 $0xFFFFC180  }
0xec: {  	[tilespmem:s28], [sflag:$0x2] =	stream.indirect.gather [hbm4b:s4+s24], $0x80, s14, s24, $0xb8;
	[tilespmem:$0x1F180] =	vst v63  }
0xed: {  	_ =	swait.ge [sflag:s30], $0x3E80  }
0xee: {  	[sflag:s30] =	ssyncset.done $0x0  }
0xef: {  	[sflag:s30] =	ssyncadd.s32 $0xFFFFC180  }
0xf0: {  	[spmem:s2] =	stream.indirect.scatter.add.f32 [tilespmem:s25], [sflag:$0x3], $0x80, s0, s24, $0xb8;
	[tilespmem:$0x1F180] =	vst v63  }
0xf1: {  	_ =	swait.ge [sflag:s19], $0x3E80  }
0xf2: {  	[sflag:s19] =	ssyncset.done $0x0  }
0xf3: {  	[sflag:s19] =	ssyncadd.s32 $0xFFFFC180  }
0xf4: {  	_ =	swait.ge [sflag:s31], $0x3E80  }
0xf5: {  	[sflag:s31] =	ssyncset.done $0x0  }
0xf6: {  	[sflag:s31] =	ssyncadd.s32 $0xFFFFC180  }
0xf7: {  	[spmem:s2] =	stream.indirect.scatter.add.f32 [tilespmem:s28], [sflag:$0x3], $0x80, s1, s24, $0xb8;
	[tilespmem:$0x1F180] =	vst v63  }
0xf8: {  	_ =	swait.ge [sflag:s19], $0x3E80  }
0xf9: {  	[sflag:s19] =	ssyncset.done $0x0  }
0xfa: {  	[sflag:s19] =	ssyncadd.s32 $0xFFFFC180  }
0xfb: {  	[bflag:$0x0] =	sbarrier.arrive $0xFFFF  }
0xfc: {  	s11 =	rddreg [dreg:$0x5]  }
0xfd: {  	[hbm:s11], [sflag:s21] =	dma.local [spmem:s22], $0x2700  }
.Ltmp9:
0xfe: {  	_ = 	snop;
	(pc) =	sbr.rel @p2 .LBB2_12-.Ltmp9, $4  }
.Ltmp10:
0xff: {  	_ = 	snop;
	(pc) =	sbr.rel @!p2 .LBB2_13-.Ltmp10, $4  }
0x100: {  	_ =	swait.ge [sflag:s19], $0x2700  }
0x101: {  	[sflag:s19] =	ssyncset.done $0x0  }
0x102: {  	s11 =	smov.u32 s6;
	[sflag:s19] =	ssyncadd.s32 $0xFFFFD900  }
0x103: {  	_ = 	snop  }
.LBB2_14:
0x104: {  	_ =	sfence.sel $0x180000  }
0x105: {  	[bflag:$0x0] =	sbarrier.arrive $0xFFFF  }
0x106: {  	_ =	strace $0x9000004D  }
0x107: {  	s0 =	stileid.u32;
	[bflag:$0x2] =	sbarrier.arrive $0xFFFF  }
0x108: {  	p0 =	sne.s32 s0, $0x0;
	s0 =	rddreg [dreg:$0x2]  }
0x109: {  	s0 =	sadd.s32 @!p0 $0x100000, s0  }
0x10a: {  	[sflag:s0] =	ssyncadd.tile.s32 @!p0 $0x1;
	_ =	shalt  }
.Lfunc_end2:
_tile_overlayer_lowered:
.L_overlay_start_2:
0x10b: {  	(tag) =	ssettag $0x2  }
0x10c: {  	s0 =	rddreg [dreg:$0x0];
	s2 =	stileid.u32  }
0x10d: {  	s1 =	rddreg [dreg:$0x1];
	p0 =	sne.s32 s2, $0x0  }
0x10e: {  	s3 =	rddreg [dreg:$0x2];
	[bflag:$0x3] =	sbarrier.arrive $0xFFFF;
	s2 =	simm.s32 @!p0 $0x1C03  }
0x10f: {  	[timem:s3], [sflag:s2] =	dma.local @!p0 [hbm:s0], s1  }
0x110: {  	s0 =	simm.s32 @!p0 $0x3  }
0x111: {  	_ =	swait.ge @!p0 [sflag:s0], s1  }
0x112: {  	s1 =	ssub.s32 @!p0 $0x0, s1;
	[sflag:s0] =	ssyncset.done @!p0 $0x0  }
0x113: {  	[sflag:s0] =	ssyncadd.s32 @!p0 s1  }
0x114: {  	[bflag:$0x3] =	sbarrier.arrive $0xFFFF  }
0x115: {  	_ =	shalt  }

// kernel: kernel.8.cloned.1.call-start
scs
__scs_entry_jumppad:
0x0: {  	(pc) =	sbr.rel $0x88, $3  }
0x1: {  	(tag) =	ssettag $0x0;
	lr =	simm.s32 $0x1  }
0x2: {  	[smem:$0x3F9A] =	sst lr;
	_ =	strace $0xD0000000  }
0x3: {  	_ = 	snop  }
0x4: {  	_ = 	snop  }
0x5: {  	_ = 	snop  }
0x6: {  	_ = 	snop  }
0x7: {  	_ = 	snop  }
__scs_overlays_trampoline_lowered:
0x8: {  	[smem:$0x3FA9] =	sst s0  }
0x9: {  	[smem:$0x3FAA] =	sst s1  }
0xa: {  	[smem:$0x3FAB] =	sst s2  }
0xb: {  	[smem:$0x3FAC] =	sst s3  }
0xc: {  	[smem:$0x3FAD] =	sst s4  }
0xd: {  	[smem:$0x3FAE] =	sst s5  }
0xe: {  	[smem:$0x3FAF] =	sst s6  }
0xf: {  	[smem:$0x3FB0] =	sst s7  }
0x10: {  	[smem:$0x3FB1] =	sst s8  }
0x11: {  	[smem:$0x3FB2] =	sst s9;
	s0 =	simm.s32 @!p0 $0x0  }
0x12: {  	s1 =	sld [smem:$0x3F98];
	s0 =	simm.s32 @p0 $0x1  }
0x13: {  	[smem:$0x3FB3] =	sst s0;
	s0 =	simm.s32 @!p1 $0x0  }
0x14: {  	s2 =	sld [smem:$0x3F97];
	s0 =	simm.s32 @p1 $0x1  }
0x15: {  	[smem:$0x3FB4] =	sst s0;
	s0 =	simm.s32 @!p2 $0x0  }
0x16: {  	s3 =	sld [smem:$0x3FDB];
	s0 =	simm.s32 @p2 $0x1  }
0x17: {  	s4 =	simm.s32 $0x1BF5;
	[smem:$0x3FB6] =	sst s0  }
0x18: {  	s0 =	sld [smem:$0x3F99];
	_ =	swait.ge [sflag:s4], $0x0  }
0x19: {  	s7 =	sld [smem:$0x3F9A]  }
0x1a: {  	s8 =	sadd.s32 $0xFFFFE003, lr  }
0x1b: {  	s9 =	sadd.s32 $0xFFFFFEF7, lr;
	s5 =	simm.s32 $0xFFFFFFFF;
	p2 =	slt.u32 s8, $0xFFFFF086  }
0x1c: {  	p1 =	slt.u32 s9, $0xF7A;
	s5 =	simm.s32 @!p2 $0x0  }
0x1d: {  	s5 =	simm.s32 @p1 $0x1;
	p0 =	seq.s32 s7, s2  }
0x1e: {  	s7 =	smul.u32 @!p0 $0xF7A, s2;
	p2 =	seq.s32 @!p0 s5, $0x0  }
0x1f: {  	s9 =	smul.u32 $0xF7A, s1;
	s8 =	simm.s32 @!p0 $0x1BF5;
	p2 =	por !p2, p0  }
0x20: {  	[sflag:s8] =	ssyncset.s32 @!p0 $0xFFFFF086;
	s6 =	sadd.s32 @!p0 s3, s7;
	s7 =	simm.s32 @!p0 $0x108  }
0x21: {  	s3 =	sadd.s32 s3, s9;
	s6 =	sadd.s32 @!p0 $0x88, s6;
	s7 =	simm.s32 @p2 $0x1082  }
0x22: {  	[simem:s7], [sflag:s8] =	dma.local @!p0 [hbm:s6], $0xF7A  }
0x23: {  	s9 =	sor.u32 $0xD0000000, s2;
	s6 =	simm.s32 $0x108;
	_ =	swait.ge @!p0 [sflag:s8], $0x0  }
0x24: {  	s3 =	sadd.s32 $0x88, s3;
	s6 =	simm.s32 @!p1 $0x1082;
	[sflag:s4] =	ssyncset.s32 $0xFFFFF086  }
0x25: {  	[simem:s6], [sflag:s4] =	dma.local [hbm:s3], $0xF7A  }
0x26: {  	[smem:$0x3F9A] =	sst s1;
	(tag) =	ssettag s2;
	_ =	strace s9  }
0x27: {  	s1 =	sld [smem:$0x3FAA]  }
0x28: {  	s2 =	sld [smem:$0x3FAB]  }
0x29: {  	s4 =	sld [smem:$0x3FAD]  }
0x2a: {  	p0 =	seq.s32 s5, $0x0;
	s5 =	sld [smem:$0x3FAE]  }
0x2b: {  	s6 =	sld [smem:$0x3FAF]  }
0x2c: {  	s7 =	sld [smem:$0x3FB0]  }
0x2d: {  	s3 =	simm.s32 $0x108;
	s8 =	sld [smem:$0x3FB1]  }
0x2e: {  	s3 =	simm.s32 @!p0 $0x1082;
	s9 =	sld [smem:$0x3FB2]  }
0x2f: {  	lr =	sadd.s32 s0, s3;
	s0 =	sld [smem:$0x3FA9]  }
0x30: {  	s3 =	sld [smem:$0x3FAC]  }
0x31: {  	[smem:$0x3FB5] =	sst s10  }
0x32: {  	s10 =	sld [smem:$0x3FB3];
	_ =	sdelay $0x3  }
0x33: {  	p0 =	seq.s32 s10, $0x1;
	s10 =	sld [smem:$0x3FB5];
	_ =	sdelay $0x3  }
0x34: {  	[smem:$0x3FB5] =	sst s10  }
0x35: {  	s10 =	sld [smem:$0x3FB4];
	_ =	sdelay $0x3  }
0x36: {  	p1 =	seq.s32 s10, $0x1;
	s10 =	sld [smem:$0x3FB5];
	_ =	sdelay $0x3  }
0x37: {  	[smem:$0x3FB5] =	sst s10  }
0x38: {  	s10 =	sld [smem:$0x3FB6]  }
0x39: {  	_ = 	snop;
	(pc) =	sbr.ind lr, $3  }
0x3a: {  	_ = 	snop  }
0x3b: {  	_ = 	snop  }
0x3c: {  	p2 =	seq.s32 s10, $0x1;
	s10 =	sld [smem:$0x3FB5]  }
0x3d: {  	_ =	shalt  }
0x3e: {  	_ =	shalt  }
0x3f: {  	_ =	shalt  }
0x40: {  	_ =	shalt  }
0x41: {  	_ =	shalt  }
0x42: {  	_ =	shalt  }
0x43: {  	_ =	shalt  }
0x44: {  	_ =	shalt  }
0x45: {  	_ =	shalt  }
0x46: {  	_ =	shalt  }
0x47: {  	_ =	shalt  }
0x48: {  	_ =	shalt  }
0x49: {  	_ =	shalt  }
0x4a: {  	_ =	shalt  }
0x4b: {  	_ =	shalt  }
0x4c: {  	_ =	shalt  }
0x4d: {  	_ =	shalt  }
0x4e: {  	_ =	shalt  }
0x4f: {  	_ =	shalt  }
0x50: {  	_ =	shalt  }
0x51: {  	_ =	shalt  }
0x52: {  	_ =	shalt  }
0x53: {  	_ =	shalt  }
0x54: {  	_ =	shalt  }
0x55: {  	_ =	shalt  }
0x56: {  	_ =	shalt  }
0x57: {  	_ =	shalt  }
0x58: {  	_ =	shalt  }
0x59: {  	_ =	shalt  }
0x5a: {  	_ =	shalt  }
0x5b: {  	_ =	shalt  }
0x5c: {  	_ =	shalt  }
0x5d: {  	_ =	shalt  }
0x5e: {  	_ =	shalt  }
0x5f: {  	_ =	shalt  }
0x60: {  	_ =	shalt  }
0x61: {  	_ =	shalt  }
0x62: {  	_ =	shalt  }
0x63: {  	_ =	shalt  }
0x64: {  	_ =	shalt  }
0x65: {  	_ =	shalt  }
0x66: {  	_ =	shalt  }
0x67: {  	_ =	shalt  }
0x68: {  	_ =	shalt  }
0x69: {  	_ =	shalt  }
0x6a: {  	_ =	shalt  }
0x6b: {  	_ =	shalt  }
0x6c: {  	_ =	shalt  }
0x6d: {  	_ =	shalt  }
0x6e: {  	_ =	shalt  }
0x6f: {  	_ =	shalt  }
0x70: {  	_ =	shalt  }
0x71: {  	_ =	shalt  }
0x72: {  	_ =	shalt  }
0x73: {  	_ =	shalt  }
0x74: {  	_ =	shalt  }
0x75: {  	_ =	shalt  }
0x76: {  	_ =	shalt  }
0x77: {  	_ =	shalt  }
0x78: {  	_ =	shalt  }
0x79: {  	_ =	shalt  }
0x7a: {  	_ =	shalt  }
0x7b: {  	_ =	shalt  }
0x7c: {  	_ =	shalt  }
0x7d: {  	_ =	shalt  }
0x7e: {  	_ =	shalt  }
0x7f: {  	_ =	shalt  }
0x80: {  	_ =	shalt  }
0x81: {  	_ =	shalt  }
0x82: {  	_ =	shalt  }
0x83: {  	_ =	shalt  }
0x84: {  	_ =	shalt  }
0x85: {  	_ =	shalt  }
0x86: {  	_ =	shalt  }
0x87: {  	_ =	shalt  }
.Lfunc_end0:
.L_simem_size_0:
called_computation_lowered:
.L_overlay_start_0:
0x88: {  	s2 =	sld [smem:$0x3FD9]  }
0x89: {  	s3 =	sld [smem:$0x3FFE];
	_ =	sdelay $0x1  }
0x8a: {  	s1 =	srdreg.scid  }
0x8b: {  	s0 =	sand.u32 $0x1, s1  }
0x8c: {  	s14 =	sshll.u32 s0, $0xA;
	s2 =	sadd.s32 s3, s2  }
0x8d: {  	s2 =	sadd.s32 s2, s14  }
0x8e: {  	[smem:$0x3FC1] =	sst s2  }
0x8f: {  	_ = 	snop  }
0x90: {  	s2 =	sld [smem:$0x3FD0];
	_ =	sdelay $0x2  }
0x91: {  	s15 =	simm.s32 $0xA;
	s4 =	simm.s32 $0x10  }
0x92: {  	[smem:s4], [sflag:s15] =	dma.local [hbm:s2], $0x1  }
0x93: {  	_ =	swait.eq [sflag:s15], $0x1  }
0x94: {  	[sflag:s15] =	ssyncset.done $0x0  }
0x95: {  	s16 =	sld [smem:$0x10];
	[sflag:s15] =	ssyncadd.s32 $0xFFFFFFFF  }
0x96: {  	s17 =	sld [smem:$0x11];
	(tm) =	ssettm $0x1  }
0x97: {  	s18 =	sld [smem:$0x3FFB];
	_ =	sdelay $0x3  }
0x98: {  	_ =	strace s18  }
0x99: {  	s4 =	sld [smem:$0x3FFC];
	_ =	sdelay $0x3  }
0x9a: {  	_ =	strace s4  }
0x9b: {  	s4 =	sld [smem:$0x3FFD];
	_ =	sdelay $0x3  }
0x9c: {  	_ =	strace s4  }
0x9d: {  	_ =	strace $0x8FFFFFFF  }
0x9e: {  	s19 =	sld [smem:$0x3FDB];
	_ =	sdelay $0x1  }
0x9f: {  	s5 =	simm.s32 $_scs_section_size  }
0xa0: {  	s6 =	simm.s32 $_size__tile_overlayer_lowered;
	s7 =	simm.s32 $_tile_overlayer_lowered  }
0xa1: {  	s22 =	simm.s32 $0x1BFF;
	s21 =	sshll.u32 s7, $0x1;
	s4 =	sadd.s32 s5, s19  }
0xa2: {  	s8 =	simm.s32 $0x0;
	s20 =	sshll.u32 s6, $0x1;
	s6 =	sadd.s32 s21, s4  }
0xa3: {  	[timem:s8], [sflag:s22] =	dma.local [hbm:s6], s20  }
0xa4: {  	_ =	swait.ge [sflag:s22], s20  }
0xa5: {  	s5 =	ssub.s32 $0x0, s20;
	[sflag:s22] =	ssyncset.done $0x0  }
0xa6: {  	[sflag:s22] =	ssyncadd.s32 s5;
	_ =	sdelay $0x1  }
0xa7: {  	s23 =	simm.s32 $0x1B8B  }
0xa8: {  	_ =	swait.ge [sflag:s23], $0x1  }
0xa9: {  	[sflag:s23] =	ssyncset.done $0x0  }
0xaa: {  	s25 =	simm.s32 $0x1B8E;
	s24 =	sld [smem:$0x3FFE];
	[sflag:s23] =	ssyncadd.s32 $0xFFFFFFFF  }
0xab: {  	s26 =	simm.s32 $execute0_lowered;
	[smem:$0x3FD2] =	sst s25  }
0xac: {  	s6 =	sshll.u32 s26, $0x1;
	_ =	strace $0x80000046;
	[dreg:$0x1] =	wrdreg $0xFFFFFFFF  }
0xad: {  	s28 =	simm.s32 $_size_execute0_lowered;
	s4 =	sadd.s32 s4, s6;
	[dreg:$0x0] =	wrdreg $0x0  }
0xae: {  	s6 =	sshll.u32 s28, $0x1;
	[dreg:$0x2] =	wrdreg s4  }
0xaf: {  	[dreg:$0x3] =	wrdreg s6  }
0xb0: {  	[dreg:$0x4] =	wrdreg $0xC0  }
0xb1: {  	_ =	task [dreg:s8], $0x5FFFF  }
0xb2: {  	[dreg:$0x1] =	wrdreg $0xFFFFFFFF  }
0xb3: {  	[dreg:$0x0] =	wrdreg $0x60  }
0xb4: {  	[dreg:$0x2] =	wrdreg s24  }
0xb5: {  	[dreg:$0x3] =	wrdreg s17  }
0xb6: {  	[dreg:$0x4] =	wrdreg s16  }
0xb7: {  	[dreg:$0x5] =	wrdreg $0x52800  }
0xb8: {  	[dreg:$0x6] =	wrdreg $0x9  }
0xb9: {  	_ =	task.clear_ibuf [dreg:s8], $0x7FFFF;
	_ =	strace $0x90000046  }
0xba: {  	s29 =	simm.s32 $0x9;
	_ =	strace $0x80000048  }
0xbb: {  	_ =	swait.ge [sflag:s29], $0x1  }
0xbc: {  	[sflag:s29] =	ssyncadd.s32 $0xFFFFFFFF  }
0xbd: {  	_ =	strace $0x90000048  }
0xbe: {  	_ =	sfence  }
0xbf: {  	s30 =	sld [smem:$0x0];
	_ =	sdelay $0x2  }
0xc0: {  	s31 =	sshll.u32 s1, $0xD;
	s1 =	sshrl.u32 s1, $0x2  }
0xc1: {  	s3 =	sand.u32 $0x4000, s31;
	s1 =	sadd.s32 s1, s30  }
0xc2: {  	s0 =	sor.u32 s3, s0;
	s1 =	sshll.u32 s1, $0x11  }
0xc3: {  	s0 =	sor.u32 s1, s0  }
0xc4: {  	s0 =	sadd.s32 $0x8F2B, s0  }
0xc5: {  	[sflag:s0] =	ssyncadd.remote.s32 $0x1  }
0xc6: {  	_ =	sfence.sel $0xFFFF  }
0xc7: {  	[dreg:$0x0] =	wrdreg $0xFFFFFFFF;
	(pc) =	sbr.abs _section_cstart, $3  }
0xc8: {  	[dreg:$0x1] =	wrdreg $0xFFFFFFFF  }
0xc9: {  	_ =	task.clear_ibuf [dreg:s8], $0x2FFFF;
	_ =	strace $0x9FFFFFFF  }
0xca: {  	(tm) =	ssettm $0x7FFFFFFF  }
0xcb: {  	_ =	shalt  }
tec
execute0_lowered:
.L_overlay_start_1:
0x0: {  	(tag) =	ssettag $0x1  }
0x1: {  	s7 =	rddreg [dreg:$0x0]  }
0x2: {  	s1 =	rddreg [dreg:$0x1];
	s2 =	srdreg.scid  }
0x3: {  	s0 =	stileid.u32;
	s3 =	rddreg [dreg:$0x2]  }
0x4: {  	s4 =	rddreg [dreg:$0x3];
	s5 =	simm.s32 $0x0;
	s16 =	simm.s32 $0x1400  }
0x5: {  	s17 =	simm.s32 $0x7D;
	s10 =	sand.u32 $0x1, s2;
	s2 =	rddreg [dreg:$0x4]  }
0x6: {  	s19 =	simm.s32 $0x0;
	s29 =	sshll.u32 s0, $0x1;
	[smem:$0x7FF] =	sst s5  }
0x7: {  	s12 =	smul.u32 $0x13800, s0;
	s30 =	sshll.u32 s0, $0x6;
	s18 =	sadd.s32 $0x138000, s4  }
0x8: {  	p1 =	sne.s32 s0, $0xF;
	p2 =	seq.s32 s0, $0xF;
	s6 =	sor.u32 s10, s29  }
0x9: {  	_ =	strace $0x80000047;
	s8 =	ssub.s32 $0x2, s10;
	p0 =	seq.s32 s10, $0x1  }
0xa: {  	s15 =	sshrl.u32 @!p1 s18, $0x3;
	s18 =	sshrl.u32 s18, $0x3;
	s6 =	smul.u32 $0x280, s6  }
.Ltmp0:
0xb: {  	s11 =	sshrl.u32 s8, $0x1;
	s14 =	sadd.s32 s12, s4;
	(pc) =	sbr.rel .LBB2_1-.Ltmp0, $4  }
0xc: {  	s31 =	sshrl.u32 s12, $0x3;
	s13 =	ssub.s32 s8, s11;
	s8 =	sor.u32 $0x1C01, s30  }
0xd: {  	s9 =	sadd.s32 s6, s7;
	s6 =	sadd.s32 $0x8C00, s7;
	s7 =	sadd.s32 $0x2FE00, s7  }
0xe: {  	s12 =	smax.u32 s13, $0x1;
	s13 =	sshrl.u32 s14, $0x3;
	s14 =	simm.s32 $0x1  }
0xf: {  	s9 =	sadd.s32 $0x3C00, s9;
	s10 =	sadd.s32 s6, s31;
	s11 =	sadd.s32 s7, s31  }
.LBB2_6:
0x10: {  	s20 =	sadd.s32 $0x27000, s20  }
0x11: {  	[hbm:s20], [sflag:s8] =	dma.local [spmem:s18], $0x100  }
0x12: {  	_ =	swait.ge [sflag:s14], $0x100  }
0x13: {  	[sflag:s14] =	ssyncset.done $0x0  }
0x14: {  	[sflag:s14] =	ssyncadd.s32 $0xFFFFFF00  }
.LBB2_7:
0x15: {  	s19 =	sadd.s32 $0x1, s19  }
0x16: {  	p3 =	sne.s32 s19, s12  }
.Ltmp1:
0x17: {  	_ = 	snop;
	(pc) =	sbr.rel @!p3 .LBB2_8-.Ltmp1, $1  }
0x18: {  	_ =	sdelay $0x3  }
.LBB2_1:
0x19: {  	[spmem:s13], [sflag:s8] =	dma.local [hbm:s1], $0x2700  }
0x1a: {  	_ =	swait.ge [sflag:s14], $0x2700  }
0x1b: {  	[sflag:s14] =	ssyncset.done $0x0  }
0x1c: {  	s20 =	simm.s32 @!p1 $0x1;
	[sflag:s14] =	ssyncadd.s32 $0xFFFFD900  }
0x1d: {  	[spmem:s15], [sflag:s8] =	dma.local @!p1 [hbm:s1], $0x100  }
0x1e: {  	_ =	swait.ge @!p1 [sflag:s20], $0x100  }
0x1f: {  	[sflag:s20] =	ssyncset.done @!p1 $0x0  }
0x20: {  	[sflag:s20] =	ssyncadd.s32 @!p1 $0xFFFFFF00  }
0x21: {  	[tilespmem:s16], [sflag:$0x1] =	stream.linear.gather [hbm4b:s3+s5], $0x3E80, $0x38;
	[tilespmem:$0x18B00] =	vst v63  }
0x22: {  	_ =	swait.ge [sflag:s14], $0x3E80  }
0x23: {  	[sflag:s14] =	ssyncset.done $0x0  }
0x24: {  	[sflag:s14] =	ssyncadd.s32 $0xFFFFC180  }
0x25: {  	[tilespmem:s5], [sflag:$0x1] =	stream.linear.gather [hbm4b:s9+s5], $0x1400, $0x38;
	[tilespmem:$0x18B00] =	vst v63  }
0x26: {  	_ =	swait.ge [sflag:s14], $0x1400  }
0x27: {  	[sflag:s14] =	ssyncset.done $0x0  }
0x28: {  	[sflag:s14] =	ssyncadd.s32 $0xFFFFEC00  }
0x29: {  	s31 =	simm.s32 $0x0;
	[bflag:$0x0] =	sbarrier.arrive $0xFFFF  }
0x2a: {  	[spmem:s4] =	stream.indirect.scatter.add.f32 [tilespmem:s16], [sflag:$0x1], $0x80, s31, s17, $0xb8;
	[tilespmem:$0x18B00] =	vst v63  }
0x2b: {  	_ =	swait.ge [sflag:s14], $0x3E80  }
0x2c: {  	s20 =	simm.s32 $0x200;
	[sflag:s14] =	ssyncset.done $0x0  }
.LBB2_2:
0x2d: {  	s21 =	sshra.s32 s20, $0x2;
	[sflag:s14] =	ssyncadd.s32 $0xFFFFC180;
	p3 =	sne.s32 s20, $0x4E00  }
0x2e: {  	[spmem:s4] =	stream.indirect.scatter.add.f32 [tilespmem:s16], [sflag:$0x1], $0x80, s21, s17, $0xb8;
	[tilespmem:$0x18B00] =	vst v63  }
.Ltmp2:
0x2f: {  	_ = 	snop;
	(pc) =	sbr.rel @p3 .LBB2_2-.Ltmp2, $4  }
0x30: {  	_ = 	snop  }
0x31: {  	s20 =	sadd.s32 $0x200, s20  }
0x32: {  	_ =	swait.ge [sflag:s14], $0x3E80  }
0x33: {  	[sflag:s14] =	ssyncset.done $0x0  }
.Ltmp3:
0x34: {  	(pc) =	sbr.rel @!p0 .LBB2_4-.Ltmp3, $3  }
0x35: {  	_ = 	snop  }
0x36: {  	[sflag:s14] =	ssyncadd.s32 $0xFFFFC180  }
0x37: {  	[bflag:$0x0] =	sbarrier.arrive $0xFFFF;
	_ =	sdelay $0x1  }
0x38: {  	[hbm:s11], [sflag:s8] =	dma.local [spmem:s13], $0x2700  }
.Ltmp4:
0x39: {  	_ = 	snop;
	(pc) =	sbr.rel @p1 .LBB2_7-.Ltmp4, $4  }
.Ltmp5:
0x3a: {  	_ = 	snop;
	(pc) =	sbr.rel @!p1 .LBB2_6-.Ltmp5, $4  }
0x3b: {  	_ =	swait.ge [sflag:s14], $0x2700  }
0x3c: {  	[sflag:s14] =	ssyncset.done $0x0  }
0x3d: {  	s20 =	smov.u32 s7;
	[sflag:s14] =	ssyncadd.s32 $0xFFFFD900  }
0x3e: {  	_ = 	snop  }
.LBB2_4:
0x3f: {  	[hbm:s10], [sflag:s8] =	dma.local [spmem:s13], $0x2700  }
.Ltmp6:
0x40: {  	_ = 	snop;
	(pc) =	sbr.rel @p2 .LBB2_6-.Ltmp6, $4  }
.Ltmp7:
0x41: {  	_ = 	snop;
	(pc) =	sbr.rel @!p2 .LBB2_7-.Ltmp7, $4  }
0x42: {  	_ =	swait.ge [sflag:s14], $0x2700  }
0x43: {  	[sflag:s14] =	ssyncset.done $0x0  }
0x44: {  	s20 =	smov.u32 s6;
	[sflag:s14] =	ssyncadd.s32 $0xFFFFD900  }
0x45: {  	_ = 	snop  }
.LBB2_8:
0x46: {  	_ =	sfence.sel $0x180000  }
0x47: {  	[bflag:$0x0] =	sbarrier.arrive $0xFFFF  }
0x48: {  	p0 =	sne.s32 s0, $0x0;
	_ =	strace $0x90000047  }
0x49: {  	s0 =	sadd.s32 @!p0 $0x100000, s2;
	[bflag:$0x2] =	sbarrier.arrive $0xFFFF  }
0x4a: {  	[sflag:s0] =	ssyncadd.tile.s32 @!p0 $0x1;
	_ =	shalt  }
.Lfunc_end2:
_tile_overlayer_lowered:
.L_overlay_start_2:
0x4b: {  	(tag) =	ssettag $0x2  }
0x4c: {  	s0 =	rddreg [dreg:$0x0];
	s2 =	stileid.u32  }
0x4d: {  	s1 =	rddreg [dreg:$0x1];
	p0 =	sne.s32 s2, $0x0  }
0x4e: {  	s3 =	rddreg [dreg:$0x2];
	[bflag:$0x3] =	sbarrier.arrive $0xFFFF;
	s2 =	simm.s32 @!p0 $0x1C01  }
0x4f: {  	[timem:s3], [sflag:s2] =	dma.local @!p0 [hbm:s0], s1  }
0x50: {  	s0 =	simm.s32 @!p0 $0x1  }
0x51: {  	_ =	swait.ge @!p0 [sflag:s0], s1  }
0x52: {  	s1 =	ssub.s32 @!p0 $0x0, s1;
	[sflag:s0] =	ssyncset.done @!p0 $0x0  }
0x53: {  	[sflag:s0] =	ssyncadd.s32 @!p0 s1  }
0x54: {  	[bflag:$0x3] =	sbarrier.arrive $0xFFFF  }
0x55: {  	_ =	shalt  }

</sc_bundles>
